<compile_context>
chip_gen: v7x
topology: tpu7x:2x2x1
jax: 0.10.2.dev20260603
libtpu: 0.0.44.dev20260713+nightly
codegen_flags: <defaults>
</compile_context>

<pallas_src>
import functools

import jax
import jax.numpy as jnp
from jax import lax
from jax.experimental import pallas as pl
from jax.experimental.pallas import tpu as pltpu
from jax.experimental.pallas import tpu_sc as plsc

BATCH = 16384
VOCAB_SIZE = 1000000
EMBED = 32
LANES = 16
NUM_CORES = 2
NUM_SUBCORES = 16
NUM_WORKERS = NUM_CORES * NUM_SUBCORES
B_PER_W = BATCH // NUM_WORKERS
WAVE = 1
NWAVES = B_PER_W // WAVE
PHASES = 15
SLOTS = PHASES * WAVE
NTAIL = NWAVES % PHASES
NGROUPS = NWAVES // PHASES


@functools.partial(
    pl.kernel,
    mesh=plsc.VectorSubcoreMesh(core_axis_name="c", subcore_axis_name="s"),
    out_type=jax.ShapeDtypeStruct((BATCH,), jnp.float32),
    compiler_params=pltpu.CompilerParams(needs_layout_passes=False),
    scratch_types=[
        pltpu.VMEM((B_PER_W + LANES,), jnp.int32),
        pltpu.VMEM((B_PER_W + LANES,), jnp.int32),
        pltpu.VMEM((SLOTS * EMBED, 128), jnp.float32),
        pltpu.VMEM((SLOTS * EMBED, 128), jnp.float32),
        pltpu.VMEM((B_PER_W,), jnp.float32),
    ] + [pltpu.SemaphoreType.DMA] * (1 + PHASES),
)
def _sc_dot(user_tt, item_tt, uid_h, iid_h, out_h,
            uids, iids, ublk, iblk, outv, sem_id, *sems):
    wid = lax.axis_index("s") * NUM_CORES + lax.axis_index("c")
    base = wid * B_PER_W

    pltpu.async_copy(
        uid_h.at[pl.ds(base, B_PER_W)], uids.at[pl.ds(0, B_PER_W)],
        sem_id).wait()
    pltpu.async_copy(
        iid_h.at[pl.ds(base, B_PER_W)], iids.at[pl.ds(0, B_PER_W)],
        sem_id).wait()

    lane_iota = lax.iota(jnp.int32, LANES)

    def fire_wave(w, phase_sem, phase):
        uvec = uids[pl.ds(w * WAVE, LANES)]
        ivec = iids[pl.ds(w * WAVE, LANES)]
        copies = []
        for k in range(WAVE):
            slot = phase * WAVE + k
            ual = pl.multiple_of((uvec[k] >> 7) << 7, 128)
            ial = pl.multiple_of((ivec[k] >> 7) << 7, 128)
            copies.append(pltpu.async_copy(
                user_tt.at[:, pl.ds(ual, 128)],
                ublk.at[pl.ds(slot * EMBED, EMBED)], phase_sem))
            copies.append(pltpu.async_copy(
                item_tt.at[:, pl.ds(ial, 128)],
                iblk.at[pl.ds(slot * EMBED, EMBED)], phase_sem))
        return copies, uvec, ivec

    for w0 in range(PHASES - 1):
        fire_wave(w0, sems[w0], w0)

    def process_wave(w, phase, acc, do_fire):
        if do_fire:
            @pl.when(w + PHASES - 1 < NWAVES)
            def _():
                fire_wave(w + PHASES - 1, sems[(phase + PHASES - 1) % PHASES],
                          (phase + PHASES - 1) % PHASES)

        uvec = uids[pl.ds(w * WAVE, LANES)]
        ivec = iids[pl.ds(w * WAVE, LANES)]
        for k in range(WAVE):
            slot = phase * WAVE + k
            pltpu.make_async_copy(
                user_tt.at[:, pl.ds(0, 128)],
                ublk.at[pl.ds(slot * EMBED, EMBED)], sems[phase]).wait()
            pltpu.make_async_copy(
                item_tt.at[:, pl.ds(0, 128)],
                iblk.at[pl.ds(slot * EMBED, EMBED)], sems[phase]).wait()
        for k in range(WAVE):
            slot = phase * WAVE + k
            kk = (w % (LANES // WAVE)) * WAVE + k
            uc = jnp.full((LANES,), uvec[k] & 127, jnp.int32)
            ic = jnp.full((LANES,), ivec[k] & 127, jnp.int32)
            r0 = lane_iota + (slot * EMBED)
            r1 = r0 + LANES
            u0 = plsc.load_gather(ublk, [r0, uc])
            u1 = plsc.load_gather(ublk, [r1, uc])
            v0 = plsc.load_gather(iblk, [r0, ic])
            v1 = plsc.load_gather(iblk, [r1, ic])
            s = jnp.sum(u0 * v0 + u1 * v1)
            acc = jnp.where(lane_iota == kk, s, acc)

        @pl.when(w % (LANES // WAVE) == LANES // WAVE - 1)
        def _():
            outv[pl.ds((w // (LANES // WAVE)) * LANES, LANES)] = acc
        return acc

    def group_body(p, acc):
        for phase in range(PHASES):
            acc = process_wave(p * PHASES + phase, phase, acc, True)
        return acc

    acc = lax.fori_loop(0, NGROUPS, group_body,
                        jnp.zeros((LANES,), jnp.float32))
    for t in range(NTAIL):
        w = NGROUPS * PHASES + t
        acc = process_wave(w, w % PHASES, acc, False)

    pltpu.sync_copy(outv, out_h.at[pl.ds(base, B_PER_W)])


def kernel(user_table, item_table, user_ids, item_ids):
    utt = user_table.T
    itt = item_table.T
    uid = user_ids.reshape(BATCH)
    iid = item_ids.reshape(BATCH)
    out = _sc_dot(utt, itt, uid, iid)
    return out.reshape(BATCH, 1)

# --- scband reference (transcript-rebuilt; emitter-appended) ---
"""Pipeline reference for scband-recommender-gd-9345848836659 (READ-ONLY COPY).

The authoritative reference and input builder live on the scoring server;
editing this copy changes nothing except your own understanding.
"""

import jax, jax.numpy as jnp
import numpy as np

BATCH = 16384
VOCAB = 1000000
EMBED = 32

def setup_inputs(seed: int = 0) -> dict:
    key = jax.random.key(seed)
    k1, k2, k3, k4 = jax.random.split(key, 4)
    user_ids = jax.random.randint(k1, (BATCH, 1), 0, VOCAB, dtype=jnp.int64 if jax.config.jax_enable_x64 else jnp.int32).astype(jnp.int32)
    item_ids = jax.random.randint(k2, (BATCH, 1), 0, VOCAB, dtype=jnp.int64 if jax.config.jax_enable_x64 else jnp.int32).astype(jnp.int32)
    # he_normal initializer: stddev = sqrt(2 / fan_in); fan_in == embed_size for Embedding
    std = float(np.sqrt(2.0 / EMBED))
    user_table = jax.random.normal(k3, (VOCAB, EMBED), dtype=jnp.float32) * std
    item_table = jax.random.normal(k4, (VOCAB, EMBED), dtype=jnp.float32) * std
    return {"user_table": user_table, "item_table": item_table, "user_ids": user_ids, "item_ids": item_ids}

def reference(user_table, item_table, user_ids, item_ids):
    # StringLookup replaced by integer indices directly (id mapping is a bijection here).
    user_embeds = jnp.take(user_table, user_ids, axis=0)   # [B, 1, D]
    item_embeds = jnp.take(item_table, item_ids, axis=0)   # [B, 1, D]
    # Dot(axes=2) over embedding dim -> [B, 1, 1]
    product = jnp.sum(user_embeds * item_embeds, axis=-1, keepdims=True)  # [B, 1, 1]
    # Flatten -> [B, 1]
    return product.reshape(product.shape[0], -1)

if __name__ == "__main__":
    import jax
    _d = setup_inputs()
    print(jax.jit(kernel)(*tuple(_d.values())))

</pallas_src>

<mosaic_0001>
#map = affine_map<(d0, d1) -> (0, 0)>
#map1 = affine_map<(d0, d1) -> (0)>
module attributes {stable_mosaic.version = 14 : i64} {
  func.func @_sc_dot(%arg0: i32, %arg1: i32, %arg2: memref<32x1000000xf32, #tpu.memory_space<hbm>>, %arg3: memref<32x1000000xf32, #tpu.memory_space<hbm>>, %arg4: memref<16384xi32, #tpu.memory_space<hbm>>, %arg5: memref<16384xi32, #tpu.memory_space<hbm>>, %arg6: memref<16384xf32, #tpu.memory_space<hbm>>, %arg7: memref<528xi32, #tpu.memory_space<vmem>>, %arg8: memref<528xi32, #tpu.memory_space<vmem>>, %arg9: memref<480x128xf32, #tpu.memory_space<vmem>>, %arg10: memref<480x128xf32, #tpu.memory_space<vmem>>, %arg11: memref<512xf32, #tpu.memory_space<vmem>>, %arg12: memref<!tpu.dma_semaphore, #tpu.memory_space<semaphore_mem>>, %arg13: memref<!tpu.dma_semaphore, #tpu.memory_space<semaphore_mem>>, %arg14: memref<!tpu.dma_semaphore, #tpu.memory_space<semaphore_mem>>, %arg15: memref<!tpu.dma_semaphore, #tpu.memory_space<semaphore_mem>>, %arg16: memref<!tpu.dma_semaphore, #tpu.memory_space<semaphore_mem>>, %arg17: memref<!tpu.dma_semaphore, #tpu.memory_space<semaphore_mem>>, %arg18: memref<!tpu.dma_semaphore, #tpu.memory_space<semaphore_mem>>, %arg19: memref<!tpu.dma_semaphore, #tpu.memory_space<semaphore_mem>>, %arg20: memref<!tpu.dma_semaphore, #tpu.memory_space<semaphore_mem>>, %arg21: memref<!tpu.dma_semaphore, #tpu.memory_space<semaphore_mem>>, %arg22: memref<!tpu.dma_semaphore, #tpu.memory_space<semaphore_mem>>, %arg23: memref<!tpu.dma_semaphore, #tpu.memory_space<semaphore_mem>>, %arg24: memref<!tpu.dma_semaphore, #tpu.memory_space<semaphore_mem>>, %arg25: memref<!tpu.dma_semaphore, #tpu.memory_space<semaphore_mem>>, %arg26: memref<!tpu.dma_semaphore, #tpu.memory_space<semaphore_mem>>, %arg27: memref<!tpu.dma_semaphore, #tpu.memory_space<semaphore_mem>>) attributes {dimension_semantics = [#tpu.dimension_semantics<core_parallel>, #tpu.dimension_semantics<subcore_parallel>], iteration_bounds = array<i64: 2, 16>, scalar_prefetch = 0 : i64, scratch_operands = 21 : i64, tpu.core_type = #tpu.core_type<sc_vector_subcore>, window_params = [{transform_indices = #map}, {transform_indices = #map}, {transform_indices = #map1}, {transform_indices = #map1}, {transform_indices = #map1}]} {
    %mul3A = arith.constant 2 : i32
    %mul3A_0 = arith.muli %arg1, %mul3A : i32
    %add3A = arith.addi %mul3A_0, %arg0 : i32
    %mul3A_1 = arith.constant 512 : i32
    %mul3A_2 = arith.muli %add3A, %mul3A_1 : i32
    %dma_start3A = arith.constant 0 : i32
    %dma_start3A_3 = tpu.memref_slice %arg7[%dma_start3A] : memref<528xi32, #tpu.memory_space<vmem>> -> memref<512xi32, #tpu.memory_space<vmem>>
    %dma_start3A_4 = tpu.memref_slice %arg4[%mul3A_2] : memref<16384xi32, #tpu.memory_space<hbm>> -> memref<512xi32, #tpu.memory_space<hbm>>
    %dma_start3A_5 = arith.constant 0 : i32
    %dma_start3A_6 = tpu.memref_slice %arg7[%dma_start3A_5] : memref<528xi32, #tpu.memory_space<vmem>> -> memref<512xi32, #tpu.memory_space<vmem>>
    %dma_start3A_7 = tpu.memref_slice %arg4[%mul3A_2] : memref<16384xi32, #tpu.memory_space<hbm>> -> memref<512xi32, #tpu.memory_space<hbm>>
    tpu.enqueue_dma source(%dma_start3A_7 : memref<512xi32, #tpu.memory_space<hbm>>) target(%dma_start3A_6 : memref<512xi32, #tpu.memory_space<vmem>>) target_semaphore(%arg12 : memref<!tpu.dma_semaphore, #tpu.memory_space<semaphore_mem>>)
    %dma_wait3A = arith.constant 0 : i32
    %dma_wait3A_8 = tpu.memref_slice %arg7[%dma_wait3A] : memref<528xi32, #tpu.memory_space<vmem>> -> memref<512xi32, #tpu.memory_space<vmem>>
    %dma_wait3A_9 = tpu.memref_slice %arg4[%mul3A_2] : memref<16384xi32, #tpu.memory_space<hbm>> -> memref<512xi32, #tpu.memory_space<hbm>>
    %dma_wait3A_10 = arith.constant 0 : i32
    %dma_wait3A_11 = tpu.memref_slice %arg7[%dma_wait3A_10] : memref<528xi32, #tpu.memory_space<vmem>> -> memref<512xi32, #tpu.memory_space<vmem>>
    %dma_wait3A_12 = tpu.memref_slice %arg4[%mul3A_2] : memref<16384xi32, #tpu.memory_space<hbm>> -> memref<512xi32, #tpu.memory_space<hbm>>
    tpu.wait_dma2 semaphore(%arg12 : memref<!tpu.dma_semaphore, #tpu.memory_space<semaphore_mem>>) src(%dma_wait3A_12 : memref<512xi32, #tpu.memory_space<hbm>>) dst(%dma_wait3A_11 : memref<512xi32, #tpu.memory_space<vmem>>)
    %dma_start3A_13 = arith.constant 0 : i32
    %dma_start3A_14 = tpu.memref_slice %arg8[%dma_start3A_13] : memref<528xi32, #tpu.memory_space<vmem>> -> memref<512xi32, #tpu.memory_space<vmem>>
    %dma_start3A_15 = tpu.memref_slice %arg5[%mul3A_2] : memref<16384xi32, #tpu.memory_space<hbm>> -> memref<512xi32, #tpu.memory_space<hbm>>
    %dma_start3A_16 = arith.constant 0 : i32
    %dma_start3A_17 = tpu.memref_slice %arg8[%dma_start3A_16] : memref<528xi32, #tpu.memory_space<vmem>> -> memref<512xi32, #tpu.memory_space<vmem>>
    %dma_start3A_18 = tpu.memref_slice %arg5[%mul3A_2] : memref<16384xi32, #tpu.memory_space<hbm>> -> memref<512xi32, #tpu.memory_space<hbm>>
    tpu.enqueue_dma source(%dma_start3A_18 : memref<512xi32, #tpu.memory_space<hbm>>) target(%dma_start3A_17 : memref<512xi32, #tpu.memory_space<vmem>>) target_semaphore(%arg12 : memref<!tpu.dma_semaphore, #tpu.memory_space<semaphore_mem>>)
    %dma_wait3A_19 = arith.constant 0 : i32
    %dma_wait3A_20 = tpu.memref_slice %arg8[%dma_wait3A_19] : memref<528xi32, #tpu.memory_space<vmem>> -> memref<512xi32, #tpu.memory_space<vmem>>
    %dma_wait3A_21 = tpu.memref_slice %arg5[%mul3A_2] : memref<16384xi32, #tpu.memory_space<hbm>> -> memref<512xi32, #tpu.memory_space<hbm>>
    %dma_wait3A_22 = arith.constant 0 : i32
    %dma_wait3A_23 = tpu.memref_slice %arg8[%dma_wait3A_22] : memref<528xi32, #tpu.memory_space<vmem>> -> memref<512xi32, #tpu.memory_space<vmem>>
    %dma_wait3A_24 = tpu.memref_slice %arg5[%mul3A_2] : memref<16384xi32, #tpu.memory_space<hbm>> -> memref<512xi32, #tpu.memory_space<hbm>>
    tpu.wait_dma2 semaphore(%arg12 : memref<!tpu.dma_semaphore, #tpu.memory_space<semaphore_mem>>) src(%dma_wait3A_24 : memref<512xi32, #tpu.memory_space<hbm>>) dst(%dma_wait3A_23 : memref<512xi32, #tpu.memory_space<vmem>>)
    %iota3A = tpu.iota {dimensions = array<i32: 0>} : vector<16xi32>
    %get3A = arith.constant 0 : index
    %get3A_25 = tpu.vector_load %arg7[%get3A] {strides = array<i32>} : memref<528xi32, #tpu.memory_space<vmem>>, vector<16xi32>,
    %get3A_26 = arith.constant 0 : index
    %get3A_27 = tpu.vector_load %arg8[%get3A_26] {strides = array<i32>} : memref<528xi32, #tpu.memory_space<vmem>>, vector<16xi32>,
    %slice3A = vector.extract_strided_slice %get3A_25 {offsets = [0], sizes = [1], strides = [1]} : vector<16xi32> to vector<1xi32>
    %squeeze3A = vector.extract %slice3A[0] : i32 from vector<1xi32>
    %shift_right_arithmetic3A = arith.constant 7 : i32
    %shift_right_arithmetic3A_28 = arith.shrsi %squeeze3A, %shift_right_arithmetic3A : i32
    %shift_left3A = arith.constant 7 : i32
    %shift_left3A_29 = arith.shli %shift_right_arithmetic3A_28, %shift_left3A : i32
    %multiple_of3A = tpu.assume_multiple %shift_left3A_29, 128 : i32
    %slice3A_30 = vector.extract_strided_slice %get3A_27 {offsets = [0], sizes = [1], strides = [1]} : vector<16xi32> to vector<1xi32>
    %squeeze3A_31 = vector.extract %slice3A_30[0] : i32 from vector<1xi32>
    %shift_right_arithmetic3A_32 = arith.constant 7 : i32
    %shift_right_arithmetic3A_33 = arith.shrsi %squeeze3A_31, %shift_right_arithmetic3A_32 : i32
    %shift_left3A_34 = arith.constant 7 : i32
    %shift_left3A_35 = arith.shli %shift_right_arithmetic3A_33, %shift_left3A_34 : i32
    %multiple_of3A_36 = tpu.assume_multiple %shift_left3A_35, 128 : i32
    %dma_start3A_37 = arith.constant 0 : i32
    %dma_start3A_38 = arith.constant 0 : i32
    %dma_start3A_39 = tpu.memref_slice %arg9[%dma_start3A_37, %dma_start3A_38] : memref<480x128xf32, #tpu.memory_space<vmem>> -> memref<32x128xf32, #tpu.memory_space<vmem>>
    %dma_start3A_40 = arith.constant 0 : i32
    %dma_start3A_41 = tpu.memref_slice %arg2[%dma_start3A_40, %multiple_of3A] : memref<32x1000000xf32, #tpu.memory_space<hbm>> -> memref<32x128xf32, #tpu.memory_space<hbm>>
    %dma_start3A_42 = arith.constant 0 : i32
    %dma_start3A_43 = arith.constant 0 : i32
    %dma_start3A_44 = tpu.memref_slice %arg9[%dma_start3A_42, %dma_start3A_43] : memref<480x128xf32, #tpu.memory_space<vmem>> -> memref<32x128xf32, #tpu.memory_space<vmem>>
    %dma_start3A_45 = arith.constant 0 : i32
    %dma_start3A_46 = tpu.memref_slice %arg2[%dma_start3A_45, %multiple_of3A] : memref<32x1000000xf32, #tpu.memory_space<hbm>> -> memref<32x128xf32, #tpu.memory_space<hbm>>
    tpu.enqueue_dma source(%dma_start3A_46 : memref<32x128xf32, #tpu.memory_space<hbm>>) target(%dma_start3A_44 : memref<32x128xf32, #tpu.memory_space<vmem>>) target_semaphore(%arg13 : memref<!tpu.dma_semaphore, #tpu.memory_space<semaphore_mem>>)
    %dma_start3A_47 = arith.constant 0 : i32
    %dma_start3A_48 = arith.constant 0 : i32
    %dma_start3A_49 = tpu.memref_slice %arg10[%dma_start3A_47, %dma_start3A_48] : memref<480x128xf32, #tpu.memory_space<vmem>> -> memref<32x128xf32, #tpu.memory_space<vmem>>
    %dma_start3A_50 = arith.constant 0 : i32
    %dma_start3A_51 = tpu.memref_slice %arg3[%dma_start3A_50, %multiple_of3A_36] : memref<32x1000000xf32, #tpu.memory_space<hbm>> -> memref<32x128xf32, #tpu.memory_space<hbm>>
    %dma_start3A_52 = arith.constant 0 : i32
    %dma_start3A_53 = arith.constant 0 : i32
    %dma_start3A_54 = tpu.memref_slice %arg10[%dma_start3A_52, %dma_start3A_53] : memref<480x128xf32, #tpu.memory_space<vmem>> -> memref<32x128xf32, #tpu.memory_space<vmem>>
    %dma_start3A_55 = arith.constant 0 : i32
    %dma_start3A_56 = tpu.memref_slice %arg3[%dma_start3A_55, %multiple_of3A_36] : memref<32x1000000xf32, #tpu.memory_space<hbm>> -> memref<32x128xf32, #tpu.memory_space<hbm>>
    tpu.enqueue_dma source(%dma_start3A_56 : memref<32x128xf32, #tpu.memory_space<hbm>>) target(%dma_start3A_54 : memref<32x128xf32, #tpu.memory_space<vmem>>) target_semaphore(%arg13 : memref<!tpu.dma_semaphore, #tpu.memory_space<semaphore_mem>>)
    %get3A_57 = arith.constant 1 : index
    %get3A_58 = tpu.vector_load %arg7[%get3A_57] {strides = array<i32>} : memref<528xi32, #tpu.memory_space<vmem>>, vector<16xi32>,
    %get3A_59 = arith.constant 1 : index
    %get3A_60 = tpu.vector_load %arg8[%get3A_59] {strides = array<i32>} : memref<528xi32, #tpu.memory_space<vmem>>, vector<16xi32>,
    %slice3A_61 = vector.extract_strided_slice %get3A_58 {offsets = [0], sizes = [1], strides = [1]} : vector<16xi32> to vector<1xi32>
    %squeeze3A_62 = vector.extract %slice3A_61[0] : i32 from vector<1xi32>
    %shift_right_arithmetic3A_63 = arith.constant 7 : i32
    %shift_right_arithmetic3A_64 = arith.shrsi %squeeze3A_62, %shift_right_arithmetic3A_63 : i32
    %shift_left3A_65 = arith.constant 7 : i32
    %shift_left3A_66 = arith.shli %shift_right_arithmetic3A_64, %shift_left3A_65 : i32
    %multiple_of3A_67 = tpu.assume_multiple %shift_left3A_66, 128 : i32
    %slice3A_68 = vector.extract_strided_slice %get3A_60 {offsets = [0], sizes = [1], strides = [1]} : vector<16xi32> to vector<1xi32>
    %squeeze3A_69 = vector.extract %slice3A_68[0] : i32 from vector<1xi32>
    %shift_right_arithmetic3A_70 = arith.constant 7 : i32
    %shift_right_arithmetic3A_71 = arith.shrsi %squeeze3A_69, %shift_right_arithmetic3A_70 : i32
    %shift_left3A_72 = arith.constant 7 : i32
    %shift_left3A_73 = arith.shli %shift_right_arithmetic3A_71, %shift_left3A_72 : i32
    %multiple_of3A_74 = tpu.assume_multiple %shift_left3A_73, 128 : i32
    %dma_start3A_75 = arith.constant 32 : i32
    %dma_start3A_76 = arith.constant 0 : i32
    %dma_start3A_77 = tpu.memref_slice %arg9[%dma_start3A_75, %dma_start3A_76] : memref<480x128xf32, #tpu.memory_space<vmem>> -> memref<32x128xf32, #tpu.memory_space<vmem>>
    %dma_start3A_78 = arith.constant 0 : i32
    %dma_start3A_79 = tpu.memref_slice %arg2[%dma_start3A_78, %multiple_of3A_67] : memref<32x1000000xf32, #tpu.memory_space<hbm>> -> memref<32x128xf32, #tpu.memory_space<hbm>>
    %dma_start3A_80 = arith.constant 32 : i32
    %dma_start3A_81 = arith.constant 0 : i32
    %dma_start3A_82 = tpu.memref_slice %arg9[%dma_start3A_80, %dma_start3A_81] : memref<480x128xf32, #tpu.memory_space<vmem>> -> memref<32x128xf32, #tpu.memory_space<vmem>>
    %dma_start3A_83 = arith.constant 0 : i32
    %dma_start3A_84 = tpu.memref_slice %arg2[%dma_start3A_83, %multiple_of3A_67] : memref<32x1000000xf32, #tpu.memory_space<hbm>> -> memref<32x128xf32, #tpu.memory_space<hbm>>
    tpu.enqueue_dma source(%dma_start3A_84 : memref<32x128xf32, #tpu.memory_space<hbm>>) target(%dma_start3A_82 : memref<32x128xf32, #tpu.memory_space<vmem>>) target_semaphore(%arg14 : memref<!tpu.dma_semaphore, #tpu.memory_space<semaphore_mem>>)
    %dma_start3A_85 = arith.constant 32 : i32
    %dma_start3A_86 = arith.constant 0 : i32
    %dma_start3A_87 = tpu.memref_slice %arg10[%dma_start3A_85, %dma_start3A_86] : memref<480x128xf32, #tpu.memory_space<vmem>> -> memref<32x128xf32, #tpu.memory_space<vmem>>
    %dma_start3A_88 = arith.constant 0 : i32
    %dma_start3A_89 = tpu.memref_slice %arg3[%dma_start3A_88, %multiple_of3A_74] : memref<32x1000000xf32, #tpu.memory_space<hbm>> -> memref<32x128xf32, #tpu.memory_space<hbm>>
    %dma_start3A_90 = arith.constant 32 : i32
    %dma_start3A_91 = arith.constant 0 : i32
    %dma_start3A_92 = tpu.memref_slice %arg10[%dma_start3A_90, %dma_start3A_91] : memref<480x128xf32, #tpu.memory_space<vmem>> -> memref<32x128xf32, #tpu.memory_space<vmem>>
    %dma_start3A_93 = arith.constant 0 : i32
    %dma_start3A_94 = tpu.memref_slice %arg3[%dma_start3A_93, %multiple_of3A_74] : memref<32x1000000xf32, #tpu.memory_space<hbm>> -> memref<32x128xf32, #tpu.memory_space<hbm>>
    tpu.enqueue_dma source(%dma_start3A_94 : memref<32x128xf32, #tpu.memory_space<hbm>>) target(%dma_start3A_92 : memref<32x128xf32, #tpu.memory_space<vmem>>) target_semaphore(%arg14 : memref<!tpu.dma_semaphore, #tpu.memory_space<semaphore_mem>>)
    %get3A_95 = arith.constant 2 : index
    %get3A_96 = tpu.vector_load %arg7[%get3A_95] {strides = array<i32>} : memref<528xi32, #tpu.memory_space<vmem>>, vector<16xi32>,
    %get3A_97 = arith.constant 2 : index
    %get3A_98 = tpu.vector_load %arg8[%get3A_97] {strides = array<i32>} : memref<528xi32, #tpu.memory_space<vmem>>, vector<16xi32>,
    %slice3A_99 = vector.extract_strided_slice %get3A_96 {offsets = [0], sizes = [1], strides = [1]} : vector<16xi32> to vector<1xi32>
    %squeeze3A_100 = vector.extract %slice3A_99[0] : i32 from vector<1xi32>
    %shift_right_arithmetic3A_101 = arith.constant 7 : i32
    %shift_right_arithmetic3A_102 = arith.shrsi %squeeze3A_100, %shift_right_arithmetic3A_101 : i32
    %shift_left3A_103 = arith.constant 7 : i32
    %shift_left3A_104 = arith.shli %shift_right_arithmetic3A_102, %shift_left3A_103 : i32
    %multiple_of3A_105 = tpu.assume_multiple %shift_left3A_104, 128 : i32
    %slice3A_106 = vector.extract_strided_slice %get3A_98 {offsets = [0], sizes = [1], strides = [1]} : vector<16xi32> to vector<1xi32>
    %squeeze3A_107 = vector.extract %slice3A_106[0] : i32 from vector<1xi32>
    %shift_right_arithmetic3A_108 = arith.constant 7 : i32
    %shift_right_arithmetic3A_109 = arith.shrsi %squeeze3A_107, %shift_right_arithmetic3A_108 : i32
    %shift_left3A_110 = arith.constant 7 : i32
    %shift_left3A_111 = arith.shli %shift_right_arithmetic3A_109, %shift_left3A_110 : i32
    %multiple_of3A_112 = tpu.assume_multiple %shift_left3A_111, 128 : i32
    %dma_start3A_113 = arith.constant 64 : i32
    %dma_start3A_114 = arith.constant 0 : i32
    %dma_start3A_115 = tpu.memref_slice %arg9[%dma_start3A_113, %dma_start3A_114] : memref<480x128xf32, #tpu.memory_space<vmem>> -> memref<32x128xf32, #tpu.memory_space<vmem>>
    %dma_start3A_116 = arith.constant 0 : i32
    %dma_start3A_117 = tpu.memref_slice %arg2[%dma_start3A_116, %multiple_of3A_105] : memref<32x1000000xf32, #tpu.memory_space<hbm>> -> memref<32x128xf32, #tpu.memory_space<hbm>>
    %dma_start3A_118 = arith.constant 64 : i32
    %dma_start3A_119 = arith.constant 0 : i32
    %dma_start3A_120 = tpu.memref_slice %arg9[%dma_start3A_118, %dma_start3A_119] : memref<480x128xf32, #tpu.memory_space<vmem>> -> memref<32x128xf32, #tpu.memory_space<vmem>>
    %dma_start3A_121 = arith.constant 0 : i32
    %dma_start3A_122 = tpu.memref_slice %arg2[%dma_start3A_121, %multiple_of3A_105] : memref<32x1000000xf32, #tpu.memory_space<hbm>> -> memref<32x128xf32, #tpu.memory_space<hbm>>
    tpu.enqueue_dma source(%dma_start3A_122 : memref<32x128xf32, #tpu.memory_space<hbm>>) target(%dma_start3A_120 : memref<32x128xf32, #tpu.memory_space<vmem>>) target_semaphore(%arg15 : memref<!tpu.dma_semaphore, #tpu.memory_space<semaphore_mem>>)
    %dma_start3A_123 = arith.constant 64 : i32
    %dma_start3A_124 = arith.constant 0 : i32
    %dma_start3A_125 = tpu.memref_slice %arg10[%dma_start3A_123, %dma_start3A_124] : memref<480x128xf32, #tpu.memory_space<vmem>> -> memref<32x128xf32, #tpu.memory_space<vmem>>
    %dma_start3A_126 = arith.constant 0 : i32
    %dma_start3A_127 = tpu.memref_slice %arg3[%dma_start3A_126, %multiple_of3A_112] : memref<32x1000000xf32, #tpu.memory_space<hbm>> -> memref<32x128xf32, #tpu.memory_space<hbm>>
    %dma_start3A_128 = arith.constant 64 : i32
    %dma_start3A_129 = arith.constant 0 : i32
    %dma_start3A_130 = tpu.memref_slice %arg10[%dma_start3A_128, %dma_start3A_129] : memref<480x128xf32, #tpu.memory_space<vmem>> -> memref<32x128xf32, #tpu.memory_space<vmem>>
    %dma_start3A_131 = arith.constant 0 : i32
    %dma_start3A_132 = tpu.memref_slice %arg3[%dma_start3A_131, %multiple_of3A_112] : memref<32x1000000xf32, #tpu.memory_space<hbm>> -> memref<32x128xf32, #tpu.memory_space<hbm>>
    tpu.enqueue_dma source(%dma_start3A_132 : memref<32x128xf32, #tpu.memory_space<hbm>>) target(%dma_start3A_130 : memref<32x128xf32, #tpu.memory_space<vmem>>) target_semaphore(%arg15 : memref<!tpu.dma_semaphore, #tpu.memory_space<semaphore_mem>>)
    %get3A_133 = arith.constant 3 : index
    %get3A_134 = tpu.vector_load %arg7[%get3A_133] {strides = array<i32>} : memref<528xi32, #tpu.memory_space<vmem>>, vector<16xi32>,
    %get3A_135 = arith.constant 3 : index
    %get3A_136 = tpu.vector_load %arg8[%get3A_135] {strides = array<i32>} : memref<528xi32, #tpu.memory_space<vmem>>, vector<16xi32>,
    %slice3A_137 = vector.extract_strided_slice %get3A_134 {offsets = [0], sizes = [1], strides = [1]} : vector<16xi32> to vector<1xi32>
    %squeeze3A_138 = vector.extract %slice3A_137[0] : i32 from vector<1xi32>
    %shift_right_arithmetic3A_139 = arith.constant 7 : i32
    %shift_right_arithmetic3A_140 = arith.shrsi %squeeze3A_138, %shift_right_arithmetic3A_139 : i32
    %shift_left3A_141 = arith.constant 7 : i32
    %shift_left3A_142 = arith.shli %shift_right_arithmetic3A_140, %shift_left3A_141 : i32
    %multiple_of3A_143 = tpu.assume_multiple %shift_left3A_142, 128 : i32
    %slice3A_144 = vector.extract_strided_slice %get3A_136 {offsets = [0], sizes = [1], strides = [1]} : vector<16xi32> to vector<1xi32>
    %squeeze3A_145 = vector.extract %slice3A_144[0] : i32 from vector<1xi32>
    %shift_right_arithmetic3A_146 = arith.constant 7 : i32
    %shift_right_arithmetic3A_147 = arith.shrsi %squeeze3A_145, %shift_right_arithmetic3A_146 : i32
    %shift_left3A_148 = arith.constant 7 : i32
    %shift_left3A_149 = arith.shli %shift_right_arithmetic3A_147, %shift_left3A_148 : i32
    %multiple_of3A_150 = tpu.assume_multiple %shift_left3A_149, 128 : i32
    %dma_start3A_151 = arith.constant 96 : i32
    %dma_start3A_152 = arith.constant 0 : i32
    %dma_start3A_153 = tpu.memref_slice %arg9[%dma_start3A_151, %dma_start3A_152] : memref<480x128xf32, #tpu.memory_space<vmem>> -> memref<32x128xf32, #tpu.memory_space<vmem>>
    %dma_start3A_154 = arith.constant 0 : i32
    %dma_start3A_155 = tpu.memref_slice %arg2[%dma_start3A_154, %multiple_of3A_143] : memref<32x1000000xf32, #tpu.memory_space<hbm>> -> memref<32x128xf32, #tpu.memory_space<hbm>>
    %dma_start3A_156 = arith.constant 96 : i32
    %dma_start3A_157 = arith.constant 0 : i32
    %dma_start3A_158 = tpu.memref_slice %arg9[%dma_start3A_156, %dma_start3A_157] : memref<480x128xf32, #tpu.memory_space<vmem>> -> memref<32x128xf32, #tpu.memory_space<vmem>>
    %dma_start3A_159 = arith.constant 0 : i32
    %dma_start3A_160 = tpu.memref_slice %arg2[%dma_start3A_159, %multiple_of3A_143] : memref<32x1000000xf32, #tpu.memory_space<hbm>> -> memref<32x128xf32, #tpu.memory_space<hbm>>
    tpu.enqueue_dma source(%dma_start3A_160 : memref<32x128xf32, #tpu.memory_space<hbm>>) target(%dma_start3A_158 : memref<32x128xf32, #tpu.memory_space<vmem>>) target_semaphore(%arg16 : memref<!tpu.dma_semaphore, #tpu.memory_space<semaphore_mem>>)
    %dma_start3A_161 = arith.constant 96 : i32
    %dma_start3A_162 = arith.constant 0 : i32
    %dma_start3A_163 = tpu.memref_slice %arg10[%dma_start3A_161, %dma_start3A_162] : memref<480x128xf32, #tpu.memory_space<vmem>> -> memref<32x128xf32, #tpu.memory_space<vmem>>
    %dma_start3A_164 = arith.constant 0 : i32
    %dma_start3A_165 = tpu.memref_slice %arg3[%dma_start3A_164, %multiple_of3A_150] : memref<32x1000000xf32, #tpu.memory_space<hbm>> -> memref<32x128xf32, #tpu.memory_space<hbm>>
    %dma_start3A_166 = arith.constant 96 : i32
    %dma_start3A_167 = arith.constant 0 : i32
    %dma_start3A_168 = tpu.memref_slice %arg10[%dma_start3A_166, %dma_start3A_167] : memref<480x128xf32, #tpu.memory_space<vmem>> -> memref<32x128xf32, #tpu.memory_space<vmem>>
    %dma_start3A_169 = arith.constant 0 : i32
    %dma_start3A_170 = tpu.memref_slice %arg3[%dma_start3A_169, %multiple_of3A_150] : memref<32x1000000xf32, #tpu.memory_space<hbm>> -> memref<32x128xf32, #tpu.memory_space<hbm>>
    tpu.enqueue_dma source(%dma_start3A_170 : memref<32x128xf32, #tpu.memory_space<hbm>>) target(%dma_start3A_168 : memref<32x128xf32, #tpu.memory_space<vmem>>) target_semaphore(%arg16 : memref<!tpu.dma_semaphore, #tpu.memory_space<semaphore_mem>>)
    %get3A_171 = arith.constant 4 : index
    %get3A_172 = tpu.vector_load %arg7[%get3A_171] {strides = array<i32>} : memref<528xi32, #tpu.memory_space<vmem>>, vector<16xi32>,
    %get3A_173 = arith.constant 4 : index
    %get3A_174 = tpu.vector_load %arg8[%get3A_173] {strides = array<i32>} : memref<528xi32, #tpu.memory_space<vmem>>, vector<16xi32>,
    %slice3A_175 = vector.extract_strided_slice %get3A_172 {offsets = [0], sizes = [1], strides = [1]} : vector<16xi32> to vector<1xi32>
    %squeeze3A_176 = vector.extract %slice3A_175[0] : i32 from vector<1xi32>
    %shift_right_arithmetic3A_177 = arith.constant 7 : i32
    %shift_right_arithmetic3A_178 = arith.shrsi %squeeze3A_176, %shift_right_arithmetic3A_177 : i32
    %shift_left3A_179 = arith.constant 7 : i32
    %shift_left3A_180 = arith.shli %shift_right_arithmetic3A_178, %shift_left3A_179 : i32
    %multiple_of3A_181 = tpu.assume_multiple %shift_left3A_180, 128 : i32
    %slice3A_182 = vector.extract_strided_slice %get3A_174 {offsets = [0], sizes = [1], strides = [1]} : vector<16xi32> to vector<1xi32>
    %squeeze3A_183 = vector.extract %slice3A_182[0] : i32 from vector<1xi32>
    %shift_right_arithmetic3A_184 = arith.constant 7 : i32
    %shift_right_arithmetic3A_185 = arith.shrsi %squeeze3A_183, %shift_right_arithmetic3A_184 : i32
    %shift_left3A_186 = arith.constant 7 : i32
    %shift_left3A_187 = arith.shli %shift_right_arithmetic3A_185, %shift_left3A_186 : i32
    %multiple_of3A_188 = tpu.assume_multiple %shift_left3A_187, 128 : i32
    %dma_start3A_189 = arith.constant 128 : i32
    %dma_start3A_190 = arith.constant 0 : i32
    %dma_start3A_191 = tpu.memref_slice %arg9[%dma_start3A_189, %dma_start3A_190] : memref<480x128xf32, #tpu.memory_space<vmem>> -> memref<32x128xf32, #tpu.memory_space<vmem>>
    %dma_start3A_192 = arith.constant 0 : i32
    %dma_start3A_193 = tpu.memref_slice %arg2[%dma_start3A_192, %multiple_of3A_181] : memref<32x1000000xf32, #tpu.memory_space<hbm>> -> memref<32x128xf32, #tpu.memory_space<hbm>>
    %dma_start3A_194 = arith.constant 128 : i32
    %dma_start3A_195 = arith.constant 0 : i32
    %dma_start3A_196 = tpu.memref_slice %arg9[%dma_start3A_194, %dma_start3A_195] : memref<480x128xf32, #tpu.memory_space<vmem>> -> memref<32x128xf32, #tpu.memory_space<vmem>>
    %dma_start3A_197 = arith.constant 0 : i32
    %dma_start3A_198 = tpu.memref_slice %arg2[%dma_start3A_197, %multiple_of3A_181] : memref<32x1000000xf32, #tpu.memory_space<hbm>> -> memref<32x128xf32, #tpu.memory_space<hbm>>
    tpu.enqueue_dma source(%dma_start3A_198 : memref<32x128xf32, #tpu.memory_space<hbm>>) target(%dma_start3A_196 : memref<32x128xf32, #tpu.memory_space<vmem>>) target_semaphore(%arg17 : memref<!tpu.dma_semaphore, #tpu.memory_space<semaphore_mem>>)
    %dma_start3A_199 = arith.constant 128 : i32
    %dma_start3A_200 = arith.constant 0 : i32
    %dma_start3A_201 = tpu.memref_slice %arg10[%dma_start3A_199, %dma_start3A_200] : memref<480x128xf32, #tpu.memory_space<vmem>> -> memref<32x128xf32, #tpu.memory_space<vmem>>
    %dma_start3A_202 = arith.constant 0 : i32
    %dma_start3A_203 = tpu.memref_slice %arg3[%dma_start3A_202, %multiple_of3A_188] : memref<32x1000000xf32, #tpu.memory_space<hbm>> -> memref<32x128xf32, #tpu.memory_space<hbm>>
    %dma_start3A_204 = arith.constant 128 : i32
    %dma_start3A_205 = arith.constant 0 : i32
    %dma_start3A_206 = tpu.memref_slice %arg10[%dma_start3A_204, %dma_start3A_205] : memref<480x128xf32, #tpu.memory_space<vmem>> -> memref<32x128xf32, #tpu.memory_space<vmem>>
    %dma_start3A_207 = arith.constant 0 : i32
    %dma_start3A_208 = tpu.memref_slice %arg3[%dma_start3A_207, %multiple_of3A_188] : memref<32x1000000xf32, #tpu.memory_space<hbm>> -> memref<32x128xf32, #tpu.memory_space<hbm>>
    tpu.enqueue_dma source(%dma_start3A_208 : memref<32x128xf32, #tpu.memory_space<hbm>>) target(%dma_start3A_206 : memref<32x128xf32, #tpu.memory_space<vmem>>) target_semaphore(%arg17 : memref<!tpu.dma_semaphore, #tpu.memory_space<semaphore_mem>>)
    %get3A_209 = arith.constant 5 : index
    %get3A_210 = tpu.vector_load %arg7[%get3A_209] {strides = array<i32>} : memref<528xi32, #tpu.memory_space<vmem>>, vector<16xi32>,
    %get3A_211 = arith.constant 5 : index
    %get3A_212 = tpu.vector_load %arg8[%get3A_211] {strides = array<i32>} : memref<528xi32, #tpu.memory_space<vmem>>, vector<16xi32>,
    %slice3A_213 = vector.extract_strided_slice %get3A_210 {offsets = [0], sizes = [1], strides = [1]} : vector<16xi32> to vector<1xi32>
    %squeeze3A_214 = vector.extract %slice3A_213[0] : i32 from vector<1xi32>
    %shift_right_arithmetic3A_215 = arith.constant 7 : i32
    %shift_right_arithmetic3A_216 = arith.shrsi %squeeze3A_214, %shift_right_arithmetic3A_215 : i32
    %shift_left3A_217 = arith.constant 7 : i32
    %shift_left3A_218 = arith.shli %shift_right_arithmetic3A_216, %shift_left3A_217 : i32
    %multiple_of3A_219 = tpu.assume_multiple %shift_left3A_218, 128 : i32
    %slice3A_220 = vector.extract_strided_slice %get3A_212 {offsets = [0], sizes = [1], strides = [1]} : vector<16xi32> to vector<1xi32>
    %squeeze3A_221 = vector.extract %slice3A_220[0] : i32 from vector<1xi32>
    %shift_right_arithmetic3A_222 = arith.constant 7 : i32
    %shift_right_arithmetic3A_223 = arith.shrsi %squeeze3A_221, %shift_right_arithmetic3A_222 : i32
    %shift_left3A_224 = arith.constant 7 : i32
    %shift_left3A_225 = arith.shli %shift_right_arithmetic3A_223, %shift_left3A_224 : i32
    %multiple_of3A_226 = tpu.assume_multiple %shift_left3A_225, 128 : i32
    %dma_start3A_227 = arith.constant 160 : i32
    %dma_start3A_228 = arith.constant 0 : i32
    %dma_start3A_229 = tpu.memref_slice %arg9[%dma_start3A_227, %dma_start3A_228] : memref<480x128xf32, #tpu.memory_space<vmem>> -> memref<32x128xf32, #tpu.memory_space<vmem>>
    %dma_start3A_230 = arith.constant 0 : i32
    %dma_start3A_231 = tpu.memref_slice %arg2[%dma_start3A_230, %multiple_of3A_219] : memref<32x1000000xf32, #tpu.memory_space<hbm>> -> memref<32x128xf32, #tpu.memory_space<hbm>>
    %dma_start3A_232 = arith.constant 160 : i32
    %dma_start3A_233 = arith.constant 0 : i32
    %dma_start3A_234 = tpu.memref_slice %arg9[%dma_start3A_232, %dma_start3A_233] : memref<480x128xf32, #tpu.memory_space<vmem>> -> memref<32x128xf32, #tpu.memory_space<vmem>>
    %dma_start3A_235 = arith.constant 0 : i32
    %dma_start3A_236 = tpu.memref_slice %arg2[%dma_start3A_235, %multiple_of3A_219] : memref<32x1000000xf32, #tpu.memory_space<hbm>> -> memref<32x128xf32, #tpu.memory_space<hbm>>
    tpu.enqueue_dma source(%dma_start3A_236 : memref<32x128xf32, #tpu.memory_space<hbm>>) target(%dma_start3A_234 : memref<32x128xf32, #tpu.memory_space<vmem>>) target_semaphore(%arg18 : memref<!tpu.dma_semaphore, #tpu.memory_space<semaphore_mem>>)
    %dma_start3A_237 = arith.constant 160 : i32
    %dma_start3A_238 = arith.constant 0 : i32
    %dma_start3A_239 = tpu.memref_slice %arg10[%dma_start3A_237, %dma_start3A_238] : memref<480x128xf32, #tpu.memory_space<vmem>> -> memref<32x128xf32, #tpu.memory_space<vmem>>
    %dma_start3A_240 = arith.constant 0 : i32
    %dma_start3A_241 = tpu.memref_slice %arg3[%dma_start3A_240, %multiple_of3A_226] : memref<32x1000000xf32, #tpu.memory_space<hbm>> -> memref<32x128xf32, #tpu.memory_space<hbm>>
    %dma_start3A_242 = arith.constant 160 : i32
    %dma_start3A_243 = arith.constant 0 : i32
    %dma_start3A_244 = tpu.memref_slice %arg10[%dma_start3A_242, %dma_start3A_243] : memref<480x128xf32, #tpu.memory_space<vmem>> -> memref<32x128xf32, #tpu.memory_space<vmem>>
    %dma_start3A_245 = arith.constant 0 : i32
    %dma_start3A_246 = tpu.memref_slice %arg3[%dma_start3A_245, %multiple_of3A_226] : memref<32x1000000xf32, #tpu.memory_space<hbm>> -> memref<32x128xf32, #tpu.memory_space<hbm>>
    tpu.enqueue_dma source(%dma_start3A_246 : memref<32x128xf32, #tpu.memory_space<hbm>>) target(%dma_start3A_244 : memref<32x128xf32, #tpu.memory_space<vmem>>) target_semaphore(%arg18 : memref<!tpu.dma_semaphore, #tpu.memory_space<semaphore_mem>>)
    %get3A_247 = arith.constant 6 : index
    %get3A_248 = tpu.vector_load %arg7[%get3A_247] {strides = array<i32>} : memref<528xi32, #tpu.memory_space<vmem>>, vector<16xi32>,
    %get3A_249 = arith.constant 6 : index
    %get3A_250 = tpu.vector_load %arg8[%get3A_249] {strides = array<i32>} : memref<528xi32, #tpu.memory_space<vmem>>, vector<16xi32>,
    %slice3A_251 = vector.extract_strided_slice %get3A_248 {offsets = [0], sizes = [1], strides = [1]} : vector<16xi32> to vector<1xi32>
    %squeeze3A_252 = vector.extract %slice3A_251[0] : i32 from vector<1xi32>
    %shift_right_arithmetic3A_253 = arith.constant 7 : i32
    %shift_right_arithmetic3A_254 = arith.shrsi %squeeze3A_252, %shift_right_arithmetic3A_253 : i32
    %shift_left3A_255 = arith.constant 7 : i32
    %shift_left3A_256 = arith.shli %shift_right_arithmetic3A_254, %shift_left3A_255 : i32
    %multiple_of3A_257 = tpu.assume_multiple %shift_left3A_256, 128 : i32
    %slice3A_258 = vector.extract_strided_slice %get3A_250 {offsets = [0], sizes = [1], strides = [1]} : vector<16xi32> to vector<1xi32>
    %squeeze3A_259 = vector.extract %slice3A_258[0] : i32 from vector<1xi32>
    %shift_right_arithmetic3A_260 = arith.constant 7 : i32
    %shift_right_arithmetic3A_261 = arith.shrsi %squeeze3A_259, %shift_right_arithmetic3A_260 : i32
    %shift_left3A_262 = arith.constant 7 : i32
    %shift_left3A_263 = arith.shli %shift_right_arithmetic3A_261, %shift_left3A_262 : i32
    %multiple_of3A_264 = tpu.assume_multiple %shift_left3A_263, 128 : i32
    %dma_start3A_265 = arith.constant 192 : i32
    %dma_start3A_266 = arith.constant 0 : i32
    %dma_start3A_267 = tpu.memref_slice %arg9[%dma_start3A_265, %dma_start3A_266] : memref<480x128xf32, #tpu.memory_space<vmem>> -> memref<32x128xf32, #tpu.memory_space<vmem>>
    %dma_start3A_268 = arith.constant 0 : i32
    %dma_start3A_269 = tpu.memref_slice %arg2[%dma_start3A_268, %multiple_of3A_257] : memref<32x1000000xf32, #tpu.memory_space<hbm>> -> memref<32x128xf32, #tpu.memory_space<hbm>>
    %dma_start3A_270 = arith.constant 192 : i32
    %dma_start3A_271 = arith.constant 0 : i32
    %dma_start3A_272 = tpu.memref_slice %arg9[%dma_start3A_270, %dma_start3A_271] : memref<480x128xf32, #tpu.memory_space<vmem>> -> memref<32x128xf32, #tpu.memory_space<vmem>>
    %dma_start3A_273 = arith.constant 0 : i32
    %dma_start3A_274 = tpu.memref_slice %arg2[%dma_start3A_273, %multiple_of3A_257] : memref<32x1000000xf32, #tpu.memory_space<hbm>> -> memref<32x128xf32, #tpu.memory_space<hbm>>
    tpu.enqueue_dma source(%dma_start3A_274 : memref<32x128xf32, #tpu.memory_space<hbm>>) target(%dma_start3A_272 : memref<32x128xf32, #tpu.memory_space<vmem>>) target_semaphore(%arg19 : memref<!tpu.dma_semaphore, #tpu.memory_space<semaphore_mem>>)
    %dma_start3A_275 = arith.constant 192 : i32
    %dma_start3A_276 = arith.constant 0 : i32
    %dma_start3A_277 = tpu.memref_slice %arg10[%dma_start3A_275, %dma_start3A_276] : memref<480x128xf32, #tpu.memory_space<vmem>> -> memref<32x128xf32, #tpu.memory_space<vmem>>
    %dma_start3A_278 = arith.constant 0 : i32
    %dma_start3A_279 = tpu.memref_slice %arg3[%dma_start3A_278, %multiple_of3A_264] : memref<32x1000000xf32, #tpu.memory_space<hbm>> -> memref<32x128xf32, #tpu.memory_space<hbm>>
    %dma_start3A_280 = arith.constant 192 : i32
    %dma_start3A_281 = arith.constant 0 : i32
    %dma_start3A_282 = tpu.memref_slice %arg10[%dma_start3A_280, %dma_start3A_281] : memref<480x128xf32, #tpu.memory_space<vmem>> -> memref<32x128xf32, #tpu.memory_space<vmem>>
    %dma_start3A_283 = arith.constant 0 : i32
    %dma_start3A_284 = tpu.memref_slice %arg3[%dma_start3A_283, %multiple_of3A_264] : memref<32x1000000xf32, #tpu.memory_space<hbm>> -> memref<32x128xf32, #tpu.memory_space<hbm>>
    tpu.enqueue_dma source(%dma_start3A_284 : memref<32x128xf32, #tpu.memory_space<hbm>>) target(%dma_start3A_282 : memref<32x128xf32, #tpu.memory_space<vmem>>) target_semaphore(%arg19 : memref<!tpu.dma_semaphore, #tpu.memory_space<semaphore_mem>>)
    %get3A_285 = arith.constant 7 : index
    %get3A_286 = tpu.vector_load %arg7[%get3A_285] {strides = array<i32>} : memref<528xi32, #tpu.memory_space<vmem>>, vector<16xi32>,
    %get3A_287 = arith.constant 7 : index
    %get3A_288 = tpu.vector_load %arg8[%get3A_287] {strides = array<i32>} : memref<528xi32, #tpu.memory_space<vmem>>, vector<16xi32>,
    %slice3A_289 = vector.extract_strided_slice %get3A_286 {offsets = [0], sizes = [1], strides = [1]} : vector<16xi32> to vector<1xi32>
    %squeeze3A_290 = vector.extract %slice3A_289[0] : i32 from vector<1xi32>
    %shift_right_arithmetic3A_291 = arith.constant 7 : i32
    %shift_right_arithmetic3A_292 = arith.shrsi %squeeze3A_290, %shift_right_arithmetic3A_291 : i32
    %shift_left3A_293 = arith.constant 7 : i32
    %shift_left3A_294 = arith.shli %shift_right_arithmetic3A_292, %shift_left3A_293 : i32
    %multiple_of3A_295 = tpu.assume_multiple %shift_left3A_294, 128 : i32
    %slice3A_296 = vector.extract_strided_slice %get3A_288 {offsets = [0], sizes = [1], strides = [1]} : vector<16xi32> to vector<1xi32>
    %squeeze3A_297 = vector.extract %slice3A_296[0] : i32 from vector<1xi32>
    %shift_right_arithmetic3A_298 = arith.constant 7 : i32
    %shift_right_arithmetic3A_299 = arith.shrsi %squeeze3A_297, %shift_right_arithmetic3A_298 : i32
    %shift_left3A_300 = arith.constant 7 : i32
    %shift_left3A_301 = arith.shli %shift_right_arithmetic3A_299, %shift_left3A_300 : i32
    %multiple_of3A_302 = tpu.assume_multiple %shift_left3A_301, 128 : i32
    %dma_start3A_303 = arith.constant 224 : i32
    %dma_start3A_304 = arith.constant 0 : i32
    %dma_start3A_305 = tpu.memref_slice %arg9[%dma_start3A_303, %dma_start3A_304] : memref<480x128xf32, #tpu.memory_space<vmem>> -> memref<32x128xf32, #tpu.memory_space<vmem>>
    %dma_start3A_306 = arith.constant 0 : i32
    %dma_start3A_307 = tpu.memref_slice %arg2[%dma_start3A_306, %multiple_of3A_295] : memref<32x1000000xf32, #tpu.memory_space<hbm>> -> memref<32x128xf32, #tpu.memory_space<hbm>>
    %dma_start3A_308 = arith.constant 224 : i32
    %dma_start3A_309 = arith.constant 0 : i32
    %dma_start3A_310 = tpu.memref_slice %arg9[%dma_start3A_308, %dma_start3A_309] : memref<480x128xf32, #tpu.memory_space<vmem>> -> memref<32x128xf32, #tpu.memory_space<vmem>>
    %dma_start3A_311 = arith.constant 0 : i32
    %dma_start3A_312 = tpu.memref_slice %arg2[%dma_start3A_311, %multiple_of3A_295] : memref<32x1000000xf32, #tpu.memory_space<hbm>> -> memref<32x128xf32, #tpu.memory_space<hbm>>
    tpu.enqueue_dma source(%dma_start3A_312 : memref<32x128xf32, #tpu.memory_space<hbm>>) target(%dma_start3A_310 : memref<32x128xf32, #tpu.memory_space<vmem>>) target_semaphore(%arg20 : memref<!tpu.dma_semaphore, #tpu.memory_space<semaphore_mem>>)
    %dma_start3A_313 = arith.constant 224 : i32
    %dma_start3A_314 = arith.constant 0 : i32
    %dma_start3A_315 = tpu.memref_slice %arg10[%dma_start3A_313, %dma_start3A_314] : memref<480x128xf32, #tpu.memory_space<vmem>> -> memref<32x128xf32, #tpu.memory_space<vmem>>
    %dma_start3A_316 = arith.constant 0 : i32
    %dma_start3A_317 = tpu.memref_slice %arg3[%dma_start3A_316, %multiple_of3A_302] : memref<32x1000000xf32, #tpu.memory_space<hbm>> -> memref<32x128xf32, #tpu.memory_space<hbm>>
    %dma_start3A_318 = arith.constant 224 : i32
    %dma_start3A_319 = arith.constant 0 : i32
    %dma_start3A_320 = tpu.memref_slice %arg10[%dma_start3A_318, %dma_start3A_319] : memref<480x128xf32, #tpu.memory_space<vmem>> -> memref<32x128xf32, #tpu.memory_space<vmem>>
    %dma_start3A_321 = arith.constant 0 : i32
    %dma_start3A_322 = tpu.memref_slice %arg3[%dma_start3A_321, %multiple_of3A_302] : memref<32x1000000xf32, #tpu.memory_space<hbm>> -> memref<32x128xf32, #tpu.memory_space<hbm>>
    tpu.enqueue_dma source(%dma_start3A_322 : memref<32x128xf32, #tpu.memory_space<hbm>>) target(%dma_start3A_320 : memref<32x128xf32, #tpu.memory_space<vmem>>) target_semaphore(%arg20 : memref<!tpu.dma_semaphore, #tpu.memory_space<semaphore_mem>>)
    %get3A_323 = arith.constant 8 : index
    %get3A_324 = tpu.vector_load %arg7[%get3A_323] {strides = array<i32>} : memref<528xi32, #tpu.memory_space<vmem>>, vector<16xi32>,
    %get3A_325 = arith.constant 8 : index
    %get3A_326 = tpu.vector_load %arg8[%get3A_325] {strides = array<i32>} : memref<528xi32, #tpu.memory_space<vmem>>, vector<16xi32>,
    %slice3A_327 = vector.extract_strided_slice %get3A_324 {offsets = [0], sizes = [1], strides = [1]} : vector<16xi32> to vector<1xi32>
    %squeeze3A_328 = vector.extract %slice3A_327[0] : i32 from vector<1xi32>
    %shift_right_arithmetic3A_329 = arith.constant 7 : i32
    %shift_right_arithmetic3A_330 = arith.shrsi %squeeze3A_328, %shift_right_arithmetic3A_329 : i32
    %shift_left3A_331 = arith.constant 7 : i32
    %shift_left3A_332 = arith.shli %shift_right_arithmetic3A_330, %shift_left3A_331 : i32
    %multiple_of3A_333 = tpu.assume_multiple %shift_left3A_332, 128 : i32
    %slice3A_334 = vector.extract_strided_slice %get3A_326 {offsets = [0], sizes = [1], strides = [1]} : vector<16xi32> to vector<1xi32>
    %squeeze3A_335 = vector.extract %slice3A_334[0] : i32 from vector<1xi32>
    %shift_right_arithmetic3A_336 = arith.constant 7 : i32
    %shift_right_arithmetic3A_337 = arith.shrsi %squeeze3A_335, %shift_right_arithmetic3A_336 : i32
    %shift_left3A_338 = arith.constant 7 : i32
    %shift_left3A_339 = arith.shli %shift_right_arithmetic3A_337, %shift_left3A_338 : i32
    %multiple_of3A_340 = tpu.assume_multiple %shift_left3A_339, 128 : i32
    %dma_start3A_341 = arith.constant 256 : i32
    %dma_start3A_342 = arith.constant 0 : i32
    %dma_start3A_343 = tpu.memref_slice %arg9[%dma_start3A_341, %dma_start3A_342] : memref<480x128xf32, #tpu.memory_space<vmem>> -> memref<32x128xf32, #tpu.memory_space<vmem>>
    %dma_start3A_344 = arith.constant 0 : i32
    %dma_start3A_345 = tpu.memref_slice %arg2[%dma_start3A_344, %multiple_of3A_333] : memref<32x1000000xf32, #tpu.memory_space<hbm>> -> memref<32x128xf32, #tpu.memory_space<hbm>>
    %dma_start3A_346 = arith.constant 256 : i32
    %dma_start3A_347 = arith.constant 0 : i32
    %dma_start3A_348 = tpu.memref_slice %arg9[%dma_start3A_346, %dma_start3A_347] : memref<480x128xf32, #tpu.memory_space<vmem>> -> memref<32x128xf32, #tpu.memory_space<vmem>>
    %dma_start3A_349 = arith.constant 0 : i32
    %dma_start3A_350 = tpu.memref_slice %arg2[%dma_start3A_349, %multiple_of3A_333] : memref<32x1000000xf32, #tpu.memory_space<hbm>> -> memref<32x128xf32, #tpu.memory_space<hbm>>
    tpu.enqueue_dma source(%dma_start3A_350 : memref<32x128xf32, #tpu.memory_space<hbm>>) target(%dma_start3A_348 : memref<32x128xf32, #tpu.memory_space<vmem>>) target_semaphore(%arg21 : memref<!tpu.dma_semaphore, #tpu.memory_space<semaphore_mem>>)
    %dma_start3A_351 = arith.constant 256 : i32
    %dma_start3A_352 = arith.constant 0 : i32
    %dma_start3A_353 = tpu.memref_slice %arg10[%dma_start3A_351, %dma_start3A_352] : memref<480x128xf32, #tpu.memory_space<vmem>> -> memref<32x128xf32, #tpu.memory_space<vmem>>
    %dma_start3A_354 = arith.constant 0 : i32
    %dma_start3A_355 = tpu.memref_slice %arg3[%dma_start3A_354, %multiple_of3A_340] : memref<32x1000000xf32, #tpu.memory_space<hbm>> -> memref<32x128xf32, #tpu.memory_space<hbm>>
    %dma_start3A_356 = arith.constant 256 : i32
    %dma_start3A_357 = arith.constant 0 : i32
    %dma_start3A_358 = tpu.memref_slice %arg10[%dma_start3A_356, %dma_start3A_357] : memref<480x128xf32, #tpu.memory_space<vmem>> -> memref<32x128xf32, #tpu.memory_space<vmem>>
    %dma_start3A_359 = arith.constant 0 : i32
    %dma_start3A_360 = tpu.memref_slice %arg3[%dma_start3A_359, %multiple_of3A_340] : memref<32x1000000xf32, #tpu.memory_space<hbm>> -> memref<32x128xf32, #tpu.memory_space<hbm>>
    tpu.enqueue_dma source(%dma_start3A_360 : memref<32x128xf32, #tpu.memory_space<hbm>>) target(%dma_start3A_358 : memref<32x128xf32, #tpu.memory_space<vmem>>) target_semaphore(%arg21 : memref<!tpu.dma_semaphore, #tpu.memory_space<semaphore_mem>>)
    %get3A_361 = arith.constant 9 : index
    %get3A_362 = tpu.vector_load %arg7[%get3A_361] {strides = array<i32>} : memref<528xi32, #tpu.memory_space<vmem>>, vector<16xi32>,
    %get3A_363 = arith.constant 9 : index
    %get3A_364 = tpu.vector_load %arg8[%get3A_363] {strides = array<i32>} : memref<528xi32, #tpu.memory_space<vmem>>, vector<16xi32>,
    %slice3A_365 = vector.extract_strided_slice %get3A_362 {offsets = [0], sizes = [1], strides = [1]} : vector<16xi32> to vector<1xi32>
    %squeeze3A_366 = vector.extract %slice3A_365[0] : i32 from vector<1xi32>
    %shift_right_arithmetic3A_367 = arith.constant 7 : i32
    %shift_right_arithmetic3A_368 = arith.shrsi %squeeze3A_366, %shift_right_arithmetic3A_367 : i32
    %shift_left3A_369 = arith.constant 7 : i32
    %shift_left3A_370 = arith.shli %shift_right_arithmetic3A_368, %shift_left3A_369 : i32
    %multiple_of3A_371 = tpu.assume_multiple %shift_left3A_370, 128 : i32
    %slice3A_372 = vector.extract_strided_slice %get3A_364 {offsets = [0], sizes = [1], strides = [1]} : vector<16xi32> to vector<1xi32>
    %squeeze3A_373 = vector.extract %slice3A_372[0] : i32 from vector<1xi32>
    %shift_right_arithmetic3A_374 = arith.constant 7 : i32
    %shift_right_arithmetic3A_375 = arith.shrsi %squeeze3A_373, %shift_right_arithmetic3A_374 : i32
    %shift_left3A_376 = arith.constant 7 : i32
    %shift_left3A_377 = arith.shli %shift_right_arithmetic3A_375, %shift_left3A_376 : i32
    %multiple_of3A_378 = tpu.assume_multiple %shift_left3A_377, 128 : i32
    %dma_start3A_379 = arith.constant 288 : i32
    %dma_start3A_380 = arith.constant 0 : i32
    %dma_start3A_381 = tpu.memref_slice %arg9[%dma_start3A_379, %dma_start3A_380] : memref<480x128xf32, #tpu.memory_space<vmem>> -> memref<32x128xf32, #tpu.memory_space<vmem>>
    %dma_start3A_382 = arith.constant 0 : i32
    %dma_start3A_383 = tpu.memref_slice %arg2[%dma_start3A_382, %multiple_of3A_371] : memref<32x1000000xf32, #tpu.memory_space<hbm>> -> memref<32x128xf32, #tpu.memory_space<hbm>>
    %dma_start3A_384 = arith.constant 288 : i32
    %dma_start3A_385 = arith.constant 0 : i32
    %dma_start3A_386 = tpu.memref_slice %arg9[%dma_start3A_384, %dma_start3A_385] : memref<480x128xf32, #tpu.memory_space<vmem>> -> memref<32x128xf32, #tpu.memory_space<vmem>>
    %dma_start3A_387 = arith.constant 0 : i32
    %dma_start3A_388 = tpu.memref_slice %arg2[%dma_start3A_387, %multiple_of3A_371] : memref<32x1000000xf32, #tpu.memory_space<hbm>> -> memref<32x128xf32, #tpu.memory_space<hbm>>
    tpu.enqueue_dma source(%dma_start3A_388 : memref<32x128xf32, #tpu.memory_space<hbm>>) target(%dma_start3A_386 : memref<32x128xf32, #tpu.memory_space<vmem>>) target_semaphore(%arg22 : memref<!tpu.dma_semaphore, #tpu.memory_space<semaphore_mem>>)
    %dma_start3A_389 = arith.constant 288 : i32
    %dma_start3A_390 = arith.constant 0 : i32
    %dma_start3A_391 = tpu.memref_slice %arg10[%dma_start3A_389, %dma_start3A_390] : memref<480x128xf32, #tpu.memory_space<vmem>> -> memref<32x128xf32, #tpu.memory_space<vmem>>
    %dma_start3A_392 = arith.constant 0 : i32
    %dma_start3A_393 = tpu.memref_slice %arg3[%dma_start3A_392, %multiple_of3A_378] : memref<32x1000000xf32, #tpu.memory_space<hbm>> -> memref<32x128xf32, #tpu.memory_space<hbm>>
    %dma_start3A_394 = arith.constant 288 : i32
    %dma_start3A_395 = arith.constant 0 : i32
    %dma_start3A_396 = tpu.memref_slice %arg10[%dma_start3A_394, %dma_start3A_395] : memref<480x128xf32, #tpu.memory_space<vmem>> -> memref<32x128xf32, #tpu.memory_space<vmem>>
    %dma_start3A_397 = arith.constant 0 : i32
    %dma_start3A_398 = tpu.memref_slice %arg3[%dma_start3A_397, %multiple_of3A_378] : memref<32x1000000xf32, #tpu.memory_space<hbm>> -> memref<32x128xf32, #tpu.memory_space<hbm>>
    tpu.enqueue_dma source(%dma_start3A_398 : memref<32x128xf32, #tpu.memory_space<hbm>>) target(%dma_start3A_396 : memref<32x128xf32, #tpu.memory_space<vmem>>) target_semaphore(%arg22 : memref<!tpu.dma_semaphore, #tpu.memory_space<semaphore_mem>>)
    %get3A_399 = arith.constant 10 : index
    %get3A_400 = tpu.vector_load %arg7[%get3A_399] {strides = array<i32>} : memref<528xi32, #tpu.memory_space<vmem>>, vector<16xi32>,
    %get3A_401 = arith.constant 10 : index
    %get3A_402 = tpu.vector_load %arg8[%get3A_401] {strides = array<i32>} : memref<528xi32, #tpu.memory_space<vmem>>, vector<16xi32>,
    %slice3A_403 = vector.extract_strided_slice %get3A_400 {offsets = [0], sizes = [1], strides = [1]} : vector<16xi32> to vector<1xi32>
    %squeeze3A_404 = vector.extract %slice3A_403[0] : i32 from vector<1xi32>
    %shift_right_arithmetic3A_405 = arith.constant 7 : i32
    %shift_right_arithmetic3A_406 = arith.shrsi %squeeze3A_404, %shift_right_arithmetic3A_405 : i32
    %shift_left3A_407 = arith.constant 7 : i32
    %shift_left3A_408 = arith.shli %shift_right_arithmetic3A_406, %shift_left3A_407 : i32
    %multiple_of3A_409 = tpu.assume_multiple %shift_left3A_408, 128 : i32
    %slice3A_410 = vector.extract_strided_slice %get3A_402 {offsets = [0], sizes = [1], strides = [1]} : vector<16xi32> to vector<1xi32>
    %squeeze3A_411 = vector.extract %slice3A_410[0] : i32 from vector<1xi32>
    %shift_right_arithmetic3A_412 = arith.constant 7 : i32
    %shift_right_arithmetic3A_413 = arith.shrsi %squeeze3A_411, %shift_right_arithmetic3A_412 : i32
    %shift_left3A_414 = arith.constant 7 : i32
    %shift_left3A_415 = arith.shli %shift_right_arithmetic3A_413, %shift_left3A_414 : i32
    %multiple_of3A_416 = tpu.assume_multiple %shift_left3A_415, 128 : i32
    %dma_start3A_417 = arith.constant 320 : i32
    %dma_start3A_418 = arith.constant 0 : i32
    %dma_start3A_419 = tpu.memref_slice %arg9[%dma_start3A_417, %dma_start3A_418] : memref<480x128xf32, #tpu.memory_space<vmem>> -> memref<32x128xf32, #tpu.memory_space<vmem>>
    %dma_start3A_420 = arith.constant 0 : i32
    %dma_start3A_421 = tpu.memref_slice %arg2[%dma_start3A_420, %multiple_of3A_409] : memref<32x1000000xf32, #tpu.memory_space<hbm>> -> memref<32x128xf32, #tpu.memory_space<hbm>>
    %dma_start3A_422 = arith.constant 320 : i32
    %dma_start3A_423 = arith.constant 0 : i32
    %dma_start3A_424 = tpu.memref_slice %arg9[%dma_start3A_422, %dma_start3A_423] : memref<480x128xf32, #tpu.memory_space<vmem>> -> memref<32x128xf32, #tpu.memory_space<vmem>>
    %dma_start3A_425 = arith.constant 0 : i32
    %dma_start3A_426 = tpu.memref_slice %arg2[%dma_start3A_425, %multiple_of3A_409] : memref<32x1000000xf32, #tpu.memory_space<hbm>> -> memref<32x128xf32, #tpu.memory_space<hbm>>
    tpu.enqueue_dma source(%dma_start3A_426 : memref<32x128xf32, #tpu.memory_space<hbm>>) target(%dma_start3A_424 : memref<32x128xf32, #tpu.memory_space<vmem>>) target_semaphore(%arg23 : memref<!tpu.dma_semaphore, #tpu.memory_space<semaphore_mem>>)
    %dma_start3A_427 = arith.constant 320 : i32
    %dma_start3A_428 = arith.constant 0 : i32
    %dma_start3A_429 = tpu.memref_slice %arg10[%dma_start3A_427, %dma_start3A_428] : memref<480x128xf32, #tpu.memory_space<vmem>> -> memref<32x128xf32, #tpu.memory_space<vmem>>
    %dma_start3A_430 = arith.constant 0 : i32
    %dma_start3A_431 = tpu.memref_slice %arg3[%dma_start3A_430, %multiple_of3A_416] : memref<32x1000000xf32, #tpu.memory_space<hbm>> -> memref<32x128xf32, #tpu.memory_space<hbm>>
    %dma_start3A_432 = arith.constant 320 : i32
    %dma_start3A_433 = arith.constant 0 : i32
    %dma_start3A_434 = tpu.memref_slice %arg10[%dma_start3A_432, %dma_start3A_433] : memref<480x128xf32, #tpu.memory_space<vmem>> -> memref<32x128xf32, #tpu.memory_space<vmem>>
    %dma_start3A_435 = arith.constant 0 : i32
    %dma_start3A_436 = tpu.memref_slice %arg3[%dma_start3A_435, %multiple_of3A_416] : memref<32x1000000xf32, #tpu.memory_space<hbm>> -> memref<32x128xf32, #tpu.memory_space<hbm>>
    tpu.enqueue_dma source(%dma_start3A_436 : memref<32x128xf32, #tpu.memory_space<hbm>>) target(%dma_start3A_434 : memref<32x128xf32, #tpu.memory_space<vmem>>) target_semaphore(%arg23 : memref<!tpu.dma_semaphore, #tpu.memory_space<semaphore_mem>>)
    %get3A_437 = arith.constant 11 : index
    %get3A_438 = tpu.vector_load %arg7[%get3A_437] {strides = array<i32>} : memref<528xi32, #tpu.memory_space<vmem>>, vector<16xi32>,
    %get3A_439 = arith.constant 11 : index
    %get3A_440 = tpu.vector_load %arg8[%get3A_439] {strides = array<i32>} : memref<528xi32, #tpu.memory_space<vmem>>, vector<16xi32>,
    %slice3A_441 = vector.extract_strided_slice %get3A_438 {offsets = [0], sizes = [1], strides = [1]} : vector<16xi32> to vector<1xi32>
    %squeeze3A_442 = vector.extract %slice3A_441[0] : i32 from vector<1xi32>
    %shift_right_arithmetic3A_443 = arith.constant 7 : i32
    %shift_right_arithmetic3A_444 = arith.shrsi %squeeze3A_442, %shift_right_arithmetic3A_443 : i32
    %shift_left3A_445 = arith.constant 7 : i32
    %shift_left3A_446 = arith.shli %shift_right_arithmetic3A_444, %shift_left3A_445 : i32
    %multiple_of3A_447 = tpu.assume_multiple %shift_left3A_446, 128 : i32
    %slice3A_448 = vector.extract_strided_slice %get3A_440 {offsets = [0], sizes = [1], strides = [1]} : vector<16xi32> to vector<1xi32>
    %squeeze3A_449 = vector.extract %slice3A_448[0] : i32 from vector<1xi32>
    %shift_right_arithmetic3A_450 = arith.constant 7 : i32
    %shift_right_arithmetic3A_451 = arith.shrsi %squeeze3A_449, %shift_right_arithmetic3A_450 : i32
    %shift_left3A_452 = arith.constant 7 : i32
    %shift_left3A_453 = arith.shli %shift_right_arithmetic3A_451, %shift_left3A_452 : i32
    %multiple_of3A_454 = tpu.assume_multiple %shift_left3A_453, 128 : i32
    %dma_start3A_455 = arith.constant 352 : i32
    %dma_start3A_456 = arith.constant 0 : i32
    %dma_start3A_457 = tpu.memref_slice %arg9[%dma_start3A_455, %dma_start3A_456] : memref<480x128xf32, #tpu.memory_space<vmem>> -> memref<32x128xf32, #tpu.memory_space<vmem>>
    %dma_start3A_458 = arith.constant 0 : i32
    %dma_start3A_459 = tpu.memref_slice %arg2[%dma_start3A_458, %multiple_of3A_447] : memref<32x1000000xf32, #tpu.memory_space<hbm>> -> memref<32x128xf32, #tpu.memory_space<hbm>>
    %dma_start3A_460 = arith.constant 352 : i32
    %dma_start3A_461 = arith.constant 0 : i32
    %dma_start3A_462 = tpu.memref_slice %arg9[%dma_start3A_460, %dma_start3A_461] : memref<480x128xf32, #tpu.memory_space<vmem>> -> memref<32x128xf32, #tpu.memory_space<vmem>>
    %dma_start3A_463 = arith.constant 0 : i32
    %dma_start3A_464 = tpu.memref_slice %arg2[%dma_start3A_463, %multiple_of3A_447] : memref<32x1000000xf32, #tpu.memory_space<hbm>> -> memref<32x128xf32, #tpu.memory_space<hbm>>
    tpu.enqueue_dma source(%dma_start3A_464 : memref<32x128xf32, #tpu.memory_space<hbm>>) target(%dma_start3A_462 : memref<32x128xf32, #tpu.memory_space<vmem>>) target_semaphore(%arg24 : memref<!tpu.dma_semaphore, #tpu.memory_space<semaphore_mem>>)
    %dma_start3A_465 = arith.constant 352 : i32
    %dma_start3A_466 = arith.constant 0 : i32
    %dma_start3A_467 = tpu.memref_slice %arg10[%dma_start3A_465, %dma_start3A_466] : memref<480x128xf32, #tpu.memory_space<vmem>> -> memref<32x128xf32, #tpu.memory_space<vmem>>
    %dma_start3A_468 = arith.constant 0 : i32
    %dma_start3A_469 = tpu.memref_slice %arg3[%dma_start3A_468, %multiple_of3A_454] : memref<32x1000000xf32, #tpu.memory_space<hbm>> -> memref<32x128xf32, #tpu.memory_space<hbm>>
    %dma_start3A_470 = arith.constant 352 : i32
    %dma_start3A_471 = arith.constant 0 : i32
    %dma_start3A_472 = tpu.memref_slice %arg10[%dma_start3A_470, %dma_start3A_471] : memref<480x128xf32, #tpu.memory_space<vmem>> -> memref<32x128xf32, #tpu.memory_space<vmem>>
    %dma_start3A_473 = arith.constant 0 : i32
    %dma_start3A_474 = tpu.memref_slice %arg3[%dma_start3A_473, %multiple_of3A_454] : memref<32x1000000xf32, #tpu.memory_space<hbm>> -> memref<32x128xf32, #tpu.memory_space<hbm>>
    tpu.enqueue_dma source(%dma_start3A_474 : memref<32x128xf32, #tpu.memory_space<hbm>>) target(%dma_start3A_472 : memref<32x128xf32, #tpu.memory_space<vmem>>) target_semaphore(%arg24 : memref<!tpu.dma_semaphore, #tpu.memory_space<semaphore_mem>>)
    %get3A_475 = arith.constant 12 : index
    %get3A_476 = tpu.vector_load %arg7[%get3A_475] {strides = array<i32>} : memref<528xi32, #tpu.memory_space<vmem>>, vector<16xi32>,
    %get3A_477 = arith.constant 12 : index
    %get3A_478 = tpu.vector_load %arg8[%get3A_477] {strides = array<i32>} : memref<528xi32, #tpu.memory_space<vmem>>, vector<16xi32>,
    %slice3A_479 = vector.extract_strided_slice %get3A_476 {offsets = [0], sizes = [1], strides = [1]} : vector<16xi32> to vector<1xi32>
    %squeeze3A_480 = vector.extract %slice3A_479[0] : i32 from vector<1xi32>
    %shift_right_arithmetic3A_481 = arith.constant 7 : i32
    %shift_right_arithmetic3A_482 = arith.shrsi %squeeze3A_480, %shift_right_arithmetic3A_481 : i32
    %shift_left3A_483 = arith.constant 7 : i32
    %shift_left3A_484 = arith.shli %shift_right_arithmetic3A_482, %shift_left3A_483 : i32
    %multiple_of3A_485 = tpu.assume_multiple %shift_left3A_484, 128 : i32
    %slice3A_486 = vector.extract_strided_slice %get3A_478 {offsets = [0], sizes = [1], strides = [1]} : vector<16xi32> to vector<1xi32>
    %squeeze3A_487 = vector.extract %slice3A_486[0] : i32 from vector<1xi32>
    %shift_right_arithmetic3A_488 = arith.constant 7 : i32
    %shift_right_arithmetic3A_489 = arith.shrsi %squeeze3A_487, %shift_right_arithmetic3A_488 : i32
    %shift_left3A_490 = arith.constant 7 : i32
    %shift_left3A_491 = arith.shli %shift_right_arithmetic3A_489, %shift_left3A_490 : i32
    %multiple_of3A_492 = tpu.assume_multiple %shift_left3A_491, 128 : i32
    %dma_start3A_493 = arith.constant 384 : i32
    %dma_start3A_494 = arith.constant 0 : i32
    %dma_start3A_495 = tpu.memref_slice %arg9[%dma_start3A_493, %dma_start3A_494] : memref<480x128xf32, #tpu.memory_space<vmem>> -> memref<32x128xf32, #tpu.memory_space<vmem>>
    %dma_start3A_496 = arith.constant 0 : i32
    %dma_start3A_497 = tpu.memref_slice %arg2[%dma_start3A_496, %multiple_of3A_485] : memref<32x1000000xf32, #tpu.memory_space<hbm>> -> memref<32x128xf32, #tpu.memory_space<hbm>>
    %dma_start3A_498 = arith.constant 384 : i32
    %dma_start3A_499 = arith.constant 0 : i32
    %dma_start3A_500 = tpu.memref_slice %arg9[%dma_start3A_498, %dma_start3A_499] : memref<480x128xf32, #tpu.memory_space<vmem>> -> memref<32x128xf32, #tpu.memory_space<vmem>>
    %dma_start3A_501 = arith.constant 0 : i32
    %dma_start3A_502 = tpu.memref_slice %arg2[%dma_start3A_501, %multiple_of3A_485] : memref<32x1000000xf32, #tpu.memory_space<hbm>> -> memref<32x128xf32, #tpu.memory_space<hbm>>
    tpu.enqueue_dma source(%dma_start3A_502 : memref<32x128xf32, #tpu.memory_space<hbm>>) target(%dma_start3A_500 : memref<32x128xf32, #tpu.memory_space<vmem>>) target_semaphore(%arg25 : memref<!tpu.dma_semaphore, #tpu.memory_space<semaphore_mem>>)
    %dma_start3A_503 = arith.constant 384 : i32
    %dma_start3A_504 = arith.constant 0 : i32
    %dma_start3A_505 = tpu.memref_slice %arg10[%dma_start3A_503, %dma_start3A_504] : memref<480x128xf32, #tpu.memory_space<vmem>> -> memref<32x128xf32, #tpu.memory_space<vmem>>
    %dma_start3A_506 = arith.constant 0 : i32
    %dma_start3A_507 = tpu.memref_slice %arg3[%dma_start3A_506, %multiple_of3A_492] : memref<32x1000000xf32, #tpu.memory_space<hbm>> -> memref<32x128xf32, #tpu.memory_space<hbm>>
    %dma_start3A_508 = arith.constant 384 : i32
    %dma_start3A_509 = arith.constant 0 : i32
    %dma_start3A_510 = tpu.memref_slice %arg10[%dma_start3A_508, %dma_start3A_509] : memref<480x128xf32, #tpu.memory_space<vmem>> -> memref<32x128xf32, #tpu.memory_space<vmem>>
    %dma_start3A_511 = arith.constant 0 : i32
    %dma_start3A_512 = tpu.memref_slice %arg3[%dma_start3A_511, %multiple_of3A_492] : memref<32x1000000xf32, #tpu.memory_space<hbm>> -> memref<32x128xf32, #tpu.memory_space<hbm>>
    tpu.enqueue_dma source(%dma_start3A_512 : memref<32x128xf32, #tpu.memory_space<hbm>>) target(%dma_start3A_510 : memref<32x128xf32, #tpu.memory_space<vmem>>) target_semaphore(%arg25 : memref<!tpu.dma_semaphore, #tpu.memory_space<semaphore_mem>>)
    %get3A_513 = arith.constant 13 : index
    %get3A_514 = tpu.vector_load %arg7[%get3A_513] {strides = array<i32>} : memref<528xi32, #tpu.memory_space<vmem>>, vector<16xi32>,
    %get3A_515 = arith.constant 13 : index
    %get3A_516 = tpu.vector_load %arg8[%get3A_515] {strides = array<i32>} : memref<528xi32, #tpu.memory_space<vmem>>, vector<16xi32>,
    %slice3A_517 = vector.extract_strided_slice %get3A_514 {offsets = [0], sizes = [1], strides = [1]} : vector<16xi32> to vector<1xi32>
    %squeeze3A_518 = vector.extract %slice3A_517[0] : i32 from vector<1xi32>
    %shift_right_arithmetic3A_519 = arith.constant 7 : i32
    %shift_right_arithmetic3A_520 = arith.shrsi %squeeze3A_518, %shift_right_arithmetic3A_519 : i32
    %shift_left3A_521 = arith.constant 7 : i32
    %shift_left3A_522 = arith.shli %shift_right_arithmetic3A_520, %shift_left3A_521 : i32
    %multiple_of3A_523 = tpu.assume_multiple %shift_left3A_522, 128 : i32
    %slice3A_524 = vector.extract_strided_slice %get3A_516 {offsets = [0], sizes = [1], strides = [1]} : vector<16xi32> to vector<1xi32>
    %squeeze3A_525 = vector.extract %slice3A_524[0] : i32 from vector<1xi32>
    %shift_right_arithmetic3A_526 = arith.constant 7 : i32
    %shift_right_arithmetic3A_527 = arith.shrsi %squeeze3A_525, %shift_right_arithmetic3A_526 : i32
    %shift_left3A_528 = arith.constant 7 : i32
    %shift_left3A_529 = arith.shli %shift_right_arithmetic3A_527, %shift_left3A_528 : i32
    %multiple_of3A_530 = tpu.assume_multiple %shift_left3A_529, 128 : i32
    %dma_start3A_531 = arith.constant 416 : i32
    %dma_start3A_532 = arith.constant 0 : i32
    %dma_start3A_533 = tpu.memref_slice %arg9[%dma_start3A_531, %dma_start3A_532] : memref<480x128xf32, #tpu.memory_space<vmem>> -> memref<32x128xf32, #tpu.memory_space<vmem>>
    %dma_start3A_534 = arith.constant 0 : i32
    %dma_start3A_535 = tpu.memref_slice %arg2[%dma_start3A_534, %multiple_of3A_523] : memref<32x1000000xf32, #tpu.memory_space<hbm>> -> memref<32x128xf32, #tpu.memory_space<hbm>>
    %dma_start3A_536 = arith.constant 416 : i32
    %dma_start3A_537 = arith.constant 0 : i32
    %dma_start3A_538 = tpu.memref_slice %arg9[%dma_start3A_536, %dma_start3A_537] : memref<480x128xf32, #tpu.memory_space<vmem>> -> memref<32x128xf32, #tpu.memory_space<vmem>>
    %dma_start3A_539 = arith.constant 0 : i32
    %dma_start3A_540 = tpu.memref_slice %arg2[%dma_start3A_539, %multiple_of3A_523] : memref<32x1000000xf32, #tpu.memory_space<hbm>> -> memref<32x128xf32, #tpu.memory_space<hbm>>
    tpu.enqueue_dma source(%dma_start3A_540 : memref<32x128xf32, #tpu.memory_space<hbm>>) target(%dma_start3A_538 : memref<32x128xf32, #tpu.memory_space<vmem>>) target_semaphore(%arg26 : memref<!tpu.dma_semaphore, #tpu.memory_space<semaphore_mem>>)
    %dma_start3A_541 = arith.constant 416 : i32
    %dma_start3A_542 = arith.constant 0 : i32
    %dma_start3A_543 = tpu.memref_slice %arg10[%dma_start3A_541, %dma_start3A_542] : memref<480x128xf32, #tpu.memory_space<vmem>> -> memref<32x128xf32, #tpu.memory_space<vmem>>
    %dma_start3A_544 = arith.constant 0 : i32
    %dma_start3A_545 = tpu.memref_slice %arg3[%dma_start3A_544, %multiple_of3A_530] : memref<32x1000000xf32, #tpu.memory_space<hbm>> -> memref<32x128xf32, #tpu.memory_space<hbm>>
    %dma_start3A_546 = arith.constant 416 : i32
    %dma_start3A_547 = arith.constant 0 : i32
    %dma_start3A_548 = tpu.memref_slice %arg10[%dma_start3A_546, %dma_start3A_547] : memref<480x128xf32, #tpu.memory_space<vmem>> -> memref<32x128xf32, #tpu.memory_space<vmem>>
    %dma_start3A_549 = arith.constant 0 : i32
    %dma_start3A_550 = tpu.memref_slice %arg3[%dma_start3A_549, %multiple_of3A_530] : memref<32x1000000xf32, #tpu.memory_space<hbm>> -> memref<32x128xf32, #tpu.memory_space<hbm>>
    tpu.enqueue_dma source(%dma_start3A_550 : memref<32x128xf32, #tpu.memory_space<hbm>>) target(%dma_start3A_548 : memref<32x128xf32, #tpu.memory_space<vmem>>) target_semaphore(%arg26 : memref<!tpu.dma_semaphore, #tpu.memory_space<semaphore_mem>>)
    %broadcast_in_dim3A = arith.constant 0.000000e+00 : f32
    %broadcast_in_dim3A_551 = vector.broadcast %broadcast_in_dim3A : f32 to vector<16xf32>
    %scan3A = arith.constant 0 : i32
    %scan3A_552 = arith.constant 34 : i32
    %scan3A_553 = arith.addi %scan3A, %scan3A_552 : i32
    %scan3A_554 = arith.constant 1 : i32
    %scan3A_555 = scf.for %scan3A_673 = %scan3A to %scan3A_553 step %scan3A_554 iter_args(%scan3A_674 = %broadcast_in_dim3A_551) -> (vector<16xf32>)  : i32 {
      %mul3A_675 = arith.constant 15 : i32
      %mul3A_676 = arith.muli %scan3A_673, %mul3A_675 : i32
      %add3A_677 = arith.constant 0 : i32
      %add3A_678 = arith.addi %mul3A_676, %add3A_677 : i32
      %add3A_679 = arith.constant 15 : i32
      %add3A_680 = arith.addi %add3A_678, %add3A_679 : i32
      %sub3A = arith.constant 1 : i32
      %sub3A_681 = arith.subi %add3A_680, %sub3A : i32
      %lt3A = arith.constant 512 : i32
      %lt3A_682 = arith.cmpi slt, %sub3A_681, %lt3A : i32
      %convert_element_type3A = arith.extui %lt3A_682 : i1 to i32
      %cond3A = arith.constant 0 : i32
      %cond3A_683 = arith.cmpi ne, %convert_element_type3A, %cond3A : i32
      scf.if %cond3A_683 {
        %add3A_2423 = arith.constant 15 : i32
        %add3A_2424 = arith.addi %add3A_678, %add3A_2423 : i32
        %sub3A_2425 = arith.constant 1 : i32
        %sub3A_2426 = arith.subi %add3A_2424, %sub3A_2425 : i32
        %mul3A_2427 = arith.constant 1 : i32
        %mul3A_2428 = arith.muli %sub3A_2426, %mul3A_2427 : i32
        %get3A_2429 = arith.index_cast %mul3A_2428 : i32 to index
        %get3A_2430 = tpu.vector_load %arg7[%get3A_2429] {strides = array<i32>} : memref<528xi32, #tpu.memory_space<vmem>>, vector<16xi32>,
        %mul3A_2431 = arith.constant 1 : i32
        %mul3A_2432 = arith.muli %sub3A_2426, %mul3A_2431 : i32
        %get3A_2433 = arith.index_cast %mul3A_2432 : i32 to index
        %get3A_2434 = tpu.vector_load %arg8[%get3A_2433] {strides = array<i32>} : memref<528xi32, #tpu.memory_space<vmem>>, vector<16xi32>,
        %slice3A_2435 = vector.extract_strided_slice %get3A_2430 {offsets = [0], sizes = [1], strides = [1]} : vector<16xi32> to vector<1xi32>
        %squeeze3A_2436 = vector.extract %slice3A_2435[0] : i32 from vector<1xi32>
        %shift_right_arithmetic3A_2437 = arith.constant 7 : i32
        %shift_right_arithmetic3A_2438 = arith.shrsi %squeeze3A_2436, %shift_right_arithmetic3A_2437 : i32
        %shift_left3A_2439 = arith.constant 7 : i32
        %shift_left3A_2440 = arith.shli %shift_right_arithmetic3A_2438, %shift_left3A_2439 : i32
        %multiple_of3A_2441 = tpu.assume_multiple %shift_left3A_2440, 128 : i32
        %slice3A_2442 = vector.extract_strided_slice %get3A_2434 {offsets = [0], sizes = [1], strides = [1]} : vector<16xi32> to vector<1xi32>
        %squeeze3A_2443 = vector.extract %slice3A_2442[0] : i32 from vector<1xi32>
        %shift_right_arithmetic3A_2444 = arith.constant 7 : i32
        %shift_right_arithmetic3A_2445 = arith.shrsi %squeeze3A_2443, %shift_right_arithmetic3A_2444 : i32
        %shift_left3A_2446 = arith.constant 7 : i32
        %shift_left3A_2447 = arith.shli %shift_right_arithmetic3A_2445, %shift_left3A_2446 : i32
        %multiple_of3A_2448 = tpu.assume_multiple %shift_left3A_2447, 128 : i32
        %dma_start3A_2449 = arith.constant 448 : i32
        %dma_start3A_2450 = arith.constant 0 : i32
        %dma_start3A_2451 = tpu.memref_slice %arg9[%dma_start3A_2449, %dma_start3A_2450] : memref<480x128xf32, #tpu.memory_space<vmem>> -> memref<32x128xf32, #tpu.memory_space<vmem>>
        %dma_start3A_2452 = arith.constant 0 : i32
        %dma_start3A_2453 = tpu.memref_slice %arg2[%dma_start3A_2452, %multiple_of3A_2441] : memref<32x1000000xf32, #tpu.memory_space<hbm>> -> memref<32x128xf32, #tpu.memory_space<hbm>>
        %dma_start3A_2454 = arith.constant 448 : i32
        %dma_start3A_2455 = arith.constant 0 : i32
        %dma_start3A_2456 = tpu.memref_slice %arg9[%dma_start3A_2454, %dma_start3A_2455] : memref<480x128xf32, #tpu.memory_space<vmem>> -> memref<32x128xf32, #tpu.memory_space<vmem>>
        %dma_start3A_2457 = arith.constant 0 : i32
        %dma_start3A_2458 = tpu.memref_slice %arg2[%dma_start3A_2457, %multiple_of3A_2441] : memref<32x1000000xf32, #tpu.memory_space<hbm>> -> memref<32x128xf32, #tpu.memory_space<hbm>>
        tpu.enqueue_dma source(%dma_start3A_2458 : memref<32x128xf32, #tpu.memory_space<hbm>>) target(%dma_start3A_2456 : memref<32x128xf32, #tpu.memory_space<vmem>>) target_semaphore(%arg27 : memref<!tpu.dma_semaphore, #tpu.memory_space<semaphore_mem>>)
        %dma_start3A_2459 = arith.constant 448 : i32
        %dma_start3A_2460 = arith.constant 0 : i32
        %dma_start3A_2461 = tpu.memref_slice %arg10[%dma_start3A_2459, %dma_start3A_2460] : memref<480x128xf32, #tpu.memory_space<vmem>> -> memref<32x128xf32, #tpu.memory_space<vmem>>
        %dma_start3A_2462 = arith.constant 0 : i32
        %dma_start3A_2463 = tpu.memref_slice %arg3[%dma_start3A_2462, %multiple_of3A_2448] : memref<32x1000000xf32, #tpu.memory_space<hbm>> -> memref<32x128xf32, #tpu.memory_space<hbm>>
        %dma_start3A_2464 = arith.constant 448 : i32
        %dma_start3A_2465 = arith.constant 0 : i32
        %dma_start3A_2466 = tpu.memref_slice %arg10[%dma_start3A_2464, %dma_start3A_2465] : memref<480x128xf32, #tpu.memory_space<vmem>> -> memref<32x128xf32, #tpu.memory_space<vmem>>
        %dma_start3A_2467 = arith.constant 0 : i32
        %dma_start3A_2468 = tpu.memref_slice %arg3[%dma_start3A_2467, %multiple_of3A_2448] : memref<32x1000000xf32, #tpu.memory_space<hbm>> -> memref<32x128xf32, #tpu.memory_space<hbm>>
        tpu.enqueue_dma source(%dma_start3A_2468 : memref<32x128xf32, #tpu.memory_space<hbm>>) target(%dma_start3A_2466 : memref<32x128xf32, #tpu.memory_space<vmem>>) target_semaphore(%arg27 : memref<!tpu.dma_semaphore, #tpu.memory_space<semaphore_mem>>)
      } else {
      }
      %mul3A_684 = arith.constant 1 : i32
      %mul3A_685 = arith.muli %add3A_678, %mul3A_684 : i32
      %get3A_686 = arith.index_cast %mul3A_685 : i32 to index
      %get3A_687 = tpu.vector_load %arg7[%get3A_686] {strides = array<i32>} : memref<528xi32, #tpu.memory_space<vmem>>, vector<16xi32>,
      %mul3A_688 = arith.constant 1 : i32
      %mul3A_689 = arith.muli %add3A_678, %mul3A_688 : i32
      %get3A_690 = arith.index_cast %mul3A_689 : i32 to index
      %get3A_691 = tpu.vector_load %arg8[%get3A_690] {strides = array<i32>} : memref<528xi32, #tpu.memory_space<vmem>>, vector<16xi32>,
      %dma_wait3A_692 = arith.constant 0 : i32
      %dma_wait3A_693 = arith.constant 0 : i32
      %dma_wait3A_694 = tpu.memref_slice %arg9[%dma_wait3A_692, %dma_wait3A_693] : memref<480x128xf32, #tpu.memory_space<vmem>> -> memref<32x128xf32, #tpu.memory_space<vmem>>
      %dma_wait3A_695 = arith.constant 0 : i32
      %dma_wait3A_696 = arith.constant 0 : i32
      %dma_wait3A_697 = tpu.memref_slice %arg2[%dma_wait3A_695, %dma_wait3A_696] : memref<32x1000000xf32, #tpu.memory_space<hbm>> -> memref<32x128xf32, #tpu.memory_space<hbm>>
      %dma_wait3A_698 = arith.constant 0 : i32
      %dma_wait3A_699 = arith.constant 0 : i32
      %dma_wait3A_700 = tpu.memref_slice %arg9[%dma_wait3A_698, %dma_wait3A_699] : memref<480x128xf32, #tpu.memory_space<vmem>> -> memref<32x128xf32, #tpu.memory_space<vmem>>
      %dma_wait3A_701 = arith.constant 0 : i32
      %dma_wait3A_702 = arith.constant 0 : i32
      %dma_wait3A_703 = tpu.memref_slice %arg2[%dma_wait3A_701, %dma_wait3A_702] : memref<32x1000000xf32, #tpu.memory_space<hbm>> -> memref<32x128xf32, #tpu.memory_space<hbm>>
      tpu.wait_dma2 semaphore(%arg13 : memref<!tpu.dma_semaphore, #tpu.memory_space<semaphore_mem>>) src(%dma_wait3A_703 : memref<32x128xf32, #tpu.memory_space<hbm>>) dst(%dma_wait3A_700 : memref<32x128xf32, #tpu.memory_space<vmem>>)
      %dma_wait3A_704 = arith.constant 0 : i32
      %dma_wait3A_705 = arith.constant 0 : i32
      %dma_wait3A_706 = tpu.memref_slice %arg10[%dma_wait3A_704, %dma_wait3A_705] : memref<480x128xf32, #tpu.memory_space<vmem>> -> memref<32x128xf32, #tpu.memory_space<vmem>>
      %dma_wait3A_707 = arith.constant 0 : i32
      %dma_wait3A_708 = arith.constant 0 : i32
      %dma_wait3A_709 = tpu.memref_slice %arg3[%dma_wait3A_707, %dma_wait3A_708] : memref<32x1000000xf32, #tpu.memory_space<hbm>> -> memref<32x128xf32, #tpu.memory_space<hbm>>
      %dma_wait3A_710 = arith.constant 0 : i32
      %dma_wait3A_711 = arith.constant 0 : i32
      %dma_wait3A_712 = tpu.memref_slice %arg10[%dma_wait3A_710, %dma_wait3A_711] : memref<480x128xf32, #tpu.memory_space<vmem>> -> memref<32x128xf32, #tpu.memory_space<vmem>>
      %dma_wait3A_713 = arith.constant 0 : i32
      %dma_wait3A_714 = arith.constant 0 : i32
      %dma_wait3A_715 = tpu.memref_slice %arg3[%dma_wait3A_713, %dma_wait3A_714] : memref<32x1000000xf32, #tpu.memory_space<hbm>> -> memref<32x128xf32, #tpu.memory_space<hbm>>
      tpu.wait_dma2 semaphore(%arg13 : memref<!tpu.dma_semaphore, #tpu.memory_space<semaphore_mem>>) src(%dma_wait3A_715 : memref<32x128xf32, #tpu.memory_space<hbm>>) dst(%dma_wait3A_712 : memref<32x128xf32, #tpu.memory_space<vmem>>)
      %jit3A = arith.constant 16 : i32
      %eq3A_716 = arith.constant 0 : i32
      %eq3A_717 = arith.cmpi eq, %jit3A, %eq3A_716 : i32
      %jit3A_718 = arith.constant 1 : i32
      %select_n3A_719 = arith.select %eq3A_717, %jit3A_718, %jit3A : i32
      %rem3A = arith.remsi %add3A_678, %select_n3A_719 : i32
      %ne3A = arith.constant 0 : i32
      %ne3A_720 = arith.cmpi ne, %rem3A, %ne3A : i32
      %lt3A_721 = arith.constant 0 : i32
      %lt3A_722 = arith.cmpi slt, %rem3A, %lt3A_721 : i32
      %lt3A_723 = arith.constant 0 : i32
      %lt3A_724 = arith.cmpi slt, %select_n3A_719, %lt3A_723 : i32
      %ne3A_725 = arith.xori %lt3A_722, %lt3A_724 : i1
      %and3A_726 = arith.andi %ne3A_725, %ne3A_720 : i1
      %add3A_727 = arith.addi %rem3A, %select_n3A_719 : i32
      %select_n3A_728 = arith.select %and3A_726, %add3A_727, %rem3A : i32
      %mul3A_729 = arith.constant 1 : i32
      %mul3A_730 = arith.muli %select_n3A_728, %mul3A_729 : i32
      %add3A_731 = arith.constant 0 : i32
      %add3A_732 = arith.addi %mul3A_730, %add3A_731 : i32
      %slice3A_733 = vector.extract_strided_slice %get3A_687 {offsets = [0], sizes = [1], strides = [1]} : vector<16xi32> to vector<1xi32>
      %squeeze3A_734 = vector.extract %slice3A_733[0] : i32 from vector<1xi32>
      %and3A_735 = arith.constant 127 : i32
      %and3A_736 = arith.andi %squeeze3A_734, %and3A_735 : i32
      %broadcast_in_dim3A_737 = vector.broadcast %and3A_736 : i32 to vector<16xi32>
      %slice3A_738 = vector.extract_strided_slice %get3A_691 {offsets = [0], sizes = [1], strides = [1]} : vector<16xi32> to vector<1xi32>
      %squeeze3A_739 = vector.extract %slice3A_738[0] : i32 from vector<1xi32>
      %and3A_740 = arith.constant 127 : i32
      %and3A_741 = arith.andi %squeeze3A_739, %and3A_740 : i32
      %broadcast_in_dim3A_742 = vector.broadcast %and3A_741 : i32 to vector<16xi32>
      %add3A_743 = arith.constant 0 : i32
      %add3A_744 = vector.broadcast %add3A_743 : i32 to vector<16xi32>
      %add3A_745 = arith.addi %iota3A, %add3A_744 : vector<16xi32>
      %add3A_746 = arith.constant 16 : i32
      %add3A_747 = vector.broadcast %add3A_746 : i32 to vector<16xi32>
      %add3A_748 = arith.addi %add3A_745, %add3A_747 : vector<16xi32>
      %gather3A_749 = tpu.vector_load_idx %arg9[%add3A_745, %broadcast_in_dim3A_737] : memref<480x128xf32, #tpu.memory_space<vmem>>[vector<16xi32>, vector<16xi32>], vector<16xf32>,
      %gather3A_750 = tpu.vector_load_idx %arg9[%add3A_748, %broadcast_in_dim3A_737] : memref<480x128xf32, #tpu.memory_space<vmem>>[vector<16xi32>, vector<16xi32>], vector<16xf32>,
      %gather3A_751 = tpu.vector_load_idx %arg10[%add3A_745, %broadcast_in_dim3A_742] : memref<480x128xf32, #tpu.memory_space<vmem>>[vector<16xi32>, vector<16xi32>], vector<16xf32>,
      %gather3A_752 = tpu.vector_load_idx %arg10[%add3A_748, %broadcast_in_dim3A_742] : memref<480x128xf32, #tpu.memory_space<vmem>>[vector<16xi32>, vector<16xi32>], vector<16xf32>,
      %mul3A_753 = arith.mulf %gather3A_749, %gather3A_751 : vector<16xf32>
      %mul3A_754 = arith.mulf %gather3A_750, %gather3A_752 : vector<16xf32>
      %add3A_755 = arith.addf %mul3A_753, %mul3A_754 : vector<16xf32>
      %reduce_sum3A_756 = arith.constant true
      %reduce_sum3A_757 = vector.broadcast %reduce_sum3A_756 : i1 to vector<16xi1>
      %reduce_sum3A_758 = tpu.scan <sum>, %add3A_755 masked %reduce_sum3A_757 : vector<16xf32>, vector<16xi1> -> vector<16xf32>
      %reduce_sum3A_759 = vector.extract %reduce_sum3A_758[15] : f32 from vector<16xf32>
      %eq3A_760 = vector.broadcast %add3A_732 : i32 to vector<16xi32>
      %eq3A_761 = arith.cmpi eq, %iota3A, %eq3A_760 : vector<16xi32>
      %broadcast_in_dim3A_762 = vector.broadcast %reduce_sum3A_759 : f32 to vector<16xf32>
      %select_n3A_763 = arith.select %eq3A_761, %broadcast_in_dim3A_762, %scan3A_674 : vector<16xi1>, vector<16xf32>
      %jit3A_764 = arith.constant 16 : i32
      %eq3A_765 = arith.constant 0 : i32
      %eq3A_766 = arith.cmpi eq, %jit3A_764, %eq3A_765 : i32
      %jit3A_767 = arith.constant 1 : i32
      %select_n3A_768 = arith.select %eq3A_766, %jit3A_767, %jit3A_764 : i32
      %rem3A_769 = arith.remsi %add3A_678, %select_n3A_768 : i32
      %ne3A_770 = arith.constant 0 : i32
      %ne3A_771 = arith.cmpi ne, %rem3A_769, %ne3A_770 : i32
      %lt3A_772 = arith.constant 0 : i32
      %lt3A_773 = arith.cmpi slt, %rem3A_769, %lt3A_772 : i32
      %lt3A_774 = arith.constant 0 : i32
      %lt3A_775 = arith.cmpi slt, %select_n3A_768, %lt3A_774 : i32
      %ne3A_776 = arith.xori %lt3A_773, %lt3A_775 : i1
      %and3A_777 = arith.andi %ne3A_776, %ne3A_771 : i1
      %add3A_778 = arith.addi %rem3A_769, %select_n3A_768 : i32
      %select_n3A_779 = arith.select %and3A_777, %add3A_778, %rem3A_769 : i32
      %eq3A_780 = arith.constant 15 : i32
      %eq3A_781 = arith.cmpi eq, %select_n3A_779, %eq3A_780 : i32
      %convert_element_type3A_782 = arith.extui %eq3A_781 : i1 to i32
      %cond3A_783 = arith.constant 0 : i32
      %cond3A_784 = arith.cmpi ne, %convert_element_type3A_782, %cond3A_783 : i32
      scf.if %cond3A_784 {
        %jit3A_2423 = arith.constant 16 : i32
        %div3A = arith.divsi %add3A_678, %jit3A_2423 : i32
        %sign3A = arith.constant 0 : i32
        %sign3A_2424 = arith.cmpi sgt, %add3A_678, %sign3A : i32
        %sign3A_2425 = arith.extui %sign3A_2424 : i1 to i32
        %sign3A_2426 = arith.constant 0 : i32
        %sign3A_2427 = arith.cmpi slt, %add3A_678, %sign3A_2426 : i32
        %sign3A_2428 = arith.extui %sign3A_2427 : i1 to i32
        %sign3A_2429 = arith.subi %sign3A_2425, %sign3A_2428 : i32
        %sign3A_2430 = arith.constant 0 : i32
        %sign3A_2431 = arith.cmpi sgt, %jit3A_2423, %sign3A_2430 : i32
        %sign3A_2432 = arith.extui %sign3A_2431 : i1 to i32
        %sign3A_2433 = arith.constant 0 : i32
        %sign3A_2434 = arith.cmpi slt, %jit3A_2423, %sign3A_2433 : i32
        %sign3A_2435 = arith.extui %sign3A_2434 : i1 to i32
        %sign3A_2436 = arith.subi %sign3A_2432, %sign3A_2435 : i32
        %ne3A_2437 = arith.cmpi ne, %sign3A_2429, %sign3A_2436 : i32
        %rem3A_2438 = arith.remsi %add3A_678, %jit3A_2423 : i32
        %ne3A_2439 = arith.constant 0 : i32
        %ne3A_2440 = arith.cmpi ne, %rem3A_2438, %ne3A_2439 : i32
        %and3A_2441 = arith.andi %ne3A_2437, %ne3A_2440 : i1
        %sub3A_2442 = arith.constant 1 : i32
        %sub3A_2443 = arith.subi %div3A, %sub3A_2442 : i32
        %select_n3A_2444 = arith.select %and3A_2441, %sub3A_2443, %div3A : i32
        %mul3A_2445 = arith.constant 16 : i32
        %mul3A_2446 = arith.muli %select_n3A_2444, %mul3A_2445 : i32
        %swap3A_2447 = arith.index_cast %mul3A_2446 : i32 to index
        %swap3A_2448 = tpu.vector_load %arg11[%swap3A_2447] {strides = array<i32>} : memref<512xf32, #tpu.memory_space<vmem>>, vector<16xf32>,
        tpu.vector_store %arg11[%swap3A_2447], %select_n3A_763 {strides = array<i32>} : memref<512xf32, #tpu.memory_space<vmem>>, vector<16xf32>,
      } else {
      }
      %mul3A_785 = arith.constant 15 : i32
      %mul3A_786 = arith.muli %scan3A_673, %mul3A_785 : i32
      %add3A_787 = arith.constant 1 : i32
      %add3A_788 = arith.addi %mul3A_786, %add3A_787 : i32
      %add3A_789 = arith.constant 15 : i32
      %add3A_790 = arith.addi %add3A_788, %add3A_789 : i32
      %sub3A_791 = arith.constant 1 : i32
      %sub3A_792 = arith.subi %add3A_790, %sub3A_791 : i32
      %lt3A_793 = arith.constant 512 : i32
      %lt3A_794 = arith.cmpi slt, %sub3A_792, %lt3A_793 : i32
      %convert_element_type3A_795 = arith.extui %lt3A_794 : i1 to i32
      %cond3A_796 = arith.constant 0 : i32
      %cond3A_797 = arith.cmpi ne, %convert_element_type3A_795, %cond3A_796 : i32
      scf.if %cond3A_797 {
        %add3A_2423 = arith.constant 15 : i32
        %add3A_2424 = arith.addi %add3A_788, %add3A_2423 : i32
        %sub3A_2425 = arith.constant 1 : i32
        %sub3A_2426 = arith.subi %add3A_2424, %sub3A_2425 : i32
        %mul3A_2427 = arith.constant 1 : i32
        %mul3A_2428 = arith.muli %sub3A_2426, %mul3A_2427 : i32
        %get3A_2429 = arith.index_cast %mul3A_2428 : i32 to index
        %get3A_2430 = tpu.vector_load %arg7[%get3A_2429] {strides = array<i32>} : memref<528xi32, #tpu.memory_space<vmem>>, vector<16xi32>,
        %mul3A_2431 = arith.constant 1 : i32
        %mul3A_2432 = arith.muli %sub3A_2426, %mul3A_2431 : i32
        %get3A_2433 = arith.index_cast %mul3A_2432 : i32 to index
        %get3A_2434 = tpu.vector_load %arg8[%get3A_2433] {strides = array<i32>} : memref<528xi32, #tpu.memory_space<vmem>>, vector<16xi32>,
        %slice3A_2435 = vector.extract_strided_slice %get3A_2430 {offsets = [0], sizes = [1], strides = [1]} : vector<16xi32> to vector<1xi32>
        %squeeze3A_2436 = vector.extract %slice3A_2435[0] : i32 from vector<1xi32>
        %shift_right_arithmetic3A_2437 = arith.constant 7 : i32
        %shift_right_arithmetic3A_2438 = arith.shrsi %squeeze3A_2436, %shift_right_arithmetic3A_2437 : i32
        %shift_left3A_2439 = arith.constant 7 : i32
        %shift_left3A_2440 = arith.shli %shift_right_arithmetic3A_2438, %shift_left3A_2439 : i32
        %multiple_of3A_2441 = tpu.assume_multiple %shift_left3A_2440, 128 : i32
        %slice3A_2442 = vector.extract_strided_slice %get3A_2434 {offsets = [0], sizes = [1], strides = [1]} : vector<16xi32> to vector<1xi32>
        %squeeze3A_2443 = vector.extract %slice3A_2442[0] : i32 from vector<1xi32>
        %shift_right_arithmetic3A_2444 = arith.constant 7 : i32
        %shift_right_arithmetic3A_2445 = arith.shrsi %squeeze3A_2443, %shift_right_arithmetic3A_2444 : i32
        %shift_left3A_2446 = arith.constant 7 : i32
        %shift_left3A_2447 = arith.shli %shift_right_arithmetic3A_2445, %shift_left3A_2446 : i32
        %multiple_of3A_2448 = tpu.assume_multiple %shift_left3A_2447, 128 : i32
        %dma_start3A_2449 = arith.constant 0 : i32
        %dma_start3A_2450 = arith.constant 0 : i32
        %dma_start3A_2451 = tpu.memref_slice %arg9[%dma_start3A_2449, %dma_start3A_2450] : memref<480x128xf32, #tpu.memory_space<vmem>> -> memref<32x128xf32, #tpu.memory_space<vmem>>
        %dma_start3A_2452 = arith.constant 0 : i32
        %dma_start3A_2453 = tpu.memref_slice %arg2[%dma_start3A_2452, %multiple_of3A_2441] : memref<32x1000000xf32, #tpu.memory_space<hbm>> -> memref<32x128xf32, #tpu.memory_space<hbm>>
        %dma_start3A_2454 = arith.constant 0 : i32
        %dma_start3A_2455 = arith.constant 0 : i32
        %dma_start3A_2456 = tpu.memref_slice %arg9[%dma_start3A_2454, %dma_start3A_2455] : memref<480x128xf32, #tpu.memory_space<vmem>> -> memref<32x128xf32, #tpu.memory_space<vmem>>
        %dma_start3A_2457 = arith.constant 0 : i32
        %dma_start3A_2458 = tpu.memref_slice %arg2[%dma_start3A_2457, %multiple_of3A_2441] : memref<32x1000000xf32, #tpu.memory_space<hbm>> -> memref<32x128xf32, #tpu.memory_space<hbm>>
        tpu.enqueue_dma source(%dma_start3A_2458 : memref<32x128xf32, #tpu.memory_space<hbm>>) target(%dma_start3A_2456 : memref<32x128xf32, #tpu.memory_space<vmem>>) target_semaphore(%arg13 : memref<!tpu.dma_semaphore, #tpu.memory_space<semaphore_mem>>)
        %dma_start3A_2459 = arith.constant 0 : i32
        %dma_start3A_2460 = arith.constant 0 : i32
        %dma_start3A_2461 = tpu.memref_slice %arg10[%dma_start3A_2459, %dma_start3A_2460] : memref<480x128xf32, #tpu.memory_space<vmem>> -> memref<32x128xf32, #tpu.memory_space<vmem>>
        %dma_start3A_2462 = arith.constant 0 : i32
        %dma_start3A_2463 = tpu.memref_slice %arg3[%dma_start3A_2462, %multiple_of3A_2448] : memref<32x1000000xf32, #tpu.memory_space<hbm>> -> memref<32x128xf32, #tpu.memory_space<hbm>>
        %dma_start3A_2464 = arith.constant 0 : i32
        %dma_start3A_2465 = arith.constant 0 : i32
        %dma_start3A_2466 = tpu.memref_slice %arg10[%dma_start3A_2464, %dma_start3A_2465] : memref<480x128xf32, #tpu.memory_space<vmem>> -> memref<32x128xf32, #tpu.memory_space<vmem>>
        %dma_start3A_2467 = arith.constant 0 : i32
        %dma_start3A_2468 = tpu.memref_slice %arg3[%dma_start3A_2467, %multiple_of3A_2448] : memref<32x1000000xf32, #tpu.memory_space<hbm>> -> memref<32x128xf32, #tpu.memory_space<hbm>>
        tpu.enqueue_dma source(%dma_start3A_2468 : memref<32x128xf32, #tpu.memory_space<hbm>>) target(%dma_start3A_2466 : memref<32x128xf32, #tpu.memory_space<vmem>>) target_semaphore(%arg13 : memref<!tpu.dma_semaphore, #tpu.memory_space<semaphore_mem>>)
      } else {
      }
      %mul3A_798 = arith.constant 1 : i32
      %mul3A_799 = arith.muli %add3A_788, %mul3A_798 : i32
      %get3A_800 = arith.index_cast %mul3A_799 : i32 to index
      %get3A_801 = tpu.vector_load %arg7[%get3A_800] {strides = array<i32>} : memref<528xi32, #tpu.memory_space<vmem>>, vector<16xi32>,
      %mul3A_802 = arith.constant 1 : i32
      %mul3A_803 = arith.muli %add3A_788, %mul3A_802 : i32
      %get3A_804 = arith.index_cast %mul3A_803 : i32 to index
      %get3A_805 = tpu.vector_load %arg8[%get3A_804] {strides = array<i32>} : memref<528xi32, #tpu.memory_space<vmem>>, vector<16xi32>,
      %dma_wait3A_806 = arith.constant 32 : i32
      %dma_wait3A_807 = arith.constant 0 : i32
      %dma_wait3A_808 = tpu.memref_slice %arg9[%dma_wait3A_806, %dma_wait3A_807] : memref<480x128xf32, #tpu.memory_space<vmem>> -> memref<32x128xf32, #tpu.memory_space<vmem>>
      %dma_wait3A_809 = arith.constant 0 : i32
      %dma_wait3A_810 = arith.constant 0 : i32
      %dma_wait3A_811 = tpu.memref_slice %arg2[%dma_wait3A_809, %dma_wait3A_810] : memref<32x1000000xf32, #tpu.memory_space<hbm>> -> memref<32x128xf32, #tpu.memory_space<hbm>>
      %dma_wait3A_812 = arith.constant 32 : i32
      %dma_wait3A_813 = arith.constant 0 : i32
      %dma_wait3A_814 = tpu.memref_slice %arg9[%dma_wait3A_812, %dma_wait3A_813] : memref<480x128xf32, #tpu.memory_space<vmem>> -> memref<32x128xf32, #tpu.memory_space<vmem>>
      %dma_wait3A_815 = arith.constant 0 : i32
      %dma_wait3A_816 = arith.constant 0 : i32
      %dma_wait3A_817 = tpu.memref_slice %arg2[%dma_wait3A_815, %dma_wait3A_816] : memref<32x1000000xf32, #tpu.memory_space<hbm>> -> memref<32x128xf32, #tpu.memory_space<hbm>>
      tpu.wait_dma2 semaphore(%arg14 : memref<!tpu.dma_semaphore, #tpu.memory_space<semaphore_mem>>) src(%dma_wait3A_817 : memref<32x128xf32, #tpu.memory_space<hbm>>) dst(%dma_wait3A_814 : memref<32x128xf32, #tpu.memory_space<vmem>>)
      %dma_wait3A_818 = arith.constant 32 : i32
      %dma_wait3A_819 = arith.constant 0 : i32
      %dma_wait3A_820 = tpu.memref_slice %arg10[%dma_wait3A_818, %dma_wait3A_819] : memref<480x128xf32, #tpu.memory_space<vmem>> -> memref<32x128xf32, #tpu.memory_space<vmem>>
      %dma_wait3A_821 = arith.constant 0 : i32
      %dma_wait3A_822 = arith.constant 0 : i32
      %dma_wait3A_823 = tpu.memref_slice %arg3[%dma_wait3A_821, %dma_wait3A_822] : memref<32x1000000xf32, #tpu.memory_space<hbm>> -> memref<32x128xf32, #tpu.memory_space<hbm>>
      %dma_wait3A_824 = arith.constant 32 : i32
      %dma_wait3A_825 = arith.constant 0 : i32
      %dma_wait3A_826 = tpu.memref_slice %arg10[%dma_wait3A_824, %dma_wait3A_825] : memref<480x128xf32, #tpu.memory_space<vmem>> -> memref<32x128xf32, #tpu.memory_space<vmem>>
      %dma_wait3A_827 = arith.constant 0 : i32
      %dma_wait3A_828 = arith.constant 0 : i32
      %dma_wait3A_829 = tpu.memref_slice %arg3[%dma_wait3A_827, %dma_wait3A_828] : memref<32x1000000xf32, #tpu.memory_space<hbm>> -> memref<32x128xf32, #tpu.memory_space<hbm>>
      tpu.wait_dma2 semaphore(%arg14 : memref<!tpu.dma_semaphore, #tpu.memory_space<semaphore_mem>>) src(%dma_wait3A_829 : memref<32x128xf32, #tpu.memory_space<hbm>>) dst(%dma_wait3A_826 : memref<32x128xf32, #tpu.memory_space<vmem>>)
      %jit3A_830 = arith.constant 16 : i32
      %eq3A_831 = arith.constant 0 : i32
      %eq3A_832 = arith.cmpi eq, %jit3A_830, %eq3A_831 : i32
      %jit3A_833 = arith.constant 1 : i32
      %select_n3A_834 = arith.select %eq3A_832, %jit3A_833, %jit3A_830 : i32
      %rem3A_835 = arith.remsi %add3A_788, %select_n3A_834 : i32
      %ne3A_836 = arith.constant 0 : i32
      %ne3A_837 = arith.cmpi ne, %rem3A_835, %ne3A_836 : i32
      %lt3A_838 = arith.constant 0 : i32
      %lt3A_839 = arith.cmpi slt, %rem3A_835, %lt3A_838 : i32
      %lt3A_840 = arith.constant 0 : i32
      %lt3A_841 = arith.cmpi slt, %select_n3A_834, %lt3A_840 : i32
      %ne3A_842 = arith.xori %lt3A_839, %lt3A_841 : i1
      %and3A_843 = arith.andi %ne3A_842, %ne3A_837 : i1
      %add3A_844 = arith.addi %rem3A_835, %select_n3A_834 : i32
      %select_n3A_845 = arith.select %and3A_843, %add3A_844, %rem3A_835 : i32
      %mul3A_846 = arith.constant 1 : i32
      %mul3A_847 = arith.muli %select_n3A_845, %mul3A_846 : i32
      %add3A_848 = arith.constant 0 : i32
      %add3A_849 = arith.addi %mul3A_847, %add3A_848 : i32
      %slice3A_850 = vector.extract_strided_slice %get3A_801 {offsets = [0], sizes = [1], strides = [1]} : vector<16xi32> to vector<1xi32>
      %squeeze3A_851 = vector.extract %slice3A_850[0] : i32 from vector<1xi32>
      %and3A_852 = arith.constant 127 : i32
      %and3A_853 = arith.andi %squeeze3A_851, %and3A_852 : i32
      %broadcast_in_dim3A_854 = vector.broadcast %and3A_853 : i32 to vector<16xi32>
      %slice3A_855 = vector.extract_strided_slice %get3A_805 {offsets = [0], sizes = [1], strides = [1]} : vector<16xi32> to vector<1xi32>
      %squeeze3A_856 = vector.extract %slice3A_855[0] : i32 from vector<1xi32>
      %and3A_857 = arith.constant 127 : i32
      %and3A_858 = arith.andi %squeeze3A_856, %and3A_857 : i32
      %broadcast_in_dim3A_859 = vector.broadcast %and3A_858 : i32 to vector<16xi32>
      %add3A_860 = arith.constant 32 : i32
      %add3A_861 = vector.broadcast %add3A_860 : i32 to vector<16xi32>
      %add3A_862 = arith.addi %iota3A, %add3A_861 : vector<16xi32>
      %add3A_863 = arith.constant 16 : i32
      %add3A_864 = vector.broadcast %add3A_863 : i32 to vector<16xi32>
      %add3A_865 = arith.addi %add3A_862, %add3A_864 : vector<16xi32>
      %gather3A_866 = tpu.vector_load_idx %arg9[%add3A_862, %broadcast_in_dim3A_854] : memref<480x128xf32, #tpu.memory_space<vmem>>[vector<16xi32>, vector<16xi32>], vector<16xf32>,
      %gather3A_867 = tpu.vector_load_idx %arg9[%add3A_865, %broadcast_in_dim3A_854] : memref<480x128xf32, #tpu.memory_space<vmem>>[vector<16xi32>, vector<16xi32>], vector<16xf32>,
      %gather3A_868 = tpu.vector_load_idx %arg10[%add3A_862, %broadcast_in_dim3A_859] : memref<480x128xf32, #tpu.memory_space<vmem>>[vector<16xi32>, vector<16xi32>], vector<16xf32>,
      %gather3A_869 = tpu.vector_load_idx %arg10[%add3A_865, %broadcast_in_dim3A_859] : memref<480x128xf32, #tpu.memory_space<vmem>>[vector<16xi32>, vector<16xi32>], vector<16xf32>,
      %mul3A_870 = arith.mulf %gather3A_866, %gather3A_868 : vector<16xf32>
      %mul3A_871 = arith.mulf %gather3A_867, %gather3A_869 : vector<16xf32>
      %add3A_872 = arith.addf %mul3A_870, %mul3A_871 : vector<16xf32>
      %reduce_sum3A_873 = arith.constant true
      %reduce_sum3A_874 = vector.broadcast %reduce_sum3A_873 : i1 to vector<16xi1>
      %reduce_sum3A_875 = tpu.scan <sum>, %add3A_872 masked %reduce_sum3A_874 : vector<16xf32>, vector<16xi1> -> vector<16xf32>
      %reduce_sum3A_876 = vector.extract %reduce_sum3A_875[15] : f32 from vector<16xf32>
      %eq3A_877 = vector.broadcast %add3A_849 : i32 to vector<16xi32>
      %eq3A_878 = arith.cmpi eq, %iota3A, %eq3A_877 : vector<16xi32>
      %broadcast_in_dim3A_879 = vector.broadcast %reduce_sum3A_876 : f32 to vector<16xf32>
      %select_n3A_880 = arith.select %eq3A_878, %broadcast_in_dim3A_879, %select_n3A_763 : vector<16xi1>, vector<16xf32>
      %jit3A_881 = arith.constant 16 : i32
      %eq3A_882 = arith.constant 0 : i32
      %eq3A_883 = arith.cmpi eq, %jit3A_881, %eq3A_882 : i32
      %jit3A_884 = arith.constant 1 : i32
      %select_n3A_885 = arith.select %eq3A_883, %jit3A_884, %jit3A_881 : i32
      %rem3A_886 = arith.remsi %add3A_788, %select_n3A_885 : i32
      %ne3A_887 = arith.constant 0 : i32
      %ne3A_888 = arith.cmpi ne, %rem3A_886, %ne3A_887 : i32
      %lt3A_889 = arith.constant 0 : i32
      %lt3A_890 = arith.cmpi slt, %rem3A_886, %lt3A_889 : i32
      %lt3A_891 = arith.constant 0 : i32
      %lt3A_892 = arith.cmpi slt, %select_n3A_885, %lt3A_891 : i32
      %ne3A_893 = arith.xori %lt3A_890, %lt3A_892 : i1
      %and3A_894 = arith.andi %ne3A_893, %ne3A_888 : i1
      %add3A_895 = arith.addi %rem3A_886, %select_n3A_885 : i32
      %select_n3A_896 = arith.select %and3A_894, %add3A_895, %rem3A_886 : i32
      %eq3A_897 = arith.constant 15 : i32
      %eq3A_898 = arith.cmpi eq, %select_n3A_896, %eq3A_897 : i32
      %convert_element_type3A_899 = arith.extui %eq3A_898 : i1 to i32
      %cond3A_900 = arith.constant 0 : i32
      %cond3A_901 = arith.cmpi ne, %convert_element_type3A_899, %cond3A_900 : i32
      scf.if %cond3A_901 {
        %jit3A_2423 = arith.constant 16 : i32
        %div3A = arith.divsi %add3A_788, %jit3A_2423 : i32
        %sign3A = arith.constant 0 : i32
        %sign3A_2424 = arith.cmpi sgt, %add3A_788, %sign3A : i32
        %sign3A_2425 = arith.extui %sign3A_2424 : i1 to i32
        %sign3A_2426 = arith.constant 0 : i32
        %sign3A_2427 = arith.cmpi slt, %add3A_788, %sign3A_2426 : i32
        %sign3A_2428 = arith.extui %sign3A_2427 : i1 to i32
        %sign3A_2429 = arith.subi %sign3A_2425, %sign3A_2428 : i32
        %sign3A_2430 = arith.constant 0 : i32
        %sign3A_2431 = arith.cmpi sgt, %jit3A_2423, %sign3A_2430 : i32
        %sign3A_2432 = arith.extui %sign3A_2431 : i1 to i32
        %sign3A_2433 = arith.constant 0 : i32
        %sign3A_2434 = arith.cmpi slt, %jit3A_2423, %sign3A_2433 : i32
        %sign3A_2435 = arith.extui %sign3A_2434 : i1 to i32
        %sign3A_2436 = arith.subi %sign3A_2432, %sign3A_2435 : i32
        %ne3A_2437 = arith.cmpi ne, %sign3A_2429, %sign3A_2436 : i32
        %rem3A_2438 = arith.remsi %add3A_788, %jit3A_2423 : i32
        %ne3A_2439 = arith.constant 0 : i32
        %ne3A_2440 = arith.cmpi ne, %rem3A_2438, %ne3A_2439 : i32
        %and3A_2441 = arith.andi %ne3A_2437, %ne3A_2440 : i1
        %sub3A_2442 = arith.constant 1 : i32
        %sub3A_2443 = arith.subi %div3A, %sub3A_2442 : i32
        %select_n3A_2444 = arith.select %and3A_2441, %sub3A_2443, %div3A : i32
        %mul3A_2445 = arith.constant 16 : i32
        %mul3A_2446 = arith.muli %select_n3A_2444, %mul3A_2445 : i32
        %swap3A_2447 = arith.index_cast %mul3A_2446 : i32 to index
        %swap3A_2448 = tpu.vector_load %arg11[%swap3A_2447] {strides = array<i32>} : memref<512xf32, #tpu.memory_space<vmem>>, vector<16xf32>,
        tpu.vector_store %arg11[%swap3A_2447], %select_n3A_880 {strides = array<i32>} : memref<512xf32, #tpu.memory_space<vmem>>, vector<16xf32>,
      } else {
      }
      %mul3A_902 = arith.constant 15 : i32
      %mul3A_903 = arith.muli %scan3A_673, %mul3A_902 : i32
      %add3A_904 = arith.constant 2 : i32
      %add3A_905 = arith.addi %mul3A_903, %add3A_904 : i32
      %add3A_906 = arith.constant 15 : i32
      %add3A_907 = arith.addi %add3A_905, %add3A_906 : i32
      %sub3A_908 = arith.constant 1 : i32
      %sub3A_909 = arith.subi %add3A_907, %sub3A_908 : i32
      %lt3A_910 = arith.constant 512 : i32
      %lt3A_911 = arith.cmpi slt, %sub3A_909, %lt3A_910 : i32
      %convert_element_type3A_912 = arith.extui %lt3A_911 : i1 to i32
      %cond3A_913 = arith.constant 0 : i32
      %cond3A_914 = arith.cmpi ne, %convert_element_type3A_912, %cond3A_913 : i32
      scf.if %cond3A_914 {
        %add3A_2423 = arith.constant 15 : i32
        %add3A_2424 = arith.addi %add3A_905, %add3A_2423 : i32
        %sub3A_2425 = arith.constant 1 : i32
        %sub3A_2426 = arith.subi %add3A_2424, %sub3A_2425 : i32
        %mul3A_2427 = arith.constant 1 : i32
        %mul3A_2428 = arith.muli %sub3A_2426, %mul3A_2427 : i32
        %get3A_2429 = arith.index_cast %mul3A_2428 : i32 to index
        %get3A_2430 = tpu.vector_load %arg7[%get3A_2429] {strides = array<i32>} : memref<528xi32, #tpu.memory_space<vmem>>, vector<16xi32>,
        %mul3A_2431 = arith.constant 1 : i32
        %mul3A_2432 = arith.muli %sub3A_2426, %mul3A_2431 : i32
        %get3A_2433 = arith.index_cast %mul3A_2432 : i32 to index
        %get3A_2434 = tpu.vector_load %arg8[%get3A_2433] {strides = array<i32>} : memref<528xi32, #tpu.memory_space<vmem>>, vector<16xi32>,
        %slice3A_2435 = vector.extract_strided_slice %get3A_2430 {offsets = [0], sizes = [1], strides = [1]} : vector<16xi32> to vector<1xi32>
        %squeeze3A_2436 = vector.extract %slice3A_2435[0] : i32 from vector<1xi32>
        %shift_right_arithmetic3A_2437 = arith.constant 7 : i32
        %shift_right_arithmetic3A_2438 = arith.shrsi %squeeze3A_2436, %shift_right_arithmetic3A_2437 : i32
        %shift_left3A_2439 = arith.constant 7 : i32
        %shift_left3A_2440 = arith.shli %shift_right_arithmetic3A_2438, %shift_left3A_2439 : i32
        %multiple_of3A_2441 = tpu.assume_multiple %shift_left3A_2440, 128 : i32
        %slice3A_2442 = vector.extract_strided_slice %get3A_2434 {offsets = [0], sizes = [1], strides = [1]} : vector<16xi32> to vector<1xi32>
        %squeeze3A_2443 = vector.extract %slice3A_2442[0] : i32 from vector<1xi32>
        %shift_right_arithmetic3A_2444 = arith.constant 7 : i32
        %shift_right_arithmetic3A_2445 = arith.shrsi %squeeze3A_2443, %shift_right_arithmetic3A_2444 : i32
        %shift_left3A_2446 = arith.constant 7 : i32
        %shift_left3A_2447 = arith.shli %shift_right_arithmetic3A_2445, %shift_left3A_2446 : i32
        %multiple_of3A_2448 = tpu.assume_multiple %shift_left3A_2447, 128 : i32
        %dma_start3A_2449 = arith.constant 32 : i32
        %dma_start3A_2450 = arith.constant 0 : i32
        %dma_start3A_2451 = tpu.memref_slice %arg9[%dma_start3A_2449, %dma_start3A_2450] : memref<480x128xf32, #tpu.memory_space<vmem>> -> memref<32x128xf32, #tpu.memory_space<vmem>>
        %dma_start3A_2452 = arith.constant 0 : i32
        %dma_start3A_2453 = tpu.memref_slice %arg2[%dma_start3A_2452, %multiple_of3A_2441] : memref<32x1000000xf32, #tpu.memory_space<hbm>> -> memref<32x128xf32, #tpu.memory_space<hbm>>
        %dma_start3A_2454 = arith.constant 32 : i32
        %dma_start3A_2455 = arith.constant 0 : i32
        %dma_start3A_2456 = tpu.memref_slice %arg9[%dma_start3A_2454, %dma_start3A_2455] : memref<480x128xf32, #tpu.memory_space<vmem>> -> memref<32x128xf32, #tpu.memory_space<vmem>>
        %dma_start3A_2457 = arith.constant 0 : i32
        %dma_start3A_2458 = tpu.memref_slice %arg2[%dma_start3A_2457, %multiple_of3A_2441] : memref<32x1000000xf32, #tpu.memory_space<hbm>> -> memref<32x128xf32, #tpu.memory_space<hbm>>
        tpu.enqueue_dma source(%dma_start3A_2458 : memref<32x128xf32, #tpu.memory_space<hbm>>) target(%dma_start3A_2456 : memref<32x128xf32, #tpu.memory_space<vmem>>) target_semaphore(%arg14 : memref<!tpu.dma_semaphore, #tpu.memory_space<semaphore_mem>>)
        %dma_start3A_2459 = arith.constant 32 : i32
        %dma_start3A_2460 = arith.constant 0 : i32
        %dma_start3A_2461 = tpu.memref_slice %arg10[%dma_start3A_2459, %dma_start3A_2460] : memref<480x128xf32, #tpu.memory_space<vmem>> -> memref<32x128xf32, #tpu.memory_space<vmem>>
        %dma_start3A_2462 = arith.constant 0 : i32
        %dma_start3A_2463 = tpu.memref_slice %arg3[%dma_start3A_2462, %multiple_of3A_2448] : memref<32x1000000xf32, #tpu.memory_space<hbm>> -> memref<32x128xf32, #tpu.memory_space<hbm>>
        %dma_start3A_2464 = arith.constant 32 : i32
        %dma_start3A_2465 = arith.constant 0 : i32
        %dma_start3A_2466 = tpu.memref_slice %arg10[%dma_start3A_2464, %dma_start3A_2465] : memref<480x128xf32, #tpu.memory_space<vmem>> -> memref<32x128xf32, #tpu.memory_space<vmem>>
        %dma_start3A_2467 = arith.constant 0 : i32
        %dma_start3A_2468 = tpu.memref_slice %arg3[%dma_start3A_2467, %multiple_of3A_2448] : memref<32x1000000xf32, #tpu.memory_space<hbm>> -> memref<32x128xf32, #tpu.memory_space<hbm>>
        tpu.enqueue_dma source(%dma_start3A_2468 : memref<32x128xf32, #tpu.memory_space<hbm>>) target(%dma_start3A_2466 : memref<32x128xf32, #tpu.memory_space<vmem>>) target_semaphore(%arg14 : memref<!tpu.dma_semaphore, #tpu.memory_space<semaphore_mem>>)
      } else {
      }
      %mul3A_915 = arith.constant 1 : i32
      %mul3A_916 = arith.muli %add3A_905, %mul3A_915 : i32
      %get3A_917 = arith.index_cast %mul3A_916 : i32 to index
      %get3A_918 = tpu.vector_load %arg7[%get3A_917] {strides = array<i32>} : memref<528xi32, #tpu.memory_space<vmem>>, vector<16xi32>,
      %mul3A_919 = arith.constant 1 : i32
      %mul3A_920 = arith.muli %add3A_905, %mul3A_919 : i32
      %get3A_921 = arith.index_cast %mul3A_920 : i32 to index
      %get3A_922 = tpu.vector_load %arg8[%get3A_921] {strides = array<i32>} : memref<528xi32, #tpu.memory_space<vmem>>, vector<16xi32>,
      %dma_wait3A_923 = arith.constant 64 : i32
      %dma_wait3A_924 = arith.constant 0 : i32
      %dma_wait3A_925 = tpu.memref_slice %arg9[%dma_wait3A_923, %dma_wait3A_924] : memref<480x128xf32, #tpu.memory_space<vmem>> -> memref<32x128xf32, #tpu.memory_space<vmem>>
      %dma_wait3A_926 = arith.constant 0 : i32
      %dma_wait3A_927 = arith.constant 0 : i32
      %dma_wait3A_928 = tpu.memref_slice %arg2[%dma_wait3A_926, %dma_wait3A_927] : memref<32x1000000xf32, #tpu.memory_space<hbm>> -> memref<32x128xf32, #tpu.memory_space<hbm>>
      %dma_wait3A_929 = arith.constant 64 : i32
      %dma_wait3A_930 = arith.constant 0 : i32
      %dma_wait3A_931 = tpu.memref_slice %arg9[%dma_wait3A_929, %dma_wait3A_930] : memref<480x128xf32, #tpu.memory_space<vmem>> -> memref<32x128xf32, #tpu.memory_space<vmem>>
      %dma_wait3A_932 = arith.constant 0 : i32
      %dma_wait3A_933 = arith.constant 0 : i32
      %dma_wait3A_934 = tpu.memref_slice %arg2[%dma_wait3A_932, %dma_wait3A_933] : memref<32x1000000xf32, #tpu.memory_space<hbm>> -> memref<32x128xf32, #tpu.memory_space<hbm>>
      tpu.wait_dma2 semaphore(%arg15 : memref<!tpu.dma_semaphore, #tpu.memory_space<semaphore_mem>>) src(%dma_wait3A_934 : memref<32x128xf32, #tpu.memory_space<hbm>>) dst(%dma_wait3A_931 : memref<32x128xf32, #tpu.memory_space<vmem>>)
      %dma_wait3A_935 = arith.constant 64 : i32
      %dma_wait3A_936 = arith.constant 0 : i32
      %dma_wait3A_937 = tpu.memref_slice %arg10[%dma_wait3A_935, %dma_wait3A_936] : memref<480x128xf32, #tpu.memory_space<vmem>> -> memref<32x128xf32, #tpu.memory_space<vmem>>
      %dma_wait3A_938 = arith.constant 0 : i32
      %dma_wait3A_939 = arith.constant 0 : i32
      %dma_wait3A_940 = tpu.memref_slice %arg3[%dma_wait3A_938, %dma_wait3A_939] : memref<32x1000000xf32, #tpu.memory_space<hbm>> -> memref<32x128xf32, #tpu.memory_space<hbm>>
      %dma_wait3A_941 = arith.constant 64 : i32
      %dma_wait3A_942 = arith.constant 0 : i32
      %dma_wait3A_943 = tpu.memref_slice %arg10[%dma_wait3A_941, %dma_wait3A_942] : memref<480x128xf32, #tpu.memory_space<vmem>> -> memref<32x128xf32, #tpu.memory_space<vmem>>
      %dma_wait3A_944 = arith.constant 0 : i32
      %dma_wait3A_945 = arith.constant 0 : i32
      %dma_wait3A_946 = tpu.memref_slice %arg3[%dma_wait3A_944, %dma_wait3A_945] : memref<32x1000000xf32, #tpu.memory_space<hbm>> -> memref<32x128xf32, #tpu.memory_space<hbm>>
      tpu.wait_dma2 semaphore(%arg15 : memref<!tpu.dma_semaphore, #tpu.memory_space<semaphore_mem>>) src(%dma_wait3A_946 : memref<32x128xf32, #tpu.memory_space<hbm>>) dst(%dma_wait3A_943 : memref<32x128xf32, #tpu.memory_space<vmem>>)
      %jit3A_947 = arith.constant 16 : i32
      %eq3A_948 = arith.constant 0 : i32
      %eq3A_949 = arith.cmpi eq, %jit3A_947, %eq3A_948 : i32
      %jit3A_950 = arith.constant 1 : i32
      %select_n3A_951 = arith.select %eq3A_949, %jit3A_950, %jit3A_947 : i32
      %rem3A_952 = arith.remsi %add3A_905, %select_n3A_951 : i32
      %ne3A_953 = arith.constant 0 : i32
      %ne3A_954 = arith.cmpi ne, %rem3A_952, %ne3A_953 : i32
      %lt3A_955 = arith.constant 0 : i32
      %lt3A_956 = arith.cmpi slt, %rem3A_952, %lt3A_955 : i32
      %lt3A_957 = arith.constant 0 : i32
      %lt3A_958 = arith.cmpi slt, %select_n3A_951, %lt3A_957 : i32
      %ne3A_959 = arith.xori %lt3A_956, %lt3A_958 : i1
      %and3A_960 = arith.andi %ne3A_959, %ne3A_954 : i1
      %add3A_961 = arith.addi %rem3A_952, %select_n3A_951 : i32
      %select_n3A_962 = arith.select %and3A_960, %add3A_961, %rem3A_952 : i32
      %mul3A_963 = arith.constant 1 : i32
      %mul3A_964 = arith.muli %select_n3A_962, %mul3A_963 : i32
      %add3A_965 = arith.constant 0 : i32
      %add3A_966 = arith.addi %mul3A_964, %add3A_965 : i32
      %slice3A_967 = vector.extract_strided_slice %get3A_918 {offsets = [0], sizes = [1], strides = [1]} : vector<16xi32> to vector<1xi32>
      %squeeze3A_968 = vector.extract %slice3A_967[0] : i32 from vector<1xi32>
      %and3A_969 = arith.constant 127 : i32
      %and3A_970 = arith.andi %squeeze3A_968, %and3A_969 : i32
      %broadcast_in_dim3A_971 = vector.broadcast %and3A_970 : i32 to vector<16xi32>
      %slice3A_972 = vector.extract_strided_slice %get3A_922 {offsets = [0], sizes = [1], strides = [1]} : vector<16xi32> to vector<1xi32>
      %squeeze3A_973 = vector.extract %slice3A_972[0] : i32 from vector<1xi32>
      %and3A_974 = arith.constant 127 : i32
      %and3A_975 = arith.andi %squeeze3A_973, %and3A_974 : i32
      %broadcast_in_dim3A_976 = vector.broadcast %and3A_975 : i32 to vector<16xi32>
      %add3A_977 = arith.constant 64 : i32
      %add3A_978 = vector.broadcast %add3A_977 : i32 to vector<16xi32>
      %add3A_979 = arith.addi %iota3A, %add3A_978 : vector<16xi32>
      %add3A_980 = arith.constant 16 : i32
      %add3A_981 = vector.broadcast %add3A_980 : i32 to vector<16xi32>
      %add3A_982 = arith.addi %add3A_979, %add3A_981 : vector<16xi32>
      %gather3A_983 = tpu.vector_load_idx %arg9[%add3A_979, %broadcast_in_dim3A_971] : memref<480x128xf32, #tpu.memory_space<vmem>>[vector<16xi32>, vector<16xi32>], vector<16xf32>,
      %gather3A_984 = tpu.vector_load_idx %arg9[%add3A_982, %broadcast_in_dim3A_971] : memref<480x128xf32, #tpu.memory_space<vmem>>[vector<16xi32>, vector<16xi32>], vector<16xf32>,
      %gather3A_985 = tpu.vector_load_idx %arg10[%add3A_979, %broadcast_in_dim3A_976] : memref<480x128xf32, #tpu.memory_space<vmem>>[vector<16xi32>, vector<16xi32>], vector<16xf32>,
      %gather3A_986 = tpu.vector_load_idx %arg10[%add3A_982, %broadcast_in_dim3A_976] : memref<480x128xf32, #tpu.memory_space<vmem>>[vector<16xi32>, vector<16xi32>], vector<16xf32>,
      %mul3A_987 = arith.mulf %gather3A_983, %gather3A_985 : vector<16xf32>
      %mul3A_988 = arith.mulf %gather3A_984, %gather3A_986 : vector<16xf32>
      %add3A_989 = arith.addf %mul3A_987, %mul3A_988 : vector<16xf32>
      %reduce_sum3A_990 = arith.constant true
      %reduce_sum3A_991 = vector.broadcast %reduce_sum3A_990 : i1 to vector<16xi1>
      %reduce_sum3A_992 = tpu.scan <sum>, %add3A_989 masked %reduce_sum3A_991 : vector<16xf32>, vector<16xi1> -> vector<16xf32>
      %reduce_sum3A_993 = vector.extract %reduce_sum3A_992[15] : f32 from vector<16xf32>
      %eq3A_994 = vector.broadcast %add3A_966 : i32 to vector<16xi32>
      %eq3A_995 = arith.cmpi eq, %iota3A, %eq3A_994 : vector<16xi32>
      %broadcast_in_dim3A_996 = vector.broadcast %reduce_sum3A_993 : f32 to vector<16xf32>
      %select_n3A_997 = arith.select %eq3A_995, %broadcast_in_dim3A_996, %select_n3A_880 : vector<16xi1>, vector<16xf32>
      %jit3A_998 = arith.constant 16 : i32
      %eq3A_999 = arith.constant 0 : i32
      %eq3A_1000 = arith.cmpi eq, %jit3A_998, %eq3A_999 : i32
      %jit3A_1001 = arith.constant 1 : i32
      %select_n3A_1002 = arith.select %eq3A_1000, %jit3A_1001, %jit3A_998 : i32
      %rem3A_1003 = arith.remsi %add3A_905, %select_n3A_1002 : i32
      %ne3A_1004 = arith.constant 0 : i32
      %ne3A_1005 = arith.cmpi ne, %rem3A_1003, %ne3A_1004 : i32
      %lt3A_1006 = arith.constant 0 : i32
      %lt3A_1007 = arith.cmpi slt, %rem3A_1003, %lt3A_1006 : i32
      %lt3A_1008 = arith.constant 0 : i32
      %lt3A_1009 = arith.cmpi slt, %select_n3A_1002, %lt3A_1008 : i32
      %ne3A_1010 = arith.xori %lt3A_1007, %lt3A_1009 : i1
      %and3A_1011 = arith.andi %ne3A_1010, %ne3A_1005 : i1
      %add3A_1012 = arith.addi %rem3A_1003, %select_n3A_1002 : i32
      %select_n3A_1013 = arith.select %and3A_1011, %add3A_1012, %rem3A_1003 : i32
      %eq3A_1014 = arith.constant 15 : i32
      %eq3A_1015 = arith.cmpi eq, %select_n3A_1013, %eq3A_1014 : i32
      %convert_element_type3A_1016 = arith.extui %eq3A_1015 : i1 to i32
      %cond3A_1017 = arith.constant 0 : i32
      %cond3A_1018 = arith.cmpi ne, %convert_element_type3A_1016, %cond3A_1017 : i32
      scf.if %cond3A_1018 {
        %jit3A_2423 = arith.constant 16 : i32
        %div3A = arith.divsi %add3A_905, %jit3A_2423 : i32
        %sign3A = arith.constant 0 : i32
        %sign3A_2424 = arith.cmpi sgt, %add3A_905, %sign3A : i32
        %sign3A_2425 = arith.extui %sign3A_2424 : i1 to i32
        %sign3A_2426 = arith.constant 0 : i32
        %sign3A_2427 = arith.cmpi slt, %add3A_905, %sign3A_2426 : i32
        %sign3A_2428 = arith.extui %sign3A_2427 : i1 to i32
        %sign3A_2429 = arith.subi %sign3A_2425, %sign3A_2428 : i32
        %sign3A_2430 = arith.constant 0 : i32
        %sign3A_2431 = arith.cmpi sgt, %jit3A_2423, %sign3A_2430 : i32
        %sign3A_2432 = arith.extui %sign3A_2431 : i1 to i32
        %sign3A_2433 = arith.constant 0 : i32
        %sign3A_2434 = arith.cmpi slt, %jit3A_2423, %sign3A_2433 : i32
        %sign3A_2435 = arith.extui %sign3A_2434 : i1 to i32
        %sign3A_2436 = arith.subi %sign3A_2432, %sign3A_2435 : i32
        %ne3A_2437 = arith.cmpi ne, %sign3A_2429, %sign3A_2436 : i32
        %rem3A_2438 = arith.remsi %add3A_905, %jit3A_2423 : i32
        %ne3A_2439 = arith.constant 0 : i32
        %ne3A_2440 = arith.cmpi ne, %rem3A_2438, %ne3A_2439 : i32
        %and3A_2441 = arith.andi %ne3A_2437, %ne3A_2440 : i1
        %sub3A_2442 = arith.constant 1 : i32
        %sub3A_2443 = arith.subi %div3A, %sub3A_2442 : i32
        %select_n3A_2444 = arith.select %and3A_2441, %sub3A_2443, %div3A : i32
        %mul3A_2445 = arith.constant 16 : i32
        %mul3A_2446 = arith.muli %select_n3A_2444, %mul3A_2445 : i32
        %swap3A_2447 = arith.index_cast %mul3A_2446 : i32 to index
        %swap3A_2448 = tpu.vector_load %arg11[%swap3A_2447] {strides = array<i32>} : memref<512xf32, #tpu.memory_space<vmem>>, vector<16xf32>,
        tpu.vector_store %arg11[%swap3A_2447], %select_n3A_997 {strides = array<i32>} : memref<512xf32, #tpu.memory_space<vmem>>, vector<16xf32>,
      } else {
      }
      %mul3A_1019 = arith.constant 15 : i32
      %mul3A_1020 = arith.muli %scan3A_673, %mul3A_1019 : i32
      %add3A_1021 = arith.constant 3 : i32
      %add3A_1022 = arith.addi %mul3A_1020, %add3A_1021 : i32
      %add3A_1023 = arith.constant 15 : i32
      %add3A_1024 = arith.addi %add3A_1022, %add3A_1023 : i32
      %sub3A_1025 = arith.constant 1 : i32
      %sub3A_1026 = arith.subi %add3A_1024, %sub3A_1025 : i32
      %lt3A_1027 = arith.constant 512 : i32
      %lt3A_1028 = arith.cmpi slt, %sub3A_1026, %lt3A_1027 : i32
      %convert_element_type3A_1029 = arith.extui %lt3A_1028 : i1 to i32
      %cond3A_1030 = arith.constant 0 : i32
      %cond3A_1031 = arith.cmpi ne, %convert_element_type3A_1029, %cond3A_1030 : i32
      scf.if %cond3A_1031 {
        %add3A_2423 = arith.constant 15 : i32
        %add3A_2424 = arith.addi %add3A_1022, %add3A_2423 : i32
        %sub3A_2425 = arith.constant 1 : i32
        %sub3A_2426 = arith.subi %add3A_2424, %sub3A_2425 : i32
        %mul3A_2427 = arith.constant 1 : i32
        %mul3A_2428 = arith.muli %sub3A_2426, %mul3A_2427 : i32
        %get3A_2429 = arith.index_cast %mul3A_2428 : i32 to index
        %get3A_2430 = tpu.vector_load %arg7[%get3A_2429] {strides = array<i32>} : memref<528xi32, #tpu.memory_space<vmem>>, vector<16xi32>,
        %mul3A_2431 = arith.constant 1 : i32
        %mul3A_2432 = arith.muli %sub3A_2426, %mul3A_2431 : i32
        %get3A_2433 = arith.index_cast %mul3A_2432 : i32 to index
        %get3A_2434 = tpu.vector_load %arg8[%get3A_2433] {strides = array<i32>} : memref<528xi32, #tpu.memory_space<vmem>>, vector<16xi32>,
        %slice3A_2435 = vector.extract_strided_slice %get3A_2430 {offsets = [0], sizes = [1], strides = [1]} : vector<16xi32> to vector<1xi32>
        %squeeze3A_2436 = vector.extract %slice3A_2435[0] : i32 from vector<1xi32>
        %shift_right_arithmetic3A_2437 = arith.constant 7 : i32
        %shift_right_arithmetic3A_2438 = arith.shrsi %squeeze3A_2436, %shift_right_arithmetic3A_2437 : i32
        %shift_left3A_2439 = arith.constant 7 : i32
        %shift_left3A_2440 = arith.shli %shift_right_arithmetic3A_2438, %shift_left3A_2439 : i32
        %multiple_of3A_2441 = tpu.assume_multiple %shift_left3A_2440, 128 : i32
        %slice3A_2442 = vector.extract_strided_slice %get3A_2434 {offsets = [0], sizes = [1], strides = [1]} : vector<16xi32> to vector<1xi32>
        %squeeze3A_2443 = vector.extract %slice3A_2442[0] : i32 from vector<1xi32>
        %shift_right_arithmetic3A_2444 = arith.constant 7 : i32
        %shift_right_arithmetic3A_2445 = arith.shrsi %squeeze3A_2443, %shift_right_arithmetic3A_2444 : i32
        %shift_left3A_2446 = arith.constant 7 : i32
        %shift_left3A_2447 = arith.shli %shift_right_arithmetic3A_2445, %shift_left3A_2446 : i32
        %multiple_of3A_2448 = tpu.assume_multiple %shift_left3A_2447, 128 : i32
        %dma_start3A_2449 = arith.constant 64 : i32
        %dma_start3A_2450 = arith.constant 0 : i32
        %dma_start3A_2451 = tpu.memref_slice %arg9[%dma_start3A_2449, %dma_start3A_2450] : memref<480x128xf32, #tpu.memory_space<vmem>> -> memref<32x128xf32, #tpu.memory_space<vmem>>
        %dma_start3A_2452 = arith.constant 0 : i32
        %dma_start3A_2453 = tpu.memref_slice %arg2[%dma_start3A_2452, %multiple_of3A_2441] : memref<32x1000000xf32, #tpu.memory_space<hbm>> -> memref<32x128xf32, #tpu.memory_space<hbm>>
        %dma_start3A_2454 = arith.constant 64 : i32
        %dma_start3A_2455 = arith.constant 0 : i32
        %dma_start3A_2456 = tpu.memref_slice %arg9[%dma_start3A_2454, %dma_start3A_2455] : memref<480x128xf32, #tpu.memory_space<vmem>> -> memref<32x128xf32, #tpu.memory_space<vmem>>
        %dma_start3A_2457 = arith.constant 0 : i32
        %dma_start3A_2458 = tpu.memref_slice %arg2[%dma_start3A_2457, %multiple_of3A_2441] : memref<32x1000000xf32, #tpu.memory_space<hbm>> -> memref<32x128xf32, #tpu.memory_space<hbm>>
        tpu.enqueue_dma source(%dma_start3A_2458 : memref<32x128xf32, #tpu.memory_space<hbm>>) target(%dma_start3A_2456 : memref<32x128xf32, #tpu.memory_space<vmem>>) target_semaphore(%arg15 : memref<!tpu.dma_semaphore, #tpu.memory_space<semaphore_mem>>)
        %dma_start3A_2459 = arith.constant 64 : i32
        %dma_start3A_2460 = arith.constant 0 : i32
        %dma_start3A_2461 = tpu.memref_slice %arg10[%dma_start3A_2459, %dma_start3A_2460] : memref<480x128xf32, #tpu.memory_space<vmem>> -> memref<32x128xf32, #tpu.memory_space<vmem>>
        %dma_start3A_2462 = arith.constant 0 : i32
        %dma_start3A_2463 = tpu.memref_slice %arg3[%dma_start3A_2462, %multiple_of3A_2448] : memref<32x1000000xf32, #tpu.memory_space<hbm>> -> memref<32x128xf32, #tpu.memory_space<hbm>>
        %dma_start3A_2464 = arith.constant 64 : i32
        %dma_start3A_2465 = arith.constant 0 : i32
        %dma_start3A_2466 = tpu.memref_slice %arg10[%dma_start3A_2464, %dma_start3A_2465] : memref<480x128xf32, #tpu.memory_space<vmem>> -> memref<32x128xf32, #tpu.memory_space<vmem>>
        %dma_start3A_2467 = arith.constant 0 : i32
        %dma_start3A_2468 = tpu.memref_slice %arg3[%dma_start3A_2467, %multiple_of3A_2448] : memref<32x1000000xf32, #tpu.memory_space<hbm>> -> memref<32x128xf32, #tpu.memory_space<hbm>>
        tpu.enqueue_dma source(%dma_start3A_2468 : memref<32x128xf32, #tpu.memory_space<hbm>>) target(%dma_start3A_2466 : memref<32x128xf32, #tpu.memory_space<vmem>>) target_semaphore(%arg15 : memref<!tpu.dma_semaphore, #tpu.memory_space<semaphore_mem>>)
      } else {
      }
      %mul3A_1032 = arith.constant 1 : i32
      %mul3A_1033 = arith.muli %add3A_1022, %mul3A_1032 : i32
      %get3A_1034 = arith.index_cast %mul3A_1033 : i32 to index
      %get3A_1035 = tpu.vector_load %arg7[%get3A_1034] {strides = array<i32>} : memref<528xi32, #tpu.memory_space<vmem>>, vector<16xi32>,
      %mul3A_1036 = arith.constant 1 : i32
      %mul3A_1037 = arith.muli %add3A_1022, %mul3A_1036 : i32
      %get3A_1038 = arith.index_cast %mul3A_1037 : i32 to index
      %get3A_1039 = tpu.vector_load %arg8[%get3A_1038] {strides = array<i32>} : memref<528xi32, #tpu.memory_space<vmem>>, vector<16xi32>,
      %dma_wait3A_1040 = arith.constant 96 : i32
      %dma_wait3A_1041 = arith.constant 0 : i32
      %dma_wait3A_1042 = tpu.memref_slice %arg9[%dma_wait3A_1040, %dma_wait3A_1041] : memref<480x128xf32, #tpu.memory_space<vmem>> -> memref<32x128xf32, #tpu.memory_space<vmem>>
      %dma_wait3A_1043 = arith.constant 0 : i32
      %dma_wait3A_1044 = arith.constant 0 : i32
      %dma_wait3A_1045 = tpu.memref_slice %arg2[%dma_wait3A_1043, %dma_wait3A_1044] : memref<32x1000000xf32, #tpu.memory_space<hbm>> -> memref<32x128xf32, #tpu.memory_space<hbm>>
      %dma_wait3A_1046 = arith.constant 96 : i32
      %dma_wait3A_1047 = arith.constant 0 : i32
      %dma_wait3A_1048 = tpu.memref_slice %arg9[%dma_wait3A_1046, %dma_wait3A_1047] : memref<480x128xf32, #tpu.memory_space<vmem>> -> memref<32x128xf32, #tpu.memory_space<vmem>>
      %dma_wait3A_1049 = arith.constant 0 : i32
      %dma_wait3A_1050 = arith.constant 0 : i32
      %dma_wait3A_1051 = tpu.memref_slice %arg2[%dma_wait3A_1049, %dma_wait3A_1050] : memref<32x1000000xf32, #tpu.memory_space<hbm>> -> memref<32x128xf32, #tpu.memory_space<hbm>>
      tpu.wait_dma2 semaphore(%arg16 : memref<!tpu.dma_semaphore, #tpu.memory_space<semaphore_mem>>) src(%dma_wait3A_1051 : memref<32x128xf32, #tpu.memory_space<hbm>>) dst(%dma_wait3A_1048 : memref<32x128xf32, #tpu.memory_space<vmem>>)
      %dma_wait3A_1052 = arith.constant 96 : i32
      %dma_wait3A_1053 = arith.constant 0 : i32
      %dma_wait3A_1054 = tpu.memref_slice %arg10[%dma_wait3A_1052, %dma_wait3A_1053] : memref<480x128xf32, #tpu.memory_space<vmem>> -> memref<32x128xf32, #tpu.memory_space<vmem>>
      %dma_wait3A_1055 = arith.constant 0 : i32
      %dma_wait3A_1056 = arith.constant 0 : i32
      %dma_wait3A_1057 = tpu.memref_slice %arg3[%dma_wait3A_1055, %dma_wait3A_1056] : memref<32x1000000xf32, #tpu.memory_space<hbm>> -> memref<32x128xf32, #tpu.memory_space<hbm>>
      %dma_wait3A_1058 = arith.constant 96 : i32
      %dma_wait3A_1059 = arith.constant 0 : i32
      %dma_wait3A_1060 = tpu.memref_slice %arg10[%dma_wait3A_1058, %dma_wait3A_1059] : memref<480x128xf32, #tpu.memory_space<vmem>> -> memref<32x128xf32, #tpu.memory_space<vmem>>
      %dma_wait3A_1061 = arith.constant 0 : i32
      %dma_wait3A_1062 = arith.constant 0 : i32
      %dma_wait3A_1063 = tpu.memref_slice %arg3[%dma_wait3A_1061, %dma_wait3A_1062] : memref<32x1000000xf32, #tpu.memory_space<hbm>> -> memref<32x128xf32, #tpu.memory_space<hbm>>
      tpu.wait_dma2 semaphore(%arg16 : memref<!tpu.dma_semaphore, #tpu.memory_space<semaphore_mem>>) src(%dma_wait3A_1063 : memref<32x128xf32, #tpu.memory_space<hbm>>) dst(%dma_wait3A_1060 : memref<32x128xf32, #tpu.memory_space<vmem>>)
      %jit3A_1064 = arith.constant 16 : i32
      %eq3A_1065 = arith.constant 0 : i32
      %eq3A_1066 = arith.cmpi eq, %jit3A_1064, %eq3A_1065 : i32
      %jit3A_1067 = arith.constant 1 : i32
      %select_n3A_1068 = arith.select %eq3A_1066, %jit3A_1067, %jit3A_1064 : i32
      %rem3A_1069 = arith.remsi %add3A_1022, %select_n3A_1068 : i32
      %ne3A_1070 = arith.constant 0 : i32
      %ne3A_1071 = arith.cmpi ne, %rem3A_1069, %ne3A_1070 : i32
      %lt3A_1072 = arith.constant 0 : i32
      %lt3A_1073 = arith.cmpi slt, %rem3A_1069, %lt3A_1072 : i32
      %lt3A_1074 = arith.constant 0 : i32
      %lt3A_1075 = arith.cmpi slt, %select_n3A_1068, %lt3A_1074 : i32
      %ne3A_1076 = arith.xori %lt3A_1073, %lt3A_1075 : i1
      %and3A_1077 = arith.andi %ne3A_1076, %ne3A_1071 : i1
      %add3A_1078 = arith.addi %rem3A_1069, %select_n3A_1068 : i32
      %select_n3A_1079 = arith.select %and3A_1077, %add3A_1078, %rem3A_1069 : i32
      %mul3A_1080 = arith.constant 1 : i32
      %mul3A_1081 = arith.muli %select_n3A_1079, %mul3A_1080 : i32
      %add3A_1082 = arith.constant 0 : i32
      %add3A_1083 = arith.addi %mul3A_1081, %add3A_1082 : i32
      %slice3A_1084 = vector.extract_strided_slice %get3A_1035 {offsets = [0], sizes = [1], strides = [1]} : vector<16xi32> to vector<1xi32>
      %squeeze3A_1085 = vector.extract %slice3A_1084[0] : i32 from vector<1xi32>
      %and3A_1086 = arith.constant 127 : i32
      %and3A_1087 = arith.andi %squeeze3A_1085, %and3A_1086 : i32
      %broadcast_in_dim3A_1088 = vector.broadcast %and3A_1087 : i32 to vector<16xi32>
      %slice3A_1089 = vector.extract_strided_slice %get3A_1039 {offsets = [0], sizes = [1], strides = [1]} : vector<16xi32> to vector<1xi32>
      %squeeze3A_1090 = vector.extract %slice3A_1089[0] : i32 from vector<1xi32>
      %and3A_1091 = arith.constant 127 : i32
      %and3A_1092 = arith.andi %squeeze3A_1090, %and3A_1091 : i32
      %broadcast_in_dim3A_1093 = vector.broadcast %and3A_1092 : i32 to vector<16xi32>
      %add3A_1094 = arith.constant 96 : i32
      %add3A_1095 = vector.broadcast %add3A_1094 : i32 to vector<16xi32>
      %add3A_1096 = arith.addi %iota3A, %add3A_1095 : vector<16xi32>
      %add3A_1097 = arith.constant 16 : i32
      %add3A_1098 = vector.broadcast %add3A_1097 : i32 to vector<16xi32>
      %add3A_1099 = arith.addi %add3A_1096, %add3A_1098 : vector<16xi32>
      %gather3A_1100 = tpu.vector_load_idx %arg9[%add3A_1096, %broadcast_in_dim3A_1088] : memref<480x128xf32, #tpu.memory_space<vmem>>[vector<16xi32>, vector<16xi32>], vector<16xf32>,
      %gather3A_1101 = tpu.vector_load_idx %arg9[%add3A_1099, %broadcast_in_dim3A_1088] : memref<480x128xf32, #tpu.memory_space<vmem>>[vector<16xi32>, vector<16xi32>], vector<16xf32>,
      %gather3A_1102 = tpu.vector_load_idx %arg10[%add3A_1096, %broadcast_in_dim3A_1093] : memref<480x128xf32, #tpu.memory_space<vmem>>[vector<16xi32>, vector<16xi32>], vector<16xf32>,
      %gather3A_1103 = tpu.vector_load_idx %arg10[%add3A_1099, %broadcast_in_dim3A_1093] : memref<480x128xf32, #tpu.memory_space<vmem>>[vector<16xi32>, vector<16xi32>], vector<16xf32>,
      %mul3A_1104 = arith.mulf %gather3A_1100, %gather3A_1102 : vector<16xf32>
      %mul3A_1105 = arith.mulf %gather3A_1101, %gather3A_1103 : vector<16xf32>
      %add3A_1106 = arith.addf %mul3A_1104, %mul3A_1105 : vector<16xf32>
      %reduce_sum3A_1107 = arith.constant true
      %reduce_sum3A_1108 = vector.broadcast %reduce_sum3A_1107 : i1 to vector<16xi1>
      %reduce_sum3A_1109 = tpu.scan <sum>, %add3A_1106 masked %reduce_sum3A_1108 : vector<16xf32>, vector<16xi1> -> vector<16xf32>
      %reduce_sum3A_1110 = vector.extract %reduce_sum3A_1109[15] : f32 from vector<16xf32>
      %eq3A_1111 = vector.broadcast %add3A_1083 : i32 to vector<16xi32>
      %eq3A_1112 = arith.cmpi eq, %iota3A, %eq3A_1111 : vector<16xi32>
      %broadcast_in_dim3A_1113 = vector.broadcast %reduce_sum3A_1110 : f32 to vector<16xf32>
      %select_n3A_1114 = arith.select %eq3A_1112, %broadcast_in_dim3A_1113, %select_n3A_997 : vector<16xi1>, vector<16xf32>
      %jit3A_1115 = arith.constant 16 : i32
      %eq3A_1116 = arith.constant 0 : i32
      %eq3A_1117 = arith.cmpi eq, %jit3A_1115, %eq3A_1116 : i32
      %jit3A_1118 = arith.constant 1 : i32
      %select_n3A_1119 = arith.select %eq3A_1117, %jit3A_1118, %jit3A_1115 : i32
      %rem3A_1120 = arith.remsi %add3A_1022, %select_n3A_1119 : i32
      %ne3A_1121 = arith.constant 0 : i32
      %ne3A_1122 = arith.cmpi ne, %rem3A_1120, %ne3A_1121 : i32
      %lt3A_1123 = arith.constant 0 : i32
      %lt3A_1124 = arith.cmpi slt, %rem3A_1120, %lt3A_1123 : i32
      %lt3A_1125 = arith.constant 0 : i32
      %lt3A_1126 = arith.cmpi slt, %select_n3A_1119, %lt3A_1125 : i32
      %ne3A_1127 = arith.xori %lt3A_1124, %lt3A_1126 : i1
      %and3A_1128 = arith.andi %ne3A_1127, %ne3A_1122 : i1
      %add3A_1129 = arith.addi %rem3A_1120, %select_n3A_1119 : i32
      %select_n3A_1130 = arith.select %and3A_1128, %add3A_1129, %rem3A_1120 : i32
      %eq3A_1131 = arith.constant 15 : i32
      %eq3A_1132 = arith.cmpi eq, %select_n3A_1130, %eq3A_1131 : i32
      %convert_element_type3A_1133 = arith.extui %eq3A_1132 : i1 to i32
      %cond3A_1134 = arith.constant 0 : i32
      %cond3A_1135 = arith.cmpi ne, %convert_element_type3A_1133, %cond3A_1134 : i32
      scf.if %cond3A_1135 {
        %jit3A_2423 = arith.constant 16 : i32
        %div3A = arith.divsi %add3A_1022, %jit3A_2423 : i32
        %sign3A = arith.constant 0 : i32
        %sign3A_2424 = arith.cmpi sgt, %add3A_1022, %sign3A : i32
        %sign3A_2425 = arith.extui %sign3A_2424 : i1 to i32
        %sign3A_2426 = arith.constant 0 : i32
        %sign3A_2427 = arith.cmpi slt, %add3A_1022, %sign3A_2426 : i32
        %sign3A_2428 = arith.extui %sign3A_2427 : i1 to i32
        %sign3A_2429 = arith.subi %sign3A_2425, %sign3A_2428 : i32
        %sign3A_2430 = arith.constant 0 : i32
        %sign3A_2431 = arith.cmpi sgt, %jit3A_2423, %sign3A_2430 : i32
        %sign3A_2432 = arith.extui %sign3A_2431 : i1 to i32
        %sign3A_2433 = arith.constant 0 : i32
        %sign3A_2434 = arith.cmpi slt, %jit3A_2423, %sign3A_2433 : i32
        %sign3A_2435 = arith.extui %sign3A_2434 : i1 to i32
        %sign3A_2436 = arith.subi %sign3A_2432, %sign3A_2435 : i32
        %ne3A_2437 = arith.cmpi ne, %sign3A_2429, %sign3A_2436 : i32
        %rem3A_2438 = arith.remsi %add3A_1022, %jit3A_2423 : i32
        %ne3A_2439 = arith.constant 0 : i32
        %ne3A_2440 = arith.cmpi ne, %rem3A_2438, %ne3A_2439 : i32
        %and3A_2441 = arith.andi %ne3A_2437, %ne3A_2440 : i1
        %sub3A_2442 = arith.constant 1 : i32
        %sub3A_2443 = arith.subi %div3A, %sub3A_2442 : i32
        %select_n3A_2444 = arith.select %and3A_2441, %sub3A_2443, %div3A : i32
        %mul3A_2445 = arith.constant 16 : i32
        %mul3A_2446 = arith.muli %select_n3A_2444, %mul3A_2445 : i32
        %swap3A_2447 = arith.index_cast %mul3A_2446 : i32 to index
        %swap3A_2448 = tpu.vector_load %arg11[%swap3A_2447] {strides = array<i32>} : memref<512xf32, #tpu.memory_space<vmem>>, vector<16xf32>,
        tpu.vector_store %arg11[%swap3A_2447], %select_n3A_1114 {strides = array<i32>} : memref<512xf32, #tpu.memory_space<vmem>>, vector<16xf32>,
      } else {
      }
      %mul3A_1136 = arith.constant 15 : i32
      %mul3A_1137 = arith.muli %scan3A_673, %mul3A_1136 : i32
      %add3A_1138 = arith.constant 4 : i32
      %add3A_1139 = arith.addi %mul3A_1137, %add3A_1138 : i32
      %add3A_1140 = arith.constant 15 : i32
      %add3A_1141 = arith.addi %add3A_1139, %add3A_1140 : i32
      %sub3A_1142 = arith.constant 1 : i32
      %sub3A_1143 = arith.subi %add3A_1141, %sub3A_1142 : i32
      %lt3A_1144 = arith.constant 512 : i32
      %lt3A_1145 = arith.cmpi slt, %sub3A_1143, %lt3A_1144 : i32
      %convert_element_type3A_1146 = arith.extui %lt3A_1145 : i1 to i32
      %cond3A_1147 = arith.constant 0 : i32
      %cond3A_1148 = arith.cmpi ne, %convert_element_type3A_1146, %cond3A_1147 : i32
      scf.if %cond3A_1148 {
        %add3A_2423 = arith.constant 15 : i32
        %add3A_2424 = arith.addi %add3A_1139, %add3A_2423 : i32
        %sub3A_2425 = arith.constant 1 : i32
        %sub3A_2426 = arith.subi %add3A_2424, %sub3A_2425 : i32
        %mul3A_2427 = arith.constant 1 : i32
        %mul3A_2428 = arith.muli %sub3A_2426, %mul3A_2427 : i32
        %get3A_2429 = arith.index_cast %mul3A_2428 : i32 to index
        %get3A_2430 = tpu.vector_load %arg7[%get3A_2429] {strides = array<i32>} : memref<528xi32, #tpu.memory_space<vmem>>, vector<16xi32>,
        %mul3A_2431 = arith.constant 1 : i32
        %mul3A_2432 = arith.muli %sub3A_2426, %mul3A_2431 : i32
        %get3A_2433 = arith.index_cast %mul3A_2432 : i32 to index
        %get3A_2434 = tpu.vector_load %arg8[%get3A_2433] {strides = array<i32>} : memref<528xi32, #tpu.memory_space<vmem>>, vector<16xi32>,
        %slice3A_2435 = vector.extract_strided_slice %get3A_2430 {offsets = [0], sizes = [1], strides = [1]} : vector<16xi32> to vector<1xi32>
        %squeeze3A_2436 = vector.extract %slice3A_2435[0] : i32 from vector<1xi32>
        %shift_right_arithmetic3A_2437 = arith.constant 7 : i32
        %shift_right_arithmetic3A_2438 = arith.shrsi %squeeze3A_2436, %shift_right_arithmetic3A_2437 : i32
        %shift_left3A_2439 = arith.constant 7 : i32
        %shift_left3A_2440 = arith.shli %shift_right_arithmetic3A_2438, %shift_left3A_2439 : i32
        %multiple_of3A_2441 = tpu.assume_multiple %shift_left3A_2440, 128 : i32
        %slice3A_2442 = vector.extract_strided_slice %get3A_2434 {offsets = [0], sizes = [1], strides = [1]} : vector<16xi32> to vector<1xi32>
        %squeeze3A_2443 = vector.extract %slice3A_2442[0] : i32 from vector<1xi32>
        %shift_right_arithmetic3A_2444 = arith.constant 7 : i32
        %shift_right_arithmetic3A_2445 = arith.shrsi %squeeze3A_2443, %shift_right_arithmetic3A_2444 : i32
        %shift_left3A_2446 = arith.constant 7 : i32
        %shift_left3A_2447 = arith.shli %shift_right_arithmetic3A_2445, %shift_left3A_2446 : i32
        %multiple_of3A_2448 = tpu.assume_multiple %shift_left3A_2447, 128 : i32
        %dma_start3A_2449 = arith.constant 96 : i32
        %dma_start3A_2450 = arith.constant 0 : i32
        %dma_start3A_2451 = tpu.memref_slice %arg9[%dma_start3A_2449, %dma_start3A_2450] : memref<480x128xf32, #tpu.memory_space<vmem>> -> memref<32x128xf32, #tpu.memory_space<vmem>>
        %dma_start3A_2452 = arith.constant 0 : i32
        %dma_start3A_2453 = tpu.memref_slice %arg2[%dma_start3A_2452, %multiple_of3A_2441] : memref<32x1000000xf32, #tpu.memory_space<hbm>> -> memref<32x128xf32, #tpu.memory_space<hbm>>
        %dma_start3A_2454 = arith.constant 96 : i32
        %dma_start3A_2455 = arith.constant 0 : i32
        %dma_start3A_2456 = tpu.memref_slice %arg9[%dma_start3A_2454, %dma_start3A_2455] : memref<480x128xf32, #tpu.memory_space<vmem>> -> memref<32x128xf32, #tpu.memory_space<vmem>>
        %dma_start3A_2457 = arith.constant 0 : i32
        %dma_start3A_2458 = tpu.memref_slice %arg2[%dma_start3A_2457, %multiple_of3A_2441] : memref<32x1000000xf32, #tpu.memory_space<hbm>> -> memref<32x128xf32, #tpu.memory_space<hbm>>
        tpu.enqueue_dma source(%dma_start3A_2458 : memref<32x128xf32, #tpu.memory_space<hbm>>) target(%dma_start3A_2456 : memref<32x128xf32, #tpu.memory_space<vmem>>) target_semaphore(%arg16 : memref<!tpu.dma_semaphore, #tpu.memory_space<semaphore_mem>>)
        %dma_start3A_2459 = arith.constant 96 : i32
        %dma_start3A_2460 = arith.constant 0 : i32
        %dma_start3A_2461 = tpu.memref_slice %arg10[%dma_start3A_2459, %dma_start3A_2460] : memref<480x128xf32, #tpu.memory_space<vmem>> -> memref<32x128xf32, #tpu.memory_space<vmem>>
        %dma_start3A_2462 = arith.constant 0 : i32
        %dma_start3A_2463 = tpu.memref_slice %arg3[%dma_start3A_2462, %multiple_of3A_2448] : memref<32x1000000xf32, #tpu.memory_space<hbm>> -> memref<32x128xf32, #tpu.memory_space<hbm>>
        %dma_start3A_2464 = arith.constant 96 : i32
        %dma_start3A_2465 = arith.constant 0 : i32
        %dma_start3A_2466 = tpu.memref_slice %arg10[%dma_start3A_2464, %dma_start3A_2465] : memref<480x128xf32, #tpu.memory_space<vmem>> -> memref<32x128xf32, #tpu.memory_space<vmem>>
        %dma_start3A_2467 = arith.constant 0 : i32
        %dma_start3A_2468 = tpu.memref_slice %arg3[%dma_start3A_2467, %multiple_of3A_2448] : memref<32x1000000xf32, #tpu.memory_space<hbm>> -> memref<32x128xf32, #tpu.memory_space<hbm>>
        tpu.enqueue_dma source(%dma_start3A_2468 : memref<32x128xf32, #tpu.memory_space<hbm>>) target(%dma_start3A_2466 : memref<32x128xf32, #tpu.memory_space<vmem>>) target_semaphore(%arg16 : memref<!tpu.dma_semaphore, #tpu.memory_space<semaphore_mem>>)
      } else {
      }
      %mul3A_1149 = arith.constant 1 : i32
      %mul3A_1150 = arith.muli %add3A_1139, %mul3A_1149 : i32
      %get3A_1151 = arith.index_cast %mul3A_1150 : i32 to index
      %get3A_1152 = tpu.vector_load %arg7[%get3A_1151] {strides = array<i32>} : memref<528xi32, #tpu.memory_space<vmem>>, vector<16xi32>,
      %mul3A_1153 = arith.constant 1 : i32
      %mul3A_1154 = arith.muli %add3A_1139, %mul3A_1153 : i32
      %get3A_1155 = arith.index_cast %mul3A_1154 : i32 to index
      %get3A_1156 = tpu.vector_load %arg8[%get3A_1155] {strides = array<i32>} : memref<528xi32, #tpu.memory_space<vmem>>, vector<16xi32>,
      %dma_wait3A_1157 = arith.constant 128 : i32
      %dma_wait3A_1158 = arith.constant 0 : i32
      %dma_wait3A_1159 = tpu.memref_slice %arg9[%dma_wait3A_1157, %dma_wait3A_1158] : memref<480x128xf32, #tpu.memory_space<vmem>> -> memref<32x128xf32, #tpu.memory_space<vmem>>
      %dma_wait3A_1160 = arith.constant 0 : i32
      %dma_wait3A_1161 = arith.constant 0 : i32
      %dma_wait3A_1162 = tpu.memref_slice %arg2[%dma_wait3A_1160, %dma_wait3A_1161] : memref<32x1000000xf32, #tpu.memory_space<hbm>> -> memref<32x128xf32, #tpu.memory_space<hbm>>
      %dma_wait3A_1163 = arith.constant 128 : i32
      %dma_wait3A_1164 = arith.constant 0 : i32
      %dma_wait3A_1165 = tpu.memref_slice %arg9[%dma_wait3A_1163, %dma_wait3A_1164] : memref<480x128xf32, #tpu.memory_space<vmem>> -> memref<32x128xf32, #tpu.memory_space<vmem>>
      %dma_wait3A_1166 = arith.constant 0 : i32
      %dma_wait3A_1167 = arith.constant 0 : i32
      %dma_wait3A_1168 = tpu.memref_slice %arg2[%dma_wait3A_1166, %dma_wait3A_1167] : memref<32x1000000xf32, #tpu.memory_space<hbm>> -> memref<32x128xf32, #tpu.memory_space<hbm>>
      tpu.wait_dma2 semaphore(%arg17 : memref<!tpu.dma_semaphore, #tpu.memory_space<semaphore_mem>>) src(%dma_wait3A_1168 : memref<32x128xf32, #tpu.memory_space<hbm>>) dst(%dma_wait3A_1165 : memref<32x128xf32, #tpu.memory_space<vmem>>)
      %dma_wait3A_1169 = arith.constant 128 : i32
      %dma_wait3A_1170 = arith.constant 0 : i32
      %dma_wait3A_1171 = tpu.memref_slice %arg10[%dma_wait3A_1169, %dma_wait3A_1170] : memref<480x128xf32, #tpu.memory_space<vmem>> -> memref<32x128xf32, #tpu.memory_space<vmem>>
      %dma_wait3A_1172 = arith.constant 0 : i32
      %dma_wait3A_1173 = arith.constant 0 : i32
      %dma_wait3A_1174 = tpu.memref_slice %arg3[%dma_wait3A_1172, %dma_wait3A_1173] : memref<32x1000000xf32, #tpu.memory_space<hbm>> -> memref<32x128xf32, #tpu.memory_space<hbm>>
      %dma_wait3A_1175 = arith.constant 128 : i32
      %dma_wait3A_1176 = arith.constant 0 : i32
      %dma_wait3A_1177 = tpu.memref_slice %arg10[%dma_wait3A_1175, %dma_wait3A_1176] : memref<480x128xf32, #tpu.memory_space<vmem>> -> memref<32x128xf32, #tpu.memory_space<vmem>>
      %dma_wait3A_1178 = arith.constant 0 : i32
      %dma_wait3A_1179 = arith.constant 0 : i32
      %dma_wait3A_1180 = tpu.memref_slice %arg3[%dma_wait3A_1178, %dma_wait3A_1179] : memref<32x1000000xf32, #tpu.memory_space<hbm>> -> memref<32x128xf32, #tpu.memory_space<hbm>>
      tpu.wait_dma2 semaphore(%arg17 : memref<!tpu.dma_semaphore, #tpu.memory_space<semaphore_mem>>) src(%dma_wait3A_1180 : memref<32x128xf32, #tpu.memory_space<hbm>>) dst(%dma_wait3A_1177 : memref<32x128xf32, #tpu.memory_space<vmem>>)
      %jit3A_1181 = arith.constant 16 : i32
      %eq3A_1182 = arith.constant 0 : i32
      %eq3A_1183 = arith.cmpi eq, %jit3A_1181, %eq3A_1182 : i32
      %jit3A_1184 = arith.constant 1 : i32
      %select_n3A_1185 = arith.select %eq3A_1183, %jit3A_1184, %jit3A_1181 : i32
      %rem3A_1186 = arith.remsi %add3A_1139, %select_n3A_1185 : i32
      %ne3A_1187 = arith.constant 0 : i32
      %ne3A_1188 = arith.cmpi ne, %rem3A_1186, %ne3A_1187 : i32
      %lt3A_1189 = arith.constant 0 : i32
      %lt3A_1190 = arith.cmpi slt, %rem3A_1186, %lt3A_1189 : i32
      %lt3A_1191 = arith.constant 0 : i32
      %lt3A_1192 = arith.cmpi slt, %select_n3A_1185, %lt3A_1191 : i32
      %ne3A_1193 = arith.xori %lt3A_1190, %lt3A_1192 : i1
      %and3A_1194 = arith.andi %ne3A_1193, %ne3A_1188 : i1
      %add3A_1195 = arith.addi %rem3A_1186, %select_n3A_1185 : i32
      %select_n3A_1196 = arith.select %and3A_1194, %add3A_1195, %rem3A_1186 : i32
      %mul3A_1197 = arith.constant 1 : i32
      %mul3A_1198 = arith.muli %select_n3A_1196, %mul3A_1197 : i32
      %add3A_1199 = arith.constant 0 : i32
      %add3A_1200 = arith.addi %mul3A_1198, %add3A_1199 : i32
      %slice3A_1201 = vector.extract_strided_slice %get3A_1152 {offsets = [0], sizes = [1], strides = [1]} : vector<16xi32> to vector<1xi32>
      %squeeze3A_1202 = vector.extract %slice3A_1201[0] : i32 from vector<1xi32>
      %and3A_1203 = arith.constant 127 : i32
      %and3A_1204 = arith.andi %squeeze3A_1202, %and3A_1203 : i32
      %broadcast_in_dim3A_1205 = vector.broadcast %and3A_1204 : i32 to vector<16xi32>
      %slice3A_1206 = vector.extract_strided_slice %get3A_1156 {offsets = [0], sizes = [1], strides = [1]} : vector<16xi32> to vector<1xi32>
      %squeeze3A_1207 = vector.extract %slice3A_1206[0] : i32 from vector<1xi32>
      %and3A_1208 = arith.constant 127 : i32
      %and3A_1209 = arith.andi %squeeze3A_1207, %and3A_1208 : i32
      %broadcast_in_dim3A_1210 = vector.broadcast %and3A_1209 : i32 to vector<16xi32>
      %add3A_1211 = arith.constant 128 : i32
      %add3A_1212 = vector.broadcast %add3A_1211 : i32 to vector<16xi32>
      %add3A_1213 = arith.addi %iota3A, %add3A_1212 : vector<16xi32>
      %add3A_1214 = arith.constant 16 : i32
      %add3A_1215 = vector.broadcast %add3A_1214 : i32 to vector<16xi32>
      %add3A_1216 = arith.addi %add3A_1213, %add3A_1215 : vector<16xi32>
      %gather3A_1217 = tpu.vector_load_idx %arg9[%add3A_1213, %broadcast_in_dim3A_1205] : memref<480x128xf32, #tpu.memory_space<vmem>>[vector<16xi32>, vector<16xi32>], vector<16xf32>,
      %gather3A_1218 = tpu.vector_load_idx %arg9[%add3A_1216, %broadcast_in_dim3A_1205] : memref<480x128xf32, #tpu.memory_space<vmem>>[vector<16xi32>, vector<16xi32>], vector<16xf32>,
      %gather3A_1219 = tpu.vector_load_idx %arg10[%add3A_1213, %broadcast_in_dim3A_1210] : memref<480x128xf32, #tpu.memory_space<vmem>>[vector<16xi32>, vector<16xi32>], vector<16xf32>,
      %gather3A_1220 = tpu.vector_load_idx %arg10[%add3A_1216, %broadcast_in_dim3A_1210] : memref<480x128xf32, #tpu.memory_space<vmem>>[vector<16xi32>, vector<16xi32>], vector<16xf32>,
      %mul3A_1221 = arith.mulf %gather3A_1217, %gather3A_1219 : vector<16xf32>
      %mul3A_1222 = arith.mulf %gather3A_1218, %gather3A_1220 : vector<16xf32>
      %add3A_1223 = arith.addf %mul3A_1221, %mul3A_1222 : vector<16xf32>
      %reduce_sum3A_1224 = arith.constant true
      %reduce_sum3A_1225 = vector.broadcast %reduce_sum3A_1224 : i1 to vector<16xi1>
      %reduce_sum3A_1226 = tpu.scan <sum>, %add3A_1223 masked %reduce_sum3A_1225 : vector<16xf32>, vector<16xi1> -> vector<16xf32>
      %reduce_sum3A_1227 = vector.extract %reduce_sum3A_1226[15] : f32 from vector<16xf32>
      %eq3A_1228 = vector.broadcast %add3A_1200 : i32 to vector<16xi32>
      %eq3A_1229 = arith.cmpi eq, %iota3A, %eq3A_1228 : vector<16xi32>
      %broadcast_in_dim3A_1230 = vector.broadcast %reduce_sum3A_1227 : f32 to vector<16xf32>
      %select_n3A_1231 = arith.select %eq3A_1229, %broadcast_in_dim3A_1230, %select_n3A_1114 : vector<16xi1>, vector<16xf32>
      %jit3A_1232 = arith.constant 16 : i32
      %eq3A_1233 = arith.constant 0 : i32
      %eq3A_1234 = arith.cmpi eq, %jit3A_1232, %eq3A_1233 : i32
      %jit3A_1235 = arith.constant 1 : i32
      %select_n3A_1236 = arith.select %eq3A_1234, %jit3A_1235, %jit3A_1232 : i32
      %rem3A_1237 = arith.remsi %add3A_1139, %select_n3A_1236 : i32
      %ne3A_1238 = arith.constant 0 : i32
      %ne3A_1239 = arith.cmpi ne, %rem3A_1237, %ne3A_1238 : i32
      %lt3A_1240 = arith.constant 0 : i32
      %lt3A_1241 = arith.cmpi slt, %rem3A_1237, %lt3A_1240 : i32
      %lt3A_1242 = arith.constant 0 : i32
      %lt3A_1243 = arith.cmpi slt, %select_n3A_1236, %lt3A_1242 : i32
      %ne3A_1244 = arith.xori %lt3A_1241, %lt3A_1243 : i1
      %and3A_1245 = arith.andi %ne3A_1244, %ne3A_1239 : i1
      %add3A_1246 = arith.addi %rem3A_1237, %select_n3A_1236 : i32
      %select_n3A_1247 = arith.select %and3A_1245, %add3A_1246, %rem3A_1237 : i32
      %eq3A_1248 = arith.constant 15 : i32
      %eq3A_1249 = arith.cmpi eq, %select_n3A_1247, %eq3A_1248 : i32
      %convert_element_type3A_1250 = arith.extui %eq3A_1249 : i1 to i32
      %cond3A_1251 = arith.constant 0 : i32
      %cond3A_1252 = arith.cmpi ne, %convert_element_type3A_1250, %cond3A_1251 : i32
      scf.if %cond3A_1252 {
        %jit3A_2423 = arith.constant 16 : i32
        %div3A = arith.divsi %add3A_1139, %jit3A_2423 : i32
        %sign3A = arith.constant 0 : i32
        %sign3A_2424 = arith.cmpi sgt, %add3A_1139, %sign3A : i32
        %sign3A_2425 = arith.extui %sign3A_2424 : i1 to i32
        %sign3A_2426 = arith.constant 0 : i32
        %sign3A_2427 = arith.cmpi slt, %add3A_1139, %sign3A_2426 : i32
        %sign3A_2428 = arith.extui %sign3A_2427 : i1 to i32
        %sign3A_2429 = arith.subi %sign3A_2425, %sign3A_2428 : i32
        %sign3A_2430 = arith.constant 0 : i32
        %sign3A_2431 = arith.cmpi sgt, %jit3A_2423, %sign3A_2430 : i32
        %sign3A_2432 = arith.extui %sign3A_2431 : i1 to i32
        %sign3A_2433 = arith.constant 0 : i32
        %sign3A_2434 = arith.cmpi slt, %jit3A_2423, %sign3A_2433 : i32
        %sign3A_2435 = arith.extui %sign3A_2434 : i1 to i32
        %sign3A_2436 = arith.subi %sign3A_2432, %sign3A_2435 : i32
        %ne3A_2437 = arith.cmpi ne, %sign3A_2429, %sign3A_2436 : i32
        %rem3A_2438 = arith.remsi %add3A_1139, %jit3A_2423 : i32
        %ne3A_2439 = arith.constant 0 : i32
        %ne3A_2440 = arith.cmpi ne, %rem3A_2438, %ne3A_2439 : i32
        %and3A_2441 = arith.andi %ne3A_2437, %ne3A_2440 : i1
        %sub3A_2442 = arith.constant 1 : i32
        %sub3A_2443 = arith.subi %div3A, %sub3A_2442 : i32
        %select_n3A_2444 = arith.select %and3A_2441, %sub3A_2443, %div3A : i32
        %mul3A_2445 = arith.constant 16 : i32
        %mul3A_2446 = arith.muli %select_n3A_2444, %mul3A_2445 : i32
        %swap3A_2447 = arith.index_cast %mul3A_2446 : i32 to index
        %swap3A_2448 = tpu.vector_load %arg11[%swap3A_2447] {strides = array<i32>} : memref<512xf32, #tpu.memory_space<vmem>>, vector<16xf32>,
        tpu.vector_store %arg11[%swap3A_2447], %select_n3A_1231 {strides = array<i32>} : memref<512xf32, #tpu.memory_space<vmem>>, vector<16xf32>,
      } else {
      }
      %mul3A_1253 = arith.constant 15 : i32
      %mul3A_1254 = arith.muli %scan3A_673, %mul3A_1253 : i32
      %add3A_1255 = arith.constant 5 : i32
      %add3A_1256 = arith.addi %mul3A_1254, %add3A_1255 : i32
      %add3A_1257 = arith.constant 15 : i32
      %add3A_1258 = arith.addi %add3A_1256, %add3A_1257 : i32
      %sub3A_1259 = arith.constant 1 : i32
      %sub3A_1260 = arith.subi %add3A_1258, %sub3A_1259 : i32
      %lt3A_1261 = arith.constant 512 : i32
      %lt3A_1262 = arith.cmpi slt, %sub3A_1260, %lt3A_1261 : i32
      %convert_element_type3A_1263 = arith.extui %lt3A_1262 : i1 to i32
      %cond3A_1264 = arith.constant 0 : i32
      %cond3A_1265 = arith.cmpi ne, %convert_element_type3A_1263, %cond3A_1264 : i32
      scf.if %cond3A_1265 {
        %add3A_2423 = arith.constant 15 : i32
        %add3A_2424 = arith.addi %add3A_1256, %add3A_2423 : i32
        %sub3A_2425 = arith.constant 1 : i32
        %sub3A_2426 = arith.subi %add3A_2424, %sub3A_2425 : i32
        %mul3A_2427 = arith.constant 1 : i32
        %mul3A_2428 = arith.muli %sub3A_2426, %mul3A_2427 : i32
        %get3A_2429 = arith.index_cast %mul3A_2428 : i32 to index
        %get3A_2430 = tpu.vector_load %arg7[%get3A_2429] {strides = array<i32>} : memref<528xi32, #tpu.memory_space<vmem>>, vector<16xi32>,
        %mul3A_2431 = arith.constant 1 : i32
        %mul3A_2432 = arith.muli %sub3A_2426, %mul3A_2431 : i32
        %get3A_2433 = arith.index_cast %mul3A_2432 : i32 to index
        %get3A_2434 = tpu.vector_load %arg8[%get3A_2433] {strides = array<i32>} : memref<528xi32, #tpu.memory_space<vmem>>, vector<16xi32>,
        %slice3A_2435 = vector.extract_strided_slice %get3A_2430 {offsets = [0], sizes = [1], strides = [1]} : vector<16xi32> to vector<1xi32>
        %squeeze3A_2436 = vector.extract %slice3A_2435[0] : i32 from vector<1xi32>
        %shift_right_arithmetic3A_2437 = arith.constant 7 : i32
        %shift_right_arithmetic3A_2438 = arith.shrsi %squeeze3A_2436, %shift_right_arithmetic3A_2437 : i32
        %shift_left3A_2439 = arith.constant 7 : i32
        %shift_left3A_2440 = arith.shli %shift_right_arithmetic3A_2438, %shift_left3A_2439 : i32
        %multiple_of3A_2441 = tpu.assume_multiple %shift_left3A_2440, 128 : i32
        %slice3A_2442 = vector.extract_strided_slice %get3A_2434 {offsets = [0], sizes = [1], strides = [1]} : vector<16xi32> to vector<1xi32>
        %squeeze3A_2443 = vector.extract %slice3A_2442[0] : i32 from vector<1xi32>
        %shift_right_arithmetic3A_2444 = arith.constant 7 : i32
        %shift_right_arithmetic3A_2445 = arith.shrsi %squeeze3A_2443, %shift_right_arithmetic3A_2444 : i32
        %shift_left3A_2446 = arith.constant 7 : i32
        %shift_left3A_2447 = arith.shli %shift_right_arithmetic3A_2445, %shift_left3A_2446 : i32
        %multiple_of3A_2448 = tpu.assume_multiple %shift_left3A_2447, 128 : i32
        %dma_start3A_2449 = arith.constant 128 : i32
        %dma_start3A_2450 = arith.constant 0 : i32
        %dma_start3A_2451 = tpu.memref_slice %arg9[%dma_start3A_2449, %dma_start3A_2450] : memref<480x128xf32, #tpu.memory_space<vmem>> -> memref<32x128xf32, #tpu.memory_space<vmem>>
        %dma_start3A_2452 = arith.constant 0 : i32
        %dma_start3A_2453 = tpu.memref_slice %arg2[%dma_start3A_2452, %multiple_of3A_2441] : memref<32x1000000xf32, #tpu.memory_space<hbm>> -> memref<32x128xf32, #tpu.memory_space<hbm>>
        %dma_start3A_2454 = arith.constant 128 : i32
        %dma_start3A_2455 = arith.constant 0 : i32
        %dma_start3A_2456 = tpu.memref_slice %arg9[%dma_start3A_2454, %dma_start3A_2455] : memref<480x128xf32, #tpu.memory_space<vmem>> -> memref<32x128xf32, #tpu.memory_space<vmem>>
        %dma_start3A_2457 = arith.constant 0 : i32
        %dma_start3A_2458 = tpu.memref_slice %arg2[%dma_start3A_2457, %multiple_of3A_2441] : memref<32x1000000xf32, #tpu.memory_space<hbm>> -> memref<32x128xf32, #tpu.memory_space<hbm>>
        tpu.enqueue_dma source(%dma_start3A_2458 : memref<32x128xf32, #tpu.memory_space<hbm>>) target(%dma_start3A_2456 : memref<32x128xf32, #tpu.memory_space<vmem>>) target_semaphore(%arg17 : memref<!tpu.dma_semaphore, #tpu.memory_space<semaphore_mem>>)
        %dma_start3A_2459 = arith.constant 128 : i32
        %dma_start3A_2460 = arith.constant 0 : i32
        %dma_start3A_2461 = tpu.memref_slice %arg10[%dma_start3A_2459, %dma_start3A_2460] : memref<480x128xf32, #tpu.memory_space<vmem>> -> memref<32x128xf32, #tpu.memory_space<vmem>>
        %dma_start3A_2462 = arith.constant 0 : i32
        %dma_start3A_2463 = tpu.memref_slice %arg3[%dma_start3A_2462, %multiple_of3A_2448] : memref<32x1000000xf32, #tpu.memory_space<hbm>> -> memref<32x128xf32, #tpu.memory_space<hbm>>
        %dma_start3A_2464 = arith.constant 128 : i32
        %dma_start3A_2465 = arith.constant 0 : i32
        %dma_start3A_2466 = tpu.memref_slice %arg10[%dma_start3A_2464, %dma_start3A_2465] : memref<480x128xf32, #tpu.memory_space<vmem>> -> memref<32x128xf32, #tpu.memory_space<vmem>>
        %dma_start3A_2467 = arith.constant 0 : i32
        %dma_start3A_2468 = tpu.memref_slice %arg3[%dma_start3A_2467, %multiple_of3A_2448] : memref<32x1000000xf32, #tpu.memory_space<hbm>> -> memref<32x128xf32, #tpu.memory_space<hbm>>
        tpu.enqueue_dma source(%dma_start3A_2468 : memref<32x128xf32, #tpu.memory_space<hbm>>) target(%dma_start3A_2466 : memref<32x128xf32, #tpu.memory_space<vmem>>) target_semaphore(%arg17 : memref<!tpu.dma_semaphore, #tpu.memory_space<semaphore_mem>>)
      } else {
      }
      %mul3A_1266 = arith.constant 1 : i32
      %mul3A_1267 = arith.muli %add3A_1256, %mul3A_1266 : i32
      %get3A_1268 = arith.index_cast %mul3A_1267 : i32 to index
      %get3A_1269 = tpu.vector_load %arg7[%get3A_1268] {strides = array<i32>} : memref<528xi32, #tpu.memory_space<vmem>>, vector<16xi32>,
      %mul3A_1270 = arith.constant 1 : i32
      %mul3A_1271 = arith.muli %add3A_1256, %mul3A_1270 : i32
      %get3A_1272 = arith.index_cast %mul3A_1271 : i32 to index
      %get3A_1273 = tpu.vector_load %arg8[%get3A_1272] {strides = array<i32>} : memref<528xi32, #tpu.memory_space<vmem>>, vector<16xi32>,
      %dma_wait3A_1274 = arith.constant 160 : i32
      %dma_wait3A_1275 = arith.constant 0 : i32
      %dma_wait3A_1276 = tpu.memref_slice %arg9[%dma_wait3A_1274, %dma_wait3A_1275] : memref<480x128xf32, #tpu.memory_space<vmem>> -> memref<32x128xf32, #tpu.memory_space<vmem>>
      %dma_wait3A_1277 = arith.constant 0 : i32
      %dma_wait3A_1278 = arith.constant 0 : i32
      %dma_wait3A_1279 = tpu.memref_slice %arg2[%dma_wait3A_1277, %dma_wait3A_1278] : memref<32x1000000xf32, #tpu.memory_space<hbm>> -> memref<32x128xf32, #tpu.memory_space<hbm>>
      %dma_wait3A_1280 = arith.constant 160 : i32
      %dma_wait3A_1281 = arith.constant 0 : i32
      %dma_wait3A_1282 = tpu.memref_slice %arg9[%dma_wait3A_1280, %dma_wait3A_1281] : memref<480x128xf32, #tpu.memory_space<vmem>> -> memref<32x128xf32, #tpu.memory_space<vmem>>
      %dma_wait3A_1283 = arith.constant 0 : i32
      %dma_wait3A_1284 = arith.constant 0 : i32
      %dma_wait3A_1285 = tpu.memref_slice %arg2[%dma_wait3A_1283, %dma_wait3A_1284] : memref<32x1000000xf32, #tpu.memory_space<hbm>> -> memref<32x128xf32, #tpu.memory_space<hbm>>
      tpu.wait_dma2 semaphore(%arg18 : memref<!tpu.dma_semaphore, #tpu.memory_space<semaphore_mem>>) src(%dma_wait3A_1285 : memref<32x128xf32, #tpu.memory_space<hbm>>) dst(%dma_wait3A_1282 : memref<32x128xf32, #tpu.memory_space<vmem>>)
      %dma_wait3A_1286 = arith.constant 160 : i32
      %dma_wait3A_1287 = arith.constant 0 : i32
      %dma_wait3A_1288 = tpu.memref_slice %arg10[%dma_wait3A_1286, %dma_wait3A_1287] : memref<480x128xf32, #tpu.memory_space<vmem>> -> memref<32x128xf32, #tpu.memory_space<vmem>>
      %dma_wait3A_1289 = arith.constant 0 : i32
      %dma_wait3A_1290 = arith.constant 0 : i32
      %dma_wait3A_1291 = tpu.memref_slice %arg3[%dma_wait3A_1289, %dma_wait3A_1290] : memref<32x1000000xf32, #tpu.memory_space<hbm>> -> memref<32x128xf32, #tpu.memory_space<hbm>>
      %dma_wait3A_1292 = arith.constant 160 : i32
      %dma_wait3A_1293 = arith.constant 0 : i32
      %dma_wait3A_1294 = tpu.memref_slice %arg10[%dma_wait3A_1292, %dma_wait3A_1293] : memref<480x128xf32, #tpu.memory_space<vmem>> -> memref<32x128xf32, #tpu.memory_space<vmem>>
      %dma_wait3A_1295 = arith.constant 0 : i32
      %dma_wait3A_1296 = arith.constant 0 : i32
      %dma_wait3A_1297 = tpu.memref_slice %arg3[%dma_wait3A_1295, %dma_wait3A_1296] : memref<32x1000000xf32, #tpu.memory_space<hbm>> -> memref<32x128xf32, #tpu.memory_space<hbm>>
      tpu.wait_dma2 semaphore(%arg18 : memref<!tpu.dma_semaphore, #tpu.memory_space<semaphore_mem>>) src(%dma_wait3A_1297 : memref<32x128xf32, #tpu.memory_space<hbm>>) dst(%dma_wait3A_1294 : memref<32x128xf32, #tpu.memory_space<vmem>>)
      %jit3A_1298 = arith.constant 16 : i32
      %eq3A_1299 = arith.constant 0 : i32
      %eq3A_1300 = arith.cmpi eq, %jit3A_1298, %eq3A_1299 : i32
      %jit3A_1301 = arith.constant 1 : i32
      %select_n3A_1302 = arith.select %eq3A_1300, %jit3A_1301, %jit3A_1298 : i32
      %rem3A_1303 = arith.remsi %add3A_1256, %select_n3A_1302 : i32
      %ne3A_1304 = arith.constant 0 : i32
      %ne3A_1305 = arith.cmpi ne, %rem3A_1303, %ne3A_1304 : i32
      %lt3A_1306 = arith.constant 0 : i32
      %lt3A_1307 = arith.cmpi slt, %rem3A_1303, %lt3A_1306 : i32
      %lt3A_1308 = arith.constant 0 : i32
      %lt3A_1309 = arith.cmpi slt, %select_n3A_1302, %lt3A_1308 : i32
      %ne3A_1310 = arith.xori %lt3A_1307, %lt3A_1309 : i1
      %and3A_1311 = arith.andi %ne3A_1310, %ne3A_1305 : i1
      %add3A_1312 = arith.addi %rem3A_1303, %select_n3A_1302 : i32
      %select_n3A_1313 = arith.select %and3A_1311, %add3A_1312, %rem3A_1303 : i32
      %mul3A_1314 = arith.constant 1 : i32
      %mul3A_1315 = arith.muli %select_n3A_1313, %mul3A_1314 : i32
      %add3A_1316 = arith.constant 0 : i32
      %add3A_1317 = arith.addi %mul3A_1315, %add3A_1316 : i32
      %slice3A_1318 = vector.extract_strided_slice %get3A_1269 {offsets = [0], sizes = [1], strides = [1]} : vector<16xi32> to vector<1xi32>
      %squeeze3A_1319 = vector.extract %slice3A_1318[0] : i32 from vector<1xi32>
      %and3A_1320 = arith.constant 127 : i32
      %and3A_1321 = arith.andi %squeeze3A_1319, %and3A_1320 : i32
      %broadcast_in_dim3A_1322 = vector.broadcast %and3A_1321 : i32 to vector<16xi32>
      %slice3A_1323 = vector.extract_strided_slice %get3A_1273 {offsets = [0], sizes = [1], strides = [1]} : vector<16xi32> to vector<1xi32>
      %squeeze3A_1324 = vector.extract %slice3A_1323[0] : i32 from vector<1xi32>
      %and3A_1325 = arith.constant 127 : i32
      %and3A_1326 = arith.andi %squeeze3A_1324, %and3A_1325 : i32
      %broadcast_in_dim3A_1327 = vector.broadcast %and3A_1326 : i32 to vector<16xi32>
      %add3A_1328 = arith.constant 160 : i32
      %add3A_1329 = vector.broadcast %add3A_1328 : i32 to vector<16xi32>
      %add3A_1330 = arith.addi %iota3A, %add3A_1329 : vector<16xi32>
      %add3A_1331 = arith.constant 16 : i32
      %add3A_1332 = vector.broadcast %add3A_1331 : i32 to vector<16xi32>
      %add3A_1333 = arith.addi %add3A_1330, %add3A_1332 : vector<16xi32>
      %gather3A_1334 = tpu.vector_load_idx %arg9[%add3A_1330, %broadcast_in_dim3A_1322] : memref<480x128xf32, #tpu.memory_space<vmem>>[vector<16xi32>, vector<16xi32>], vector<16xf32>,
      %gather3A_1335 = tpu.vector_load_idx %arg9[%add3A_1333, %broadcast_in_dim3A_1322] : memref<480x128xf32, #tpu.memory_space<vmem>>[vector<16xi32>, vector<16xi32>], vector<16xf32>,
      %gather3A_1336 = tpu.vector_load_idx %arg10[%add3A_1330, %broadcast_in_dim3A_1327] : memref<480x128xf32, #tpu.memory_space<vmem>>[vector<16xi32>, vector<16xi32>], vector<16xf32>,
      %gather3A_1337 = tpu.vector_load_idx %arg10[%add3A_1333, %broadcast_in_dim3A_1327] : memref<480x128xf32, #tpu.memory_space<vmem>>[vector<16xi32>, vector<16xi32>], vector<16xf32>,
      %mul3A_1338 = arith.mulf %gather3A_1334, %gather3A_1336 : vector<16xf32>
      %mul3A_1339 = arith.mulf %gather3A_1335, %gather3A_1337 : vector<16xf32>
      %add3A_1340 = arith.addf %mul3A_1338, %mul3A_1339 : vector<16xf32>
      %reduce_sum3A_1341 = arith.constant true
      %reduce_sum3A_1342 = vector.broadcast %reduce_sum3A_1341 : i1 to vector<16xi1>
      %reduce_sum3A_1343 = tpu.scan <sum>, %add3A_1340 masked %reduce_sum3A_1342 : vector<16xf32>, vector<16xi1> -> vector<16xf32>
      %reduce_sum3A_1344 = vector.extract %reduce_sum3A_1343[15] : f32 from vector<16xf32>
      %eq3A_1345 = vector.broadcast %add3A_1317 : i32 to vector<16xi32>
      %eq3A_1346 = arith.cmpi eq, %iota3A, %eq3A_1345 : vector<16xi32>
      %broadcast_in_dim3A_1347 = vector.broadcast %reduce_sum3A_1344 : f32 to vector<16xf32>
      %select_n3A_1348 = arith.select %eq3A_1346, %broadcast_in_dim3A_1347, %select_n3A_1231 : vector<16xi1>, vector<16xf32>
      %jit3A_1349 = arith.constant 16 : i32
      %eq3A_1350 = arith.constant 0 : i32
      %eq3A_1351 = arith.cmpi eq, %jit3A_1349, %eq3A_1350 : i32
      %jit3A_1352 = arith.constant 1 : i32
      %select_n3A_1353 = arith.select %eq3A_1351, %jit3A_1352, %jit3A_1349 : i32
      %rem3A_1354 = arith.remsi %add3A_1256, %select_n3A_1353 : i32
      %ne3A_1355 = arith.constant 0 : i32
      %ne3A_1356 = arith.cmpi ne, %rem3A_1354, %ne3A_1355 : i32
      %lt3A_1357 = arith.constant 0 : i32
      %lt3A_1358 = arith.cmpi slt, %rem3A_1354, %lt3A_1357 : i32
      %lt3A_1359 = arith.constant 0 : i32
      %lt3A_1360 = arith.cmpi slt, %select_n3A_1353, %lt3A_1359 : i32
      %ne3A_1361 = arith.xori %lt3A_1358, %lt3A_1360 : i1
      %and3A_1362 = arith.andi %ne3A_1361, %ne3A_1356 : i1
      %add3A_1363 = arith.addi %rem3A_1354, %select_n3A_1353 : i32
      %select_n3A_1364 = arith.select %and3A_1362, %add3A_1363, %rem3A_1354 : i32
      %eq3A_1365 = arith.constant 15 : i32
      %eq3A_1366 = arith.cmpi eq, %select_n3A_1364, %eq3A_1365 : i32
      %convert_element_type3A_1367 = arith.extui %eq3A_1366 : i1 to i32
      %cond3A_1368 = arith.constant 0 : i32
      %cond3A_1369 = arith.cmpi ne, %convert_element_type3A_1367, %cond3A_1368 : i32
      scf.if %cond3A_1369 {
        %jit3A_2423 = arith.constant 16 : i32
        %div3A = arith.divsi %add3A_1256, %jit3A_2423 : i32
        %sign3A = arith.constant 0 : i32
        %sign3A_2424 = arith.cmpi sgt, %add3A_1256, %sign3A : i32
        %sign3A_2425 = arith.extui %sign3A_2424 : i1 to i32
        %sign3A_2426 = arith.constant 0 : i32
        %sign3A_2427 = arith.cmpi slt, %add3A_1256, %sign3A_2426 : i32
        %sign3A_2428 = arith.extui %sign3A_2427 : i1 to i32
        %sign3A_2429 = arith.subi %sign3A_2425, %sign3A_2428 : i32
        %sign3A_2430 = arith.constant 0 : i32
        %sign3A_2431 = arith.cmpi sgt, %jit3A_2423, %sign3A_2430 : i32
        %sign3A_2432 = arith.extui %sign3A_2431 : i1 to i32
        %sign3A_2433 = arith.constant 0 : i32
        %sign3A_2434 = arith.cmpi slt, %jit3A_2423, %sign3A_2433 : i32
        %sign3A_2435 = arith.extui %sign3A_2434 : i1 to i32
        %sign3A_2436 = arith.subi %sign3A_2432, %sign3A_2435 : i32
        %ne3A_2437 = arith.cmpi ne, %sign3A_2429, %sign3A_2436 : i32
        %rem3A_2438 = arith.remsi %add3A_1256, %jit3A_2423 : i32
        %ne3A_2439 = arith.constant 0 : i32
        %ne3A_2440 = arith.cmpi ne, %rem3A_2438, %ne3A_2439 : i32
        %and3A_2441 = arith.andi %ne3A_2437, %ne3A_2440 : i1
        %sub3A_2442 = arith.constant 1 : i32
        %sub3A_2443 = arith.subi %div3A, %sub3A_2442 : i32
        %select_n3A_2444 = arith.select %and3A_2441, %sub3A_2443, %div3A : i32
        %mul3A_2445 = arith.constant 16 : i32
        %mul3A_2446 = arith.muli %select_n3A_2444, %mul3A_2445 : i32
        %swap3A_2447 = arith.index_cast %mul3A_2446 : i32 to index
        %swap3A_2448 = tpu.vector_load %arg11[%swap3A_2447] {strides = array<i32>} : memref<512xf32, #tpu.memory_space<vmem>>, vector<16xf32>,
        tpu.vector_store %arg11[%swap3A_2447], %select_n3A_1348 {strides = array<i32>} : memref<512xf32, #tpu.memory_space<vmem>>, vector<16xf32>,
      } else {
      }
      %mul3A_1370 = arith.constant 15 : i32
      %mul3A_1371 = arith.muli %scan3A_673, %mul3A_1370 : i32
      %add3A_1372 = arith.constant 6 : i32
      %add3A_1373 = arith.addi %mul3A_1371, %add3A_1372 : i32
      %add3A_1374 = arith.constant 15 : i32
      %add3A_1375 = arith.addi %add3A_1373, %add3A_1374 : i32
      %sub3A_1376 = arith.constant 1 : i32
      %sub3A_1377 = arith.subi %add3A_1375, %sub3A_1376 : i32
      %lt3A_1378 = arith.constant 512 : i32
      %lt3A_1379 = arith.cmpi slt, %sub3A_1377, %lt3A_1378 : i32
      %convert_element_type3A_1380 = arith.extui %lt3A_1379 : i1 to i32
      %cond3A_1381 = arith.constant 0 : i32
      %cond3A_1382 = arith.cmpi ne, %convert_element_type3A_1380, %cond3A_1381 : i32
      scf.if %cond3A_1382 {
        %add3A_2423 = arith.constant 15 : i32
        %add3A_2424 = arith.addi %add3A_1373, %add3A_2423 : i32
        %sub3A_2425 = arith.constant 1 : i32
        %sub3A_2426 = arith.subi %add3A_2424, %sub3A_2425 : i32
        %mul3A_2427 = arith.constant 1 : i32
        %mul3A_2428 = arith.muli %sub3A_2426, %mul3A_2427 : i32
        %get3A_2429 = arith.index_cast %mul3A_2428 : i32 to index
        %get3A_2430 = tpu.vector_load %arg7[%get3A_2429] {strides = array<i32>} : memref<528xi32, #tpu.memory_space<vmem>>, vector<16xi32>,
        %mul3A_2431 = arith.constant 1 : i32
        %mul3A_2432 = arith.muli %sub3A_2426, %mul3A_2431 : i32
        %get3A_2433 = arith.index_cast %mul3A_2432 : i32 to index
        %get3A_2434 = tpu.vector_load %arg8[%get3A_2433] {strides = array<i32>} : memref<528xi32, #tpu.memory_space<vmem>>, vector<16xi32>,
        %slice3A_2435 = vector.extract_strided_slice %get3A_2430 {offsets = [0], sizes = [1], strides = [1]} : vector<16xi32> to vector<1xi32>
        %squeeze3A_2436 = vector.extract %slice3A_2435[0] : i32 from vector<1xi32>
        %shift_right_arithmetic3A_2437 = arith.constant 7 : i32
        %shift_right_arithmetic3A_2438 = arith.shrsi %squeeze3A_2436, %shift_right_arithmetic3A_2437 : i32
        %shift_left3A_2439 = arith.constant 7 : i32
        %shift_left3A_2440 = arith.shli %shift_right_arithmetic3A_2438, %shift_left3A_2439 : i32
        %multiple_of3A_2441 = tpu.assume_multiple %shift_left3A_2440, 128 : i32
        %slice3A_2442 = vector.extract_strided_slice %get3A_2434 {offsets = [0], sizes = [1], strides = [1]} : vector<16xi32> to vector<1xi32>
        %squeeze3A_2443 = vector.extract %slice3A_2442[0] : i32 from vector<1xi32>
        %shift_right_arithmetic3A_2444 = arith.constant 7 : i32
        %shift_right_arithmetic3A_2445 = arith.shrsi %squeeze3A_2443, %shift_right_arithmetic3A_2444 : i32
        %shift_left3A_2446 = arith.constant 7 : i32
        %shift_left3A_2447 = arith.shli %shift_right_arithmetic3A_2445, %shift_left3A_2446 : i32
        %multiple_of3A_2448 = tpu.assume_multiple %shift_left3A_2447, 128 : i32
        %dma_start3A_2449 = arith.constant 160 : i32
        %dma_start3A_2450 = arith.constant 0 : i32
        %dma_start3A_2451 = tpu.memref_slice %arg9[%dma_start3A_2449, %dma_start3A_2450] : memref<480x128xf32, #tpu.memory_space<vmem>> -> memref<32x128xf32, #tpu.memory_space<vmem>>
        %dma_start3A_2452 = arith.constant 0 : i32
        %dma_start3A_2453 = tpu.memref_slice %arg2[%dma_start3A_2452, %multiple_of3A_2441] : memref<32x1000000xf32, #tpu.memory_space<hbm>> -> memref<32x128xf32, #tpu.memory_space<hbm>>
        %dma_start3A_2454 = arith.constant 160 : i32
        %dma_start3A_2455 = arith.constant 0 : i32
        %dma_start3A_2456 = tpu.memref_slice %arg9[%dma_start3A_2454, %dma_start3A_2455] : memref<480x128xf32, #tpu.memory_space<vmem>> -> memref<32x128xf32, #tpu.memory_space<vmem>>
        %dma_start3A_2457 = arith.constant 0 : i32
        %dma_start3A_2458 = tpu.memref_slice %arg2[%dma_start3A_2457, %multiple_of3A_2441] : memref<32x1000000xf32, #tpu.memory_space<hbm>> -> memref<32x128xf32, #tpu.memory_space<hbm>>
        tpu.enqueue_dma source(%dma_start3A_2458 : memref<32x128xf32, #tpu.memory_space<hbm>>) target(%dma_start3A_2456 : memref<32x128xf32, #tpu.memory_space<vmem>>) target_semaphore(%arg18 : memref<!tpu.dma_semaphore, #tpu.memory_space<semaphore_mem>>)
        %dma_start3A_2459 = arith.constant 160 : i32
        %dma_start3A_2460 = arith.constant 0 : i32
        %dma_start3A_2461 = tpu.memref_slice %arg10[%dma_start3A_2459, %dma_start3A_2460] : memref<480x128xf32, #tpu.memory_space<vmem>> -> memref<32x128xf32, #tpu.memory_space<vmem>>
        %dma_start3A_2462 = arith.constant 0 : i32
        %dma_start3A_2463 = tpu.memref_slice %arg3[%dma_start3A_2462, %multiple_of3A_2448] : memref<32x1000000xf32, #tpu.memory_space<hbm>> -> memref<32x128xf32, #tpu.memory_space<hbm>>
        %dma_start3A_2464 = arith.constant 160 : i32
        %dma_start3A_2465 = arith.constant 0 : i32
        %dma_start3A_2466 = tpu.memref_slice %arg10[%dma_start3A_2464, %dma_start3A_2465] : memref<480x128xf32, #tpu.memory_space<vmem>> -> memref<32x128xf32, #tpu.memory_space<vmem>>
        %dma_start3A_2467 = arith.constant 0 : i32
        %dma_start3A_2468 = tpu.memref_slice %arg3[%dma_start3A_2467, %multiple_of3A_2448] : memref<32x1000000xf32, #tpu.memory_space<hbm>> -> memref<32x128xf32, #tpu.memory_space<hbm>>
        tpu.enqueue_dma source(%dma_start3A_2468 : memref<32x128xf32, #tpu.memory_space<hbm>>) target(%dma_start3A_2466 : memref<32x128xf32, #tpu.memory_space<vmem>>) target_semaphore(%arg18 : memref<!tpu.dma_semaphore, #tpu.memory_space<semaphore_mem>>)
      } else {
      }
      %mul3A_1383 = arith.constant 1 : i32
      %mul3A_1384 = arith.muli %add3A_1373, %mul3A_1383 : i32
      %get3A_1385 = arith.index_cast %mul3A_1384 : i32 to index
      %get3A_1386 = tpu.vector_load %arg7[%get3A_1385] {strides = array<i32>} : memref<528xi32, #tpu.memory_space<vmem>>, vector<16xi32>,
      %mul3A_1387 = arith.constant 1 : i32
      %mul3A_1388 = arith.muli %add3A_1373, %mul3A_1387 : i32
      %get3A_1389 = arith.index_cast %mul3A_1388 : i32 to index
      %get3A_1390 = tpu.vector_load %arg8[%get3A_1389] {strides = array<i32>} : memref<528xi32, #tpu.memory_space<vmem>>, vector<16xi32>,
      %dma_wait3A_1391 = arith.constant 192 : i32
      %dma_wait3A_1392 = arith.constant 0 : i32
      %dma_wait3A_1393 = tpu.memref_slice %arg9[%dma_wait3A_1391, %dma_wait3A_1392] : memref<480x128xf32, #tpu.memory_space<vmem>> -> memref<32x128xf32, #tpu.memory_space<vmem>>
      %dma_wait3A_1394 = arith.constant 0 : i32
      %dma_wait3A_1395 = arith.constant 0 : i32
      %dma_wait3A_1396 = tpu.memref_slice %arg2[%dma_wait3A_1394, %dma_wait3A_1395] : memref<32x1000000xf32, #tpu.memory_space<hbm>> -> memref<32x128xf32, #tpu.memory_space<hbm>>
      %dma_wait3A_1397 = arith.constant 192 : i32
      %dma_wait3A_1398 = arith.constant 0 : i32
      %dma_wait3A_1399 = tpu.memref_slice %arg9[%dma_wait3A_1397, %dma_wait3A_1398] : memref<480x128xf32, #tpu.memory_space<vmem>> -> memref<32x128xf32, #tpu.memory_space<vmem>>
      %dma_wait3A_1400 = arith.constant 0 : i32
      %dma_wait3A_1401 = arith.constant 0 : i32
      %dma_wait3A_1402 = tpu.memref_slice %arg2[%dma_wait3A_1400, %dma_wait3A_1401] : memref<32x1000000xf32, #tpu.memory_space<hbm>> -> memref<32x128xf32, #tpu.memory_space<hbm>>
      tpu.wait_dma2 semaphore(%arg19 : memref<!tpu.dma_semaphore, #tpu.memory_space<semaphore_mem>>) src(%dma_wait3A_1402 : memref<32x128xf32, #tpu.memory_space<hbm>>) dst(%dma_wait3A_1399 : memref<32x128xf32, #tpu.memory_space<vmem>>)
      %dma_wait3A_1403 = arith.constant 192 : i32
      %dma_wait3A_1404 = arith.constant 0 : i32
      %dma_wait3A_1405 = tpu.memref_slice %arg10[%dma_wait3A_1403, %dma_wait3A_1404] : memref<480x128xf32, #tpu.memory_space<vmem>> -> memref<32x128xf32, #tpu.memory_space<vmem>>
      %dma_wait3A_1406 = arith.constant 0 : i32
      %dma_wait3A_1407 = arith.constant 0 : i32
      %dma_wait3A_1408 = tpu.memref_slice %arg3[%dma_wait3A_1406, %dma_wait3A_1407] : memref<32x1000000xf32, #tpu.memory_space<hbm>> -> memref<32x128xf32, #tpu.memory_space<hbm>>
      %dma_wait3A_1409 = arith.constant 192 : i32
      %dma_wait3A_1410 = arith.constant 0 : i32
      %dma_wait3A_1411 = tpu.memref_slice %arg10[%dma_wait3A_1409, %dma_wait3A_1410] : memref<480x128xf32, #tpu.memory_space<vmem>> -> memref<32x128xf32, #tpu.memory_space<vmem>>
      %dma_wait3A_1412 = arith.constant 0 : i32
      %dma_wait3A_1413 = arith.constant 0 : i32
      %dma_wait3A_1414 = tpu.memref_slice %arg3[%dma_wait3A_1412, %dma_wait3A_1413] : memref<32x1000000xf32, #tpu.memory_space<hbm>> -> memref<32x128xf32, #tpu.memory_space<hbm>>
      tpu.wait_dma2 semaphore(%arg19 : memref<!tpu.dma_semaphore, #tpu.memory_space<semaphore_mem>>) src(%dma_wait3A_1414 : memref<32x128xf32, #tpu.memory_space<hbm>>) dst(%dma_wait3A_1411 : memref<32x128xf32, #tpu.memory_space<vmem>>)
      %jit3A_1415 = arith.constant 16 : i32
      %eq3A_1416 = arith.constant 0 : i32
      %eq3A_1417 = arith.cmpi eq, %jit3A_1415, %eq3A_1416 : i32
      %jit3A_1418 = arith.constant 1 : i32
      %select_n3A_1419 = arith.select %eq3A_1417, %jit3A_1418, %jit3A_1415 : i32
      %rem3A_1420 = arith.remsi %add3A_1373, %select_n3A_1419 : i32
      %ne3A_1421 = arith.constant 0 : i32
      %ne3A_1422 = arith.cmpi ne, %rem3A_1420, %ne3A_1421 : i32
      %lt3A_1423 = arith.constant 0 : i32
      %lt3A_1424 = arith.cmpi slt, %rem3A_1420, %lt3A_1423 : i32
      %lt3A_1425 = arith.constant 0 : i32
      %lt3A_1426 = arith.cmpi slt, %select_n3A_1419, %lt3A_1425 : i32
      %ne3A_1427 = arith.xori %lt3A_1424, %lt3A_1426 : i1
      %and3A_1428 = arith.andi %ne3A_1427, %ne3A_1422 : i1
      %add3A_1429 = arith.addi %rem3A_1420, %select_n3A_1419 : i32
      %select_n3A_1430 = arith.select %and3A_1428, %add3A_1429, %rem3A_1420 : i32
      %mul3A_1431 = arith.constant 1 : i32
      %mul3A_1432 = arith.muli %select_n3A_1430, %mul3A_1431 : i32
      %add3A_1433 = arith.constant 0 : i32
      %add3A_1434 = arith.addi %mul3A_1432, %add3A_1433 : i32
      %slice3A_1435 = vector.extract_strided_slice %get3A_1386 {offsets = [0], sizes = [1], strides = [1]} : vector<16xi32> to vector<1xi32>
      %squeeze3A_1436 = vector.extract %slice3A_1435[0] : i32 from vector<1xi32>
      %and3A_1437 = arith.constant 127 : i32
      %and3A_1438 = arith.andi %squeeze3A_1436, %and3A_1437 : i32
      %broadcast_in_dim3A_1439 = vector.broadcast %and3A_1438 : i32 to vector<16xi32>
      %slice3A_1440 = vector.extract_strided_slice %get3A_1390 {offsets = [0], sizes = [1], strides = [1]} : vector<16xi32> to vector<1xi32>
      %squeeze3A_1441 = vector.extract %slice3A_1440[0] : i32 from vector<1xi32>
      %and3A_1442 = arith.constant 127 : i32
      %and3A_1443 = arith.andi %squeeze3A_1441, %and3A_1442 : i32
      %broadcast_in_dim3A_1444 = vector.broadcast %and3A_1443 : i32 to vector<16xi32>
      %add3A_1445 = arith.constant 192 : i32
      %add3A_1446 = vector.broadcast %add3A_1445 : i32 to vector<16xi32>
      %add3A_1447 = arith.addi %iota3A, %add3A_1446 : vector<16xi32>
      %add3A_1448 = arith.constant 16 : i32
      %add3A_1449 = vector.broadcast %add3A_1448 : i32 to vector<16xi32>
      %add3A_1450 = arith.addi %add3A_1447, %add3A_1449 : vector<16xi32>
      %gather3A_1451 = tpu.vector_load_idx %arg9[%add3A_1447, %broadcast_in_dim3A_1439] : memref<480x128xf32, #tpu.memory_space<vmem>>[vector<16xi32>, vector<16xi32>], vector<16xf32>,
      %gather3A_1452 = tpu.vector_load_idx %arg9[%add3A_1450, %broadcast_in_dim3A_1439] : memref<480x128xf32, #tpu.memory_space<vmem>>[vector<16xi32>, vector<16xi32>], vector<16xf32>,
      %gather3A_1453 = tpu.vector_load_idx %arg10[%add3A_1447, %broadcast_in_dim3A_1444] : memref<480x128xf32, #tpu.memory_space<vmem>>[vector<16xi32>, vector<16xi32>], vector<16xf32>,
      %gather3A_1454 = tpu.vector_load_idx %arg10[%add3A_1450, %broadcast_in_dim3A_1444] : memref<480x128xf32, #tpu.memory_space<vmem>>[vector<16xi32>, vector<16xi32>], vector<16xf32>,
      %mul3A_1455 = arith.mulf %gather3A_1451, %gather3A_1453 : vector<16xf32>
      %mul3A_1456 = arith.mulf %gather3A_1452, %gather3A_1454 : vector<16xf32>
      %add3A_1457 = arith.addf %mul3A_1455, %mul3A_1456 : vector<16xf32>
      %reduce_sum3A_1458 = arith.constant true
      %reduce_sum3A_1459 = vector.broadcast %reduce_sum3A_1458 : i1 to vector<16xi1>
      %reduce_sum3A_1460 = tpu.scan <sum>, %add3A_1457 masked %reduce_sum3A_1459 : vector<16xf32>, vector<16xi1> -> vector<16xf32>
      %reduce_sum3A_1461 = vector.extract %reduce_sum3A_1460[15] : f32 from vector<16xf32>
      %eq3A_1462 = vector.broadcast %add3A_1434 : i32 to vector<16xi32>
      %eq3A_1463 = arith.cmpi eq, %iota3A, %eq3A_1462 : vector<16xi32>
      %broadcast_in_dim3A_1464 = vector.broadcast %reduce_sum3A_1461 : f32 to vector<16xf32>
      %select_n3A_1465 = arith.select %eq3A_1463, %broadcast_in_dim3A_1464, %select_n3A_1348 : vector<16xi1>, vector<16xf32>
      %jit3A_1466 = arith.constant 16 : i32
      %eq3A_1467 = arith.constant 0 : i32
      %eq3A_1468 = arith.cmpi eq, %jit3A_1466, %eq3A_1467 : i32
      %jit3A_1469 = arith.constant 1 : i32
      %select_n3A_1470 = arith.select %eq3A_1468, %jit3A_1469, %jit3A_1466 : i32
      %rem3A_1471 = arith.remsi %add3A_1373, %select_n3A_1470 : i32
      %ne3A_1472 = arith.constant 0 : i32
      %ne3A_1473 = arith.cmpi ne, %rem3A_1471, %ne3A_1472 : i32
      %lt3A_1474 = arith.constant 0 : i32
      %lt3A_1475 = arith.cmpi slt, %rem3A_1471, %lt3A_1474 : i32
      %lt3A_1476 = arith.constant 0 : i32
      %lt3A_1477 = arith.cmpi slt, %select_n3A_1470, %lt3A_1476 : i32
      %ne3A_1478 = arith.xori %lt3A_1475, %lt3A_1477 : i1
      %and3A_1479 = arith.andi %ne3A_1478, %ne3A_1473 : i1
      %add3A_1480 = arith.addi %rem3A_1471, %select_n3A_1470 : i32
      %select_n3A_1481 = arith.select %and3A_1479, %add3A_1480, %rem3A_1471 : i32
      %eq3A_1482 = arith.constant 15 : i32
      %eq3A_1483 = arith.cmpi eq, %select_n3A_1481, %eq3A_1482 : i32
      %convert_element_type3A_1484 = arith.extui %eq3A_1483 : i1 to i32
      %cond3A_1485 = arith.constant 0 : i32
      %cond3A_1486 = arith.cmpi ne, %convert_element_type3A_1484, %cond3A_1485 : i32
      scf.if %cond3A_1486 {
        %jit3A_2423 = arith.constant 16 : i32
        %div3A = arith.divsi %add3A_1373, %jit3A_2423 : i32
        %sign3A = arith.constant 0 : i32
        %sign3A_2424 = arith.cmpi sgt, %add3A_1373, %sign3A : i32
        %sign3A_2425 = arith.extui %sign3A_2424 : i1 to i32
        %sign3A_2426 = arith.constant 0 : i32
        %sign3A_2427 = arith.cmpi slt, %add3A_1373, %sign3A_2426 : i32
        %sign3A_2428 = arith.extui %sign3A_2427 : i1 to i32
        %sign3A_2429 = arith.subi %sign3A_2425, %sign3A_2428 : i32
        %sign3A_2430 = arith.constant 0 : i32
        %sign3A_2431 = arith.cmpi sgt, %jit3A_2423, %sign3A_2430 : i32
        %sign3A_2432 = arith.extui %sign3A_2431 : i1 to i32
        %sign3A_2433 = arith.constant 0 : i32
        %sign3A_2434 = arith.cmpi slt, %jit3A_2423, %sign3A_2433 : i32
        %sign3A_2435 = arith.extui %sign3A_2434 : i1 to i32
        %sign3A_2436 = arith.subi %sign3A_2432, %sign3A_2435 : i32
        %ne3A_2437 = arith.cmpi ne, %sign3A_2429, %sign3A_2436 : i32
        %rem3A_2438 = arith.remsi %add3A_1373, %jit3A_2423 : i32
        %ne3A_2439 = arith.constant 0 : i32
        %ne3A_2440 = arith.cmpi ne, %rem3A_2438, %ne3A_2439 : i32
        %and3A_2441 = arith.andi %ne3A_2437, %ne3A_2440 : i1
        %sub3A_2442 = arith.constant 1 : i32
        %sub3A_2443 = arith.subi %div3A, %sub3A_2442 : i32
        %select_n3A_2444 = arith.select %and3A_2441, %sub3A_2443, %div3A : i32
        %mul3A_2445 = arith.constant 16 : i32
        %mul3A_2446 = arith.muli %select_n3A_2444, %mul3A_2445 : i32
        %swap3A_2447 = arith.index_cast %mul3A_2446 : i32 to index
        %swap3A_2448 = tpu.vector_load %arg11[%swap3A_2447] {strides = array<i32>} : memref<512xf32, #tpu.memory_space<vmem>>, vector<16xf32>,
        tpu.vector_store %arg11[%swap3A_2447], %select_n3A_1465 {strides = array<i32>} : memref<512xf32, #tpu.memory_space<vmem>>, vector<16xf32>,
      } else {
      }
      %mul3A_1487 = arith.constant 15 : i32
      %mul3A_1488 = arith.muli %scan3A_673, %mul3A_1487 : i32
      %add3A_1489 = arith.constant 7 : i32
      %add3A_1490 = arith.addi %mul3A_1488, %add3A_1489 : i32
      %add3A_1491 = arith.constant 15 : i32
      %add3A_1492 = arith.addi %add3A_1490, %add3A_1491 : i32
      %sub3A_1493 = arith.constant 1 : i32
      %sub3A_1494 = arith.subi %add3A_1492, %sub3A_1493 : i32
      %lt3A_1495 = arith.constant 512 : i32
      %lt3A_1496 = arith.cmpi slt, %sub3A_1494, %lt3A_1495 : i32
      %convert_element_type3A_1497 = arith.extui %lt3A_1496 : i1 to i32
      %cond3A_1498 = arith.constant 0 : i32
      %cond3A_1499 = arith.cmpi ne, %convert_element_type3A_1497, %cond3A_1498 : i32
      scf.if %cond3A_1499 {
        %add3A_2423 = arith.constant 15 : i32
        %add3A_2424 = arith.addi %add3A_1490, %add3A_2423 : i32
        %sub3A_2425 = arith.constant 1 : i32
        %sub3A_2426 = arith.subi %add3A_2424, %sub3A_2425 : i32
        %mul3A_2427 = arith.constant 1 : i32
        %mul3A_2428 = arith.muli %sub3A_2426, %mul3A_2427 : i32
        %get3A_2429 = arith.index_cast %mul3A_2428 : i32 to index
        %get3A_2430 = tpu.vector_load %arg7[%get3A_2429] {strides = array<i32>} : memref<528xi32, #tpu.memory_space<vmem>>, vector<16xi32>,
        %mul3A_2431 = arith.constant 1 : i32
        %mul3A_2432 = arith.muli %sub3A_2426, %mul3A_2431 : i32
        %get3A_2433 = arith.index_cast %mul3A_2432 : i32 to index
        %get3A_2434 = tpu.vector_load %arg8[%get3A_2433] {strides = array<i32>} : memref<528xi32, #tpu.memory_space<vmem>>, vector<16xi32>,
        %slice3A_2435 = vector.extract_strided_slice %get3A_2430 {offsets = [0], sizes = [1], strides = [1]} : vector<16xi32> to vector<1xi32>
        %squeeze3A_2436 = vector.extract %slice3A_2435[0] : i32 from vector<1xi32>
        %shift_right_arithmetic3A_2437 = arith.constant 7 : i32
        %shift_right_arithmetic3A_2438 = arith.shrsi %squeeze3A_2436, %shift_right_arithmetic3A_2437 : i32
        %shift_left3A_2439 = arith.constant 7 : i32
        %shift_left3A_2440 = arith.shli %shift_right_arithmetic3A_2438, %shift_left3A_2439 : i32
        %multiple_of3A_2441 = tpu.assume_multiple %shift_left3A_2440, 128 : i32
        %slice3A_2442 = vector.extract_strided_slice %get3A_2434 {offsets = [0], sizes = [1], strides = [1]} : vector<16xi32> to vector<1xi32>
        %squeeze3A_2443 = vector.extract %slice3A_2442[0] : i32 from vector<1xi32>
        %shift_right_arithmetic3A_2444 = arith.constant 7 : i32
        %shift_right_arithmetic3A_2445 = arith.shrsi %squeeze3A_2443, %shift_right_arithmetic3A_2444 : i32
        %shift_left3A_2446 = arith.constant 7 : i32
        %shift_left3A_2447 = arith.shli %shift_right_arithmetic3A_2445, %shift_left3A_2446 : i32
        %multiple_of3A_2448 = tpu.assume_multiple %shift_left3A_2447, 128 : i32
        %dma_start3A_2449 = arith.constant 192 : i32
        %dma_start3A_2450 = arith.constant 0 : i32
        %dma_start3A_2451 = tpu.memref_slice %arg9[%dma_start3A_2449, %dma_start3A_2450] : memref<480x128xf32, #tpu.memory_space<vmem>> -> memref<32x128xf32, #tpu.memory_space<vmem>>
        %dma_start3A_2452 = arith.constant 0 : i32
        %dma_start3A_2453 = tpu.memref_slice %arg2[%dma_start3A_2452, %multiple_of3A_2441] : memref<32x1000000xf32, #tpu.memory_space<hbm>> -> memref<32x128xf32, #tpu.memory_space<hbm>>
        %dma_start3A_2454 = arith.constant 192 : i32
        %dma_start3A_2455 = arith.constant 0 : i32
        %dma_start3A_2456 = tpu.memref_slice %arg9[%dma_start3A_2454, %dma_start3A_2455] : memref<480x128xf32, #tpu.memory_space<vmem>> -> memref<32x128xf32, #tpu.memory_space<vmem>>
        %dma_start3A_2457 = arith.constant 0 : i32
        %dma_start3A_2458 = tpu.memref_slice %arg2[%dma_start3A_2457, %multiple_of3A_2441] : memref<32x1000000xf32, #tpu.memory_space<hbm>> -> memref<32x128xf32, #tpu.memory_space<hbm>>
        tpu.enqueue_dma source(%dma_start3A_2458 : memref<32x128xf32, #tpu.memory_space<hbm>>) target(%dma_start3A_2456 : memref<32x128xf32, #tpu.memory_space<vmem>>) target_semaphore(%arg19 : memref<!tpu.dma_semaphore, #tpu.memory_space<semaphore_mem>>)
        %dma_start3A_2459 = arith.constant 192 : i32
        %dma_start3A_2460 = arith.constant 0 : i32
        %dma_start3A_2461 = tpu.memref_slice %arg10[%dma_start3A_2459, %dma_start3A_2460] : memref<480x128xf32, #tpu.memory_space<vmem>> -> memref<32x128xf32, #tpu.memory_space<vmem>>
        %dma_start3A_2462 = arith.constant 0 : i32
        %dma_start3A_2463 = tpu.memref_slice %arg3[%dma_start3A_2462, %multiple_of3A_2448] : memref<32x1000000xf32, #tpu.memory_space<hbm>> -> memref<32x128xf32, #tpu.memory_space<hbm>>
        %dma_start3A_2464 = arith.constant 192 : i32
        %dma_start3A_2465 = arith.constant 0 : i32
        %dma_start3A_2466 = tpu.memref_slice %arg10[%dma_start3A_2464, %dma_start3A_2465] : memref<480x128xf32, #tpu.memory_space<vmem>> -> memref<32x128xf32, #tpu.memory_space<vmem>>
        %dma_start3A_2467 = arith.constant 0 : i32
        %dma_start3A_2468 = tpu.memref_slice %arg3[%dma_start3A_2467, %multiple_of3A_2448] : memref<32x1000000xf32, #tpu.memory_space<hbm>> -> memref<32x128xf32, #tpu.memory_space<hbm>>
        tpu.enqueue_dma source(%dma_start3A_2468 : memref<32x128xf32, #tpu.memory_space<hbm>>) target(%dma_start3A_2466 : memref<32x128xf32, #tpu.memory_space<vmem>>) target_semaphore(%arg19 : memref<!tpu.dma_semaphore, #tpu.memory_space<semaphore_mem>>)
      } else {
      }
      %mul3A_1500 = arith.constant 1 : i32
      %mul3A_1501 = arith.muli %add3A_1490, %mul3A_1500 : i32
      %get3A_1502 = arith.index_cast %mul3A_1501 : i32 to index
      %get3A_1503 = tpu.vector_load %arg7[%get3A_1502] {strides = array<i32>} : memref<528xi32, #tpu.memory_space<vmem>>, vector<16xi32>,
      %mul3A_1504 = arith.constant 1 : i32
      %mul3A_1505 = arith.muli %add3A_1490, %mul3A_1504 : i32
      %get3A_1506 = arith.index_cast %mul3A_1505 : i32 to index
      %get3A_1507 = tpu.vector_load %arg8[%get3A_1506] {strides = array<i32>} : memref<528xi32, #tpu.memory_space<vmem>>, vector<16xi32>,
      %dma_wait3A_1508 = arith.constant 224 : i32
      %dma_wait3A_1509 = arith.constant 0 : i32
      %dma_wait3A_1510 = tpu.memref_slice %arg9[%dma_wait3A_1508, %dma_wait3A_1509] : memref<480x128xf32, #tpu.memory_space<vmem>> -> memref<32x128xf32, #tpu.memory_space<vmem>>
      %dma_wait3A_1511 = arith.constant 0 : i32
      %dma_wait3A_1512 = arith.constant 0 : i32
      %dma_wait3A_1513 = tpu.memref_slice %arg2[%dma_wait3A_1511, %dma_wait3A_1512] : memref<32x1000000xf32, #tpu.memory_space<hbm>> -> memref<32x128xf32, #tpu.memory_space<hbm>>
      %dma_wait3A_1514 = arith.constant 224 : i32
      %dma_wait3A_1515 = arith.constant 0 : i32
      %dma_wait3A_1516 = tpu.memref_slice %arg9[%dma_wait3A_1514, %dma_wait3A_1515] : memref<480x128xf32, #tpu.memory_space<vmem>> -> memref<32x128xf32, #tpu.memory_space<vmem>>
      %dma_wait3A_1517 = arith.constant 0 : i32
      %dma_wait3A_1518 = arith.constant 0 : i32
      %dma_wait3A_1519 = tpu.memref_slice %arg2[%dma_wait3A_1517, %dma_wait3A_1518] : memref<32x1000000xf32, #tpu.memory_space<hbm>> -> memref<32x128xf32, #tpu.memory_space<hbm>>
      tpu.wait_dma2 semaphore(%arg20 : memref<!tpu.dma_semaphore, #tpu.memory_space<semaphore_mem>>) src(%dma_wait3A_1519 : memref<32x128xf32, #tpu.memory_space<hbm>>) dst(%dma_wait3A_1516 : memref<32x128xf32, #tpu.memory_space<vmem>>)
      %dma_wait3A_1520 = arith.constant 224 : i32
      %dma_wait3A_1521 = arith.constant 0 : i32
      %dma_wait3A_1522 = tpu.memref_slice %arg10[%dma_wait3A_1520, %dma_wait3A_1521] : memref<480x128xf32, #tpu.memory_space<vmem>> -> memref<32x128xf32, #tpu.memory_space<vmem>>
      %dma_wait3A_1523 = arith.constant 0 : i32
      %dma_wait3A_1524 = arith.constant 0 : i32
      %dma_wait3A_1525 = tpu.memref_slice %arg3[%dma_wait3A_1523, %dma_wait3A_1524] : memref<32x1000000xf32, #tpu.memory_space<hbm>> -> memref<32x128xf32, #tpu.memory_space<hbm>>
      %dma_wait3A_1526 = arith.constant 224 : i32
      %dma_wait3A_1527 = arith.constant 0 : i32
      %dma_wait3A_1528 = tpu.memref_slice %arg10[%dma_wait3A_1526, %dma_wait3A_1527] : memref<480x128xf32, #tpu.memory_space<vmem>> -> memref<32x128xf32, #tpu.memory_space<vmem>>
      %dma_wait3A_1529 = arith.constant 0 : i32
      %dma_wait3A_1530 = arith.constant 0 : i32
      %dma_wait3A_1531 = tpu.memref_slice %arg3[%dma_wait3A_1529, %dma_wait3A_1530] : memref<32x1000000xf32, #tpu.memory_space<hbm>> -> memref<32x128xf32, #tpu.memory_space<hbm>>
      tpu.wait_dma2 semaphore(%arg20 : memref<!tpu.dma_semaphore, #tpu.memory_space<semaphore_mem>>) src(%dma_wait3A_1531 : memref<32x128xf32, #tpu.memory_space<hbm>>) dst(%dma_wait3A_1528 : memref<32x128xf32, #tpu.memory_space<vmem>>)
      %jit3A_1532 = arith.constant 16 : i32
      %eq3A_1533 = arith.constant 0 : i32
      %eq3A_1534 = arith.cmpi eq, %jit3A_1532, %eq3A_1533 : i32
      %jit3A_1535 = arith.constant 1 : i32
      %select_n3A_1536 = arith.select %eq3A_1534, %jit3A_1535, %jit3A_1532 : i32
      %rem3A_1537 = arith.remsi %add3A_1490, %select_n3A_1536 : i32
      %ne3A_1538 = arith.constant 0 : i32
      %ne3A_1539 = arith.cmpi ne, %rem3A_1537, %ne3A_1538 : i32
      %lt3A_1540 = arith.constant 0 : i32
      %lt3A_1541 = arith.cmpi slt, %rem3A_1537, %lt3A_1540 : i32
      %lt3A_1542 = arith.constant 0 : i32
      %lt3A_1543 = arith.cmpi slt, %select_n3A_1536, %lt3A_1542 : i32
      %ne3A_1544 = arith.xori %lt3A_1541, %lt3A_1543 : i1
      %and3A_1545 = arith.andi %ne3A_1544, %ne3A_1539 : i1
      %add3A_1546 = arith.addi %rem3A_1537, %select_n3A_1536 : i32
      %select_n3A_1547 = arith.select %and3A_1545, %add3A_1546, %rem3A_1537 : i32
      %mul3A_1548 = arith.constant 1 : i32
      %mul3A_1549 = arith.muli %select_n3A_1547, %mul3A_1548 : i32
      %add3A_1550 = arith.constant 0 : i32
      %add3A_1551 = arith.addi %mul3A_1549, %add3A_1550 : i32
      %slice3A_1552 = vector.extract_strided_slice %get3A_1503 {offsets = [0], sizes = [1], strides = [1]} : vector<16xi32> to vector<1xi32>
      %squeeze3A_1553 = vector.extract %slice3A_1552[0] : i32 from vector<1xi32>
      %and3A_1554 = arith.constant 127 : i32
      %and3A_1555 = arith.andi %squeeze3A_1553, %and3A_1554 : i32
      %broadcast_in_dim3A_1556 = vector.broadcast %and3A_1555 : i32 to vector<16xi32>
      %slice3A_1557 = vector.extract_strided_slice %get3A_1507 {offsets = [0], sizes = [1], strides = [1]} : vector<16xi32> to vector<1xi32>
      %squeeze3A_1558 = vector.extract %slice3A_1557[0] : i32 from vector<1xi32>
      %and3A_1559 = arith.constant 127 : i32
      %and3A_1560 = arith.andi %squeeze3A_1558, %and3A_1559 : i32
      %broadcast_in_dim3A_1561 = vector.broadcast %and3A_1560 : i32 to vector<16xi32>
      %add3A_1562 = arith.constant 224 : i32
      %add3A_1563 = vector.broadcast %add3A_1562 : i32 to vector<16xi32>
      %add3A_1564 = arith.addi %iota3A, %add3A_1563 : vector<16xi32>
      %add3A_1565 = arith.constant 16 : i32
      %add3A_1566 = vector.broadcast %add3A_1565 : i32 to vector<16xi32>
      %add3A_1567 = arith.addi %add3A_1564, %add3A_1566 : vector<16xi32>
      %gather3A_1568 = tpu.vector_load_idx %arg9[%add3A_1564, %broadcast_in_dim3A_1556] : memref<480x128xf32, #tpu.memory_space<vmem>>[vector<16xi32>, vector<16xi32>], vector<16xf32>,
      %gather3A_1569 = tpu.vector_load_idx %arg9[%add3A_1567, %broadcast_in_dim3A_1556] : memref<480x128xf32, #tpu.memory_space<vmem>>[vector<16xi32>, vector<16xi32>], vector<16xf32>,
      %gather3A_1570 = tpu.vector_load_idx %arg10[%add3A_1564, %broadcast_in_dim3A_1561] : memref<480x128xf32, #tpu.memory_space<vmem>>[vector<16xi32>, vector<16xi32>], vector<16xf32>,
      %gather3A_1571 = tpu.vector_load_idx %arg10[%add3A_1567, %broadcast_in_dim3A_1561] : memref<480x128xf32, #tpu.memory_space<vmem>>[vector<16xi32>, vector<16xi32>], vector<16xf32>,
      %mul3A_1572 = arith.mulf %gather3A_1568, %gather3A_1570 : vector<16xf32>
      %mul3A_1573 = arith.mulf %gather3A_1569, %gather3A_1571 : vector<16xf32>
      %add3A_1574 = arith.addf %mul3A_1572, %mul3A_1573 : vector<16xf32>
      %reduce_sum3A_1575 = arith.constant true
      %reduce_sum3A_1576 = vector.broadcast %reduce_sum3A_1575 : i1 to vector<16xi1>
      %reduce_sum3A_1577 = tpu.scan <sum>, %add3A_1574 masked %reduce_sum3A_1576 : vector<16xf32>, vector<16xi1> -> vector<16xf32>
      %reduce_sum3A_1578 = vector.extract %reduce_sum3A_1577[15] : f32 from vector<16xf32>
      %eq3A_1579 = vector.broadcast %add3A_1551 : i32 to vector<16xi32>
      %eq3A_1580 = arith.cmpi eq, %iota3A, %eq3A_1579 : vector<16xi32>
      %broadcast_in_dim3A_1581 = vector.broadcast %reduce_sum3A_1578 : f32 to vector<16xf32>
      %select_n3A_1582 = arith.select %eq3A_1580, %broadcast_in_dim3A_1581, %select_n3A_1465 : vector<16xi1>, vector<16xf32>
      %jit3A_1583 = arith.constant 16 : i32
      %eq3A_1584 = arith.constant 0 : i32
      %eq3A_1585 = arith.cmpi eq, %jit3A_1583, %eq3A_1584 : i32
      %jit3A_1586 = arith.constant 1 : i32
      %select_n3A_1587 = arith.select %eq3A_1585, %jit3A_1586, %jit3A_1583 : i32
      %rem3A_1588 = arith.remsi %add3A_1490, %select_n3A_1587 : i32
      %ne3A_1589 = arith.constant 0 : i32
      %ne3A_1590 = arith.cmpi ne, %rem3A_1588, %ne3A_1589 : i32
      %lt3A_1591 = arith.constant 0 : i32
      %lt3A_1592 = arith.cmpi slt, %rem3A_1588, %lt3A_1591 : i32
      %lt3A_1593 = arith.constant 0 : i32
      %lt3A_1594 = arith.cmpi slt, %select_n3A_1587, %lt3A_1593 : i32
      %ne3A_1595 = arith.xori %lt3A_1592, %lt3A_1594 : i1
      %and3A_1596 = arith.andi %ne3A_1595, %ne3A_1590 : i1
      %add3A_1597 = arith.addi %rem3A_1588, %select_n3A_1587 : i32
      %select_n3A_1598 = arith.select %and3A_1596, %add3A_1597, %rem3A_1588 : i32
      %eq3A_1599 = arith.constant 15 : i32
      %eq3A_1600 = arith.cmpi eq, %select_n3A_1598, %eq3A_1599 : i32
      %convert_element_type3A_1601 = arith.extui %eq3A_1600 : i1 to i32
      %cond3A_1602 = arith.constant 0 : i32
      %cond3A_1603 = arith.cmpi ne, %convert_element_type3A_1601, %cond3A_1602 : i32
      scf.if %cond3A_1603 {
        %jit3A_2423 = arith.constant 16 : i32
        %div3A = arith.divsi %add3A_1490, %jit3A_2423 : i32
        %sign3A = arith.constant 0 : i32
        %sign3A_2424 = arith.cmpi sgt, %add3A_1490, %sign3A : i32
        %sign3A_2425 = arith.extui %sign3A_2424 : i1 to i32
        %sign3A_2426 = arith.constant 0 : i32
        %sign3A_2427 = arith.cmpi slt, %add3A_1490, %sign3A_2426 : i32
        %sign3A_2428 = arith.extui %sign3A_2427 : i1 to i32
        %sign3A_2429 = arith.subi %sign3A_2425, %sign3A_2428 : i32
        %sign3A_2430 = arith.constant 0 : i32
        %sign3A_2431 = arith.cmpi sgt, %jit3A_2423, %sign3A_2430 : i32
        %sign3A_2432 = arith.extui %sign3A_2431 : i1 to i32
        %sign3A_2433 = arith.constant 0 : i32
        %sign3A_2434 = arith.cmpi slt, %jit3A_2423, %sign3A_2433 : i32
        %sign3A_2435 = arith.extui %sign3A_2434 : i1 to i32
        %sign3A_2436 = arith.subi %sign3A_2432, %sign3A_2435 : i32
        %ne3A_2437 = arith.cmpi ne, %sign3A_2429, %sign3A_2436 : i32
        %rem3A_2438 = arith.remsi %add3A_1490, %jit3A_2423 : i32
        %ne3A_2439 = arith.constant 0 : i32
        %ne3A_2440 = arith.cmpi ne, %rem3A_2438, %ne3A_2439 : i32
        %and3A_2441 = arith.andi %ne3A_2437, %ne3A_2440 : i1
        %sub3A_2442 = arith.constant 1 : i32
        %sub3A_2443 = arith.subi %div3A, %sub3A_2442 : i32
        %select_n3A_2444 = arith.select %and3A_2441, %sub3A_2443, %div3A : i32
        %mul3A_2445 = arith.constant 16 : i32
        %mul3A_2446 = arith.muli %select_n3A_2444, %mul3A_2445 : i32
        %swap3A_2447 = arith.index_cast %mul3A_2446 : i32 to index
        %swap3A_2448 = tpu.vector_load %arg11[%swap3A_2447] {strides = array<i32>} : memref<512xf32, #tpu.memory_space<vmem>>, vector<16xf32>,
        tpu.vector_store %arg11[%swap3A_2447], %select_n3A_1582 {strides = array<i32>} : memref<512xf32, #tpu.memory_space<vmem>>, vector<16xf32>,
      } else {
      }
      %mul3A_1604 = arith.constant 15 : i32
      %mul3A_1605 = arith.muli %scan3A_673, %mul3A_1604 : i32
      %add3A_1606 = arith.constant 8 : i32
      %add3A_1607 = arith.addi %mul3A_1605, %add3A_1606 : i32
      %add3A_1608 = arith.constant 15 : i32
      %add3A_1609 = arith.addi %add3A_1607, %add3A_1608 : i32
      %sub3A_1610 = arith.constant 1 : i32
      %sub3A_1611 = arith.subi %add3A_1609, %sub3A_1610 : i32
      %lt3A_1612 = arith.constant 512 : i32
      %lt3A_1613 = arith.cmpi slt, %sub3A_1611, %lt3A_1612 : i32
      %convert_element_type3A_1614 = arith.extui %lt3A_1613 : i1 to i32
      %cond3A_1615 = arith.constant 0 : i32
      %cond3A_1616 = arith.cmpi ne, %convert_element_type3A_1614, %cond3A_1615 : i32
      scf.if %cond3A_1616 {
        %add3A_2423 = arith.constant 15 : i32
        %add3A_2424 = arith.addi %add3A_1607, %add3A_2423 : i32
        %sub3A_2425 = arith.constant 1 : i32
        %sub3A_2426 = arith.subi %add3A_2424, %sub3A_2425 : i32
        %mul3A_2427 = arith.constant 1 : i32
        %mul3A_2428 = arith.muli %sub3A_2426, %mul3A_2427 : i32
        %get3A_2429 = arith.index_cast %mul3A_2428 : i32 to index
        %get3A_2430 = tpu.vector_load %arg7[%get3A_2429] {strides = array<i32>} : memref<528xi32, #tpu.memory_space<vmem>>, vector<16xi32>,
        %mul3A_2431 = arith.constant 1 : i32
        %mul3A_2432 = arith.muli %sub3A_2426, %mul3A_2431 : i32
        %get3A_2433 = arith.index_cast %mul3A_2432 : i32 to index
        %get3A_2434 = tpu.vector_load %arg8[%get3A_2433] {strides = array<i32>} : memref<528xi32, #tpu.memory_space<vmem>>, vector<16xi32>,
        %slice3A_2435 = vector.extract_strided_slice %get3A_2430 {offsets = [0], sizes = [1], strides = [1]} : vector<16xi32> to vector<1xi32>
        %squeeze3A_2436 = vector.extract %slice3A_2435[0] : i32 from vector<1xi32>
        %shift_right_arithmetic3A_2437 = arith.constant 7 : i32
        %shift_right_arithmetic3A_2438 = arith.shrsi %squeeze3A_2436, %shift_right_arithmetic3A_2437 : i32
        %shift_left3A_2439 = arith.constant 7 : i32
        %shift_left3A_2440 = arith.shli %shift_right_arithmetic3A_2438, %shift_left3A_2439 : i32
        %multiple_of3A_2441 = tpu.assume_multiple %shift_left3A_2440, 128 : i32
        %slice3A_2442 = vector.extract_strided_slice %get3A_2434 {offsets = [0], sizes = [1], strides = [1]} : vector<16xi32> to vector<1xi32>
        %squeeze3A_2443 = vector.extract %slice3A_2442[0] : i32 from vector<1xi32>
        %shift_right_arithmetic3A_2444 = arith.constant 7 : i32
        %shift_right_arithmetic3A_2445 = arith.shrsi %squeeze3A_2443, %shift_right_arithmetic3A_2444 : i32
        %shift_left3A_2446 = arith.constant 7 : i32
        %shift_left3A_2447 = arith.shli %shift_right_arithmetic3A_2445, %shift_left3A_2446 : i32
        %multiple_of3A_2448 = tpu.assume_multiple %shift_left3A_2447, 128 : i32
        %dma_start3A_2449 = arith.constant 224 : i32
        %dma_start3A_2450 = arith.constant 0 : i32
        %dma_start3A_2451 = tpu.memref_slice %arg9[%dma_start3A_2449, %dma_start3A_2450] : memref<480x128xf32, #tpu.memory_space<vmem>> -> memref<32x128xf32, #tpu.memory_space<vmem>>
        %dma_start3A_2452 = arith.constant 0 : i32
        %dma_start3A_2453 = tpu.memref_slice %arg2[%dma_start3A_2452, %multiple_of3A_2441] : memref<32x1000000xf32, #tpu.memory_space<hbm>> -> memref<32x128xf32, #tpu.memory_space<hbm>>
        %dma_start3A_2454 = arith.constant 224 : i32
        %dma_start3A_2455 = arith.constant 0 : i32
        %dma_start3A_2456 = tpu.memref_slice %arg9[%dma_start3A_2454, %dma_start3A_2455] : memref<480x128xf32, #tpu.memory_space<vmem>> -> memref<32x128xf32, #tpu.memory_space<vmem>>
        %dma_start3A_2457 = arith.constant 0 : i32
        %dma_start3A_2458 = tpu.memref_slice %arg2[%dma_start3A_2457, %multiple_of3A_2441] : memref<32x1000000xf32, #tpu.memory_space<hbm>> -> memref<32x128xf32, #tpu.memory_space<hbm>>
        tpu.enqueue_dma source(%dma_start3A_2458 : memref<32x128xf32, #tpu.memory_space<hbm>>) target(%dma_start3A_2456 : memref<32x128xf32, #tpu.memory_space<vmem>>) target_semaphore(%arg20 : memref<!tpu.dma_semaphore, #tpu.memory_space<semaphore_mem>>)
        %dma_start3A_2459 = arith.constant 224 : i32
        %dma_start3A_2460 = arith.constant 0 : i32
        %dma_start3A_2461 = tpu.memref_slice %arg10[%dma_start3A_2459, %dma_start3A_2460] : memref<480x128xf32, #tpu.memory_space<vmem>> -> memref<32x128xf32, #tpu.memory_space<vmem>>
        %dma_start3A_2462 = arith.constant 0 : i32
        %dma_start3A_2463 = tpu.memref_slice %arg3[%dma_start3A_2462, %multiple_of3A_2448] : memref<32x1000000xf32, #tpu.memory_space<hbm>> -> memref<32x128xf32, #tpu.memory_space<hbm>>
        %dma_start3A_2464 = arith.constant 224 : i32
        %dma_start3A_2465 = arith.constant 0 : i32
        %dma_start3A_2466 = tpu.memref_slice %arg10[%dma_start3A_2464, %dma_start3A_2465] : memref<480x128xf32, #tpu.memory_space<vmem>> -> memref<32x128xf32, #tpu.memory_space<vmem>>
        %dma_start3A_2467 = arith.constant 0 : i32
        %dma_start3A_2468 = tpu.memref_slice %arg3[%dma_start3A_2467, %multiple_of3A_2448] : memref<32x1000000xf32, #tpu.memory_space<hbm>> -> memref<32x128xf32, #tpu.memory_space<hbm>>
        tpu.enqueue_dma source(%dma_start3A_2468 : memref<32x128xf32, #tpu.memory_space<hbm>>) target(%dma_start3A_2466 : memref<32x128xf32, #tpu.memory_space<vmem>>) target_semaphore(%arg20 : memref<!tpu.dma_semaphore, #tpu.memory_space<semaphore_mem>>)
      } else {
      }
      %mul3A_1617 = arith.constant 1 : i32
      %mul3A_1618 = arith.muli %add3A_1607, %mul3A_1617 : i32
      %get3A_1619 = arith.index_cast %mul3A_1618 : i32 to index
      %get3A_1620 = tpu.vector_load %arg7[%get3A_1619] {strides = array<i32>} : memref<528xi32, #tpu.memory_space<vmem>>, vector<16xi32>,
      %mul3A_1621 = arith.constant 1 : i32
      %mul3A_1622 = arith.muli %add3A_1607, %mul3A_1621 : i32
      %get3A_1623 = arith.index_cast %mul3A_1622 : i32 to index
      %get3A_1624 = tpu.vector_load %arg8[%get3A_1623] {strides = array<i32>} : memref<528xi32, #tpu.memory_space<vmem>>, vector<16xi32>,
      %dma_wait3A_1625 = arith.constant 256 : i32
      %dma_wait3A_1626 = arith.constant 0 : i32
      %dma_wait3A_1627 = tpu.memref_slice %arg9[%dma_wait3A_1625, %dma_wait3A_1626] : memref<480x128xf32, #tpu.memory_space<vmem>> -> memref<32x128xf32, #tpu.memory_space<vmem>>
      %dma_wait3A_1628 = arith.constant 0 : i32
      %dma_wait3A_1629 = arith.constant 0 : i32
      %dma_wait3A_1630 = tpu.memref_slice %arg2[%dma_wait3A_1628, %dma_wait3A_1629] : memref<32x1000000xf32, #tpu.memory_space<hbm>> -> memref<32x128xf32, #tpu.memory_space<hbm>>
      %dma_wait3A_1631 = arith.constant 256 : i32
      %dma_wait3A_1632 = arith.constant 0 : i32
      %dma_wait3A_1633 = tpu.memref_slice %arg9[%dma_wait3A_1631, %dma_wait3A_1632] : memref<480x128xf32, #tpu.memory_space<vmem>> -> memref<32x128xf32, #tpu.memory_space<vmem>>
      %dma_wait3A_1634 = arith.constant 0 : i32
      %dma_wait3A_1635 = arith.constant 0 : i32
      %dma_wait3A_1636 = tpu.memref_slice %arg2[%dma_wait3A_1634, %dma_wait3A_1635] : memref<32x1000000xf32, #tpu.memory_space<hbm>> -> memref<32x128xf32, #tpu.memory_space<hbm>>
      tpu.wait_dma2 semaphore(%arg21 : memref<!tpu.dma_semaphore, #tpu.memory_space<semaphore_mem>>) src(%dma_wait3A_1636 : memref<32x128xf32, #tpu.memory_space<hbm>>) dst(%dma_wait3A_1633 : memref<32x128xf32, #tpu.memory_space<vmem>>)
      %dma_wait3A_1637 = arith.constant 256 : i32
      %dma_wait3A_1638 = arith.constant 0 : i32
      %dma_wait3A_1639 = tpu.memref_slice %arg10[%dma_wait3A_1637, %dma_wait3A_1638] : memref<480x128xf32, #tpu.memory_space<vmem>> -> memref<32x128xf32, #tpu.memory_space<vmem>>
      %dma_wait3A_1640 = arith.constant 0 : i32
      %dma_wait3A_1641 = arith.constant 0 : i32
      %dma_wait3A_1642 = tpu.memref_slice %arg3[%dma_wait3A_1640, %dma_wait3A_1641] : memref<32x1000000xf32, #tpu.memory_space<hbm>> -> memref<32x128xf32, #tpu.memory_space<hbm>>
      %dma_wait3A_1643 = arith.constant 256 : i32
      %dma_wait3A_1644 = arith.constant 0 : i32
      %dma_wait3A_1645 = tpu.memref_slice %arg10[%dma_wait3A_1643, %dma_wait3A_1644] : memref<480x128xf32, #tpu.memory_space<vmem>> -> memref<32x128xf32, #tpu.memory_space<vmem>>
      %dma_wait3A_1646 = arith.constant 0 : i32
      %dma_wait3A_1647 = arith.constant 0 : i32
      %dma_wait3A_1648 = tpu.memref_slice %arg3[%dma_wait3A_1646, %dma_wait3A_1647] : memref<32x1000000xf32, #tpu.memory_space<hbm>> -> memref<32x128xf32, #tpu.memory_space<hbm>>
      tpu.wait_dma2 semaphore(%arg21 : memref<!tpu.dma_semaphore, #tpu.memory_space<semaphore_mem>>) src(%dma_wait3A_1648 : memref<32x128xf32, #tpu.memory_space<hbm>>) dst(%dma_wait3A_1645 : memref<32x128xf32, #tpu.memory_space<vmem>>)
      %jit3A_1649 = arith.constant 16 : i32
      %eq3A_1650 = arith.constant 0 : i32
      %eq3A_1651 = arith.cmpi eq, %jit3A_1649, %eq3A_1650 : i32
      %jit3A_1652 = arith.constant 1 : i32
      %select_n3A_1653 = arith.select %eq3A_1651, %jit3A_1652, %jit3A_1649 : i32
      %rem3A_1654 = arith.remsi %add3A_1607, %select_n3A_1653 : i32
      %ne3A_1655 = arith.constant 0 : i32
      %ne3A_1656 = arith.cmpi ne, %rem3A_1654, %ne3A_1655 : i32
      %lt3A_1657 = arith.constant 0 : i32
      %lt3A_1658 = arith.cmpi slt, %rem3A_1654, %lt3A_1657 : i32
      %lt3A_1659 = arith.constant 0 : i32
      %lt3A_1660 = arith.cmpi slt, %select_n3A_1653, %lt3A_1659 : i32
      %ne3A_1661 = arith.xori %lt3A_1658, %lt3A_1660 : i1
      %and3A_1662 = arith.andi %ne3A_1661, %ne3A_1656 : i1
      %add3A_1663 = arith.addi %rem3A_1654, %select_n3A_1653 : i32
      %select_n3A_1664 = arith.select %and3A_1662, %add3A_1663, %rem3A_1654 : i32
      %mul3A_1665 = arith.constant 1 : i32
      %mul3A_1666 = arith.muli %select_n3A_1664, %mul3A_1665 : i32
      %add3A_1667 = arith.constant 0 : i32
      %add3A_1668 = arith.addi %mul3A_1666, %add3A_1667 : i32
      %slice3A_1669 = vector.extract_strided_slice %get3A_1620 {offsets = [0], sizes = [1], strides = [1]} : vector<16xi32> to vector<1xi32>
      %squeeze3A_1670 = vector.extract %slice3A_1669[0] : i32 from vector<1xi32>
      %and3A_1671 = arith.constant 127 : i32
      %and3A_1672 = arith.andi %squeeze3A_1670, %and3A_1671 : i32
      %broadcast_in_dim3A_1673 = vector.broadcast %and3A_1672 : i32 to vector<16xi32>
      %slice3A_1674 = vector.extract_strided_slice %get3A_1624 {offsets = [0], sizes = [1], strides = [1]} : vector<16xi32> to vector<1xi32>
      %squeeze3A_1675 = vector.extract %slice3A_1674[0] : i32 from vector<1xi32>
      %and3A_1676 = arith.constant 127 : i32
      %and3A_1677 = arith.andi %squeeze3A_1675, %and3A_1676 : i32
      %broadcast_in_dim3A_1678 = vector.broadcast %and3A_1677 : i32 to vector<16xi32>
      %add3A_1679 = arith.constant 256 : i32
      %add3A_1680 = vector.broadcast %add3A_1679 : i32 to vector<16xi32>
      %add3A_1681 = arith.addi %iota3A, %add3A_1680 : vector<16xi32>
      %add3A_1682 = arith.constant 16 : i32
      %add3A_1683 = vector.broadcast %add3A_1682 : i32 to vector<16xi32>
      %add3A_1684 = arith.addi %add3A_1681, %add3A_1683 : vector<16xi32>
      %gather3A_1685 = tpu.vector_load_idx %arg9[%add3A_1681, %broadcast_in_dim3A_1673] : memref<480x128xf32, #tpu.memory_space<vmem>>[vector<16xi32>, vector<16xi32>], vector<16xf32>,
      %gather3A_1686 = tpu.vector_load_idx %arg9[%add3A_1684, %broadcast_in_dim3A_1673] : memref<480x128xf32, #tpu.memory_space<vmem>>[vector<16xi32>, vector<16xi32>], vector<16xf32>,
      %gather3A_1687 = tpu.vector_load_idx %arg10[%add3A_1681, %broadcast_in_dim3A_1678] : memref<480x128xf32, #tpu.memory_space<vmem>>[vector<16xi32>, vector<16xi32>], vector<16xf32>,
      %gather3A_1688 = tpu.vector_load_idx %arg10[%add3A_1684, %broadcast_in_dim3A_1678] : memref<480x128xf32, #tpu.memory_space<vmem>>[vector<16xi32>, vector<16xi32>], vector<16xf32>,
      %mul3A_1689 = arith.mulf %gather3A_1685, %gather3A_1687 : vector<16xf32>
      %mul3A_1690 = arith.mulf %gather3A_1686, %gather3A_1688 : vector<16xf32>
      %add3A_1691 = arith.addf %mul3A_1689, %mul3A_1690 : vector<16xf32>
      %reduce_sum3A_1692 = arith.constant true
      %reduce_sum3A_1693 = vector.broadcast %reduce_sum3A_1692 : i1 to vector<16xi1>
      %reduce_sum3A_1694 = tpu.scan <sum>, %add3A_1691 masked %reduce_sum3A_1693 : vector<16xf32>, vector<16xi1> -> vector<16xf32>
      %reduce_sum3A_1695 = vector.extract %reduce_sum3A_1694[15] : f32 from vector<16xf32>
      %eq3A_1696 = vector.broadcast %add3A_1668 : i32 to vector<16xi32>
      %eq3A_1697 = arith.cmpi eq, %iota3A, %eq3A_1696 : vector<16xi32>
      %broadcast_in_dim3A_1698 = vector.broadcast %reduce_sum3A_1695 : f32 to vector<16xf32>
      %select_n3A_1699 = arith.select %eq3A_1697, %broadcast_in_dim3A_1698, %select_n3A_1582 : vector<16xi1>, vector<16xf32>
      %jit3A_1700 = arith.constant 16 : i32
      %eq3A_1701 = arith.constant 0 : i32
      %eq3A_1702 = arith.cmpi eq, %jit3A_1700, %eq3A_1701 : i32
      %jit3A_1703 = arith.constant 1 : i32
      %select_n3A_1704 = arith.select %eq3A_1702, %jit3A_1703, %jit3A_1700 : i32
      %rem3A_1705 = arith.remsi %add3A_1607, %select_n3A_1704 : i32
      %ne3A_1706 = arith.constant 0 : i32
      %ne3A_1707 = arith.cmpi ne, %rem3A_1705, %ne3A_1706 : i32
      %lt3A_1708 = arith.constant 0 : i32
      %lt3A_1709 = arith.cmpi slt, %rem3A_1705, %lt3A_1708 : i32
      %lt3A_1710 = arith.constant 0 : i32
      %lt3A_1711 = arith.cmpi slt, %select_n3A_1704, %lt3A_1710 : i32
      %ne3A_1712 = arith.xori %lt3A_1709, %lt3A_1711 : i1
      %and3A_1713 = arith.andi %ne3A_1712, %ne3A_1707 : i1
      %add3A_1714 = arith.addi %rem3A_1705, %select_n3A_1704 : i32
      %select_n3A_1715 = arith.select %and3A_1713, %add3A_1714, %rem3A_1705 : i32
      %eq3A_1716 = arith.constant 15 : i32
      %eq3A_1717 = arith.cmpi eq, %select_n3A_1715, %eq3A_1716 : i32
      %convert_element_type3A_1718 = arith.extui %eq3A_1717 : i1 to i32
      %cond3A_1719 = arith.constant 0 : i32
      %cond3A_1720 = arith.cmpi ne, %convert_element_type3A_1718, %cond3A_1719 : i32
      scf.if %cond3A_1720 {
        %jit3A_2423 = arith.constant 16 : i32
        %div3A = arith.divsi %add3A_1607, %jit3A_2423 : i32
        %sign3A = arith.constant 0 : i32
        %sign3A_2424 = arith.cmpi sgt, %add3A_1607, %sign3A : i32
        %sign3A_2425 = arith.extui %sign3A_2424 : i1 to i32
        %sign3A_2426 = arith.constant 0 : i32
        %sign3A_2427 = arith.cmpi slt, %add3A_1607, %sign3A_2426 : i32
        %sign3A_2428 = arith.extui %sign3A_2427 : i1 to i32
        %sign3A_2429 = arith.subi %sign3A_2425, %sign3A_2428 : i32
        %sign3A_2430 = arith.constant 0 : i32
        %sign3A_2431 = arith.cmpi sgt, %jit3A_2423, %sign3A_2430 : i32
        %sign3A_2432 = arith.extui %sign3A_2431 : i1 to i32
        %sign3A_2433 = arith.constant 0 : i32
        %sign3A_2434 = arith.cmpi slt, %jit3A_2423, %sign3A_2433 : i32
        %sign3A_2435 = arith.extui %sign3A_2434 : i1 to i32
        %sign3A_2436 = arith.subi %sign3A_2432, %sign3A_2435 : i32
        %ne3A_2437 = arith.cmpi ne, %sign3A_2429, %sign3A_2436 : i32
        %rem3A_2438 = arith.remsi %add3A_1607, %jit3A_2423 : i32
        %ne3A_2439 = arith.constant 0 : i32
        %ne3A_2440 = arith.cmpi ne, %rem3A_2438, %ne3A_2439 : i32
        %and3A_2441 = arith.andi %ne3A_2437, %ne3A_2440 : i1
        %sub3A_2442 = arith.constant 1 : i32
        %sub3A_2443 = arith.subi %div3A, %sub3A_2442 : i32
        %select_n3A_2444 = arith.select %and3A_2441, %sub3A_2443, %div3A : i32
        %mul3A_2445 = arith.constant 16 : i32
        %mul3A_2446 = arith.muli %select_n3A_2444, %mul3A_2445 : i32
        %swap3A_2447 = arith.index_cast %mul3A_2446 : i32 to index
        %swap3A_2448 = tpu.vector_load %arg11[%swap3A_2447] {strides = array<i32>} : memref<512xf32, #tpu.memory_space<vmem>>, vector<16xf32>,
        tpu.vector_store %arg11[%swap3A_2447], %select_n3A_1699 {strides = array<i32>} : memref<512xf32, #tpu.memory_space<vmem>>, vector<16xf32>,
      } else {
      }
      %mul3A_1721 = arith.constant 15 : i32
      %mul3A_1722 = arith.muli %scan3A_673, %mul3A_1721 : i32
      %add3A_1723 = arith.constant 9 : i32
      %add3A_1724 = arith.addi %mul3A_1722, %add3A_1723 : i32
      %add3A_1725 = arith.constant 15 : i32
      %add3A_1726 = arith.addi %add3A_1724, %add3A_1725 : i32
      %sub3A_1727 = arith.constant 1 : i32
      %sub3A_1728 = arith.subi %add3A_1726, %sub3A_1727 : i32
      %lt3A_1729 = arith.constant 512 : i32
      %lt3A_1730 = arith.cmpi slt, %sub3A_1728, %lt3A_1729 : i32
      %convert_element_type3A_1731 = arith.extui %lt3A_1730 : i1 to i32
      %cond3A_1732 = arith.constant 0 : i32
      %cond3A_1733 = arith.cmpi ne, %convert_element_type3A_1731, %cond3A_1732 : i32
      scf.if %cond3A_1733 {
        %add3A_2423 = arith.constant 15 : i32
        %add3A_2424 = arith.addi %add3A_1724, %add3A_2423 : i32
        %sub3A_2425 = arith.constant 1 : i32
        %sub3A_2426 = arith.subi %add3A_2424, %sub3A_2425 : i32
        %mul3A_2427 = arith.constant 1 : i32
        %mul3A_2428 = arith.muli %sub3A_2426, %mul3A_2427 : i32
        %get3A_2429 = arith.index_cast %mul3A_2428 : i32 to index
        %get3A_2430 = tpu.vector_load %arg7[%get3A_2429] {strides = array<i32>} : memref<528xi32, #tpu.memory_space<vmem>>, vector<16xi32>,
        %mul3A_2431 = arith.constant 1 : i32
        %mul3A_2432 = arith.muli %sub3A_2426, %mul3A_2431 : i32
        %get3A_2433 = arith.index_cast %mul3A_2432 : i32 to index
        %get3A_2434 = tpu.vector_load %arg8[%get3A_2433] {strides = array<i32>} : memref<528xi32, #tpu.memory_space<vmem>>, vector<16xi32>,
        %slice3A_2435 = vector.extract_strided_slice %get3A_2430 {offsets = [0], sizes = [1], strides = [1]} : vector<16xi32> to vector<1xi32>
        %squeeze3A_2436 = vector.extract %slice3A_2435[0] : i32 from vector<1xi32>
        %shift_right_arithmetic3A_2437 = arith.constant 7 : i32
        %shift_right_arithmetic3A_2438 = arith.shrsi %squeeze3A_2436, %shift_right_arithmetic3A_2437 : i32
        %shift_left3A_2439 = arith.constant 7 : i32
        %shift_left3A_2440 = arith.shli %shift_right_arithmetic3A_2438, %shift_left3A_2439 : i32
        %multiple_of3A_2441 = tpu.assume_multiple %shift_left3A_2440, 128 : i32
        %slice3A_2442 = vector.extract_strided_slice %get3A_2434 {offsets = [0], sizes = [1], strides = [1]} : vector<16xi32> to vector<1xi32>
        %squeeze3A_2443 = vector.extract %slice3A_2442[0] : i32 from vector<1xi32>
        %shift_right_arithmetic3A_2444 = arith.constant 7 : i32
        %shift_right_arithmetic3A_2445 = arith.shrsi %squeeze3A_2443, %shift_right_arithmetic3A_2444 : i32
        %shift_left3A_2446 = arith.constant 7 : i32
        %shift_left3A_2447 = arith.shli %shift_right_arithmetic3A_2445, %shift_left3A_2446 : i32
        %multiple_of3A_2448 = tpu.assume_multiple %shift_left3A_2447, 128 : i32
        %dma_start3A_2449 = arith.constant 256 : i32
        %dma_start3A_2450 = arith.constant 0 : i32
        %dma_start3A_2451 = tpu.memref_slice %arg9[%dma_start3A_2449, %dma_start3A_2450] : memref<480x128xf32, #tpu.memory_space<vmem>> -> memref<32x128xf32, #tpu.memory_space<vmem>>
        %dma_start3A_2452 = arith.constant 0 : i32
        %dma_start3A_2453 = tpu.memref_slice %arg2[%dma_start3A_2452, %multiple_of3A_2441] : memref<32x1000000xf32, #tpu.memory_space<hbm>> -> memref<32x128xf32, #tpu.memory_space<hbm>>
        %dma_start3A_2454 = arith.constant 256 : i32
        %dma_start3A_2455 = arith.constant 0 : i32
        %dma_start3A_2456 = tpu.memref_slice %arg9[%dma_start3A_2454, %dma_start3A_2455] : memref<480x128xf32, #tpu.memory_space<vmem>> -> memref<32x128xf32, #tpu.memory_space<vmem>>
        %dma_start3A_2457 = arith.constant 0 : i32
        %dma_start3A_2458 = tpu.memref_slice %arg2[%dma_start3A_2457, %multiple_of3A_2441] : memref<32x1000000xf32, #tpu.memory_space<hbm>> -> memref<32x128xf32, #tpu.memory_space<hbm>>
        tpu.enqueue_dma source(%dma_start3A_2458 : memref<32x128xf32, #tpu.memory_space<hbm>>) target(%dma_start3A_2456 : memref<32x128xf32, #tpu.memory_space<vmem>>) target_semaphore(%arg21 : memref<!tpu.dma_semaphore, #tpu.memory_space<semaphore_mem>>)
        %dma_start3A_2459 = arith.constant 256 : i32
        %dma_start3A_2460 = arith.constant 0 : i32
        %dma_start3A_2461 = tpu.memref_slice %arg10[%dma_start3A_2459, %dma_start3A_2460] : memref<480x128xf32, #tpu.memory_space<vmem>> -> memref<32x128xf32, #tpu.memory_space<vmem>>
        %dma_start3A_2462 = arith.constant 0 : i32
        %dma_start3A_2463 = tpu.memref_slice %arg3[%dma_start3A_2462, %multiple_of3A_2448] : memref<32x1000000xf32, #tpu.memory_space<hbm>> -> memref<32x128xf32, #tpu.memory_space<hbm>>
        %dma_start3A_2464 = arith.constant 256 : i32
        %dma_start3A_2465 = arith.constant 0 : i32
        %dma_start3A_2466 = tpu.memref_slice %arg10[%dma_start3A_2464, %dma_start3A_2465] : memref<480x128xf32, #tpu.memory_space<vmem>> -> memref<32x128xf32, #tpu.memory_space<vmem>>
        %dma_start3A_2467 = arith.constant 0 : i32
        %dma_start3A_2468 = tpu.memref_slice %arg3[%dma_start3A_2467, %multiple_of3A_2448] : memref<32x1000000xf32, #tpu.memory_space<hbm>> -> memref<32x128xf32, #tpu.memory_space<hbm>>
        tpu.enqueue_dma source(%dma_start3A_2468 : memref<32x128xf32, #tpu.memory_space<hbm>>) target(%dma_start3A_2466 : memref<32x128xf32, #tpu.memory_space<vmem>>) target_semaphore(%arg21 : memref<!tpu.dma_semaphore, #tpu.memory_space<semaphore_mem>>)
      } else {
      }
      %mul3A_1734 = arith.constant 1 : i32
      %mul3A_1735 = arith.muli %add3A_1724, %mul3A_1734 : i32
      %get3A_1736 = arith.index_cast %mul3A_1735 : i32 to index
      %get3A_1737 = tpu.vector_load %arg7[%get3A_1736] {strides = array<i32>} : memref<528xi32, #tpu.memory_space<vmem>>, vector<16xi32>,
      %mul3A_1738 = arith.constant 1 : i32
      %mul3A_1739 = arith.muli %add3A_1724, %mul3A_1738 : i32
      %get3A_1740 = arith.index_cast %mul3A_1739 : i32 to index
      %get3A_1741 = tpu.vector_load %arg8[%get3A_1740] {strides = array<i32>} : memref<528xi32, #tpu.memory_space<vmem>>, vector<16xi32>,
      %dma_wait3A_1742 = arith.constant 288 : i32
      %dma_wait3A_1743 = arith.constant 0 : i32
      %dma_wait3A_1744 = tpu.memref_slice %arg9[%dma_wait3A_1742, %dma_wait3A_1743] : memref<480x128xf32, #tpu.memory_space<vmem>> -> memref<32x128xf32, #tpu.memory_space<vmem>>
      %dma_wait3A_1745 = arith.constant 0 : i32
      %dma_wait3A_1746 = arith.constant 0 : i32
      %dma_wait3A_1747 = tpu.memref_slice %arg2[%dma_wait3A_1745, %dma_wait3A_1746] : memref<32x1000000xf32, #tpu.memory_space<hbm>> -> memref<32x128xf32, #tpu.memory_space<hbm>>
      %dma_wait3A_1748 = arith.constant 288 : i32
      %dma_wait3A_1749 = arith.constant 0 : i32
      %dma_wait3A_1750 = tpu.memref_slice %arg9[%dma_wait3A_1748, %dma_wait3A_1749] : memref<480x128xf32, #tpu.memory_space<vmem>> -> memref<32x128xf32, #tpu.memory_space<vmem>>
      %dma_wait3A_1751 = arith.constant 0 : i32
      %dma_wait3A_1752 = arith.constant 0 : i32
      %dma_wait3A_1753 = tpu.memref_slice %arg2[%dma_wait3A_1751, %dma_wait3A_1752] : memref<32x1000000xf32, #tpu.memory_space<hbm>> -> memref<32x128xf32, #tpu.memory_space<hbm>>
      tpu.wait_dma2 semaphore(%arg22 : memref<!tpu.dma_semaphore, #tpu.memory_space<semaphore_mem>>) src(%dma_wait3A_1753 : memref<32x128xf32, #tpu.memory_space<hbm>>) dst(%dma_wait3A_1750 : memref<32x128xf32, #tpu.memory_space<vmem>>)
      %dma_wait3A_1754 = arith.constant 288 : i32
      %dma_wait3A_1755 = arith.constant 0 : i32
      %dma_wait3A_1756 = tpu.memref_slice %arg10[%dma_wait3A_1754, %dma_wait3A_1755] : memref<480x128xf32, #tpu.memory_space<vmem>> -> memref<32x128xf32, #tpu.memory_space<vmem>>
      %dma_wait3A_1757 = arith.constant 0 : i32
      %dma_wait3A_1758 = arith.constant 0 : i32
      %dma_wait3A_1759 = tpu.memref_slice %arg3[%dma_wait3A_1757, %dma_wait3A_1758] : memref<32x1000000xf32, #tpu.memory_space<hbm>> -> memref<32x128xf32, #tpu.memory_space<hbm>>
      %dma_wait3A_1760 = arith.constant 288 : i32
      %dma_wait3A_1761 = arith.constant 0 : i32
      %dma_wait3A_1762 = tpu.memref_slice %arg10[%dma_wait3A_1760, %dma_wait3A_1761] : memref<480x128xf32, #tpu.memory_space<vmem>> -> memref<32x128xf32, #tpu.memory_space<vmem>>
      %dma_wait3A_1763 = arith.constant 0 : i32
      %dma_wait3A_1764 = arith.constant 0 : i32
      %dma_wait3A_1765 = tpu.memref_slice %arg3[%dma_wait3A_1763, %dma_wait3A_1764] : memref<32x1000000xf32, #tpu.memory_space<hbm>> -> memref<32x128xf32, #tpu.memory_space<hbm>>
      tpu.wait_dma2 semaphore(%arg22 : memref<!tpu.dma_semaphore, #tpu.memory_space<semaphore_mem>>) src(%dma_wait3A_1765 : memref<32x128xf32, #tpu.memory_space<hbm>>) dst(%dma_wait3A_1762 : memref<32x128xf32, #tpu.memory_space<vmem>>)
      %jit3A_1766 = arith.constant 16 : i32
      %eq3A_1767 = arith.constant 0 : i32
      %eq3A_1768 = arith.cmpi eq, %jit3A_1766, %eq3A_1767 : i32
      %jit3A_1769 = arith.constant 1 : i32
      %select_n3A_1770 = arith.select %eq3A_1768, %jit3A_1769, %jit3A_1766 : i32
      %rem3A_1771 = arith.remsi %add3A_1724, %select_n3A_1770 : i32
      %ne3A_1772 = arith.constant 0 : i32
      %ne3A_1773 = arith.cmpi ne, %rem3A_1771, %ne3A_1772 : i32
      %lt3A_1774 = arith.constant 0 : i32
      %lt3A_1775 = arith.cmpi slt, %rem3A_1771, %lt3A_1774 : i32
      %lt3A_1776 = arith.constant 0 : i32
      %lt3A_1777 = arith.cmpi slt, %select_n3A_1770, %lt3A_1776 : i32
      %ne3A_1778 = arith.xori %lt3A_1775, %lt3A_1777 : i1
      %and3A_1779 = arith.andi %ne3A_1778, %ne3A_1773 : i1
      %add3A_1780 = arith.addi %rem3A_1771, %select_n3A_1770 : i32
      %select_n3A_1781 = arith.select %and3A_1779, %add3A_1780, %rem3A_1771 : i32
      %mul3A_1782 = arith.constant 1 : i32
      %mul3A_1783 = arith.muli %select_n3A_1781, %mul3A_1782 : i32
      %add3A_1784 = arith.constant 0 : i32
      %add3A_1785 = arith.addi %mul3A_1783, %add3A_1784 : i32
      %slice3A_1786 = vector.extract_strided_slice %get3A_1737 {offsets = [0], sizes = [1], strides = [1]} : vector<16xi32> to vector<1xi32>
      %squeeze3A_1787 = vector.extract %slice3A_1786[0] : i32 from vector<1xi32>
      %and3A_1788 = arith.constant 127 : i32
      %and3A_1789 = arith.andi %squeeze3A_1787, %and3A_1788 : i32
      %broadcast_in_dim3A_1790 = vector.broadcast %and3A_1789 : i32 to vector<16xi32>
      %slice3A_1791 = vector.extract_strided_slice %get3A_1741 {offsets = [0], sizes = [1], strides = [1]} : vector<16xi32> to vector<1xi32>
      %squeeze3A_1792 = vector.extract %slice3A_1791[0] : i32 from vector<1xi32>
      %and3A_1793 = arith.constant 127 : i32
      %and3A_1794 = arith.andi %squeeze3A_1792, %and3A_1793 : i32
      %broadcast_in_dim3A_1795 = vector.broadcast %and3A_1794 : i32 to vector<16xi32>
      %add3A_1796 = arith.constant 288 : i32
      %add3A_1797 = vector.broadcast %add3A_1796 : i32 to vector<16xi32>
      %add3A_1798 = arith.addi %iota3A, %add3A_1797 : vector<16xi32>
      %add3A_1799 = arith.constant 16 : i32
      %add3A_1800 = vector.broadcast %add3A_1799 : i32 to vector<16xi32>
      %add3A_1801 = arith.addi %add3A_1798, %add3A_1800 : vector<16xi32>
      %gather3A_1802 = tpu.vector_load_idx %arg9[%add3A_1798, %broadcast_in_dim3A_1790] : memref<480x128xf32, #tpu.memory_space<vmem>>[vector<16xi32>, vector<16xi32>], vector<16xf32>,
      %gather3A_1803 = tpu.vector_load_idx %arg9[%add3A_1801, %broadcast_in_dim3A_1790] : memref<480x128xf32, #tpu.memory_space<vmem>>[vector<16xi32>, vector<16xi32>], vector<16xf32>,
      %gather3A_1804 = tpu.vector_load_idx %arg10[%add3A_1798, %broadcast_in_dim3A_1795] : memref<480x128xf32, #tpu.memory_space<vmem>>[vector<16xi32>, vector<16xi32>], vector<16xf32>,
      %gather3A_1805 = tpu.vector_load_idx %arg10[%add3A_1801, %broadcast_in_dim3A_1795] : memref<480x128xf32, #tpu.memory_space<vmem>>[vector<16xi32>, vector<16xi32>], vector<16xf32>,
      %mul3A_1806 = arith.mulf %gather3A_1802, %gather3A_1804 : vector<16xf32>
      %mul3A_1807 = arith.mulf %gather3A_1803, %gather3A_1805 : vector<16xf32>
      %add3A_1808 = arith.addf %mul3A_1806, %mul3A_1807 : vector<16xf32>
      %reduce_sum3A_1809 = arith.constant true
      %reduce_sum3A_1810 = vector.broadcast %reduce_sum3A_1809 : i1 to vector<16xi1>
      %reduce_sum3A_1811 = tpu.scan <sum>, %add3A_1808 masked %reduce_sum3A_1810 : vector<16xf32>, vector<16xi1> -> vector<16xf32>
      %reduce_sum3A_1812 = vector.extract %reduce_sum3A_1811[15] : f32 from vector<16xf32>
      %eq3A_1813 = vector.broadcast %add3A_1785 : i32 to vector<16xi32>
      %eq3A_1814 = arith.cmpi eq, %iota3A, %eq3A_1813 : vector<16xi32>
      %broadcast_in_dim3A_1815 = vector.broadcast %reduce_sum3A_1812 : f32 to vector<16xf32>
      %select_n3A_1816 = arith.select %eq3A_1814, %broadcast_in_dim3A_1815, %select_n3A_1699 : vector<16xi1>, vector<16xf32>
      %jit3A_1817 = arith.constant 16 : i32
      %eq3A_1818 = arith.constant 0 : i32
      %eq3A_1819 = arith.cmpi eq, %jit3A_1817, %eq3A_1818 : i32
      %jit3A_1820 = arith.constant 1 : i32
      %select_n3A_1821 = arith.select %eq3A_1819, %jit3A_1820, %jit3A_1817 : i32
      %rem3A_1822 = arith.remsi %add3A_1724, %select_n3A_1821 : i32
      %ne3A_1823 = arith.constant 0 : i32
      %ne3A_1824 = arith.cmpi ne, %rem3A_1822, %ne3A_1823 : i32
      %lt3A_1825 = arith.constant 0 : i32
      %lt3A_1826 = arith.cmpi slt, %rem3A_1822, %lt3A_1825 : i32
      %lt3A_1827 = arith.constant 0 : i32
      %lt3A_1828 = arith.cmpi slt, %select_n3A_1821, %lt3A_1827 : i32
      %ne3A_1829 = arith.xori %lt3A_1826, %lt3A_1828 : i1
      %and3A_1830 = arith.andi %ne3A_1829, %ne3A_1824 : i1
      %add3A_1831 = arith.addi %rem3A_1822, %select_n3A_1821 : i32
      %select_n3A_1832 = arith.select %and3A_1830, %add3A_1831, %rem3A_1822 : i32
      %eq3A_1833 = arith.constant 15 : i32
      %eq3A_1834 = arith.cmpi eq, %select_n3A_1832, %eq3A_1833 : i32
      %convert_element_type3A_1835 = arith.extui %eq3A_1834 : i1 to i32
      %cond3A_1836 = arith.constant 0 : i32
      %cond3A_1837 = arith.cmpi ne, %convert_element_type3A_1835, %cond3A_1836 : i32
      scf.if %cond3A_1837 {
        %jit3A_2423 = arith.constant 16 : i32
        %div3A = arith.divsi %add3A_1724, %jit3A_2423 : i32
        %sign3A = arith.constant 0 : i32
        %sign3A_2424 = arith.cmpi sgt, %add3A_1724, %sign3A : i32
        %sign3A_2425 = arith.extui %sign3A_2424 : i1 to i32
        %sign3A_2426 = arith.constant 0 : i32
        %sign3A_2427 = arith.cmpi slt, %add3A_1724, %sign3A_2426 : i32
        %sign3A_2428 = arith.extui %sign3A_2427 : i1 to i32
        %sign3A_2429 = arith.subi %sign3A_2425, %sign3A_2428 : i32
        %sign3A_2430 = arith.constant 0 : i32
        %sign3A_2431 = arith.cmpi sgt, %jit3A_2423, %sign3A_2430 : i32
        %sign3A_2432 = arith.extui %sign3A_2431 : i1 to i32
        %sign3A_2433 = arith.constant 0 : i32
        %sign3A_2434 = arith.cmpi slt, %jit3A_2423, %sign3A_2433 : i32
        %sign3A_2435 = arith.extui %sign3A_2434 : i1 to i32
        %sign3A_2436 = arith.subi %sign3A_2432, %sign3A_2435 : i32
        %ne3A_2437 = arith.cmpi ne, %sign3A_2429, %sign3A_2436 : i32
        %rem3A_2438 = arith.remsi %add3A_1724, %jit3A_2423 : i32
        %ne3A_2439 = arith.constant 0 : i32
        %ne3A_2440 = arith.cmpi ne, %rem3A_2438, %ne3A_2439 : i32
        %and3A_2441 = arith.andi %ne3A_2437, %ne3A_2440 : i1
        %sub3A_2442 = arith.constant 1 : i32
        %sub3A_2443 = arith.subi %div3A, %sub3A_2442 : i32
        %select_n3A_2444 = arith.select %and3A_2441, %sub3A_2443, %div3A : i32
        %mul3A_2445 = arith.constant 16 : i32
        %mul3A_2446 = arith.muli %select_n3A_2444, %mul3A_2445 : i32
        %swap3A_2447 = arith.index_cast %mul3A_2446 : i32 to index
        %swap3A_2448 = tpu.vector_load %arg11[%swap3A_2447] {strides = array<i32>} : memref<512xf32, #tpu.memory_space<vmem>>, vector<16xf32>,
        tpu.vector_store %arg11[%swap3A_2447], %select_n3A_1816 {strides = array<i32>} : memref<512xf32, #tpu.memory_space<vmem>>, vector<16xf32>,
      } else {
      }
      %mul3A_1838 = arith.constant 15 : i32
      %mul3A_1839 = arith.muli %scan3A_673, %mul3A_1838 : i32
      %add3A_1840 = arith.constant 10 : i32
      %add3A_1841 = arith.addi %mul3A_1839, %add3A_1840 : i32
      %add3A_1842 = arith.constant 15 : i32
      %add3A_1843 = arith.addi %add3A_1841, %add3A_1842 : i32
      %sub3A_1844 = arith.constant 1 : i32
      %sub3A_1845 = arith.subi %add3A_1843, %sub3A_1844 : i32
      %lt3A_1846 = arith.constant 512 : i32
      %lt3A_1847 = arith.cmpi slt, %sub3A_1845, %lt3A_1846 : i32
      %convert_element_type3A_1848 = arith.extui %lt3A_1847 : i1 to i32
      %cond3A_1849 = arith.constant 0 : i32
      %cond3A_1850 = arith.cmpi ne, %convert_element_type3A_1848, %cond3A_1849 : i32
      scf.if %cond3A_1850 {
        %add3A_2423 = arith.constant 15 : i32
        %add3A_2424 = arith.addi %add3A_1841, %add3A_2423 : i32
        %sub3A_2425 = arith.constant 1 : i32
        %sub3A_2426 = arith.subi %add3A_2424, %sub3A_2425 : i32
        %mul3A_2427 = arith.constant 1 : i32
        %mul3A_2428 = arith.muli %sub3A_2426, %mul3A_2427 : i32
        %get3A_2429 = arith.index_cast %mul3A_2428 : i32 to index
        %get3A_2430 = tpu.vector_load %arg7[%get3A_2429] {strides = array<i32>} : memref<528xi32, #tpu.memory_space<vmem>>, vector<16xi32>,
        %mul3A_2431 = arith.constant 1 : i32
        %mul3A_2432 = arith.muli %sub3A_2426, %mul3A_2431 : i32
        %get3A_2433 = arith.index_cast %mul3A_2432 : i32 to index
        %get3A_2434 = tpu.vector_load %arg8[%get3A_2433] {strides = array<i32>} : memref<528xi32, #tpu.memory_space<vmem>>, vector<16xi32>,
        %slice3A_2435 = vector.extract_strided_slice %get3A_2430 {offsets = [0], sizes = [1], strides = [1]} : vector<16xi32> to vector<1xi32>
        %squeeze3A_2436 = vector.extract %slice3A_2435[0] : i32 from vector<1xi32>
        %shift_right_arithmetic3A_2437 = arith.constant 7 : i32
        %shift_right_arithmetic3A_2438 = arith.shrsi %squeeze3A_2436, %shift_right_arithmetic3A_2437 : i32
        %shift_left3A_2439 = arith.constant 7 : i32
        %shift_left3A_2440 = arith.shli %shift_right_arithmetic3A_2438, %shift_left3A_2439 : i32
        %multiple_of3A_2441 = tpu.assume_multiple %shift_left3A_2440, 128 : i32
        %slice3A_2442 = vector.extract_strided_slice %get3A_2434 {offsets = [0], sizes = [1], strides = [1]} : vector<16xi32> to vector<1xi32>
        %squeeze3A_2443 = vector.extract %slice3A_2442[0] : i32 from vector<1xi32>
        %shift_right_arithmetic3A_2444 = arith.constant 7 : i32
        %shift_right_arithmetic3A_2445 = arith.shrsi %squeeze3A_2443, %shift_right_arithmetic3A_2444 : i32
        %shift_left3A_2446 = arith.constant 7 : i32
        %shift_left3A_2447 = arith.shli %shift_right_arithmetic3A_2445, %shift_left3A_2446 : i32
        %multiple_of3A_2448 = tpu.assume_multiple %shift_left3A_2447, 128 : i32
        %dma_start3A_2449 = arith.constant 288 : i32
        %dma_start3A_2450 = arith.constant 0 : i32
        %dma_start3A_2451 = tpu.memref_slice %arg9[%dma_start3A_2449, %dma_start3A_2450] : memref<480x128xf32, #tpu.memory_space<vmem>> -> memref<32x128xf32, #tpu.memory_space<vmem>>
        %dma_start3A_2452 = arith.constant 0 : i32
        %dma_start3A_2453 = tpu.memref_slice %arg2[%dma_start3A_2452, %multiple_of3A_2441] : memref<32x1000000xf32, #tpu.memory_space<hbm>> -> memref<32x128xf32, #tpu.memory_space<hbm>>
        %dma_start3A_2454 = arith.constant 288 : i32
        %dma_start3A_2455 = arith.constant 0 : i32
        %dma_start3A_2456 = tpu.memref_slice %arg9[%dma_start3A_2454, %dma_start3A_2455] : memref<480x128xf32, #tpu.memory_space<vmem>> -> memref<32x128xf32, #tpu.memory_space<vmem>>
        %dma_start3A_2457 = arith.constant 0 : i32
        %dma_start3A_2458 = tpu.memref_slice %arg2[%dma_start3A_2457, %multiple_of3A_2441] : memref<32x1000000xf32, #tpu.memory_space<hbm>> -> memref<32x128xf32, #tpu.memory_space<hbm>>
        tpu.enqueue_dma source(%dma_start3A_2458 : memref<32x128xf32, #tpu.memory_space<hbm>>) target(%dma_start3A_2456 : memref<32x128xf32, #tpu.memory_space<vmem>>) target_semaphore(%arg22 : memref<!tpu.dma_semaphore, #tpu.memory_space<semaphore_mem>>)
        %dma_start3A_2459 = arith.constant 288 : i32
        %dma_start3A_2460 = arith.constant 0 : i32
        %dma_start3A_2461 = tpu.memref_slice %arg10[%dma_start3A_2459, %dma_start3A_2460] : memref<480x128xf32, #tpu.memory_space<vmem>> -> memref<32x128xf32, #tpu.memory_space<vmem>>
        %dma_start3A_2462 = arith.constant 0 : i32
        %dma_start3A_2463 = tpu.memref_slice %arg3[%dma_start3A_2462, %multiple_of3A_2448] : memref<32x1000000xf32, #tpu.memory_space<hbm>> -> memref<32x128xf32, #tpu.memory_space<hbm>>
        %dma_start3A_2464 = arith.constant 288 : i32
        %dma_start3A_2465 = arith.constant 0 : i32
        %dma_start3A_2466 = tpu.memref_slice %arg10[%dma_start3A_2464, %dma_start3A_2465] : memref<480x128xf32, #tpu.memory_space<vmem>> -> memref<32x128xf32, #tpu.memory_space<vmem>>
        %dma_start3A_2467 = arith.constant 0 : i32
        %dma_start3A_2468 = tpu.memref_slice %arg3[%dma_start3A_2467, %multiple_of3A_2448] : memref<32x1000000xf32, #tpu.memory_space<hbm>> -> memref<32x128xf32, #tpu.memory_space<hbm>>
        tpu.enqueue_dma source(%dma_start3A_2468 : memref<32x128xf32, #tpu.memory_space<hbm>>) target(%dma_start3A_2466 : memref<32x128xf32, #tpu.memory_space<vmem>>) target_semaphore(%arg22 : memref<!tpu.dma_semaphore, #tpu.memory_space<semaphore_mem>>)
      } else {
      }
      %mul3A_1851 = arith.constant 1 : i32
      %mul3A_1852 = arith.muli %add3A_1841, %mul3A_1851 : i32
      %get3A_1853 = arith.index_cast %mul3A_1852 : i32 to index
      %get3A_1854 = tpu.vector_load %arg7[%get3A_1853] {strides = array<i32>} : memref<528xi32, #tpu.memory_space<vmem>>, vector<16xi32>,
      %mul3A_1855 = arith.constant 1 : i32
      %mul3A_1856 = arith.muli %add3A_1841, %mul3A_1855 : i32
      %get3A_1857 = arith.index_cast %mul3A_1856 : i32 to index
      %get3A_1858 = tpu.vector_load %arg8[%get3A_1857] {strides = array<i32>} : memref<528xi32, #tpu.memory_space<vmem>>, vector<16xi32>,
      %dma_wait3A_1859 = arith.constant 320 : i32
      %dma_wait3A_1860 = arith.constant 0 : i32
      %dma_wait3A_1861 = tpu.memref_slice %arg9[%dma_wait3A_1859, %dma_wait3A_1860] : memref<480x128xf32, #tpu.memory_space<vmem>> -> memref<32x128xf32, #tpu.memory_space<vmem>>
      %dma_wait3A_1862 = arith.constant 0 : i32
      %dma_wait3A_1863 = arith.constant 0 : i32
      %dma_wait3A_1864 = tpu.memref_slice %arg2[%dma_wait3A_1862, %dma_wait3A_1863] : memref<32x1000000xf32, #tpu.memory_space<hbm>> -> memref<32x128xf32, #tpu.memory_space<hbm>>
      %dma_wait3A_1865 = arith.constant 320 : i32
      %dma_wait3A_1866 = arith.constant 0 : i32
      %dma_wait3A_1867 = tpu.memref_slice %arg9[%dma_wait3A_1865, %dma_wait3A_1866] : memref<480x128xf32, #tpu.memory_space<vmem>> -> memref<32x128xf32, #tpu.memory_space<vmem>>
      %dma_wait3A_1868 = arith.constant 0 : i32
      %dma_wait3A_1869 = arith.constant 0 : i32
      %dma_wait3A_1870 = tpu.memref_slice %arg2[%dma_wait3A_1868, %dma_wait3A_1869] : memref<32x1000000xf32, #tpu.memory_space<hbm>> -> memref<32x128xf32, #tpu.memory_space<hbm>>
      tpu.wait_dma2 semaphore(%arg23 : memref<!tpu.dma_semaphore, #tpu.memory_space<semaphore_mem>>) src(%dma_wait3A_1870 : memref<32x128xf32, #tpu.memory_space<hbm>>) dst(%dma_wait3A_1867 : memref<32x128xf32, #tpu.memory_space<vmem>>)
      %dma_wait3A_1871 = arith.constant 320 : i32
      %dma_wait3A_1872 = arith.constant 0 : i32
      %dma_wait3A_1873 = tpu.memref_slice %arg10[%dma_wait3A_1871, %dma_wait3A_1872] : memref<480x128xf32, #tpu.memory_space<vmem>> -> memref<32x128xf32, #tpu.memory_space<vmem>>
      %dma_wait3A_1874 = arith.constant 0 : i32
      %dma_wait3A_1875 = arith.constant 0 : i32
      %dma_wait3A_1876 = tpu.memref_slice %arg3[%dma_wait3A_1874, %dma_wait3A_1875] : memref<32x1000000xf32, #tpu.memory_space<hbm>> -> memref<32x128xf32, #tpu.memory_space<hbm>>
      %dma_wait3A_1877 = arith.constant 320 : i32
      %dma_wait3A_1878 = arith.constant 0 : i32
      %dma_wait3A_1879 = tpu.memref_slice %arg10[%dma_wait3A_1877, %dma_wait3A_1878] : memref<480x128xf32, #tpu.memory_space<vmem>> -> memref<32x128xf32, #tpu.memory_space<vmem>>
      %dma_wait3A_1880 = arith.constant 0 : i32
      %dma_wait3A_1881 = arith.constant 0 : i32
      %dma_wait3A_1882 = tpu.memref_slice %arg3[%dma_wait3A_1880, %dma_wait3A_1881] : memref<32x1000000xf32, #tpu.memory_space<hbm>> -> memref<32x128xf32, #tpu.memory_space<hbm>>
      tpu.wait_dma2 semaphore(%arg23 : memref<!tpu.dma_semaphore, #tpu.memory_space<semaphore_mem>>) src(%dma_wait3A_1882 : memref<32x128xf32, #tpu.memory_space<hbm>>) dst(%dma_wait3A_1879 : memref<32x128xf32, #tpu.memory_space<vmem>>)
      %jit3A_1883 = arith.constant 16 : i32
      %eq3A_1884 = arith.constant 0 : i32
      %eq3A_1885 = arith.cmpi eq, %jit3A_1883, %eq3A_1884 : i32
      %jit3A_1886 = arith.constant 1 : i32
      %select_n3A_1887 = arith.select %eq3A_1885, %jit3A_1886, %jit3A_1883 : i32
      %rem3A_1888 = arith.remsi %add3A_1841, %select_n3A_1887 : i32
      %ne3A_1889 = arith.constant 0 : i32
      %ne3A_1890 = arith.cmpi ne, %rem3A_1888, %ne3A_1889 : i32
      %lt3A_1891 = arith.constant 0 : i32
      %lt3A_1892 = arith.cmpi slt, %rem3A_1888, %lt3A_1891 : i32
      %lt3A_1893 = arith.constant 0 : i32
      %lt3A_1894 = arith.cmpi slt, %select_n3A_1887, %lt3A_1893 : i32
      %ne3A_1895 = arith.xori %lt3A_1892, %lt3A_1894 : i1
      %and3A_1896 = arith.andi %ne3A_1895, %ne3A_1890 : i1
      %add3A_1897 = arith.addi %rem3A_1888, %select_n3A_1887 : i32
      %select_n3A_1898 = arith.select %and3A_1896, %add3A_1897, %rem3A_1888 : i32
      %mul3A_1899 = arith.constant 1 : i32
      %mul3A_1900 = arith.muli %select_n3A_1898, %mul3A_1899 : i32
      %add3A_1901 = arith.constant 0 : i32
      %add3A_1902 = arith.addi %mul3A_1900, %add3A_1901 : i32
      %slice3A_1903 = vector.extract_strided_slice %get3A_1854 {offsets = [0], sizes = [1], strides = [1]} : vector<16xi32> to vector<1xi32>
      %squeeze3A_1904 = vector.extract %slice3A_1903[0] : i32 from vector<1xi32>
      %and3A_1905 = arith.constant 127 : i32
      %and3A_1906 = arith.andi %squeeze3A_1904, %and3A_1905 : i32
      %broadcast_in_dim3A_1907 = vector.broadcast %and3A_1906 : i32 to vector<16xi32>
      %slice3A_1908 = vector.extract_strided_slice %get3A_1858 {offsets = [0], sizes = [1], strides = [1]} : vector<16xi32> to vector<1xi32>
      %squeeze3A_1909 = vector.extract %slice3A_1908[0] : i32 from vector<1xi32>
      %and3A_1910 = arith.constant 127 : i32
      %and3A_1911 = arith.andi %squeeze3A_1909, %and3A_1910 : i32
      %broadcast_in_dim3A_1912 = vector.broadcast %and3A_1911 : i32 to vector<16xi32>
      %add3A_1913 = arith.constant 320 : i32
      %add3A_1914 = vector.broadcast %add3A_1913 : i32 to vector<16xi32>
      %add3A_1915 = arith.addi %iota3A, %add3A_1914 : vector<16xi32>
      %add3A_1916 = arith.constant 16 : i32
      %add3A_1917 = vector.broadcast %add3A_1916 : i32 to vector<16xi32>
      %add3A_1918 = arith.addi %add3A_1915, %add3A_1917 : vector<16xi32>
      %gather3A_1919 = tpu.vector_load_idx %arg9[%add3A_1915, %broadcast_in_dim3A_1907] : memref<480x128xf32, #tpu.memory_space<vmem>>[vector<16xi32>, vector<16xi32>], vector<16xf32>,
      %gather3A_1920 = tpu.vector_load_idx %arg9[%add3A_1918, %broadcast_in_dim3A_1907] : memref<480x128xf32, #tpu.memory_space<vmem>>[vector<16xi32>, vector<16xi32>], vector<16xf32>,
      %gather3A_1921 = tpu.vector_load_idx %arg10[%add3A_1915, %broadcast_in_dim3A_1912] : memref<480x128xf32, #tpu.memory_space<vmem>>[vector<16xi32>, vector<16xi32>], vector<16xf32>,
      %gather3A_1922 = tpu.vector_load_idx %arg10[%add3A_1918, %broadcast_in_dim3A_1912] : memref<480x128xf32, #tpu.memory_space<vmem>>[vector<16xi32>, vector<16xi32>], vector<16xf32>,
      %mul3A_1923 = arith.mulf %gather3A_1919, %gather3A_1921 : vector<16xf32>
      %mul3A_1924 = arith.mulf %gather3A_1920, %gather3A_1922 : vector<16xf32>
      %add3A_1925 = arith.addf %mul3A_1923, %mul3A_1924 : vector<16xf32>
      %reduce_sum3A_1926 = arith.constant true
      %reduce_sum3A_1927 = vector.broadcast %reduce_sum3A_1926 : i1 to vector<16xi1>
      %reduce_sum3A_1928 = tpu.scan <sum>, %add3A_1925 masked %reduce_sum3A_1927 : vector<16xf32>, vector<16xi1> -> vector<16xf32>
      %reduce_sum3A_1929 = vector.extract %reduce_sum3A_1928[15] : f32 from vector<16xf32>
      %eq3A_1930 = vector.broadcast %add3A_1902 : i32 to vector<16xi32>
      %eq3A_1931 = arith.cmpi eq, %iota3A, %eq3A_1930 : vector<16xi32>
      %broadcast_in_dim3A_1932 = vector.broadcast %reduce_sum3A_1929 : f32 to vector<16xf32>
      %select_n3A_1933 = arith.select %eq3A_1931, %broadcast_in_dim3A_1932, %select_n3A_1816 : vector<16xi1>, vector<16xf32>
      %jit3A_1934 = arith.constant 16 : i32
      %eq3A_1935 = arith.constant 0 : i32
      %eq3A_1936 = arith.cmpi eq, %jit3A_1934, %eq3A_1935 : i32
      %jit3A_1937 = arith.constant 1 : i32
      %select_n3A_1938 = arith.select %eq3A_1936, %jit3A_1937, %jit3A_1934 : i32
      %rem3A_1939 = arith.remsi %add3A_1841, %select_n3A_1938 : i32
      %ne3A_1940 = arith.constant 0 : i32
      %ne3A_1941 = arith.cmpi ne, %rem3A_1939, %ne3A_1940 : i32
      %lt3A_1942 = arith.constant 0 : i32
      %lt3A_1943 = arith.cmpi slt, %rem3A_1939, %lt3A_1942 : i32
      %lt3A_1944 = arith.constant 0 : i32
      %lt3A_1945 = arith.cmpi slt, %select_n3A_1938, %lt3A_1944 : i32
      %ne3A_1946 = arith.xori %lt3A_1943, %lt3A_1945 : i1
      %and3A_1947 = arith.andi %ne3A_1946, %ne3A_1941 : i1
      %add3A_1948 = arith.addi %rem3A_1939, %select_n3A_1938 : i32
      %select_n3A_1949 = arith.select %and3A_1947, %add3A_1948, %rem3A_1939 : i32
      %eq3A_1950 = arith.constant 15 : i32
      %eq3A_1951 = arith.cmpi eq, %select_n3A_1949, %eq3A_1950 : i32
      %convert_element_type3A_1952 = arith.extui %eq3A_1951 : i1 to i32
      %cond3A_1953 = arith.constant 0 : i32
      %cond3A_1954 = arith.cmpi ne, %convert_element_type3A_1952, %cond3A_1953 : i32
      scf.if %cond3A_1954 {
        %jit3A_2423 = arith.constant 16 : i32
        %div3A = arith.divsi %add3A_1841, %jit3A_2423 : i32
        %sign3A = arith.constant 0 : i32
        %sign3A_2424 = arith.cmpi sgt, %add3A_1841, %sign3A : i32
        %sign3A_2425 = arith.extui %sign3A_2424 : i1 to i32
        %sign3A_2426 = arith.constant 0 : i32
        %sign3A_2427 = arith.cmpi slt, %add3A_1841, %sign3A_2426 : i32
        %sign3A_2428 = arith.extui %sign3A_2427 : i1 to i32
        %sign3A_2429 = arith.subi %sign3A_2425, %sign3A_2428 : i32
        %sign3A_2430 = arith.constant 0 : i32
        %sign3A_2431 = arith.cmpi sgt, %jit3A_2423, %sign3A_2430 : i32
        %sign3A_2432 = arith.extui %sign3A_2431 : i1 to i32
        %sign3A_2433 = arith.constant 0 : i32
        %sign3A_2434 = arith.cmpi slt, %jit3A_2423, %sign3A_2433 : i32
        %sign3A_2435 = arith.extui %sign3A_2434 : i1 to i32
        %sign3A_2436 = arith.subi %sign3A_2432, %sign3A_2435 : i32
        %ne3A_2437 = arith.cmpi ne, %sign3A_2429, %sign3A_2436 : i32
        %rem3A_2438 = arith.remsi %add3A_1841, %jit3A_2423 : i32
        %ne3A_2439 = arith.constant 0 : i32
        %ne3A_2440 = arith.cmpi ne, %rem3A_2438, %ne3A_2439 : i32
        %and3A_2441 = arith.andi %ne3A_2437, %ne3A_2440 : i1
        %sub3A_2442 = arith.constant 1 : i32
        %sub3A_2443 = arith.subi %div3A, %sub3A_2442 : i32
        %select_n3A_2444 = arith.select %and3A_2441, %sub3A_2443, %div3A : i32
        %mul3A_2445 = arith.constant 16 : i32
        %mul3A_2446 = arith.muli %select_n3A_2444, %mul3A_2445 : i32
        %swap3A_2447 = arith.index_cast %mul3A_2446 : i32 to index
        %swap3A_2448 = tpu.vector_load %arg11[%swap3A_2447] {strides = array<i32>} : memref<512xf32, #tpu.memory_space<vmem>>, vector<16xf32>,
        tpu.vector_store %arg11[%swap3A_2447], %select_n3A_1933 {strides = array<i32>} : memref<512xf32, #tpu.memory_space<vmem>>, vector<16xf32>,
      } else {
      }
      %mul3A_1955 = arith.constant 15 : i32
      %mul3A_1956 = arith.muli %scan3A_673, %mul3A_1955 : i32
      %add3A_1957 = arith.constant 11 : i32
      %add3A_1958 = arith.addi %mul3A_1956, %add3A_1957 : i32
      %add3A_1959 = arith.constant 15 : i32
      %add3A_1960 = arith.addi %add3A_1958, %add3A_1959 : i32
      %sub3A_1961 = arith.constant 1 : i32
      %sub3A_1962 = arith.subi %add3A_1960, %sub3A_1961 : i32
      %lt3A_1963 = arith.constant 512 : i32
      %lt3A_1964 = arith.cmpi slt, %sub3A_1962, %lt3A_1963 : i32
      %convert_element_type3A_1965 = arith.extui %lt3A_1964 : i1 to i32
      %cond3A_1966 = arith.constant 0 : i32
      %cond3A_1967 = arith.cmpi ne, %convert_element_type3A_1965, %cond3A_1966 : i32
      scf.if %cond3A_1967 {
        %add3A_2423 = arith.constant 15 : i32
        %add3A_2424 = arith.addi %add3A_1958, %add3A_2423 : i32
        %sub3A_2425 = arith.constant 1 : i32
        %sub3A_2426 = arith.subi %add3A_2424, %sub3A_2425 : i32
        %mul3A_2427 = arith.constant 1 : i32
        %mul3A_2428 = arith.muli %sub3A_2426, %mul3A_2427 : i32
        %get3A_2429 = arith.index_cast %mul3A_2428 : i32 to index
        %get3A_2430 = tpu.vector_load %arg7[%get3A_2429] {strides = array<i32>} : memref<528xi32, #tpu.memory_space<vmem>>, vector<16xi32>,
        %mul3A_2431 = arith.constant 1 : i32
        %mul3A_2432 = arith.muli %sub3A_2426, %mul3A_2431 : i32
        %get3A_2433 = arith.index_cast %mul3A_2432 : i32 to index
        %get3A_2434 = tpu.vector_load %arg8[%get3A_2433] {strides = array<i32>} : memref<528xi32, #tpu.memory_space<vmem>>, vector<16xi32>,
        %slice3A_2435 = vector.extract_strided_slice %get3A_2430 {offsets = [0], sizes = [1], strides = [1]} : vector<16xi32> to vector<1xi32>
        %squeeze3A_2436 = vector.extract %slice3A_2435[0] : i32 from vector<1xi32>
        %shift_right_arithmetic3A_2437 = arith.constant 7 : i32
        %shift_right_arithmetic3A_2438 = arith.shrsi %squeeze3A_2436, %shift_right_arithmetic3A_2437 : i32
        %shift_left3A_2439 = arith.constant 7 : i32
        %shift_left3A_2440 = arith.shli %shift_right_arithmetic3A_2438, %shift_left3A_2439 : i32
        %multiple_of3A_2441 = tpu.assume_multiple %shift_left3A_2440, 128 : i32
        %slice3A_2442 = vector.extract_strided_slice %get3A_2434 {offsets = [0], sizes = [1], strides = [1]} : vector<16xi32> to vector<1xi32>
        %squeeze3A_2443 = vector.extract %slice3A_2442[0] : i32 from vector<1xi32>
        %shift_right_arithmetic3A_2444 = arith.constant 7 : i32
        %shift_right_arithmetic3A_2445 = arith.shrsi %squeeze3A_2443, %shift_right_arithmetic3A_2444 : i32
        %shift_left3A_2446 = arith.constant 7 : i32
        %shift_left3A_2447 = arith.shli %shift_right_arithmetic3A_2445, %shift_left3A_2446 : i32
        %multiple_of3A_2448 = tpu.assume_multiple %shift_left3A_2447, 128 : i32
        %dma_start3A_2449 = arith.constant 320 : i32
        %dma_start3A_2450 = arith.constant 0 : i32
        %dma_start3A_2451 = tpu.memref_slice %arg9[%dma_start3A_2449, %dma_start3A_2450] : memref<480x128xf32, #tpu.memory_space<vmem>> -> memref<32x128xf32, #tpu.memory_space<vmem>>
        %dma_start3A_2452 = arith.constant 0 : i32
        %dma_start3A_2453 = tpu.memref_slice %arg2[%dma_start3A_2452, %multiple_of3A_2441] : memref<32x1000000xf32, #tpu.memory_space<hbm>> -> memref<32x128xf32, #tpu.memory_space<hbm>>
        %dma_start3A_2454 = arith.constant 320 : i32
        %dma_start3A_2455 = arith.constant 0 : i32
        %dma_start3A_2456 = tpu.memref_slice %arg9[%dma_start3A_2454, %dma_start3A_2455] : memref<480x128xf32, #tpu.memory_space<vmem>> -> memref<32x128xf32, #tpu.memory_space<vmem>>
        %dma_start3A_2457 = arith.constant 0 : i32
        %dma_start3A_2458 = tpu.memref_slice %arg2[%dma_start3A_2457, %multiple_of3A_2441] : memref<32x1000000xf32, #tpu.memory_space<hbm>> -> memref<32x128xf32, #tpu.memory_space<hbm>>
        tpu.enqueue_dma source(%dma_start3A_2458 : memref<32x128xf32, #tpu.memory_space<hbm>>) target(%dma_start3A_2456 : memref<32x128xf32, #tpu.memory_space<vmem>>) target_semaphore(%arg23 : memref<!tpu.dma_semaphore, #tpu.memory_space<semaphore_mem>>)
        %dma_start3A_2459 = arith.constant 320 : i32
        %dma_start3A_2460 = arith.constant 0 : i32
        %dma_start3A_2461 = tpu.memref_slice %arg10[%dma_start3A_2459, %dma_start3A_2460] : memref<480x128xf32, #tpu.memory_space<vmem>> -> memref<32x128xf32, #tpu.memory_space<vmem>>
        %dma_start3A_2462 = arith.constant 0 : i32
        %dma_start3A_2463 = tpu.memref_slice %arg3[%dma_start3A_2462, %multiple_of3A_2448] : memref<32x1000000xf32, #tpu.memory_space<hbm>> -> memref<32x128xf32, #tpu.memory_space<hbm>>
        %dma_start3A_2464 = arith.constant 320 : i32
        %dma_start3A_2465 = arith.constant 0 : i32
        %dma_start3A_2466 = tpu.memref_slice %arg10[%dma_start3A_2464, %dma_start3A_2465] : memref<480x128xf32, #tpu.memory_space<vmem>> -> memref<32x128xf32, #tpu.memory_space<vmem>>
        %dma_start3A_2467 = arith.constant 0 : i32
        %dma_start3A_2468 = tpu.memref_slice %arg3[%dma_start3A_2467, %multiple_of3A_2448] : memref<32x1000000xf32, #tpu.memory_space<hbm>> -> memref<32x128xf32, #tpu.memory_space<hbm>>
        tpu.enqueue_dma source(%dma_start3A_2468 : memref<32x128xf32, #tpu.memory_space<hbm>>) target(%dma_start3A_2466 : memref<32x128xf32, #tpu.memory_space<vmem>>) target_semaphore(%arg23 : memref<!tpu.dma_semaphore, #tpu.memory_space<semaphore_mem>>)
      } else {
      }
      %mul3A_1968 = arith.constant 1 : i32
      %mul3A_1969 = arith.muli %add3A_1958, %mul3A_1968 : i32
      %get3A_1970 = arith.index_cast %mul3A_1969 : i32 to index
      %get3A_1971 = tpu.vector_load %arg7[%get3A_1970] {strides = array<i32>} : memref<528xi32, #tpu.memory_space<vmem>>, vector<16xi32>,
      %mul3A_1972 = arith.constant 1 : i32
      %mul3A_1973 = arith.muli %add3A_1958, %mul3A_1972 : i32
      %get3A_1974 = arith.index_cast %mul3A_1973 : i32 to index
      %get3A_1975 = tpu.vector_load %arg8[%get3A_1974] {strides = array<i32>} : memref<528xi32, #tpu.memory_space<vmem>>, vector<16xi32>,
      %dma_wait3A_1976 = arith.constant 352 : i32
      %dma_wait3A_1977 = arith.constant 0 : i32
      %dma_wait3A_1978 = tpu.memref_slice %arg9[%dma_wait3A_1976, %dma_wait3A_1977] : memref<480x128xf32, #tpu.memory_space<vmem>> -> memref<32x128xf32, #tpu.memory_space<vmem>>
      %dma_wait3A_1979 = arith.constant 0 : i32
      %dma_wait3A_1980 = arith.constant 0 : i32
      %dma_wait3A_1981 = tpu.memref_slice %arg2[%dma_wait3A_1979, %dma_wait3A_1980] : memref<32x1000000xf32, #tpu.memory_space<hbm>> -> memref<32x128xf32, #tpu.memory_space<hbm>>
      %dma_wait3A_1982 = arith.constant 352 : i32
      %dma_wait3A_1983 = arith.constant 0 : i32
      %dma_wait3A_1984 = tpu.memref_slice %arg9[%dma_wait3A_1982, %dma_wait3A_1983] : memref<480x128xf32, #tpu.memory_space<vmem>> -> memref<32x128xf32, #tpu.memory_space<vmem>>
      %dma_wait3A_1985 = arith.constant 0 : i32
      %dma_wait3A_1986 = arith.constant 0 : i32
      %dma_wait3A_1987 = tpu.memref_slice %arg2[%dma_wait3A_1985, %dma_wait3A_1986] : memref<32x1000000xf32, #tpu.memory_space<hbm>> -> memref<32x128xf32, #tpu.memory_space<hbm>>
      tpu.wait_dma2 semaphore(%arg24 : memref<!tpu.dma_semaphore, #tpu.memory_space<semaphore_mem>>) src(%dma_wait3A_1987 : memref<32x128xf32, #tpu.memory_space<hbm>>) dst(%dma_wait3A_1984 : memref<32x128xf32, #tpu.memory_space<vmem>>)
      %dma_wait3A_1988 = arith.constant 352 : i32
      %dma_wait3A_1989 = arith.constant 0 : i32
      %dma_wait3A_1990 = tpu.memref_slice %arg10[%dma_wait3A_1988, %dma_wait3A_1989] : memref<480x128xf32, #tpu.memory_space<vmem>> -> memref<32x128xf32, #tpu.memory_space<vmem>>
      %dma_wait3A_1991 = arith.constant 0 : i32
      %dma_wait3A_1992 = arith.constant 0 : i32
      %dma_wait3A_1993 = tpu.memref_slice %arg3[%dma_wait3A_1991, %dma_wait3A_1992] : memref<32x1000000xf32, #tpu.memory_space<hbm>> -> memref<32x128xf32, #tpu.memory_space<hbm>>
      %dma_wait3A_1994 = arith.constant 352 : i32
      %dma_wait3A_1995 = arith.constant 0 : i32
      %dma_wait3A_1996 = tpu.memref_slice %arg10[%dma_wait3A_1994, %dma_wait3A_1995] : memref<480x128xf32, #tpu.memory_space<vmem>> -> memref<32x128xf32, #tpu.memory_space<vmem>>
      %dma_wait3A_1997 = arith.constant 0 : i32
      %dma_wait3A_1998 = arith.constant 0 : i32
      %dma_wait3A_1999 = tpu.memref_slice %arg3[%dma_wait3A_1997, %dma_wait3A_1998] : memref<32x1000000xf32, #tpu.memory_space<hbm>> -> memref<32x128xf32, #tpu.memory_space<hbm>>
      tpu.wait_dma2 semaphore(%arg24 : memref<!tpu.dma_semaphore, #tpu.memory_space<semaphore_mem>>) src(%dma_wait3A_1999 : memref<32x128xf32, #tpu.memory_space<hbm>>) dst(%dma_wait3A_1996 : memref<32x128xf32, #tpu.memory_space<vmem>>)
      %jit3A_2000 = arith.constant 16 : i32
      %eq3A_2001 = arith.constant 0 : i32
      %eq3A_2002 = arith.cmpi eq, %jit3A_2000, %eq3A_2001 : i32
      %jit3A_2003 = arith.constant 1 : i32
      %select_n3A_2004 = arith.select %eq3A_2002, %jit3A_2003, %jit3A_2000 : i32
      %rem3A_2005 = arith.remsi %add3A_1958, %select_n3A_2004 : i32
      %ne3A_2006 = arith.constant 0 : i32
      %ne3A_2007 = arith.cmpi ne, %rem3A_2005, %ne3A_2006 : i32
      %lt3A_2008 = arith.constant 0 : i32
      %lt3A_2009 = arith.cmpi slt, %rem3A_2005, %lt3A_2008 : i32
      %lt3A_2010 = arith.constant 0 : i32
      %lt3A_2011 = arith.cmpi slt, %select_n3A_2004, %lt3A_2010 : i32
      %ne3A_2012 = arith.xori %lt3A_2009, %lt3A_2011 : i1
      %and3A_2013 = arith.andi %ne3A_2012, %ne3A_2007 : i1
      %add3A_2014 = arith.addi %rem3A_2005, %select_n3A_2004 : i32
      %select_n3A_2015 = arith.select %and3A_2013, %add3A_2014, %rem3A_2005 : i32
      %mul3A_2016 = arith.constant 1 : i32
      %mul3A_2017 = arith.muli %select_n3A_2015, %mul3A_2016 : i32
      %add3A_2018 = arith.constant 0 : i32
      %add3A_2019 = arith.addi %mul3A_2017, %add3A_2018 : i32
      %slice3A_2020 = vector.extract_strided_slice %get3A_1971 {offsets = [0], sizes = [1], strides = [1]} : vector<16xi32> to vector<1xi32>
      %squeeze3A_2021 = vector.extract %slice3A_2020[0] : i32 from vector<1xi32>
      %and3A_2022 = arith.constant 127 : i32
      %and3A_2023 = arith.andi %squeeze3A_2021, %and3A_2022 : i32
      %broadcast_in_dim3A_2024 = vector.broadcast %and3A_2023 : i32 to vector<16xi32>
      %slice3A_2025 = vector.extract_strided_slice %get3A_1975 {offsets = [0], sizes = [1], strides = [1]} : vector<16xi32> to vector<1xi32>
      %squeeze3A_2026 = vector.extract %slice3A_2025[0] : i32 from vector<1xi32>
      %and3A_2027 = arith.constant 127 : i32
      %and3A_2028 = arith.andi %squeeze3A_2026, %and3A_2027 : i32
      %broadcast_in_dim3A_2029 = vector.broadcast %and3A_2028 : i32 to vector<16xi32>
      %add3A_2030 = arith.constant 352 : i32
      %add3A_2031 = vector.broadcast %add3A_2030 : i32 to vector<16xi32>
      %add3A_2032 = arith.addi %iota3A, %add3A_2031 : vector<16xi32>
      %add3A_2033 = arith.constant 16 : i32
      %add3A_2034 = vector.broadcast %add3A_2033 : i32 to vector<16xi32>
      %add3A_2035 = arith.addi %add3A_2032, %add3A_2034 : vector<16xi32>
      %gather3A_2036 = tpu.vector_load_idx %arg9[%add3A_2032, %broadcast_in_dim3A_2024] : memref<480x128xf32, #tpu.memory_space<vmem>>[vector<16xi32>, vector<16xi32>], vector<16xf32>,
      %gather3A_2037 = tpu.vector_load_idx %arg9[%add3A_2035, %broadcast_in_dim3A_2024] : memref<480x128xf32, #tpu.memory_space<vmem>>[vector<16xi32>, vector<16xi32>], vector<16xf32>,
      %gather3A_2038 = tpu.vector_load_idx %arg10[%add3A_2032, %broadcast_in_dim3A_2029] : memref<480x128xf32, #tpu.memory_space<vmem>>[vector<16xi32>, vector<16xi32>], vector<16xf32>,
      %gather3A_2039 = tpu.vector_load_idx %arg10[%add3A_2035, %broadcast_in_dim3A_2029] : memref<480x128xf32, #tpu.memory_space<vmem>>[vector<16xi32>, vector<16xi32>], vector<16xf32>,
      %mul3A_2040 = arith.mulf %gather3A_2036, %gather3A_2038 : vector<16xf32>
      %mul3A_2041 = arith.mulf %gather3A_2037, %gather3A_2039 : vector<16xf32>
      %add3A_2042 = arith.addf %mul3A_2040, %mul3A_2041 : vector<16xf32>
      %reduce_sum3A_2043 = arith.constant true
      %reduce_sum3A_2044 = vector.broadcast %reduce_sum3A_2043 : i1 to vector<16xi1>
      %reduce_sum3A_2045 = tpu.scan <sum>, %add3A_2042 masked %reduce_sum3A_2044 : vector<16xf32>, vector<16xi1> -> vector<16xf32>
      %reduce_sum3A_2046 = vector.extract %reduce_sum3A_2045[15] : f32 from vector<16xf32>
      %eq3A_2047 = vector.broadcast %add3A_2019 : i32 to vector<16xi32>
      %eq3A_2048 = arith.cmpi eq, %iota3A, %eq3A_2047 : vector<16xi32>
      %broadcast_in_dim3A_2049 = vector.broadcast %reduce_sum3A_2046 : f32 to vector<16xf32>
      %select_n3A_2050 = arith.select %eq3A_2048, %broadcast_in_dim3A_2049, %select_n3A_1933 : vector<16xi1>, vector<16xf32>
      %jit3A_2051 = arith.constant 16 : i32
      %eq3A_2052 = arith.constant 0 : i32
      %eq3A_2053 = arith.cmpi eq, %jit3A_2051, %eq3A_2052 : i32
      %jit3A_2054 = arith.constant 1 : i32
      %select_n3A_2055 = arith.select %eq3A_2053, %jit3A_2054, %jit3A_2051 : i32
      %rem3A_2056 = arith.remsi %add3A_1958, %select_n3A_2055 : i32
      %ne3A_2057 = arith.constant 0 : i32
      %ne3A_2058 = arith.cmpi ne, %rem3A_2056, %ne3A_2057 : i32
      %lt3A_2059 = arith.constant 0 : i32
      %lt3A_2060 = arith.cmpi slt, %rem3A_2056, %lt3A_2059 : i32
      %lt3A_2061 = arith.constant 0 : i32
      %lt3A_2062 = arith.cmpi slt, %select_n3A_2055, %lt3A_2061 : i32
      %ne3A_2063 = arith.xori %lt3A_2060, %lt3A_2062 : i1
      %and3A_2064 = arith.andi %ne3A_2063, %ne3A_2058 : i1
      %add3A_2065 = arith.addi %rem3A_2056, %select_n3A_2055 : i32
      %select_n3A_2066 = arith.select %and3A_2064, %add3A_2065, %rem3A_2056 : i32
      %eq3A_2067 = arith.constant 15 : i32
      %eq3A_2068 = arith.cmpi eq, %select_n3A_2066, %eq3A_2067 : i32
      %convert_element_type3A_2069 = arith.extui %eq3A_2068 : i1 to i32
      %cond3A_2070 = arith.constant 0 : i32
      %cond3A_2071 = arith.cmpi ne, %convert_element_type3A_2069, %cond3A_2070 : i32
      scf.if %cond3A_2071 {
        %jit3A_2423 = arith.constant 16 : i32
        %div3A = arith.divsi %add3A_1958, %jit3A_2423 : i32
        %sign3A = arith.constant 0 : i32
        %sign3A_2424 = arith.cmpi sgt, %add3A_1958, %sign3A : i32
        %sign3A_2425 = arith.extui %sign3A_2424 : i1 to i32
        %sign3A_2426 = arith.constant 0 : i32
        %sign3A_2427 = arith.cmpi slt, %add3A_1958, %sign3A_2426 : i32
        %sign3A_2428 = arith.extui %sign3A_2427 : i1 to i32
        %sign3A_2429 = arith.subi %sign3A_2425, %sign3A_2428 : i32
        %sign3A_2430 = arith.constant 0 : i32
        %sign3A_2431 = arith.cmpi sgt, %jit3A_2423, %sign3A_2430 : i32
        %sign3A_2432 = arith.extui %sign3A_2431 : i1 to i32
        %sign3A_2433 = arith.constant 0 : i32
        %sign3A_2434 = arith.cmpi slt, %jit3A_2423, %sign3A_2433 : i32
        %sign3A_2435 = arith.extui %sign3A_2434 : i1 to i32
        %sign3A_2436 = arith.subi %sign3A_2432, %sign3A_2435 : i32
        %ne3A_2437 = arith.cmpi ne, %sign3A_2429, %sign3A_2436 : i32
        %rem3A_2438 = arith.remsi %add3A_1958, %jit3A_2423 : i32
        %ne3A_2439 = arith.constant 0 : i32
        %ne3A_2440 = arith.cmpi ne, %rem3A_2438, %ne3A_2439 : i32
        %and3A_2441 = arith.andi %ne3A_2437, %ne3A_2440 : i1
        %sub3A_2442 = arith.constant 1 : i32
        %sub3A_2443 = arith.subi %div3A, %sub3A_2442 : i32
        %select_n3A_2444 = arith.select %and3A_2441, %sub3A_2443, %div3A : i32
        %mul3A_2445 = arith.constant 16 : i32
        %mul3A_2446 = arith.muli %select_n3A_2444, %mul3A_2445 : i32
        %swap3A_2447 = arith.index_cast %mul3A_2446 : i32 to index
        %swap3A_2448 = tpu.vector_load %arg11[%swap3A_2447] {strides = array<i32>} : memref<512xf32, #tpu.memory_space<vmem>>, vector<16xf32>,
        tpu.vector_store %arg11[%swap3A_2447], %select_n3A_2050 {strides = array<i32>} : memref<512xf32, #tpu.memory_space<vmem>>, vector<16xf32>,
      } else {
      }
      %mul3A_2072 = arith.constant 15 : i32
      %mul3A_2073 = arith.muli %scan3A_673, %mul3A_2072 : i32
      %add3A_2074 = arith.constant 12 : i32
      %add3A_2075 = arith.addi %mul3A_2073, %add3A_2074 : i32
      %add3A_2076 = arith.constant 15 : i32
      %add3A_2077 = arith.addi %add3A_2075, %add3A_2076 : i32
      %sub3A_2078 = arith.constant 1 : i32
      %sub3A_2079 = arith.subi %add3A_2077, %sub3A_2078 : i32
      %lt3A_2080 = arith.constant 512 : i32
      %lt3A_2081 = arith.cmpi slt, %sub3A_2079, %lt3A_2080 : i32
      %convert_element_type3A_2082 = arith.extui %lt3A_2081 : i1 to i32
      %cond3A_2083 = arith.constant 0 : i32
      %cond3A_2084 = arith.cmpi ne, %convert_element_type3A_2082, %cond3A_2083 : i32
      scf.if %cond3A_2084 {
        %add3A_2423 = arith.constant 15 : i32
        %add3A_2424 = arith.addi %add3A_2075, %add3A_2423 : i32
        %sub3A_2425 = arith.constant 1 : i32
        %sub3A_2426 = arith.subi %add3A_2424, %sub3A_2425 : i32
        %mul3A_2427 = arith.constant 1 : i32
        %mul3A_2428 = arith.muli %sub3A_2426, %mul3A_2427 : i32
        %get3A_2429 = arith.index_cast %mul3A_2428 : i32 to index
        %get3A_2430 = tpu.vector_load %arg7[%get3A_2429] {strides = array<i32>} : memref<528xi32, #tpu.memory_space<vmem>>, vector<16xi32>,
        %mul3A_2431 = arith.constant 1 : i32
        %mul3A_2432 = arith.muli %sub3A_2426, %mul3A_2431 : i32
        %get3A_2433 = arith.index_cast %mul3A_2432 : i32 to index
        %get3A_2434 = tpu.vector_load %arg8[%get3A_2433] {strides = array<i32>} : memref<528xi32, #tpu.memory_space<vmem>>, vector<16xi32>,
        %slice3A_2435 = vector.extract_strided_slice %get3A_2430 {offsets = [0], sizes = [1], strides = [1]} : vector<16xi32> to vector<1xi32>
        %squeeze3A_2436 = vector.extract %slice3A_2435[0] : i32 from vector<1xi32>
        %shift_right_arithmetic3A_2437 = arith.constant 7 : i32
        %shift_right_arithmetic3A_2438 = arith.shrsi %squeeze3A_2436, %shift_right_arithmetic3A_2437 : i32
        %shift_left3A_2439 = arith.constant 7 : i32
        %shift_left3A_2440 = arith.shli %shift_right_arithmetic3A_2438, %shift_left3A_2439 : i32
        %multiple_of3A_2441 = tpu.assume_multiple %shift_left3A_2440, 128 : i32
        %slice3A_2442 = vector.extract_strided_slice %get3A_2434 {offsets = [0], sizes = [1], strides = [1]} : vector<16xi32> to vector<1xi32>
        %squeeze3A_2443 = vector.extract %slice3A_2442[0] : i32 from vector<1xi32>
        %shift_right_arithmetic3A_2444 = arith.constant 7 : i32
        %shift_right_arithmetic3A_2445 = arith.shrsi %squeeze3A_2443, %shift_right_arithmetic3A_2444 : i32
        %shift_left3A_2446 = arith.constant 7 : i32
        %shift_left3A_2447 = arith.shli %shift_right_arithmetic3A_2445, %shift_left3A_2446 : i32
        %multiple_of3A_2448 = tpu.assume_multiple %shift_left3A_2447, 128 : i32
        %dma_start3A_2449 = arith.constant 352 : i32
        %dma_start3A_2450 = arith.constant 0 : i32
        %dma_start3A_2451 = tpu.memref_slice %arg9[%dma_start3A_2449, %dma_start3A_2450] : memref<480x128xf32, #tpu.memory_space<vmem>> -> memref<32x128xf32, #tpu.memory_space<vmem>>
        %dma_start3A_2452 = arith.constant 0 : i32
        %dma_start3A_2453 = tpu.memref_slice %arg2[%dma_start3A_2452, %multiple_of3A_2441] : memref<32x1000000xf32, #tpu.memory_space<hbm>> -> memref<32x128xf32, #tpu.memory_space<hbm>>
        %dma_start3A_2454 = arith.constant 352 : i32
        %dma_start3A_2455 = arith.constant 0 : i32
        %dma_start3A_2456 = tpu.memref_slice %arg9[%dma_start3A_2454, %dma_start3A_2455] : memref<480x128xf32, #tpu.memory_space<vmem>> -> memref<32x128xf32, #tpu.memory_space<vmem>>
        %dma_start3A_2457 = arith.constant 0 : i32
        %dma_start3A_2458 = tpu.memref_slice %arg2[%dma_start3A_2457, %multiple_of3A_2441] : memref<32x1000000xf32, #tpu.memory_space<hbm>> -> memref<32x128xf32, #tpu.memory_space<hbm>>
        tpu.enqueue_dma source(%dma_start3A_2458 : memref<32x128xf32, #tpu.memory_space<hbm>>) target(%dma_start3A_2456 : memref<32x128xf32, #tpu.memory_space<vmem>>) target_semaphore(%arg24 : memref<!tpu.dma_semaphore, #tpu.memory_space<semaphore_mem>>)
        %dma_start3A_2459 = arith.constant 352 : i32
        %dma_start3A_2460 = arith.constant 0 : i32
        %dma_start3A_2461 = tpu.memref_slice %arg10[%dma_start3A_2459, %dma_start3A_2460] : memref<480x128xf32, #tpu.memory_space<vmem>> -> memref<32x128xf32, #tpu.memory_space<vmem>>
        %dma_start3A_2462 = arith.constant 0 : i32
        %dma_start3A_2463 = tpu.memref_slice %arg3[%dma_start3A_2462, %multiple_of3A_2448] : memref<32x1000000xf32, #tpu.memory_space<hbm>> -> memref<32x128xf32, #tpu.memory_space<hbm>>
        %dma_start3A_2464 = arith.constant 352 : i32
        %dma_start3A_2465 = arith.constant 0 : i32
        %dma_start3A_2466 = tpu.memref_slice %arg10[%dma_start3A_2464, %dma_start3A_2465] : memref<480x128xf32, #tpu.memory_space<vmem>> -> memref<32x128xf32, #tpu.memory_space<vmem>>
        %dma_start3A_2467 = arith.constant 0 : i32
        %dma_start3A_2468 = tpu.memref_slice %arg3[%dma_start3A_2467, %multiple_of3A_2448] : memref<32x1000000xf32, #tpu.memory_space<hbm>> -> memref<32x128xf32, #tpu.memory_space<hbm>>
        tpu.enqueue_dma source(%dma_start3A_2468 : memref<32x128xf32, #tpu.memory_space<hbm>>) target(%dma_start3A_2466 : memref<32x128xf32, #tpu.memory_space<vmem>>) target_semaphore(%arg24 : memref<!tpu.dma_semaphore, #tpu.memory_space<semaphore_mem>>)
      } else {
      }
      %mul3A_2085 = arith.constant 1 : i32
      %mul3A_2086 = arith.muli %add3A_2075, %mul3A_2085 : i32
      %get3A_2087 = arith.index_cast %mul3A_2086 : i32 to index
      %get3A_2088 = tpu.vector_load %arg7[%get3A_2087] {strides = array<i32>} : memref<528xi32, #tpu.memory_space<vmem>>, vector<16xi32>,
      %mul3A_2089 = arith.constant 1 : i32
      %mul3A_2090 = arith.muli %add3A_2075, %mul3A_2089 : i32
      %get3A_2091 = arith.index_cast %mul3A_2090 : i32 to index
      %get3A_2092 = tpu.vector_load %arg8[%get3A_2091] {strides = array<i32>} : memref<528xi32, #tpu.memory_space<vmem>>, vector<16xi32>,
      %dma_wait3A_2093 = arith.constant 384 : i32
      %dma_wait3A_2094 = arith.constant 0 : i32
      %dma_wait3A_2095 = tpu.memref_slice %arg9[%dma_wait3A_2093, %dma_wait3A_2094] : memref<480x128xf32, #tpu.memory_space<vmem>> -> memref<32x128xf32, #tpu.memory_space<vmem>>
      %dma_wait3A_2096 = arith.constant 0 : i32
      %dma_wait3A_2097 = arith.constant 0 : i32
      %dma_wait3A_2098 = tpu.memref_slice %arg2[%dma_wait3A_2096, %dma_wait3A_2097] : memref<32x1000000xf32, #tpu.memory_space<hbm>> -> memref<32x128xf32, #tpu.memory_space<hbm>>
      %dma_wait3A_2099 = arith.constant 384 : i32
      %dma_wait3A_2100 = arith.constant 0 : i32
      %dma_wait3A_2101 = tpu.memref_slice %arg9[%dma_wait3A_2099, %dma_wait3A_2100] : memref<480x128xf32, #tpu.memory_space<vmem>> -> memref<32x128xf32, #tpu.memory_space<vmem>>
      %dma_wait3A_2102 = arith.constant 0 : i32
      %dma_wait3A_2103 = arith.constant 0 : i32
      %dma_wait3A_2104 = tpu.memref_slice %arg2[%dma_wait3A_2102, %dma_wait3A_2103] : memref<32x1000000xf32, #tpu.memory_space<hbm>> -> memref<32x128xf32, #tpu.memory_space<hbm>>
      tpu.wait_dma2 semaphore(%arg25 : memref<!tpu.dma_semaphore, #tpu.memory_space<semaphore_mem>>) src(%dma_wait3A_2104 : memref<32x128xf32, #tpu.memory_space<hbm>>) dst(%dma_wait3A_2101 : memref<32x128xf32, #tpu.memory_space<vmem>>)
      %dma_wait3A_2105 = arith.constant 384 : i32
      %dma_wait3A_2106 = arith.constant 0 : i32
      %dma_wait3A_2107 = tpu.memref_slice %arg10[%dma_wait3A_2105, %dma_wait3A_2106] : memref<480x128xf32, #tpu.memory_space<vmem>> -> memref<32x128xf32, #tpu.memory_space<vmem>>
      %dma_wait3A_2108 = arith.constant 0 : i32
      %dma_wait3A_2109 = arith.constant 0 : i32
      %dma_wait3A_2110 = tpu.memref_slice %arg3[%dma_wait3A_2108, %dma_wait3A_2109] : memref<32x1000000xf32, #tpu.memory_space<hbm>> -> memref<32x128xf32, #tpu.memory_space<hbm>>
      %dma_wait3A_2111 = arith.constant 384 : i32
      %dma_wait3A_2112 = arith.constant 0 : i32
      %dma_wait3A_2113 = tpu.memref_slice %arg10[%dma_wait3A_2111, %dma_wait3A_2112] : memref<480x128xf32, #tpu.memory_space<vmem>> -> memref<32x128xf32, #tpu.memory_space<vmem>>
      %dma_wait3A_2114 = arith.constant 0 : i32
      %dma_wait3A_2115 = arith.constant 0 : i32
      %dma_wait3A_2116 = tpu.memref_slice %arg3[%dma_wait3A_2114, %dma_wait3A_2115] : memref<32x1000000xf32, #tpu.memory_space<hbm>> -> memref<32x128xf32, #tpu.memory_space<hbm>>
      tpu.wait_dma2 semaphore(%arg25 : memref<!tpu.dma_semaphore, #tpu.memory_space<semaphore_mem>>) src(%dma_wait3A_2116 : memref<32x128xf32, #tpu.memory_space<hbm>>) dst(%dma_wait3A_2113 : memref<32x128xf32, #tpu.memory_space<vmem>>)
      %jit3A_2117 = arith.constant 16 : i32
      %eq3A_2118 = arith.constant 0 : i32
      %eq3A_2119 = arith.cmpi eq, %jit3A_2117, %eq3A_2118 : i32
      %jit3A_2120 = arith.constant 1 : i32
      %select_n3A_2121 = arith.select %eq3A_2119, %jit3A_2120, %jit3A_2117 : i32
      %rem3A_2122 = arith.remsi %add3A_2075, %select_n3A_2121 : i32
      %ne3A_2123 = arith.constant 0 : i32
      %ne3A_2124 = arith.cmpi ne, %rem3A_2122, %ne3A_2123 : i32
      %lt3A_2125 = arith.constant 0 : i32
      %lt3A_2126 = arith.cmpi slt, %rem3A_2122, %lt3A_2125 : i32
      %lt3A_2127 = arith.constant 0 : i32
      %lt3A_2128 = arith.cmpi slt, %select_n3A_2121, %lt3A_2127 : i32
      %ne3A_2129 = arith.xori %lt3A_2126, %lt3A_2128 : i1
      %and3A_2130 = arith.andi %ne3A_2129, %ne3A_2124 : i1
      %add3A_2131 = arith.addi %rem3A_2122, %select_n3A_2121 : i32
      %select_n3A_2132 = arith.select %and3A_2130, %add3A_2131, %rem3A_2122 : i32
      %mul3A_2133 = arith.constant 1 : i32
      %mul3A_2134 = arith.muli %select_n3A_2132, %mul3A_2133 : i32
      %add3A_2135 = arith.constant 0 : i32
      %add3A_2136 = arith.addi %mul3A_2134, %add3A_2135 : i32
      %slice3A_2137 = vector.extract_strided_slice %get3A_2088 {offsets = [0], sizes = [1], strides = [1]} : vector<16xi32> to vector<1xi32>
      %squeeze3A_2138 = vector.extract %slice3A_2137[0] : i32 from vector<1xi32>
      %and3A_2139 = arith.constant 127 : i32
      %and3A_2140 = arith.andi %squeeze3A_2138, %and3A_2139 : i32
      %broadcast_in_dim3A_2141 = vector.broadcast %and3A_2140 : i32 to vector<16xi32>
      %slice3A_2142 = vector.extract_strided_slice %get3A_2092 {offsets = [0], sizes = [1], strides = [1]} : vector<16xi32> to vector<1xi32>
      %squeeze3A_2143 = vector.extract %slice3A_2142[0] : i32 from vector<1xi32>
      %and3A_2144 = arith.constant 127 : i32
      %and3A_2145 = arith.andi %squeeze3A_2143, %and3A_2144 : i32
      %broadcast_in_dim3A_2146 = vector.broadcast %and3A_2145 : i32 to vector<16xi32>
      %add3A_2147 = arith.constant 384 : i32
      %add3A_2148 = vector.broadcast %add3A_2147 : i32 to vector<16xi32>
      %add3A_2149 = arith.addi %iota3A, %add3A_2148 : vector<16xi32>
      %add3A_2150 = arith.constant 16 : i32
      %add3A_2151 = vector.broadcast %add3A_2150 : i32 to vector<16xi32>
      %add3A_2152 = arith.addi %add3A_2149, %add3A_2151 : vector<16xi32>
      %gather3A_2153 = tpu.vector_load_idx %arg9[%add3A_2149, %broadcast_in_dim3A_2141] : memref<480x128xf32, #tpu.memory_space<vmem>>[vector<16xi32>, vector<16xi32>], vector<16xf32>,
      %gather3A_2154 = tpu.vector_load_idx %arg9[%add3A_2152, %broadcast_in_dim3A_2141] : memref<480x128xf32, #tpu.memory_space<vmem>>[vector<16xi32>, vector<16xi32>], vector<16xf32>,
      %gather3A_2155 = tpu.vector_load_idx %arg10[%add3A_2149, %broadcast_in_dim3A_2146] : memref<480x128xf32, #tpu.memory_space<vmem>>[vector<16xi32>, vector<16xi32>], vector<16xf32>,
      %gather3A_2156 = tpu.vector_load_idx %arg10[%add3A_2152, %broadcast_in_dim3A_2146] : memref<480x128xf32, #tpu.memory_space<vmem>>[vector<16xi32>, vector<16xi32>], vector<16xf32>,
      %mul3A_2157 = arith.mulf %gather3A_2153, %gather3A_2155 : vector<16xf32>
      %mul3A_2158 = arith.mulf %gather3A_2154, %gather3A_2156 : vector<16xf32>
      %add3A_2159 = arith.addf %mul3A_2157, %mul3A_2158 : vector<16xf32>
      %reduce_sum3A_2160 = arith.constant true
      %reduce_sum3A_2161 = vector.broadcast %reduce_sum3A_2160 : i1 to vector<16xi1>
      %reduce_sum3A_2162 = tpu.scan <sum>, %add3A_2159 masked %reduce_sum3A_2161 : vector<16xf32>, vector<16xi1> -> vector<16xf32>
      %reduce_sum3A_2163 = vector.extract %reduce_sum3A_2162[15] : f32 from vector<16xf32>
      %eq3A_2164 = vector.broadcast %add3A_2136 : i32 to vector<16xi32>
      %eq3A_2165 = arith.cmpi eq, %iota3A, %eq3A_2164 : vector<16xi32>
      %broadcast_in_dim3A_2166 = vector.broadcast %reduce_sum3A_2163 : f32 to vector<16xf32>
      %select_n3A_2167 = arith.select %eq3A_2165, %broadcast_in_dim3A_2166, %select_n3A_2050 : vector<16xi1>, vector<16xf32>
      %jit3A_2168 = arith.constant 16 : i32
      %eq3A_2169 = arith.constant 0 : i32
      %eq3A_2170 = arith.cmpi eq, %jit3A_2168, %eq3A_2169 : i32
      %jit3A_2171 = arith.constant 1 : i32
      %select_n3A_2172 = arith.select %eq3A_2170, %jit3A_2171, %jit3A_2168 : i32
      %rem3A_2173 = arith.remsi %add3A_2075, %select_n3A_2172 : i32
      %ne3A_2174 = arith.constant 0 : i32
      %ne3A_2175 = arith.cmpi ne, %rem3A_2173, %ne3A_2174 : i32
      %lt3A_2176 = arith.constant 0 : i32
      %lt3A_2177 = arith.cmpi slt, %rem3A_2173, %lt3A_2176 : i32
      %lt3A_2178 = arith.constant 0 : i32
      %lt3A_2179 = arith.cmpi slt, %select_n3A_2172, %lt3A_2178 : i32
      %ne3A_2180 = arith.xori %lt3A_2177, %lt3A_2179 : i1
      %and3A_2181 = arith.andi %ne3A_2180, %ne3A_2175 : i1
      %add3A_2182 = arith.addi %rem3A_2173, %select_n3A_2172 : i32
      %select_n3A_2183 = arith.select %and3A_2181, %add3A_2182, %rem3A_2173 : i32
      %eq3A_2184 = arith.constant 15 : i32
      %eq3A_2185 = arith.cmpi eq, %select_n3A_2183, %eq3A_2184 : i32
      %convert_element_type3A_2186 = arith.extui %eq3A_2185 : i1 to i32
      %cond3A_2187 = arith.constant 0 : i32
      %cond3A_2188 = arith.cmpi ne, %convert_element_type3A_2186, %cond3A_2187 : i32
      scf.if %cond3A_2188 {
        %jit3A_2423 = arith.constant 16 : i32
        %div3A = arith.divsi %add3A_2075, %jit3A_2423 : i32
        %sign3A = arith.constant 0 : i32
        %sign3A_2424 = arith.cmpi sgt, %add3A_2075, %sign3A : i32
        %sign3A_2425 = arith.extui %sign3A_2424 : i1 to i32
        %sign3A_2426 = arith.constant 0 : i32
        %sign3A_2427 = arith.cmpi slt, %add3A_2075, %sign3A_2426 : i32
        %sign3A_2428 = arith.extui %sign3A_2427 : i1 to i32
        %sign3A_2429 = arith.subi %sign3A_2425, %sign3A_2428 : i32
        %sign3A_2430 = arith.constant 0 : i32
        %sign3A_2431 = arith.cmpi sgt, %jit3A_2423, %sign3A_2430 : i32
        %sign3A_2432 = arith.extui %sign3A_2431 : i1 to i32
        %sign3A_2433 = arith.constant 0 : i32
        %sign3A_2434 = arith.cmpi slt, %jit3A_2423, %sign3A_2433 : i32
        %sign3A_2435 = arith.extui %sign3A_2434 : i1 to i32
        %sign3A_2436 = arith.subi %sign3A_2432, %sign3A_2435 : i32
        %ne3A_2437 = arith.cmpi ne, %sign3A_2429, %sign3A_2436 : i32
        %rem3A_2438 = arith.remsi %add3A_2075, %jit3A_2423 : i32
        %ne3A_2439 = arith.constant 0 : i32
        %ne3A_2440 = arith.cmpi ne, %rem3A_2438, %ne3A_2439 : i32
        %and3A_2441 = arith.andi %ne3A_2437, %ne3A_2440 : i1
        %sub3A_2442 = arith.constant 1 : i32
        %sub3A_2443 = arith.subi %div3A, %sub3A_2442 : i32
        %select_n3A_2444 = arith.select %and3A_2441, %sub3A_2443, %div3A : i32
        %mul3A_2445 = arith.constant 16 : i32
        %mul3A_2446 = arith.muli %select_n3A_2444, %mul3A_2445 : i32
        %swap3A_2447 = arith.index_cast %mul3A_2446 : i32 to index
        %swap3A_2448 = tpu.vector_load %arg11[%swap3A_2447] {strides = array<i32>} : memref<512xf32, #tpu.memory_space<vmem>>, vector<16xf32>,
        tpu.vector_store %arg11[%swap3A_2447], %select_n3A_2167 {strides = array<i32>} : memref<512xf32, #tpu.memory_space<vmem>>, vector<16xf32>,
      } else {
      }
      %mul3A_2189 = arith.constant 15 : i32
      %mul3A_2190 = arith.muli %scan3A_673, %mul3A_2189 : i32
      %add3A_2191 = arith.constant 13 : i32
      %add3A_2192 = arith.addi %mul3A_2190, %add3A_2191 : i32
      %add3A_2193 = arith.constant 15 : i32
      %add3A_2194 = arith.addi %add3A_2192, %add3A_2193 : i32
      %sub3A_2195 = arith.constant 1 : i32
      %sub3A_2196 = arith.subi %add3A_2194, %sub3A_2195 : i32
      %lt3A_2197 = arith.constant 512 : i32
      %lt3A_2198 = arith.cmpi slt, %sub3A_2196, %lt3A_2197 : i32
      %convert_element_type3A_2199 = arith.extui %lt3A_2198 : i1 to i32
      %cond3A_2200 = arith.constant 0 : i32
      %cond3A_2201 = arith.cmpi ne, %convert_element_type3A_2199, %cond3A_2200 : i32
      scf.if %cond3A_2201 {
        %add3A_2423 = arith.constant 15 : i32
        %add3A_2424 = arith.addi %add3A_2192, %add3A_2423 : i32
        %sub3A_2425 = arith.constant 1 : i32
        %sub3A_2426 = arith.subi %add3A_2424, %sub3A_2425 : i32
        %mul3A_2427 = arith.constant 1 : i32
        %mul3A_2428 = arith.muli %sub3A_2426, %mul3A_2427 : i32
        %get3A_2429 = arith.index_cast %mul3A_2428 : i32 to index
        %get3A_2430 = tpu.vector_load %arg7[%get3A_2429] {strides = array<i32>} : memref<528xi32, #tpu.memory_space<vmem>>, vector<16xi32>,
        %mul3A_2431 = arith.constant 1 : i32
        %mul3A_2432 = arith.muli %sub3A_2426, %mul3A_2431 : i32
        %get3A_2433 = arith.index_cast %mul3A_2432 : i32 to index
        %get3A_2434 = tpu.vector_load %arg8[%get3A_2433] {strides = array<i32>} : memref<528xi32, #tpu.memory_space<vmem>>, vector<16xi32>,
        %slice3A_2435 = vector.extract_strided_slice %get3A_2430 {offsets = [0], sizes = [1], strides = [1]} : vector<16xi32> to vector<1xi32>
        %squeeze3A_2436 = vector.extract %slice3A_2435[0] : i32 from vector<1xi32>
        %shift_right_arithmetic3A_2437 = arith.constant 7 : i32
        %shift_right_arithmetic3A_2438 = arith.shrsi %squeeze3A_2436, %shift_right_arithmetic3A_2437 : i32
        %shift_left3A_2439 = arith.constant 7 : i32
        %shift_left3A_2440 = arith.shli %shift_right_arithmetic3A_2438, %shift_left3A_2439 : i32
        %multiple_of3A_2441 = tpu.assume_multiple %shift_left3A_2440, 128 : i32
        %slice3A_2442 = vector.extract_strided_slice %get3A_2434 {offsets = [0], sizes = [1], strides = [1]} : vector<16xi32> to vector<1xi32>
        %squeeze3A_2443 = vector.extract %slice3A_2442[0] : i32 from vector<1xi32>
        %shift_right_arithmetic3A_2444 = arith.constant 7 : i32
        %shift_right_arithmetic3A_2445 = arith.shrsi %squeeze3A_2443, %shift_right_arithmetic3A_2444 : i32
        %shift_left3A_2446 = arith.constant 7 : i32
        %shift_left3A_2447 = arith.shli %shift_right_arithmetic3A_2445, %shift_left3A_2446 : i32
        %multiple_of3A_2448 = tpu.assume_multiple %shift_left3A_2447, 128 : i32
        %dma_start3A_2449 = arith.constant 384 : i32
        %dma_start3A_2450 = arith.constant 0 : i32
        %dma_start3A_2451 = tpu.memref_slice %arg9[%dma_start3A_2449, %dma_start3A_2450] : memref<480x128xf32, #tpu.memory_space<vmem>> -> memref<32x128xf32, #tpu.memory_space<vmem>>
        %dma_start3A_2452 = arith.constant 0 : i32
        %dma_start3A_2453 = tpu.memref_slice %arg2[%dma_start3A_2452, %multiple_of3A_2441] : memref<32x1000000xf32, #tpu.memory_space<hbm>> -> memref<32x128xf32, #tpu.memory_space<hbm>>
        %dma_start3A_2454 = arith.constant 384 : i32
        %dma_start3A_2455 = arith.constant 0 : i32
        %dma_start3A_2456 = tpu.memref_slice %arg9[%dma_start3A_2454, %dma_start3A_2455] : memref<480x128xf32, #tpu.memory_space<vmem>> -> memref<32x128xf32, #tpu.memory_space<vmem>>
        %dma_start3A_2457 = arith.constant 0 : i32
        %dma_start3A_2458 = tpu.memref_slice %arg2[%dma_start3A_2457, %multiple_of3A_2441] : memref<32x1000000xf32, #tpu.memory_space<hbm>> -> memref<32x128xf32, #tpu.memory_space<hbm>>
        tpu.enqueue_dma source(%dma_start3A_2458 : memref<32x128xf32, #tpu.memory_space<hbm>>) target(%dma_start3A_2456 : memref<32x128xf32, #tpu.memory_space<vmem>>) target_semaphore(%arg25 : memref<!tpu.dma_semaphore, #tpu.memory_space<semaphore_mem>>)
        %dma_start3A_2459 = arith.constant 384 : i32
        %dma_start3A_2460 = arith.constant 0 : i32
        %dma_start3A_2461 = tpu.memref_slice %arg10[%dma_start3A_2459, %dma_start3A_2460] : memref<480x128xf32, #tpu.memory_space<vmem>> -> memref<32x128xf32, #tpu.memory_space<vmem>>
        %dma_start3A_2462 = arith.constant 0 : i32
        %dma_start3A_2463 = tpu.memref_slice %arg3[%dma_start3A_2462, %multiple_of3A_2448] : memref<32x1000000xf32, #tpu.memory_space<hbm>> -> memref<32x128xf32, #tpu.memory_space<hbm>>
        %dma_start3A_2464 = arith.constant 384 : i32
        %dma_start3A_2465 = arith.constant 0 : i32
        %dma_start3A_2466 = tpu.memref_slice %arg10[%dma_start3A_2464, %dma_start3A_2465] : memref<480x128xf32, #tpu.memory_space<vmem>> -> memref<32x128xf32, #tpu.memory_space<vmem>>
        %dma_start3A_2467 = arith.constant 0 : i32
        %dma_start3A_2468 = tpu.memref_slice %arg3[%dma_start3A_2467, %multiple_of3A_2448] : memref<32x1000000xf32, #tpu.memory_space<hbm>> -> memref<32x128xf32, #tpu.memory_space<hbm>>
        tpu.enqueue_dma source(%dma_start3A_2468 : memref<32x128xf32, #tpu.memory_space<hbm>>) target(%dma_start3A_2466 : memref<32x128xf32, #tpu.memory_space<vmem>>) target_semaphore(%arg25 : memref<!tpu.dma_semaphore, #tpu.memory_space<semaphore_mem>>)
      } else {
      }
      %mul3A_2202 = arith.constant 1 : i32
      %mul3A_2203 = arith.muli %add3A_2192, %mul3A_2202 : i32
      %get3A_2204 = arith.index_cast %mul3A_2203 : i32 to index
      %get3A_2205 = tpu.vector_load %arg7[%get3A_2204] {strides = array<i32>} : memref<528xi32, #tpu.memory_space<vmem>>, vector<16xi32>,
      %mul3A_2206 = arith.constant 1 : i32
      %mul3A_2207 = arith.muli %add3A_2192, %mul3A_2206 : i32
      %get3A_2208 = arith.index_cast %mul3A_2207 : i32 to index
      %get3A_2209 = tpu.vector_load %arg8[%get3A_2208] {strides = array<i32>} : memref<528xi32, #tpu.memory_space<vmem>>, vector<16xi32>,
      %dma_wait3A_2210 = arith.constant 416 : i32
      %dma_wait3A_2211 = arith.constant 0 : i32
      %dma_wait3A_2212 = tpu.memref_slice %arg9[%dma_wait3A_2210, %dma_wait3A_2211] : memref<480x128xf32, #tpu.memory_space<vmem>> -> memref<32x128xf32, #tpu.memory_space<vmem>>
      %dma_wait3A_2213 = arith.constant 0 : i32
      %dma_wait3A_2214 = arith.constant 0 : i32
      %dma_wait3A_2215 = tpu.memref_slice %arg2[%dma_wait3A_2213, %dma_wait3A_2214] : memref<32x1000000xf32, #tpu.memory_space<hbm>> -> memref<32x128xf32, #tpu.memory_space<hbm>>
      %dma_wait3A_2216 = arith.constant 416 : i32
      %dma_wait3A_2217 = arith.constant 0 : i32
      %dma_wait3A_2218 = tpu.memref_slice %arg9[%dma_wait3A_2216, %dma_wait3A_2217] : memref<480x128xf32, #tpu.memory_space<vmem>> -> memref<32x128xf32, #tpu.memory_space<vmem>>
      %dma_wait3A_2219 = arith.constant 0 : i32
      %dma_wait3A_2220 = arith.constant 0 : i32
      %dma_wait3A_2221 = tpu.memref_slice %arg2[%dma_wait3A_2219, %dma_wait3A_2220] : memref<32x1000000xf32, #tpu.memory_space<hbm>> -> memref<32x128xf32, #tpu.memory_space<hbm>>
      tpu.wait_dma2 semaphore(%arg26 : memref<!tpu.dma_semaphore, #tpu.memory_space<semaphore_mem>>) src(%dma_wait3A_2221 : memref<32x128xf32, #tpu.memory_space<hbm>>) dst(%dma_wait3A_2218 : memref<32x128xf32, #tpu.memory_space<vmem>>)
      %dma_wait3A_2222 = arith.constant 416 : i32
      %dma_wait3A_2223 = arith.constant 0 : i32
      %dma_wait3A_2224 = tpu.memref_slice %arg10[%dma_wait3A_2222, %dma_wait3A_2223] : memref<480x128xf32, #tpu.memory_space<vmem>> -> memref<32x128xf32, #tpu.memory_space<vmem>>
      %dma_wait3A_2225 = arith.constant 0 : i32
      %dma_wait3A_2226 = arith.constant 0 : i32
      %dma_wait3A_2227 = tpu.memref_slice %arg3[%dma_wait3A_2225, %dma_wait3A_2226] : memref<32x1000000xf32, #tpu.memory_space<hbm>> -> memref<32x128xf32, #tpu.memory_space<hbm>>
      %dma_wait3A_2228 = arith.constant 416 : i32
      %dma_wait3A_2229 = arith.constant 0 : i32
      %dma_wait3A_2230 = tpu.memref_slice %arg10[%dma_wait3A_2228, %dma_wait3A_2229] : memref<480x128xf32, #tpu.memory_space<vmem>> -> memref<32x128xf32, #tpu.memory_space<vmem>>
      %dma_wait3A_2231 = arith.constant 0 : i32
      %dma_wait3A_2232 = arith.constant 0 : i32
      %dma_wait3A_2233 = tpu.memref_slice %arg3[%dma_wait3A_2231, %dma_wait3A_2232] : memref<32x1000000xf32, #tpu.memory_space<hbm>> -> memref<32x128xf32, #tpu.memory_space<hbm>>
      tpu.wait_dma2 semaphore(%arg26 : memref<!tpu.dma_semaphore, #tpu.memory_space<semaphore_mem>>) src(%dma_wait3A_2233 : memref<32x128xf32, #tpu.memory_space<hbm>>) dst(%dma_wait3A_2230 : memref<32x128xf32, #tpu.memory_space<vmem>>)
      %jit3A_2234 = arith.constant 16 : i32
      %eq3A_2235 = arith.constant 0 : i32
      %eq3A_2236 = arith.cmpi eq, %jit3A_2234, %eq3A_2235 : i32
      %jit3A_2237 = arith.constant 1 : i32
      %select_n3A_2238 = arith.select %eq3A_2236, %jit3A_2237, %jit3A_2234 : i32
      %rem3A_2239 = arith.remsi %add3A_2192, %select_n3A_2238 : i32
      %ne3A_2240 = arith.constant 0 : i32
      %ne3A_2241 = arith.cmpi ne, %rem3A_2239, %ne3A_2240 : i32
      %lt3A_2242 = arith.constant 0 : i32
      %lt3A_2243 = arith.cmpi slt, %rem3A_2239, %lt3A_2242 : i32
      %lt3A_2244 = arith.constant 0 : i32
      %lt3A_2245 = arith.cmpi slt, %select_n3A_2238, %lt3A_2244 : i32
      %ne3A_2246 = arith.xori %lt3A_2243, %lt3A_2245 : i1
      %and3A_2247 = arith.andi %ne3A_2246, %ne3A_2241 : i1
      %add3A_2248 = arith.addi %rem3A_2239, %select_n3A_2238 : i32
      %select_n3A_2249 = arith.select %and3A_2247, %add3A_2248, %rem3A_2239 : i32
      %mul3A_2250 = arith.constant 1 : i32
      %mul3A_2251 = arith.muli %select_n3A_2249, %mul3A_2250 : i32
      %add3A_2252 = arith.constant 0 : i32
      %add3A_2253 = arith.addi %mul3A_2251, %add3A_2252 : i32
      %slice3A_2254 = vector.extract_strided_slice %get3A_2205 {offsets = [0], sizes = [1], strides = [1]} : vector<16xi32> to vector<1xi32>
      %squeeze3A_2255 = vector.extract %slice3A_2254[0] : i32 from vector<1xi32>
      %and3A_2256 = arith.constant 127 : i32
      %and3A_2257 = arith.andi %squeeze3A_2255, %and3A_2256 : i32
      %broadcast_in_dim3A_2258 = vector.broadcast %and3A_2257 : i32 to vector<16xi32>
      %slice3A_2259 = vector.extract_strided_slice %get3A_2209 {offsets = [0], sizes = [1], strides = [1]} : vector<16xi32> to vector<1xi32>
      %squeeze3A_2260 = vector.extract %slice3A_2259[0] : i32 from vector<1xi32>
      %and3A_2261 = arith.constant 127 : i32
      %and3A_2262 = arith.andi %squeeze3A_2260, %and3A_2261 : i32
      %broadcast_in_dim3A_2263 = vector.broadcast %and3A_2262 : i32 to vector<16xi32>
      %add3A_2264 = arith.constant 416 : i32
      %add3A_2265 = vector.broadcast %add3A_2264 : i32 to vector<16xi32>
      %add3A_2266 = arith.addi %iota3A, %add3A_2265 : vector<16xi32>
      %add3A_2267 = arith.constant 16 : i32
      %add3A_2268 = vector.broadcast %add3A_2267 : i32 to vector<16xi32>
      %add3A_2269 = arith.addi %add3A_2266, %add3A_2268 : vector<16xi32>
      %gather3A_2270 = tpu.vector_load_idx %arg9[%add3A_2266, %broadcast_in_dim3A_2258] : memref<480x128xf32, #tpu.memory_space<vmem>>[vector<16xi32>, vector<16xi32>], vector<16xf32>,
      %gather3A_2271 = tpu.vector_load_idx %arg9[%add3A_2269, %broadcast_in_dim3A_2258] : memref<480x128xf32, #tpu.memory_space<vmem>>[vector<16xi32>, vector<16xi32>], vector<16xf32>,
      %gather3A_2272 = tpu.vector_load_idx %arg10[%add3A_2266, %broadcast_in_dim3A_2263] : memref<480x128xf32, #tpu.memory_space<vmem>>[vector<16xi32>, vector<16xi32>], vector<16xf32>,
      %gather3A_2273 = tpu.vector_load_idx %arg10[%add3A_2269, %broadcast_in_dim3A_2263] : memref<480x128xf32, #tpu.memory_space<vmem>>[vector<16xi32>, vector<16xi32>], vector<16xf32>,
      %mul3A_2274 = arith.mulf %gather3A_2270, %gather3A_2272 : vector<16xf32>
      %mul3A_2275 = arith.mulf %gather3A_2271, %gather3A_2273 : vector<16xf32>
      %add3A_2276 = arith.addf %mul3A_2274, %mul3A_2275 : vector<16xf32>
      %reduce_sum3A_2277 = arith.constant true
      %reduce_sum3A_2278 = vector.broadcast %reduce_sum3A_2277 : i1 to vector<16xi1>
      %reduce_sum3A_2279 = tpu.scan <sum>, %add3A_2276 masked %reduce_sum3A_2278 : vector<16xf32>, vector<16xi1> -> vector<16xf32>
      %reduce_sum3A_2280 = vector.extract %reduce_sum3A_2279[15] : f32 from vector<16xf32>
      %eq3A_2281 = vector.broadcast %add3A_2253 : i32 to vector<16xi32>
      %eq3A_2282 = arith.cmpi eq, %iota3A, %eq3A_2281 : vector<16xi32>
      %broadcast_in_dim3A_2283 = vector.broadcast %reduce_sum3A_2280 : f32 to vector<16xf32>
      %select_n3A_2284 = arith.select %eq3A_2282, %broadcast_in_dim3A_2283, %select_n3A_2167 : vector<16xi1>, vector<16xf32>
      %jit3A_2285 = arith.constant 16 : i32
      %eq3A_2286 = arith.constant 0 : i32
      %eq3A_2287 = arith.cmpi eq, %jit3A_2285, %eq3A_2286 : i32
      %jit3A_2288 = arith.constant 1 : i32
      %select_n3A_2289 = arith.select %eq3A_2287, %jit3A_2288, %jit3A_2285 : i32
      %rem3A_2290 = arith.remsi %add3A_2192, %select_n3A_2289 : i32
      %ne3A_2291 = arith.constant 0 : i32
      %ne3A_2292 = arith.cmpi ne, %rem3A_2290, %ne3A_2291 : i32
      %lt3A_2293 = arith.constant 0 : i32
      %lt3A_2294 = arith.cmpi slt, %rem3A_2290, %lt3A_2293 : i32
      %lt3A_2295 = arith.constant 0 : i32
      %lt3A_2296 = arith.cmpi slt, %select_n3A_2289, %lt3A_2295 : i32
      %ne3A_2297 = arith.xori %lt3A_2294, %lt3A_2296 : i1
      %and3A_2298 = arith.andi %ne3A_2297, %ne3A_2292 : i1
      %add3A_2299 = arith.addi %rem3A_2290, %select_n3A_2289 : i32
      %select_n3A_2300 = arith.select %and3A_2298, %add3A_2299, %rem3A_2290 : i32
      %eq3A_2301 = arith.constant 15 : i32
      %eq3A_2302 = arith.cmpi eq, %select_n3A_2300, %eq3A_2301 : i32
      %convert_element_type3A_2303 = arith.extui %eq3A_2302 : i1 to i32
      %cond3A_2304 = arith.constant 0 : i32
      %cond3A_2305 = arith.cmpi ne, %convert_element_type3A_2303, %cond3A_2304 : i32
      scf.if %cond3A_2305 {
        %jit3A_2423 = arith.constant 16 : i32
        %div3A = arith.divsi %add3A_2192, %jit3A_2423 : i32
        %sign3A = arith.constant 0 : i32
        %sign3A_2424 = arith.cmpi sgt, %add3A_2192, %sign3A : i32
        %sign3A_2425 = arith.extui %sign3A_2424 : i1 to i32
        %sign3A_2426 = arith.constant 0 : i32
        %sign3A_2427 = arith.cmpi slt, %add3A_2192, %sign3A_2426 : i32
        %sign3A_2428 = arith.extui %sign3A_2427 : i1 to i32
        %sign3A_2429 = arith.subi %sign3A_2425, %sign3A_2428 : i32
        %sign3A_2430 = arith.constant 0 : i32
        %sign3A_2431 = arith.cmpi sgt, %jit3A_2423, %sign3A_2430 : i32
        %sign3A_2432 = arith.extui %sign3A_2431 : i1 to i32
        %sign3A_2433 = arith.constant 0 : i32
        %sign3A_2434 = arith.cmpi slt, %jit3A_2423, %sign3A_2433 : i32
        %sign3A_2435 = arith.extui %sign3A_2434 : i1 to i32
        %sign3A_2436 = arith.subi %sign3A_2432, %sign3A_2435 : i32
        %ne3A_2437 = arith.cmpi ne, %sign3A_2429, %sign3A_2436 : i32
        %rem3A_2438 = arith.remsi %add3A_2192, %jit3A_2423 : i32
        %ne3A_2439 = arith.constant 0 : i32
        %ne3A_2440 = arith.cmpi ne, %rem3A_2438, %ne3A_2439 : i32
        %and3A_2441 = arith.andi %ne3A_2437, %ne3A_2440 : i1
        %sub3A_2442 = arith.constant 1 : i32
        %sub3A_2443 = arith.subi %div3A, %sub3A_2442 : i32
        %select_n3A_2444 = arith.select %and3A_2441, %sub3A_2443, %div3A : i32
        %mul3A_2445 = arith.constant 16 : i32
        %mul3A_2446 = arith.muli %select_n3A_2444, %mul3A_2445 : i32
        %swap3A_2447 = arith.index_cast %mul3A_2446 : i32 to index
        %swap3A_2448 = tpu.vector_load %arg11[%swap3A_2447] {strides = array<i32>} : memref<512xf32, #tpu.memory_space<vmem>>, vector<16xf32>,
        tpu.vector_store %arg11[%swap3A_2447], %select_n3A_2284 {strides = array<i32>} : memref<512xf32, #tpu.memory_space<vmem>>, vector<16xf32>,
      } else {
      }
      %mul3A_2306 = arith.constant 15 : i32
      %mul3A_2307 = arith.muli %scan3A_673, %mul3A_2306 : i32
      %add3A_2308 = arith.constant 14 : i32
      %add3A_2309 = arith.addi %mul3A_2307, %add3A_2308 : i32
      %add3A_2310 = arith.constant 15 : i32
      %add3A_2311 = arith.addi %add3A_2309, %add3A_2310 : i32
      %sub3A_2312 = arith.constant 1 : i32
      %sub3A_2313 = arith.subi %add3A_2311, %sub3A_2312 : i32
      %lt3A_2314 = arith.constant 512 : i32
      %lt3A_2315 = arith.cmpi slt, %sub3A_2313, %lt3A_2314 : i32
      %convert_element_type3A_2316 = arith.extui %lt3A_2315 : i1 to i32
      %cond3A_2317 = arith.constant 0 : i32
      %cond3A_2318 = arith.cmpi ne, %convert_element_type3A_2316, %cond3A_2317 : i32
      scf.if %cond3A_2318 {
        %add3A_2423 = arith.constant 15 : i32
        %add3A_2424 = arith.addi %add3A_2309, %add3A_2423 : i32
        %sub3A_2425 = arith.constant 1 : i32
        %sub3A_2426 = arith.subi %add3A_2424, %sub3A_2425 : i32
        %mul3A_2427 = arith.constant 1 : i32
        %mul3A_2428 = arith.muli %sub3A_2426, %mul3A_2427 : i32
        %get3A_2429 = arith.index_cast %mul3A_2428 : i32 to index
        %get3A_2430 = tpu.vector_load %arg7[%get3A_2429] {strides = array<i32>} : memref<528xi32, #tpu.memory_space<vmem>>, vector<16xi32>,
        %mul3A_2431 = arith.constant 1 : i32
        %mul3A_2432 = arith.muli %sub3A_2426, %mul3A_2431 : i32
        %get3A_2433 = arith.index_cast %mul3A_2432 : i32 to index
        %get3A_2434 = tpu.vector_load %arg8[%get3A_2433] {strides = array<i32>} : memref<528xi32, #tpu.memory_space<vmem>>, vector<16xi32>,
        %slice3A_2435 = vector.extract_strided_slice %get3A_2430 {offsets = [0], sizes = [1], strides = [1]} : vector<16xi32> to vector<1xi32>
        %squeeze3A_2436 = vector.extract %slice3A_2435[0] : i32 from vector<1xi32>
        %shift_right_arithmetic3A_2437 = arith.constant 7 : i32
        %shift_right_arithmetic3A_2438 = arith.shrsi %squeeze3A_2436, %shift_right_arithmetic3A_2437 : i32
        %shift_left3A_2439 = arith.constant 7 : i32
        %shift_left3A_2440 = arith.shli %shift_right_arithmetic3A_2438, %shift_left3A_2439 : i32
        %multiple_of3A_2441 = tpu.assume_multiple %shift_left3A_2440, 128 : i32
        %slice3A_2442 = vector.extract_strided_slice %get3A_2434 {offsets = [0], sizes = [1], strides = [1]} : vector<16xi32> to vector<1xi32>
        %squeeze3A_2443 = vector.extract %slice3A_2442[0] : i32 from vector<1xi32>
        %shift_right_arithmetic3A_2444 = arith.constant 7 : i32
        %shift_right_arithmetic3A_2445 = arith.shrsi %squeeze3A_2443, %shift_right_arithmetic3A_2444 : i32
        %shift_left3A_2446 = arith.constant 7 : i32
        %shift_left3A_2447 = arith.shli %shift_right_arithmetic3A_2445, %shift_left3A_2446 : i32
        %multiple_of3A_2448 = tpu.assume_multiple %shift_left3A_2447, 128 : i32
        %dma_start3A_2449 = arith.constant 416 : i32
        %dma_start3A_2450 = arith.constant 0 : i32
        %dma_start3A_2451 = tpu.memref_slice %arg9[%dma_start3A_2449, %dma_start3A_2450] : memref<480x128xf32, #tpu.memory_space<vmem>> -> memref<32x128xf32, #tpu.memory_space<vmem>>
        %dma_start3A_2452 = arith.constant 0 : i32
        %dma_start3A_2453 = tpu.memref_slice %arg2[%dma_start3A_2452, %multiple_of3A_2441] : memref<32x1000000xf32, #tpu.memory_space<hbm>> -> memref<32x128xf32, #tpu.memory_space<hbm>>
        %dma_start3A_2454 = arith.constant 416 : i32
        %dma_start3A_2455 = arith.constant 0 : i32
        %dma_start3A_2456 = tpu.memref_slice %arg9[%dma_start3A_2454, %dma_start3A_2455] : memref<480x128xf32, #tpu.memory_space<vmem>> -> memref<32x128xf32, #tpu.memory_space<vmem>>
        %dma_start3A_2457 = arith.constant 0 : i32
        %dma_start3A_2458 = tpu.memref_slice %arg2[%dma_start3A_2457, %multiple_of3A_2441] : memref<32x1000000xf32, #tpu.memory_space<hbm>> -> memref<32x128xf32, #tpu.memory_space<hbm>>
        tpu.enqueue_dma source(%dma_start3A_2458 : memref<32x128xf32, #tpu.memory_space<hbm>>) target(%dma_start3A_2456 : memref<32x128xf32, #tpu.memory_space<vmem>>) target_semaphore(%arg26 : memref<!tpu.dma_semaphore, #tpu.memory_space<semaphore_mem>>)
        %dma_start3A_2459 = arith.constant 416 : i32
        %dma_start3A_2460 = arith.constant 0 : i32
        %dma_start3A_2461 = tpu.memref_slice %arg10[%dma_start3A_2459, %dma_start3A_2460] : memref<480x128xf32, #tpu.memory_space<vmem>> -> memref<32x128xf32, #tpu.memory_space<vmem>>
        %dma_start3A_2462 = arith.constant 0 : i32
        %dma_start3A_2463 = tpu.memref_slice %arg3[%dma_start3A_2462, %multiple_of3A_2448] : memref<32x1000000xf32, #tpu.memory_space<hbm>> -> memref<32x128xf32, #tpu.memory_space<hbm>>
        %dma_start3A_2464 = arith.constant 416 : i32
        %dma_start3A_2465 = arith.constant 0 : i32
        %dma_start3A_2466 = tpu.memref_slice %arg10[%dma_start3A_2464, %dma_start3A_2465] : memref<480x128xf32, #tpu.memory_space<vmem>> -> memref<32x128xf32, #tpu.memory_space<vmem>>
        %dma_start3A_2467 = arith.constant 0 : i32
        %dma_start3A_2468 = tpu.memref_slice %arg3[%dma_start3A_2467, %multiple_of3A_2448] : memref<32x1000000xf32, #tpu.memory_space<hbm>> -> memref<32x128xf32, #tpu.memory_space<hbm>>
        tpu.enqueue_dma source(%dma_start3A_2468 : memref<32x128xf32, #tpu.memory_space<hbm>>) target(%dma_start3A_2466 : memref<32x128xf32, #tpu.memory_space<vmem>>) target_semaphore(%arg26 : memref<!tpu.dma_semaphore, #tpu.memory_space<semaphore_mem>>)
      } else {
      }
      %mul3A_2319 = arith.constant 1 : i32
      %mul3A_2320 = arith.muli %add3A_2309, %mul3A_2319 : i32
      %get3A_2321 = arith.index_cast %mul3A_2320 : i32 to index
      %get3A_2322 = tpu.vector_load %arg7[%get3A_2321] {strides = array<i32>} : memref<528xi32, #tpu.memory_space<vmem>>, vector<16xi32>,
      %mul3A_2323 = arith.constant 1 : i32
      %mul3A_2324 = arith.muli %add3A_2309, %mul3A_2323 : i32
      %get3A_2325 = arith.index_cast %mul3A_2324 : i32 to index
      %get3A_2326 = tpu.vector_load %arg8[%get3A_2325] {strides = array<i32>} : memref<528xi32, #tpu.memory_space<vmem>>, vector<16xi32>,
      %dma_wait3A_2327 = arith.constant 448 : i32
      %dma_wait3A_2328 = arith.constant 0 : i32
      %dma_wait3A_2329 = tpu.memref_slice %arg9[%dma_wait3A_2327, %dma_wait3A_2328] : memref<480x128xf32, #tpu.memory_space<vmem>> -> memref<32x128xf32, #tpu.memory_space<vmem>>
      %dma_wait3A_2330 = arith.constant 0 : i32
      %dma_wait3A_2331 = arith.constant 0 : i32
      %dma_wait3A_2332 = tpu.memref_slice %arg2[%dma_wait3A_2330, %dma_wait3A_2331] : memref<32x1000000xf32, #tpu.memory_space<hbm>> -> memref<32x128xf32, #tpu.memory_space<hbm>>
      %dma_wait3A_2333 = arith.constant 448 : i32
      %dma_wait3A_2334 = arith.constant 0 : i32
      %dma_wait3A_2335 = tpu.memref_slice %arg9[%dma_wait3A_2333, %dma_wait3A_2334] : memref<480x128xf32, #tpu.memory_space<vmem>> -> memref<32x128xf32, #tpu.memory_space<vmem>>
      %dma_wait3A_2336 = arith.constant 0 : i32
      %dma_wait3A_2337 = arith.constant 0 : i32
      %dma_wait3A_2338 = tpu.memref_slice %arg2[%dma_wait3A_2336, %dma_wait3A_2337] : memref<32x1000000xf32, #tpu.memory_space<hbm>> -> memref<32x128xf32, #tpu.memory_space<hbm>>
      tpu.wait_dma2 semaphore(%arg27 : memref<!tpu.dma_semaphore, #tpu.memory_space<semaphore_mem>>) src(%dma_wait3A_2338 : memref<32x128xf32, #tpu.memory_space<hbm>>) dst(%dma_wait3A_2335 : memref<32x128xf32, #tpu.memory_space<vmem>>)
      %dma_wait3A_2339 = arith.constant 448 : i32
      %dma_wait3A_2340 = arith.constant 0 : i32
      %dma_wait3A_2341 = tpu.memref_slice %arg10[%dma_wait3A_2339, %dma_wait3A_2340] : memref<480x128xf32, #tpu.memory_space<vmem>> -> memref<32x128xf32, #tpu.memory_space<vmem>>
      %dma_wait3A_2342 = arith.constant 0 : i32
      %dma_wait3A_2343 = arith.constant 0 : i32
      %dma_wait3A_2344 = tpu.memref_slice %arg3[%dma_wait3A_2342, %dma_wait3A_2343] : memref<32x1000000xf32, #tpu.memory_space<hbm>> -> memref<32x128xf32, #tpu.memory_space<hbm>>
      %dma_wait3A_2345 = arith.constant 448 : i32
      %dma_wait3A_2346 = arith.constant 0 : i32
      %dma_wait3A_2347 = tpu.memref_slice %arg10[%dma_wait3A_2345, %dma_wait3A_2346] : memref<480x128xf32, #tpu.memory_space<vmem>> -> memref<32x128xf32, #tpu.memory_space<vmem>>
      %dma_wait3A_2348 = arith.constant 0 : i32
      %dma_wait3A_2349 = arith.constant 0 : i32
      %dma_wait3A_2350 = tpu.memref_slice %arg3[%dma_wait3A_2348, %dma_wait3A_2349] : memref<32x1000000xf32, #tpu.memory_space<hbm>> -> memref<32x128xf32, #tpu.memory_space<hbm>>
      tpu.wait_dma2 semaphore(%arg27 : memref<!tpu.dma_semaphore, #tpu.memory_space<semaphore_mem>>) src(%dma_wait3A_2350 : memref<32x128xf32, #tpu.memory_space<hbm>>) dst(%dma_wait3A_2347 : memref<32x128xf32, #tpu.memory_space<vmem>>)
      %jit3A_2351 = arith.constant 16 : i32
      %eq3A_2352 = arith.constant 0 : i32
      %eq3A_2353 = arith.cmpi eq, %jit3A_2351, %eq3A_2352 : i32
      %jit3A_2354 = arith.constant 1 : i32
      %select_n3A_2355 = arith.select %eq3A_2353, %jit3A_2354, %jit3A_2351 : i32
      %rem3A_2356 = arith.remsi %add3A_2309, %select_n3A_2355 : i32
      %ne3A_2357 = arith.constant 0 : i32
      %ne3A_2358 = arith.cmpi ne, %rem3A_2356, %ne3A_2357 : i32
      %lt3A_2359 = arith.constant 0 : i32
      %lt3A_2360 = arith.cmpi slt, %rem3A_2356, %lt3A_2359 : i32
      %lt3A_2361 = arith.constant 0 : i32
      %lt3A_2362 = arith.cmpi slt, %select_n3A_2355, %lt3A_2361 : i32
      %ne3A_2363 = arith.xori %lt3A_2360, %lt3A_2362 : i1
      %and3A_2364 = arith.andi %ne3A_2363, %ne3A_2358 : i1
      %add3A_2365 = arith.addi %rem3A_2356, %select_n3A_2355 : i32
      %select_n3A_2366 = arith.select %and3A_2364, %add3A_2365, %rem3A_2356 : i32
      %mul3A_2367 = arith.constant 1 : i32
      %mul3A_2368 = arith.muli %select_n3A_2366, %mul3A_2367 : i32
      %add3A_2369 = arith.constant 0 : i32
      %add3A_2370 = arith.addi %mul3A_2368, %add3A_2369 : i32
      %slice3A_2371 = vector.extract_strided_slice %get3A_2322 {offsets = [0], sizes = [1], strides = [1]} : vector<16xi32> to vector<1xi32>
      %squeeze3A_2372 = vector.extract %slice3A_2371[0] : i32 from vector<1xi32>
      %and3A_2373 = arith.constant 127 : i32
      %and3A_2374 = arith.andi %squeeze3A_2372, %and3A_2373 : i32
      %broadcast_in_dim3A_2375 = vector.broadcast %and3A_2374 : i32 to vector<16xi32>
      %slice3A_2376 = vector.extract_strided_slice %get3A_2326 {offsets = [0], sizes = [1], strides = [1]} : vector<16xi32> to vector<1xi32>
      %squeeze3A_2377 = vector.extract %slice3A_2376[0] : i32 from vector<1xi32>
      %and3A_2378 = arith.constant 127 : i32
      %and3A_2379 = arith.andi %squeeze3A_2377, %and3A_2378 : i32
      %broadcast_in_dim3A_2380 = vector.broadcast %and3A_2379 : i32 to vector<16xi32>
      %add3A_2381 = arith.constant 448 : i32
      %add3A_2382 = vector.broadcast %add3A_2381 : i32 to vector<16xi32>
      %add3A_2383 = arith.addi %iota3A, %add3A_2382 : vector<16xi32>
      %add3A_2384 = arith.constant 16 : i32
      %add3A_2385 = vector.broadcast %add3A_2384 : i32 to vector<16xi32>
      %add3A_2386 = arith.addi %add3A_2383, %add3A_2385 : vector<16xi32>
      %gather3A_2387 = tpu.vector_load_idx %arg9[%add3A_2383, %broadcast_in_dim3A_2375] : memref<480x128xf32, #tpu.memory_space<vmem>>[vector<16xi32>, vector<16xi32>], vector<16xf32>,
      %gather3A_2388 = tpu.vector_load_idx %arg9[%add3A_2386, %broadcast_in_dim3A_2375] : memref<480x128xf32, #tpu.memory_space<vmem>>[vector<16xi32>, vector<16xi32>], vector<16xf32>,
      %gather3A_2389 = tpu.vector_load_idx %arg10[%add3A_2383, %broadcast_in_dim3A_2380] : memref<480x128xf32, #tpu.memory_space<vmem>>[vector<16xi32>, vector<16xi32>], vector<16xf32>,
      %gather3A_2390 = tpu.vector_load_idx %arg10[%add3A_2386, %broadcast_in_dim3A_2380] : memref<480x128xf32, #tpu.memory_space<vmem>>[vector<16xi32>, vector<16xi32>], vector<16xf32>,
      %mul3A_2391 = arith.mulf %gather3A_2387, %gather3A_2389 : vector<16xf32>
      %mul3A_2392 = arith.mulf %gather3A_2388, %gather3A_2390 : vector<16xf32>
      %add3A_2393 = arith.addf %mul3A_2391, %mul3A_2392 : vector<16xf32>
      %reduce_sum3A_2394 = arith.constant true
      %reduce_sum3A_2395 = vector.broadcast %reduce_sum3A_2394 : i1 to vector<16xi1>
      %reduce_sum3A_2396 = tpu.scan <sum>, %add3A_2393 masked %reduce_sum3A_2395 : vector<16xf32>, vector<16xi1> -> vector<16xf32>
      %reduce_sum3A_2397 = vector.extract %reduce_sum3A_2396[15] : f32 from vector<16xf32>
      %eq3A_2398 = vector.broadcast %add3A_2370 : i32 to vector<16xi32>
      %eq3A_2399 = arith.cmpi eq, %iota3A, %eq3A_2398 : vector<16xi32>
      %broadcast_in_dim3A_2400 = vector.broadcast %reduce_sum3A_2397 : f32 to vector<16xf32>
      %select_n3A_2401 = arith.select %eq3A_2399, %broadcast_in_dim3A_2400, %select_n3A_2284 : vector<16xi1>, vector<16xf32>
      %jit3A_2402 = arith.constant 16 : i32
      %eq3A_2403 = arith.constant 0 : i32
      %eq3A_2404 = arith.cmpi eq, %jit3A_2402, %eq3A_2403 : i32
      %jit3A_2405 = arith.constant 1 : i32
      %select_n3A_2406 = arith.select %eq3A_2404, %jit3A_2405, %jit3A_2402 : i32
      %rem3A_2407 = arith.remsi %add3A_2309, %select_n3A_2406 : i32
      %ne3A_2408 = arith.constant 0 : i32
      %ne3A_2409 = arith.cmpi ne, %rem3A_2407, %ne3A_2408 : i32
      %lt3A_2410 = arith.constant 0 : i32
      %lt3A_2411 = arith.cmpi slt, %rem3A_2407, %lt3A_2410 : i32
      %lt3A_2412 = arith.constant 0 : i32
      %lt3A_2413 = arith.cmpi slt, %select_n3A_2406, %lt3A_2412 : i32
      %ne3A_2414 = arith.xori %lt3A_2411, %lt3A_2413 : i1
      %and3A_2415 = arith.andi %ne3A_2414, %ne3A_2409 : i1
      %add3A_2416 = arith.addi %rem3A_2407, %select_n3A_2406 : i32
      %select_n3A_2417 = arith.select %and3A_2415, %add3A_2416, %rem3A_2407 : i32
      %eq3A_2418 = arith.constant 15 : i32
      %eq3A_2419 = arith.cmpi eq, %select_n3A_2417, %eq3A_2418 : i32
      %convert_element_type3A_2420 = arith.extui %eq3A_2419 : i1 to i32
      %cond3A_2421 = arith.constant 0 : i32
      %cond3A_2422 = arith.cmpi ne, %convert_element_type3A_2420, %cond3A_2421 : i32
      scf.if %cond3A_2422 {
        %jit3A_2423 = arith.constant 16 : i32
        %div3A = arith.divsi %add3A_2309, %jit3A_2423 : i32
        %sign3A = arith.constant 0 : i32
        %sign3A_2424 = arith.cmpi sgt, %add3A_2309, %sign3A : i32
        %sign3A_2425 = arith.extui %sign3A_2424 : i1 to i32
        %sign3A_2426 = arith.constant 0 : i32
        %sign3A_2427 = arith.cmpi slt, %add3A_2309, %sign3A_2426 : i32
        %sign3A_2428 = arith.extui %sign3A_2427 : i1 to i32
        %sign3A_2429 = arith.subi %sign3A_2425, %sign3A_2428 : i32
        %sign3A_2430 = arith.constant 0 : i32
        %sign3A_2431 = arith.cmpi sgt, %jit3A_2423, %sign3A_2430 : i32
        %sign3A_2432 = arith.extui %sign3A_2431 : i1 to i32
        %sign3A_2433 = arith.constant 0 : i32
        %sign3A_2434 = arith.cmpi slt, %jit3A_2423, %sign3A_2433 : i32
        %sign3A_2435 = arith.extui %sign3A_2434 : i1 to i32
        %sign3A_2436 = arith.subi %sign3A_2432, %sign3A_2435 : i32
        %ne3A_2437 = arith.cmpi ne, %sign3A_2429, %sign3A_2436 : i32
        %rem3A_2438 = arith.remsi %add3A_2309, %jit3A_2423 : i32
        %ne3A_2439 = arith.constant 0 : i32
        %ne3A_2440 = arith.cmpi ne, %rem3A_2438, %ne3A_2439 : i32
        %and3A_2441 = arith.andi %ne3A_2437, %ne3A_2440 : i1
        %sub3A_2442 = arith.constant 1 : i32
        %sub3A_2443 = arith.subi %div3A, %sub3A_2442 : i32
        %select_n3A_2444 = arith.select %and3A_2441, %sub3A_2443, %div3A : i32
        %mul3A_2445 = arith.constant 16 : i32
        %mul3A_2446 = arith.muli %select_n3A_2444, %mul3A_2445 : i32
        %swap3A_2447 = arith.index_cast %mul3A_2446 : i32 to index
        %swap3A_2448 = tpu.vector_load %arg11[%swap3A_2447] {strides = array<i32>} : memref<512xf32, #tpu.memory_space<vmem>>, vector<16xf32>,
        tpu.vector_store %arg11[%swap3A_2447], %select_n3A_2401 {strides = array<i32>} : memref<512xf32, #tpu.memory_space<vmem>>, vector<16xf32>,
      } else {
      }
      scf.yield %select_n3A_2401 : vector<16xf32>
    }
    %scan3A_556 = arith.constant 34 : i32
    %get3A_557 = arith.constant 510 : index
    %get3A_558 = tpu.vector_load %arg7[%get3A_557] {strides = array<i32>} : memref<528xi32, #tpu.memory_space<vmem>>, vector<16xi32>,
    %get3A_559 = arith.constant 510 : index
    %get3A_560 = tpu.vector_load %arg8[%get3A_559] {strides = array<i32>} : memref<528xi32, #tpu.memory_space<vmem>>, vector<16xi32>,
    %dma_wait3A_561 = arith.constant 0 : i32
    %dma_wait3A_562 = arith.constant 0 : i32
    %dma_wait3A_563 = tpu.memref_slice %arg9[%dma_wait3A_561, %dma_wait3A_562] : memref<480x128xf32, #tpu.memory_space<vmem>> -> memref<32x128xf32, #tpu.memory_space<vmem>>
    %dma_wait3A_564 = arith.constant 0 : i32
    %dma_wait3A_565 = arith.constant 0 : i32
    %dma_wait3A_566 = tpu.memref_slice %arg2[%dma_wait3A_564, %dma_wait3A_565] : memref<32x1000000xf32, #tpu.memory_space<hbm>> -> memref<32x128xf32, #tpu.memory_space<hbm>>
    %dma_wait3A_567 = arith.constant 0 : i32
    %dma_wait3A_568 = arith.constant 0 : i32
    %dma_wait3A_569 = tpu.memref_slice %arg9[%dma_wait3A_567, %dma_wait3A_568] : memref<480x128xf32, #tpu.memory_space<vmem>> -> memref<32x128xf32, #tpu.memory_space<vmem>>
    %dma_wait3A_570 = arith.constant 0 : i32
    %dma_wait3A_571 = arith.constant 0 : i32
    %dma_wait3A_572 = tpu.memref_slice %arg2[%dma_wait3A_570, %dma_wait3A_571] : memref<32x1000000xf32, #tpu.memory_space<hbm>> -> memref<32x128xf32, #tpu.memory_space<hbm>>
    tpu.wait_dma2 semaphore(%arg13 : memref<!tpu.dma_semaphore, #tpu.memory_space<semaphore_mem>>) src(%dma_wait3A_572 : memref<32x128xf32, #tpu.memory_space<hbm>>) dst(%dma_wait3A_569 : memref<32x128xf32, #tpu.memory_space<vmem>>)
    %dma_wait3A_573 = arith.constant 0 : i32
    %dma_wait3A_574 = arith.constant 0 : i32
    %dma_wait3A_575 = tpu.memref_slice %arg10[%dma_wait3A_573, %dma_wait3A_574] : memref<480x128xf32, #tpu.memory_space<vmem>> -> memref<32x128xf32, #tpu.memory_space<vmem>>
    %dma_wait3A_576 = arith.constant 0 : i32
    %dma_wait3A_577 = arith.constant 0 : i32
    %dma_wait3A_578 = tpu.memref_slice %arg3[%dma_wait3A_576, %dma_wait3A_577] : memref<32x1000000xf32, #tpu.memory_space<hbm>> -> memref<32x128xf32, #tpu.memory_space<hbm>>
    %dma_wait3A_579 = arith.constant 0 : i32
    %dma_wait3A_580 = arith.constant 0 : i32
    %dma_wait3A_581 = tpu.memref_slice %arg10[%dma_wait3A_579, %dma_wait3A_580] : memref<480x128xf32, #tpu.memory_space<vmem>> -> memref<32x128xf32, #tpu.memory_space<vmem>>
    %dma_wait3A_582 = arith.constant 0 : i32
    %dma_wait3A_583 = arith.constant 0 : i32
    %dma_wait3A_584 = tpu.memref_slice %arg3[%dma_wait3A_582, %dma_wait3A_583] : memref<32x1000000xf32, #tpu.memory_space<hbm>> -> memref<32x128xf32, #tpu.memory_space<hbm>>
    tpu.wait_dma2 semaphore(%arg13 : memref<!tpu.dma_semaphore, #tpu.memory_space<semaphore_mem>>) src(%dma_wait3A_584 : memref<32x128xf32, #tpu.memory_space<hbm>>) dst(%dma_wait3A_581 : memref<32x128xf32, #tpu.memory_space<vmem>>)
    %slice3A_585 = vector.extract_strided_slice %get3A_558 {offsets = [0], sizes = [1], strides = [1]} : vector<16xi32> to vector<1xi32>
    %squeeze3A_586 = vector.extract %slice3A_585[0] : i32 from vector<1xi32>
    %and3A = arith.constant 127 : i32
    %and3A_587 = arith.andi %squeeze3A_586, %and3A : i32
    %broadcast_in_dim3A_588 = vector.broadcast %and3A_587 : i32 to vector<16xi32>
    %slice3A_589 = vector.extract_strided_slice %get3A_560 {offsets = [0], sizes = [1], strides = [1]} : vector<16xi32> to vector<1xi32>
    %squeeze3A_590 = vector.extract %slice3A_589[0] : i32 from vector<1xi32>
    %and3A_591 = arith.constant 127 : i32
    %and3A_592 = arith.andi %squeeze3A_590, %and3A_591 : i32
    %broadcast_in_dim3A_593 = vector.broadcast %and3A_592 : i32 to vector<16xi32>
    %add3A_594 = arith.constant 0 : i32
    %add3A_595 = vector.broadcast %add3A_594 : i32 to vector<16xi32>
    %add3A_596 = arith.addi %iota3A, %add3A_595 : vector<16xi32>
    %add3A_597 = arith.constant 16 : i32
    %add3A_598 = vector.broadcast %add3A_597 : i32 to vector<16xi32>
    %add3A_599 = arith.addi %add3A_596, %add3A_598 : vector<16xi32>
    %gather3A = tpu.vector_load_idx %arg9[%add3A_596, %broadcast_in_dim3A_588] : memref<480x128xf32, #tpu.memory_space<vmem>>[vector<16xi32>, vector<16xi32>], vector<16xf32>,
    %gather3A_600 = tpu.vector_load_idx %arg9[%add3A_599, %broadcast_in_dim3A_588] : memref<480x128xf32, #tpu.memory_space<vmem>>[vector<16xi32>, vector<16xi32>], vector<16xf32>,
    %gather3A_601 = tpu.vector_load_idx %arg10[%add3A_596, %broadcast_in_dim3A_593] : memref<480x128xf32, #tpu.memory_space<vmem>>[vector<16xi32>, vector<16xi32>], vector<16xf32>,
    %gather3A_602 = tpu.vector_load_idx %arg10[%add3A_599, %broadcast_in_dim3A_593] : memref<480x128xf32, #tpu.memory_space<vmem>>[vector<16xi32>, vector<16xi32>], vector<16xf32>,
    %mul3A_603 = arith.mulf %gather3A, %gather3A_601 : vector<16xf32>
    %mul3A_604 = arith.mulf %gather3A_600, %gather3A_602 : vector<16xf32>
    %add3A_605 = arith.addf %mul3A_603, %mul3A_604 : vector<16xf32>
    %reduce_sum3A = arith.constant true
    %reduce_sum3A_606 = vector.broadcast %reduce_sum3A : i1 to vector<16xi1>
    %reduce_sum3A_607 = tpu.scan <sum>, %add3A_605 masked %reduce_sum3A_606 : vector<16xf32>, vector<16xi1> -> vector<16xf32>
    %reduce_sum3A_608 = vector.extract %reduce_sum3A_607[15] : f32 from vector<16xf32>
    %eq3A = arith.constant 14 : i32
    %eq3A_609 = vector.broadcast %eq3A : i32 to vector<16xi32>
    %eq3A_610 = arith.cmpi eq, %iota3A, %eq3A_609 : vector<16xi32>
    %broadcast_in_dim3A_611 = vector.broadcast %reduce_sum3A_608 : f32 to vector<16xf32>
    %select_n3A = arith.select %eq3A_610, %broadcast_in_dim3A_611, %scan3A_555 : vector<16xi1>, vector<16xf32>
    %get3A_612 = arith.constant 511 : index
    %get3A_613 = tpu.vector_load %arg7[%get3A_612] {strides = array<i32>} : memref<528xi32, #tpu.memory_space<vmem>>, vector<16xi32>,
    %get3A_614 = arith.constant 511 : index
    %get3A_615 = tpu.vector_load %arg8[%get3A_614] {strides = array<i32>} : memref<528xi32, #tpu.memory_space<vmem>>, vector<16xi32>,
    %dma_wait3A_616 = arith.constant 32 : i32
    %dma_wait3A_617 = arith.constant 0 : i32
    %dma_wait3A_618 = tpu.memref_slice %arg9[%dma_wait3A_616, %dma_wait3A_617] : memref<480x128xf32, #tpu.memory_space<vmem>> -> memref<32x128xf32, #tpu.memory_space<vmem>>
    %dma_wait3A_619 = arith.constant 0 : i32
    %dma_wait3A_620 = arith.constant 0 : i32
    %dma_wait3A_621 = tpu.memref_slice %arg2[%dma_wait3A_619, %dma_wait3A_620] : memref<32x1000000xf32, #tpu.memory_space<hbm>> -> memref<32x128xf32, #tpu.memory_space<hbm>>
    %dma_wait3A_622 = arith.constant 32 : i32
    %dma_wait3A_623 = arith.constant 0 : i32
    %dma_wait3A_624 = tpu.memref_slice %arg9[%dma_wait3A_622, %dma_wait3A_623] : memref<480x128xf32, #tpu.memory_space<vmem>> -> memref<32x128xf32, #tpu.memory_space<vmem>>
    %dma_wait3A_625 = arith.constant 0 : i32
    %dma_wait3A_626 = arith.constant 0 : i32
    %dma_wait3A_627 = tpu.memref_slice %arg2[%dma_wait3A_625, %dma_wait3A_626] : memref<32x1000000xf32, #tpu.memory_space<hbm>> -> memref<32x128xf32, #tpu.memory_space<hbm>>
    tpu.wait_dma2 semaphore(%arg14 : memref<!tpu.dma_semaphore, #tpu.memory_space<semaphore_mem>>) src(%dma_wait3A_627 : memref<32x128xf32, #tpu.memory_space<hbm>>) dst(%dma_wait3A_624 : memref<32x128xf32, #tpu.memory_space<vmem>>)
    %dma_wait3A_628 = arith.constant 32 : i32
    %dma_wait3A_629 = arith.constant 0 : i32
    %dma_wait3A_630 = tpu.memref_slice %arg10[%dma_wait3A_628, %dma_wait3A_629] : memref<480x128xf32, #tpu.memory_space<vmem>> -> memref<32x128xf32, #tpu.memory_space<vmem>>
    %dma_wait3A_631 = arith.constant 0 : i32
    %dma_wait3A_632 = arith.constant 0 : i32
    %dma_wait3A_633 = tpu.memref_slice %arg3[%dma_wait3A_631, %dma_wait3A_632] : memref<32x1000000xf32, #tpu.memory_space<hbm>> -> memref<32x128xf32, #tpu.memory_space<hbm>>
    %dma_wait3A_634 = arith.constant 32 : i32
    %dma_wait3A_635 = arith.constant 0 : i32
    %dma_wait3A_636 = tpu.memref_slice %arg10[%dma_wait3A_634, %dma_wait3A_635] : memref<480x128xf32, #tpu.memory_space<vmem>> -> memref<32x128xf32, #tpu.memory_space<vmem>>
    %dma_wait3A_637 = arith.constant 0 : i32
    %dma_wait3A_638 = arith.constant 0 : i32
    %dma_wait3A_639 = tpu.memref_slice %arg3[%dma_wait3A_637, %dma_wait3A_638] : memref<32x1000000xf32, #tpu.memory_space<hbm>> -> memref<32x128xf32, #tpu.memory_space<hbm>>
    tpu.wait_dma2 semaphore(%arg14 : memref<!tpu.dma_semaphore, #tpu.memory_space<semaphore_mem>>) src(%dma_wait3A_639 : memref<32x128xf32, #tpu.memory_space<hbm>>) dst(%dma_wait3A_636 : memref<32x128xf32, #tpu.memory_space<vmem>>)
    %slice3A_640 = vector.extract_strided_slice %get3A_613 {offsets = [0], sizes = [1], strides = [1]} : vector<16xi32> to vector<1xi32>
    %squeeze3A_641 = vector.extract %slice3A_640[0] : i32 from vector<1xi32>
    %and3A_642 = arith.constant 127 : i32
    %and3A_643 = arith.andi %squeeze3A_641, %and3A_642 : i32
    %broadcast_in_dim3A_644 = vector.broadcast %and3A_643 : i32 to vector<16xi32>
    %slice3A_645 = vector.extract_strided_slice %get3A_615 {offsets = [0], sizes = [1], strides = [1]} : vector<16xi32> to vector<1xi32>
    %squeeze3A_646 = vector.extract %slice3A_645[0] : i32 from vector<1xi32>
    %and3A_647 = arith.constant 127 : i32
    %and3A_648 = arith.andi %squeeze3A_646, %and3A_647 : i32
    %broadcast_in_dim3A_649 = vector.broadcast %and3A_648 : i32 to vector<16xi32>
    %add3A_650 = arith.constant 32 : i32
    %add3A_651 = vector.broadcast %add3A_650 : i32 to vector<16xi32>
    %add3A_652 = arith.addi %iota3A, %add3A_651 : vector<16xi32>
    %add3A_653 = arith.constant 16 : i32
    %add3A_654 = vector.broadcast %add3A_653 : i32 to vector<16xi32>
    %add3A_655 = arith.addi %add3A_652, %add3A_654 : vector<16xi32>
    %gather3A_656 = tpu.vector_load_idx %arg9[%add3A_652, %broadcast_in_dim3A_644] : memref<480x128xf32, #tpu.memory_space<vmem>>[vector<16xi32>, vector<16xi32>], vector<16xf32>,
    %gather3A_657 = tpu.vector_load_idx %arg9[%add3A_655, %broadcast_in_dim3A_644] : memref<480x128xf32, #tpu.memory_space<vmem>>[vector<16xi32>, vector<16xi32>], vector<16xf32>,
    %gather3A_658 = tpu.vector_load_idx %arg10[%add3A_652, %broadcast_in_dim3A_649] : memref<480x128xf32, #tpu.memory_space<vmem>>[vector<16xi32>, vector<16xi32>], vector<16xf32>,
    %gather3A_659 = tpu.vector_load_idx %arg10[%add3A_655, %broadcast_in_dim3A_649] : memref<480x128xf32, #tpu.memory_space<vmem>>[vector<16xi32>, vector<16xi32>], vector<16xf32>,
    %mul3A_660 = arith.mulf %gather3A_656, %gather3A_658 : vector<16xf32>
    %mul3A_661 = arith.mulf %gather3A_657, %gather3A_659 : vector<16xf32>
    %add3A_662 = arith.addf %mul3A_660, %mul3A_661 : vector<16xf32>
    %reduce_sum3A_663 = arith.constant true
    %reduce_sum3A_664 = vector.broadcast %reduce_sum3A_663 : i1 to vector<16xi1>
    %reduce_sum3A_665 = tpu.scan <sum>, %add3A_662 masked %reduce_sum3A_664 : vector<16xf32>, vector<16xi1> -> vector<16xf32>
    %reduce_sum3A_666 = vector.extract %reduce_sum3A_665[15] : f32 from vector<16xf32>
    %eq3A_667 = arith.constant 15 : i32
    %eq3A_668 = vector.broadcast %eq3A_667 : i32 to vector<16xi32>
    %eq3A_669 = arith.cmpi eq, %iota3A, %eq3A_668 : vector<16xi32>
    %broadcast_in_dim3A_670 = vector.broadcast %reduce_sum3A_666 : f32 to vector<16xf32>
    %select_n3A_671 = arith.select %eq3A_669, %broadcast_in_dim3A_670, %select_n3A : vector<16xi1>, vector<16xf32>
    %swap3A = arith.constant 496 : index
    %swap3A_672 = tpu.vector_load %arg11[%swap3A] {strides = array<i32>} : memref<512xf32, #tpu.memory_space<vmem>>, vector<16xf32>,
    tpu.vector_store %arg11[%swap3A], %select_n3A_671 {strides = array<i32>} : memref<512xf32, #tpu.memory_space<vmem>>, vector<16xf32>,
    "tpu.region"() ({
      %run_scoped3A = tpu.sem_alloc : memref<!tpu.dma_semaphore, #tpu.memory_space<semaphore_mem>>
      %dma_start3A_673 = tpu.memref_slice %arg6[%mul3A_2] : memref<16384xf32, #tpu.memory_space<hbm>> -> memref<512xf32, #tpu.memory_space<hbm>>
      %dma_start3A_674 = tpu.memref_slice %arg6[%mul3A_2] : memref<16384xf32, #tpu.memory_space<hbm>> -> memref<512xf32, #tpu.memory_space<hbm>>
      tpu.enqueue_dma source(%arg11 : memref<512xf32, #tpu.memory_space<vmem>>) target(%dma_start3A_674 : memref<512xf32, #tpu.memory_space<hbm>>) target_semaphore(%run_scoped3A : memref<!tpu.dma_semaphore, #tpu.memory_space<semaphore_mem>>)
      %dma_wait3A_675 = tpu.memref_slice %arg6[%mul3A_2] : memref<16384xf32, #tpu.memory_space<hbm>> -> memref<512xf32, #tpu.memory_space<hbm>>
      %dma_wait3A_676 = tpu.memref_slice %arg6[%mul3A_2] : memref<16384xf32, #tpu.memory_space<hbm>> -> memref<512xf32, #tpu.memory_space<hbm>>
      tpu.wait_dma2 semaphore(%run_scoped3A : memref<!tpu.dma_semaphore, #tpu.memory_space<semaphore_mem>>) src(%arg11 : memref<512xf32, #tpu.memory_space<vmem>>) dst(%dma_wait3A_676 : memref<512xf32, #tpu.memory_space<hbm>>)
      tpu.yield
    }) : () -> ()
    return
  }
}

</mosaic_0001>

<sc_bundles>
// kernel: kernel.3.cloned.1.call-start
scs
__scs_entry_jumppad:
0x0: {  	(pc) =	sbr.rel $0x88, $3  }
0x1: {  	(tag) =	ssettag $0x0;
	lr =	simm.s32 $0x1  }
0x2: {  	[smem:$0x3F9D] =	sst lr;
	_ =	strace $0xD0000000  }
0x3: {  	_ = 	snop  }
0x4: {  	_ = 	snop  }
0x5: {  	_ = 	snop  }
0x6: {  	_ = 	snop  }
0x7: {  	_ = 	snop  }
__scs_overlays_trampoline_lowered:
0x8: {  	[smem:$0x3FAC] =	sst s0  }
0x9: {  	[smem:$0x3FAD] =	sst s1  }
0xa: {  	[smem:$0x3FAE] =	sst s2  }
0xb: {  	[smem:$0x3FAF] =	sst s3  }
0xc: {  	[smem:$0x3FB0] =	sst s4  }
0xd: {  	[smem:$0x3FB1] =	sst s5  }
0xe: {  	[smem:$0x3FB2] =	sst s6  }
0xf: {  	[smem:$0x3FB3] =	sst s7  }
0x10: {  	[smem:$0x3FB4] =	sst s8  }
0x11: {  	[smem:$0x3FB5] =	sst s9;
	s0 =	simm.s32 @!p0 $0x0  }
0x12: {  	s1 =	sld [smem:$0x3F9B];
	s0 =	simm.s32 @p0 $0x1  }
0x13: {  	[smem:$0x3FB6] =	sst s0;
	s0 =	simm.s32 @!p1 $0x0  }
0x14: {  	s2 =	sld [smem:$0x3F9A];
	s0 =	simm.s32 @p1 $0x1  }
0x15: {  	[smem:$0x3FB7] =	sst s0;
	s0 =	simm.s32 @!p2 $0x0  }
0x16: {  	s3 =	sld [smem:$0x3FDB];
	s0 =	simm.s32 @p2 $0x1  }
0x17: {  	s4 =	simm.s32 $0x1BF5;
	[smem:$0x3FB9] =	sst s0  }
0x18: {  	s0 =	sld [smem:$0x3F9C];
	_ =	swait.ge [sflag:s4], $0x0  }
0x19: {  	s7 =	sld [smem:$0x3F9D]  }
0x1a: {  	s8 =	sadd.s32 $0xFFFFE003, lr  }
0x1b: {  	s9 =	sadd.s32 $0xFFFFFEF7, lr;
	s5 =	simm.s32 $0xFFFFFFFF;
	p2 =	slt.u32 s8, $0xFFFFF086  }
0x1c: {  	p1 =	slt.u32 s9, $0xF7A;
	s5 =	simm.s32 @!p2 $0x0  }
0x1d: {  	s5 =	simm.s32 @p1 $0x1;
	p0 =	seq.s32 s7, s2  }
0x1e: {  	s7 =	smul.u32 @!p0 $0xF7A, s2;
	p2 =	seq.s32 @!p0 s5, $0x0  }
0x1f: {  	s9 =	smul.u32 $0xF7A, s1;
	s8 =	simm.s32 @!p0 $0x1BF5;
	p2 =	por !p2, p0  }
0x20: {  	[sflag:s8] =	ssyncset.s32 @!p0 $0xFFFFF086;
	s6 =	sadd.s32 @!p0 s3, s7;
	s7 =	simm.s32 @!p0 $0x108  }
0x21: {  	s3 =	sadd.s32 s3, s9;
	s6 =	sadd.s32 @!p0 $0x88, s6;
	s7 =	simm.s32 @p2 $0x1082  }
0x22: {  	[simem:s7], [sflag:s8] =	dma.local @!p0 [hbm:s6], $0xF7A  }
0x23: {  	s9 =	sor.u32 $0xD0000000, s2;
	s6 =	simm.s32 $0x108;
	_ =	swait.ge @!p0 [sflag:s8], $0x0  }
0x24: {  	s3 =	sadd.s32 $0x88, s3;
	s6 =	simm.s32 @!p1 $0x1082;
	[sflag:s4] =	ssyncset.s32 $0xFFFFF086  }
0x25: {  	[simem:s6], [sflag:s4] =	dma.local [hbm:s3], $0xF7A  }
0x26: {  	[smem:$0x3F9D] =	sst s1;
	(tag) =	ssettag s2;
	_ =	strace s9  }
0x27: {  	s1 =	sld [smem:$0x3FAD]  }
0x28: {  	s2 =	sld [smem:$0x3FAE]  }
0x29: {  	s4 =	sld [smem:$0x3FB0]  }
0x2a: {  	p0 =	seq.s32 s5, $0x0;
	s5 =	sld [smem:$0x3FB1]  }
0x2b: {  	s6 =	sld [smem:$0x3FB2]  }
0x2c: {  	s7 =	sld [smem:$0x3FB3]  }
0x2d: {  	s3 =	simm.s32 $0x108;
	s8 =	sld [smem:$0x3FB4]  }
0x2e: {  	s3 =	simm.s32 @!p0 $0x1082;
	s9 =	sld [smem:$0x3FB5]  }
0x2f: {  	lr =	sadd.s32 s0, s3;
	s0 =	sld [smem:$0x3FAC]  }
0x30: {  	s3 =	sld [smem:$0x3FAF]  }
0x31: {  	[smem:$0x3FB8] =	sst s10  }
0x32: {  	s10 =	sld [smem:$0x3FB6];
	_ =	sdelay $0x3  }
0x33: {  	p0 =	seq.s32 s10, $0x1;
	s10 =	sld [smem:$0x3FB8];
	_ =	sdelay $0x3  }
0x34: {  	[smem:$0x3FB8] =	sst s10  }
0x35: {  	s10 =	sld [smem:$0x3FB7];
	_ =	sdelay $0x3  }
0x36: {  	p1 =	seq.s32 s10, $0x1;
	s10 =	sld [smem:$0x3FB8];
	_ =	sdelay $0x3  }
0x37: {  	[smem:$0x3FB8] =	sst s10  }
0x38: {  	s10 =	sld [smem:$0x3FB9]  }
0x39: {  	_ = 	snop;
	(pc) =	sbr.ind lr, $3  }
0x3a: {  	_ = 	snop  }
0x3b: {  	_ = 	snop  }
0x3c: {  	p2 =	seq.s32 s10, $0x1;
	s10 =	sld [smem:$0x3FB8]  }
0x3d: {  	_ =	shalt  }
0x3e: {  	_ =	shalt  }
0x3f: {  	_ =	shalt  }
0x40: {  	_ =	shalt  }
0x41: {  	_ =	shalt  }
0x42: {  	_ =	shalt  }
0x43: {  	_ =	shalt  }
0x44: {  	_ =	shalt  }
0x45: {  	_ =	shalt  }
0x46: {  	_ =	shalt  }
0x47: {  	_ =	shalt  }
0x48: {  	_ =	shalt  }
0x49: {  	_ =	shalt  }
0x4a: {  	_ =	shalt  }
0x4b: {  	_ =	shalt  }
0x4c: {  	_ =	shalt  }
0x4d: {  	_ =	shalt  }
0x4e: {  	_ =	shalt  }
0x4f: {  	_ =	shalt  }
0x50: {  	_ =	shalt  }
0x51: {  	_ =	shalt  }
0x52: {  	_ =	shalt  }
0x53: {  	_ =	shalt  }
0x54: {  	_ =	shalt  }
0x55: {  	_ =	shalt  }
0x56: {  	_ =	shalt  }
0x57: {  	_ =	shalt  }
0x58: {  	_ =	shalt  }
0x59: {  	_ =	shalt  }
0x5a: {  	_ =	shalt  }
0x5b: {  	_ =	shalt  }
0x5c: {  	_ =	shalt  }
0x5d: {  	_ =	shalt  }
0x5e: {  	_ =	shalt  }
0x5f: {  	_ =	shalt  }
0x60: {  	_ =	shalt  }
0x61: {  	_ =	shalt  }
0x62: {  	_ =	shalt  }
0x63: {  	_ =	shalt  }
0x64: {  	_ =	shalt  }
0x65: {  	_ =	shalt  }
0x66: {  	_ =	shalt  }
0x67: {  	_ =	shalt  }
0x68: {  	_ =	shalt  }
0x69: {  	_ =	shalt  }
0x6a: {  	_ =	shalt  }
0x6b: {  	_ =	shalt  }
0x6c: {  	_ =	shalt  }
0x6d: {  	_ =	shalt  }
0x6e: {  	_ =	shalt  }
0x6f: {  	_ =	shalt  }
0x70: {  	_ =	shalt  }
0x71: {  	_ =	shalt  }
0x72: {  	_ =	shalt  }
0x73: {  	_ =	shalt  }
0x74: {  	_ =	shalt  }
0x75: {  	_ =	shalt  }
0x76: {  	_ =	shalt  }
0x77: {  	_ =	shalt  }
0x78: {  	_ =	shalt  }
0x79: {  	_ =	shalt  }
0x7a: {  	_ =	shalt  }
0x7b: {  	_ =	shalt  }
0x7c: {  	_ =	shalt  }
0x7d: {  	_ =	shalt  }
0x7e: {  	_ =	shalt  }
0x7f: {  	_ =	shalt  }
0x80: {  	_ =	shalt  }
0x81: {  	_ =	shalt  }
0x82: {  	_ =	shalt  }
0x83: {  	_ =	shalt  }
0x84: {  	_ =	shalt  }
0x85: {  	_ =	shalt  }
0x86: {  	_ =	shalt  }
0x87: {  	_ =	shalt  }
.Lfunc_end0:
.L_simem_size_0:
called_computation_lowered:
.L_overlay_start_0:
0x88: {  	s2 =	sld [smem:$0x3FD9]  }
0x89: {  	s3 =	sld [smem:$0x3FFE];
	_ =	sdelay $0x1  }
0x8a: {  	s1 =	srdreg.scid  }
0x8b: {  	s0 =	sand.u32 $0x1, s1  }
0x8c: {  	s18 =	sshll.u32 s0, $0xA;
	s2 =	sadd.s32 s3, s2  }
0x8d: {  	s2 =	sadd.s32 s2, s18  }
0x8e: {  	[smem:$0x3FC4] =	sst s2  }
0x8f: {  	_ = 	snop  }
0x90: {  	s2 =	sld [smem:$0x3FC9]  }
0x91: {  	s19 =	sld [smem:$0x3FC8]  }
0x92: {  	s4 =	sld [smem:$0x3FC7]  }
0x93: {  	s5 =	sld [smem:$0x3FC6]  }
0x94: {  	s6 =	sld [smem:$0x3FD0];
	(tm) =	ssettm $0x1  }
0x95: {  	s7 =	sld [smem:$0x3FFB];
	_ =	sdelay $0x3  }
0x96: {  	_ =	strace s7  }
0x97: {  	s7 =	sld [smem:$0x3FFC];
	_ =	sdelay $0x3  }
0x98: {  	_ =	strace s7  }
0x99: {  	s7 =	sld [smem:$0x3FFD];
	_ =	sdelay $0x3  }
0x9a: {  	_ =	strace s7  }
0x9b: {  	_ =	strace $0x8FFFFFFF  }
0x9c: {  	s20 =	sld [smem:$0x3FDB];
	_ =	sdelay $0x1  }
0x9d: {  	s8 =	simm.s32 $_scs_section_size  }
0x9e: {  	s9 =	simm.s32 $_size__tile_overlayer_lowered;
	s10 =	simm.s32 $_tile_overlayer_lowered  }
0x9f: {  	s23 =	simm.s32 $0x1BFF;
	s22 =	sshll.u32 s10, $0x1;
	s7 =	sadd.s32 s8, s20  }
0xa0: {  	s11 =	simm.s32 $0x0;
	s21 =	sshll.u32 s9, $0x1;
	s9 =	sadd.s32 s22, s7  }
0xa1: {  	[timem:s11], [sflag:s23] =	dma.local [hbm:s9], s21  }
0xa2: {  	_ =	swait.ge [sflag:s23], s21  }
0xa3: {  	s8 =	ssub.s32 $0x0, s21;
	[sflag:s23] =	ssyncset.done $0x0  }
0xa4: {  	[sflag:s23] =	ssyncadd.s32 s8;
	_ =	sdelay $0x1  }
0xa5: {  	s24 =	simm.s32 $0x1B8B  }
0xa6: {  	_ =	swait.ge [sflag:s24], $0x1  }
0xa7: {  	[sflag:s24] =	ssyncset.done $0x0  }
0xa8: {  	s25 =	simm.s32 $0x1B8E;
	[sflag:s24] =	ssyncadd.s32 $0xFFFFFFFF  }
0xa9: {  	s26 =	simm.s32 $execute0_lowered;
	[smem:$0x3FD2] =	sst s25  }
0xaa: {  	s8 =	sshll.u32 s26, $0x1;
	_ =	strace $0x80000046;
	[dreg:$0x1] =	wrdreg $0xFFFFFFFF  }
0xab: {  	s28 =	simm.s32 $_size_execute0_lowered;
	s7 =	sadd.s32 s7, s8;
	[dreg:$0x0] =	wrdreg $0x0  }
0xac: {  	s8 =	sshll.u32 s28, $0x1;
	[dreg:$0x2] =	wrdreg s7  }
0xad: {  	[dreg:$0x3] =	wrdreg s8  }
0xae: {  	[dreg:$0x4] =	wrdreg $0xC0  }
0xaf: {  	_ =	task [dreg:s11], $0x5FFFF  }
0xb0: {  	[dreg:$0x1] =	wrdreg $0xFFFFFFFF  }
0xb1: {  	[dreg:$0x0] =	wrdreg $0x60  }
0xb2: {  	[dreg:$0x2] =	wrdreg s2  }
0xb3: {  	[dreg:$0x3] =	wrdreg s19  }
0xb4: {  	[dreg:$0x4] =	wrdreg s4  }
0xb5: {  	[dreg:$0x5] =	wrdreg s5  }
0xb6: {  	[dreg:$0x6] =	wrdreg s6  }
0xb7: {  	[dreg:$0x7] =	wrdreg $0x9  }
0xb8: {  	_ =	task.clear_ibuf [dreg:s11], $0x8FFFF;
	_ =	strace $0x90000046  }
0xb9: {  	s29 =	simm.s32 $0x9;
	_ =	strace $0x80000048  }
0xba: {  	_ =	swait.ge [sflag:s29], $0x1  }
0xbb: {  	[sflag:s29] =	ssyncadd.s32 $0xFFFFFFFF  }
0xbc: {  	_ =	strace $0x90000048  }
0xbd: {  	_ =	sfence  }
0xbe: {  	s30 =	sld [smem:$0x0];
	_ =	sdelay $0x2  }
0xbf: {  	s31 =	sshll.u32 s1, $0xD;
	s1 =	sshrl.u32 s1, $0x2  }
0xc0: {  	s3 =	sand.u32 $0x4000, s31;
	s1 =	sadd.s32 s1, s30  }
0xc1: {  	s0 =	sor.u32 s3, s0;
	s1 =	sshll.u32 s1, $0x11  }
0xc2: {  	s0 =	sor.u32 s1, s0  }
0xc3: {  	s0 =	sadd.s32 $0x8F2B, s0  }
0xc4: {  	[sflag:s0] =	ssyncadd.remote.s32 $0x1  }
0xc5: {  	_ =	sfence.sel $0xFFFF  }
0xc6: {  	[dreg:$0x0] =	wrdreg $0xFFFFFFFF;
	(pc) =	sbr.abs _section_cstart, $3  }
0xc7: {  	[dreg:$0x1] =	wrdreg $0xFFFFFFFF  }
0xc8: {  	_ =	task.clear_ibuf [dreg:s11], $0x2FFFF;
	_ =	strace $0x9FFFFFFF  }
0xc9: {  	(tm) =	ssettm $0x7FFFFFFF  }
tec
execute0_lowered:
.L_overlay_start_1:
0x0: {  	(tag) =	ssettag $0x1  }
0x1: {  	s1 =	rddreg [dreg:$0x0]  }
0x2: {  	s2 =	rddreg [dreg:$0x1]  }
0x3: {  	s0 =	rddreg [dreg:$0x2]  }
0x4: {  	s3 =	rddreg [dreg:$0x3]  }
0x5: {  	s4 =	rddreg [dreg:$0x4];
	s5 =	srdreg.scid  }
0x6: {  	s9 =	simm.s32 $0x0;
	s7 =	stileid.u32;
	s11 =	simm.s32 $0x400  }
0x7: {  	s12 =	simm.s32 $0x7A1400;
	s13 =	simm.s32 $0x500;
	s14 =	simm.s32 $0xF500  }
0x8: {  	s15 =	simm.s32 $0x1500;
	s16 =	simm.s32 $0x10500;
	s25 =	simm.s32 $0xE500;
	v0 =	vlaneseq.u32  }
0x9: {  	s26 =	simm.s32 $0x1D500;
	s28 =	simm.s32 $0x5;
	s29 =	simm.s32 $0x6;
	v1 =	vmul.u32 $0x80, v0  }
0xa: {  	s30 =	simm.s32 $0x7;
	s31 =	simm.s32 $0x8;
	s10 =	simm.s32 $0xB;
	vm0 =	vcmask $0x3B38  }
0xb: {  	s17 =	simm.s32 $0xC;
	s18 =	simm.s32 $0xD;
	s19 =	simm.s32 $0xE;
	vm1 =	vmmov $0x7fff;
	v2 =	vor.u32 $0x800, v1;
	v3 =	vor.u32 $0x1000, v1  }
0xc: {  	s20 =	simm.s32 $0xF;
	s21 =	simm.s32 $0x10;
	s5 =	sand.u32 $0x1, s5;
	v4 =	vor.u32 $0x1800, v1;
	v5 =	vor.u32 $0x2000, v1;
	v6 =	vor.u32 $0x2800, v1  }
0xd: {  	s7 =	sshll.u32 s7, $0x7;
	[smem:$0x7FF] =	sst s9;
	s6 =	ssub.s32 $0x2, s5;
	v7 =	vor.u32 $0x3000, v1;
	v8 =	vor.u32 $0x3800, v1;
	v9 =	vor.u32 $0x4000, v1  }
0xe: {  	s5 =	sshll.u32 s5, $0x6;
	_ =	strace $0x80000047;
	[dreg:$0x6] =	wrdreg s25;
	v10 =	vor.u32 $0x4800, v1;
	v11 =	vor.u32 $0x5000, v1;
	v12 =	vor.u32 $0x5800, v1  }
0xf: {  	[dreg:$0x7] =	wrdreg s26;
	s25 =	simm.s32 $0x3;
	s5 =	sor.u32 s5, s7;
	v13 =	vor.u32 $0x6000, v1;
	v14 =	vor.u32 $0x6800, v1;
	v15 =	vor.u32 $0x7000, v1  }
0x10: {  	s26 =	simm.s32 $0x4;
	s8 =	sshrl.u32 s6, $0x1;
	v16 =	vor.u32 $0x7800, v1;
	v17 =	vor.u32 $0x8000, v1;
	v18 =	vor.u32 $0x8800, v1;
	s0 =	sadd.s32 s0, s5  }
0x11: {  	v19 =	vor.u32 $0x9000, v1;
	v20 =	vor.u32 $0x9800, v1;
	v21 =	vor.u32 $0xA000, v1;
	s6 =	ssub.s32 s6, s8;
	s22 =	sadd.s32 s3, s5;
	[dreg:$0x8] =	wrdreg s0  }
0x12: {  	v22 =	vor.u32 $0xA800, v1;
	v23 =	vor.u32 $0xB000, v1;
	v24 =	vor.u32 $0xB800, v1;
	s23 =	sadd.s32 s4, s5;
	s3 =	simm.s32 $0xA;
	[dreg:$0x9] =	wrdreg s22  }
0x13: {  	v25 =	vor.u32 $0xC000, v1;
	v26 =	vor.u32 $0xC800, v1;
	v27 =	vor.u32 $0xD000, v1;
	[dreg:$0xa] =	wrdreg s23;
	s24 =	smax.u32 s6, $0x1;
	s0 =	simm.s32 $0x9  }
0x14: {  	v28 =	vor.u32 $0xD800, v1;
	v29 =	vor.u32 $0xE000, v1;
	v30 =	vor.u32 $0xE800, v1;
	s6 =	simm.s32 $0x0;
	[dreg:$0xb] =	wrdreg s24;
	s24 =	simm.s32 $0x2  }
.LBB2_1:
0x15: {  	[dreg:$0xc] =	wrdreg s6  }
0x16: {  	s4 =	rddreg [dreg:$0x8];
	s5 =	simm.s32 $0x1  }
0x17: {  	[tilespmem:s9], [sflag:$0x1] =	stream.linear.gather [hbm4b:s4+s9], $0x200, $0x38;
	[tilespmem:$0x1E700] =	vst v63  }
0x18: {  	_ =	swait.ge [sflag:s5], $0x200  }
0x19: {  	[sflag:s5] =	ssyncset.done $0x0  }
0x1a: {  	s8 =	simm.s32 $0x280;
	s7 =	rddreg [dreg:$0x9];
	[sflag:s5] =	ssyncadd.s32 $0xFFFFFE00  }
0x1b: {  	[tilespmem:s8], [sflag:$0x1] =	stream.linear.gather [hbm4b:s7+s9], $0x200, $0x38;
	[tilespmem:$0x1E700] =	vst v63  }
0x1c: {  	_ =	swait.ge [sflag:s5], $0x200  }
0x1d: {  	[sflag:s5] =	ssyncset.done $0x0  }
0x1e: {  	[sflag:s5] =	ssyncadd.s32 $0xFFFFFE00  }
0x1f: {  	v31 =	vld [tilespmem:$0x0];
	_ =	sdelay $0x1  }
0x20: {  	v32 =	vld [tilespmem:$0x280];
	_ =	sdelay $0x2  }
0x21: {  	(v2sf) =	vpush v31, $0x0;
	_ =	sdelay $0x1  }
0x22: {  	(v2sf) =	vpush v32, $0x0;
	_ =	sdelay $0xc  }
0x23: {  	s9 =	spop (v2sf)  }
0x24: {  	s4 =	sand.u32 $0xFFFFF80, s9  }
0x25: {  	s22 =	spop (v2sf);
	s4 =	sadd.s32 s1, s4  }
0x26: {  	[tilespmem:s13], [sflag:$0x2] =	stream.strided.gather [hbm4b:s4+s11], $0x1000, s12, s11, $0x38;
	[tilespmem:$0x1E700] =	vst v63  }
0x27: {  	s4 =	sand.u32 $0xFFFFF80, s22  }
0x28: {  	s4 =	sadd.s32 s2, s4  }
0x29: {  	[tilespmem:s14], [sflag:$0x2] =	stream.strided.gather [hbm4b:s4+s11], $0x1000, s12, s11, $0x38;
	[tilespmem:$0x1E700] =	vst v63  }
0x2a: {  	v31 =	vld [tilespmem:$0x1];
	_ =	sdelay $0x1  }
0x2b: {  	v51 =	vld [tilespmem:$0x281];
	_ =	sdelay $0x2  }
0x2c: {  	(v2sf) =	vpush v31, $0x0;
	_ =	sdelay $0x1  }
0x2d: {  	(v2sf) =	vpush v51, $0x0;
	_ =	sdelay $0xc  }
0x2e: {  	s23 =	spop (v2sf)  }
0x2f: {  	s4 =	sand.u32 $0xFFFFF80, s23  }
0x30: {  	s5 =	spop (v2sf);
	s4 =	sadd.s32 s1, s4  }
0x31: {  	[tilespmem:s15], [sflag:$0x3] =	stream.strided.gather [hbm4b:s4+s11], $0x1000, s12, s11, $0x38;
	[tilespmem:$0x1E700] =	vst v63  }
0x32: {  	s4 =	sand.u32 $0xFFFFF80, s5  }
0x33: {  	s4 =	sadd.s32 s2, s4  }
0x34: {  	[tilespmem:s16], [sflag:$0x3] =	stream.strided.gather [hbm4b:s4+s11], $0x1000, s12, s11, $0x38;
	[tilespmem:$0x1E700] =	vst v63  }
0x35: {  	v31 =	vld [tilespmem:$0x2];
	_ =	sdelay $0x1  }
0x36: {  	v52 =	vld [tilespmem:$0x282];
	_ =	sdelay $0x2  }
0x37: {  	(v2sf) =	vpush v31, $0x0;
	_ =	sdelay $0x1  }
0x38: {  	(v2sf) =	vpush v52, $0x0;
	_ =	sdelay $0xc  }
0x39: {  	s6 =	spop (v2sf)  }
0x3a: {  	s4 =	sand.u32 $0xFFFFF80, s6  }
0x3b: {  	s7 =	simm.s32 $0x2500;
	s8 =	spop (v2sf);
	s4 =	sadd.s32 s1, s4  }
0x3c: {  	[tilespmem:s7], [sflag:$0x4] =	stream.strided.gather [hbm4b:s4+s11], $0x1000, s12, s11, $0x38;
	[tilespmem:$0x1E700] =	vst v63  }
0x3d: {  	s4 =	sand.u32 $0xFFFFF80, s8  }
0x3e: {  	s9 =	simm.s32 $0x11500;
	s4 =	sadd.s32 s2, s4  }
0x3f: {  	[tilespmem:s9], [sflag:$0x4] =	stream.strided.gather [hbm4b:s4+s11], $0x1000, s12, s11, $0x38;
	[tilespmem:$0x1E700] =	vst v63  }
0x40: {  	v31 =	vld [tilespmem:$0x3];
	_ =	sdelay $0x1  }
0x41: {  	v53 =	vld [tilespmem:$0x283];
	_ =	sdelay $0x2  }
0x42: {  	(v2sf) =	vpush v31, $0x0;
	_ =	sdelay $0x1  }
0x43: {  	(v2sf) =	vpush v53, $0x0;
	_ =	sdelay $0xc  }
0x44: {  	s22 =	spop (v2sf)  }
0x45: {  	s4 =	sand.u32 $0xFFFFF80, s22  }
0x46: {  	s23 =	simm.s32 $0x3500;
	s6 =	spop (v2sf);
	s4 =	sadd.s32 s1, s4  }
0x47: {  	[tilespmem:s23], [sflag:$0x5] =	stream.strided.gather [hbm4b:s4+s11], $0x1000, s12, s11, $0x38;
	[tilespmem:$0x1E700] =	vst v63  }
0x48: {  	s4 =	sand.u32 $0xFFFFF80, s6  }
0x49: {  	s7 =	simm.s32 $0x12500;
	s4 =	sadd.s32 s2, s4  }
0x4a: {  	[tilespmem:s7], [sflag:$0x5] =	stream.strided.gather [hbm4b:s4+s11], $0x1000, s12, s11, $0x38;
	[tilespmem:$0x1E700] =	vst v63  }
0x4b: {  	v31 =	vld [tilespmem:$0x4];
	_ =	sdelay $0x1  }
0x4c: {  	v54 =	vld [tilespmem:$0x284];
	_ =	sdelay $0x2  }
0x4d: {  	(v2sf) =	vpush v31, $0x0;
	_ =	sdelay $0x1  }
0x4e: {  	(v2sf) =	vpush v54, $0x0;
	_ =	sdelay $0xc  }
0x4f: {  	s8 =	spop (v2sf)  }
0x50: {  	s4 =	sand.u32 $0xFFFFF80, s8  }
0x51: {  	s9 =	simm.s32 $0x4500;
	s22 =	spop (v2sf);
	s4 =	sadd.s32 s1, s4  }
0x52: {  	[tilespmem:s9], [sflag:$0x6] =	stream.strided.gather [hbm4b:s4+s11], $0x1000, s12, s11, $0x38;
	[tilespmem:$0x1E700] =	vst v63  }
0x53: {  	s4 =	sand.u32 $0xFFFFF80, s22  }
0x54: {  	s23 =	simm.s32 $0x13500;
	s4 =	sadd.s32 s2, s4  }
0x55: {  	[tilespmem:s23], [sflag:$0x6] =	stream.strided.gather [hbm4b:s4+s11], $0x1000, s12, s11, $0x38;
	[tilespmem:$0x1E700] =	vst v63  }
0x56: {  	v31 =	vld [tilespmem:$0x5];
	_ =	sdelay $0x1  }
0x57: {  	v55 =	vld [tilespmem:$0x285];
	_ =	sdelay $0x2  }
0x58: {  	(v2sf) =	vpush v31, $0x0;
	_ =	sdelay $0x1  }
0x59: {  	(v2sf) =	vpush v55, $0x0;
	_ =	sdelay $0xc  }
0x5a: {  	s6 =	spop (v2sf)  }
0x5b: {  	s4 =	sand.u32 $0xFFFFF80, s6  }
0x5c: {  	s7 =	simm.s32 $0x5500;
	s8 =	spop (v2sf);
	s4 =	sadd.s32 s1, s4  }
0x5d: {  	[tilespmem:s7], [sflag:$0x7] =	stream.strided.gather [hbm4b:s4+s11], $0x1000, s12, s11, $0x38;
	[tilespmem:$0x1E700] =	vst v63  }
0x5e: {  	s4 =	sand.u32 $0xFFFFF80, s8  }
0x5f: {  	s9 =	simm.s32 $0x14500;
	s4 =	sadd.s32 s2, s4  }
0x60: {  	[tilespmem:s9], [sflag:$0x7] =	stream.strided.gather [hbm4b:s4+s11], $0x1000, s12, s11, $0x38;
	[tilespmem:$0x1E700] =	vst v63  }
0x61: {  	v31 =	vld [tilespmem:$0x6];
	_ =	sdelay $0x1  }
0x62: {  	v56 =	vld [tilespmem:$0x286];
	_ =	sdelay $0x2  }
0x63: {  	(v2sf) =	vpush v31, $0x0;
	_ =	sdelay $0x1  }
0x64: {  	(v2sf) =	vpush v56, $0x0;
	_ =	sdelay $0xc  }
0x65: {  	s22 =	spop (v2sf)  }
0x66: {  	s4 =	sand.u32 $0xFFFFF80, s22  }
0x67: {  	s23 =	simm.s32 $0x6500;
	s6 =	spop (v2sf);
	s4 =	sadd.s32 s1, s4  }
0x68: {  	[tilespmem:s23], [sflag:$0x8] =	stream.strided.gather [hbm4b:s4+s11], $0x1000, s12, s11, $0x38;
	[tilespmem:$0x1E700] =	vst v63  }
0x69: {  	s4 =	sand.u32 $0xFFFFF80, s6  }
0x6a: {  	s7 =	simm.s32 $0x15500;
	s4 =	sadd.s32 s2, s4  }
0x6b: {  	[tilespmem:s7], [sflag:$0x8] =	stream.strided.gather [hbm4b:s4+s11], $0x1000, s12, s11, $0x38;
	[tilespmem:$0x1E700] =	vst v63  }
0x6c: {  	v31 =	vld [tilespmem:$0x7];
	_ =	sdelay $0x1  }
0x6d: {  	v57 =	vld [tilespmem:$0x287];
	_ =	sdelay $0x2  }
0x6e: {  	(v2sf) =	vpush v31, $0x0;
	_ =	sdelay $0x1  }
0x6f: {  	(v2sf) =	vpush v57, $0x0;
	_ =	sdelay $0xc  }
0x70: {  	s8 =	spop (v2sf)  }
0x71: {  	s4 =	sand.u32 $0xFFFFF80, s8  }
0x72: {  	s9 =	simm.s32 $0x7500;
	s22 =	spop (v2sf);
	s4 =	sadd.s32 s1, s4  }
0x73: {  	[tilespmem:s9], [sflag:$0x9] =	stream.strided.gather [hbm4b:s4+s11], $0x1000, s12, s11, $0x38;
	[tilespmem:$0x1E700] =	vst v63  }
0x74: {  	s4 =	sand.u32 $0xFFFFF80, s22  }
0x75: {  	s23 =	simm.s32 $0x16500;
	s4 =	sadd.s32 s2, s4  }
0x76: {  	[tilespmem:s23], [sflag:$0x9] =	stream.strided.gather [hbm4b:s4+s11], $0x1000, s12, s11, $0x38;
	[tilespmem:$0x1E700] =	vst v63  }
0x77: {  	v31 =	vld [tilespmem:$0x8];
	_ =	sdelay $0x1  }
0x78: {  	v58 =	vld [tilespmem:$0x288];
	_ =	sdelay $0x2  }
0x79: {  	(v2sf) =	vpush v31, $0x0;
	_ =	sdelay $0x1  }
0x7a: {  	(v2sf) =	vpush v58, $0x0;
	_ =	sdelay $0xc  }
0x7b: {  	s6 =	spop (v2sf)  }
0x7c: {  	s4 =	sand.u32 $0xFFFFF80, s6  }
0x7d: {  	s7 =	simm.s32 $0x8500;
	s8 =	spop (v2sf);
	s4 =	sadd.s32 s1, s4  }
0x7e: {  	[tilespmem:s7], [sflag:$0xA] =	stream.strided.gather [hbm4b:s4+s11], $0x1000, s12, s11, $0x38;
	[tilespmem:$0x1E700] =	vst v63  }
0x7f: {  	s4 =	sand.u32 $0xFFFFF80, s8  }
0x80: {  	s9 =	simm.s32 $0x17500;
	s4 =	sadd.s32 s2, s4  }
0x81: {  	[tilespmem:s9], [sflag:$0xA] =	stream.strided.gather [hbm4b:s4+s11], $0x1000, s12, s11, $0x38;
	[tilespmem:$0x1E700] =	vst v63  }
0x82: {  	v31 =	vld [tilespmem:$0x9];
	_ =	sdelay $0x1  }
0x83: {  	v59 =	vld [tilespmem:$0x289];
	_ =	sdelay $0x2  }
0x84: {  	(v2sf) =	vpush v31, $0x0;
	_ =	sdelay $0x1  }
0x85: {  	(v2sf) =	vpush v59, $0x0;
	_ =	sdelay $0xc  }
0x86: {  	s22 =	spop (v2sf)  }
0x87: {  	s4 =	sand.u32 $0xFFFFF80, s22  }
0x88: {  	s23 =	simm.s32 $0x9500;
	s6 =	spop (v2sf);
	s4 =	sadd.s32 s1, s4  }
0x89: {  	[tilespmem:s23], [sflag:$0xB] =	stream.strided.gather [hbm4b:s4+s11], $0x1000, s12, s11, $0x38;
	[tilespmem:$0x1E700] =	vst v63  }
0x8a: {  	s4 =	sand.u32 $0xFFFFF80, s6  }
0x8b: {  	s7 =	simm.s32 $0x18500;
	s4 =	sadd.s32 s2, s4  }
0x8c: {  	[tilespmem:s7], [sflag:$0xB] =	stream.strided.gather [hbm4b:s4+s11], $0x1000, s12, s11, $0x38;
	[tilespmem:$0x1E700] =	vst v63  }
0x8d: {  	v31 =	vld [tilespmem:$0xA];
	_ =	sdelay $0x1  }
0x8e: {  	v60 =	vld [tilespmem:$0x28A];
	_ =	sdelay $0x2  }
0x8f: {  	(v2sf) =	vpush v31, $0x0;
	_ =	sdelay $0x1  }
0x90: {  	(v2sf) =	vpush v60, $0x0;
	_ =	sdelay $0xc  }
0x91: {  	s8 =	spop (v2sf)  }
0x92: {  	s4 =	sand.u32 $0xFFFFF80, s8  }
0x93: {  	s9 =	simm.s32 $0xA500;
	s22 =	spop (v2sf);
	s4 =	sadd.s32 s1, s4  }
0x94: {  	[tilespmem:s9], [sflag:$0xC] =	stream.strided.gather [hbm4b:s4+s11], $0x1000, s12, s11, $0x38;
	[tilespmem:$0x1E700] =	vst v63  }
0x95: {  	s4 =	sand.u32 $0xFFFFF80, s22  }
0x96: {  	s23 =	simm.s32 $0x19500;
	s4 =	sadd.s32 s2, s4  }
0x97: {  	[tilespmem:s23], [sflag:$0xC] =	stream.strided.gather [hbm4b:s4+s11], $0x1000, s12, s11, $0x38;
	[tilespmem:$0x1E700] =	vst v63  }
0x98: {  	v31 =	vld [tilespmem:$0xB];
	_ =	sdelay $0x1  }
0x99: {  	v61 =	vld [tilespmem:$0x28B];
	_ =	sdelay $0x2  }
0x9a: {  	(v2sf) =	vpush v31, $0x0;
	_ =	sdelay $0x1  }
0x9b: {  	(v2sf) =	vpush v61, $0x0;
	_ =	sdelay $0xc  }
0x9c: {  	s6 =	spop (v2sf)  }
0x9d: {  	s4 =	sand.u32 $0xFFFFF80, s6  }
0x9e: {  	s7 =	simm.s32 $0xB500;
	s8 =	spop (v2sf);
	s4 =	sadd.s32 s1, s4  }
0x9f: {  	[tilespmem:s7], [sflag:$0xD] =	stream.strided.gather [hbm4b:s4+s11], $0x1000, s12, s11, $0x38;
	[tilespmem:$0x1E700] =	vst v63  }
0xa0: {  	s4 =	sand.u32 $0xFFFFF80, s8  }
0xa1: {  	s9 =	simm.s32 $0x1A500;
	s4 =	sadd.s32 s2, s4  }
0xa2: {  	[tilespmem:s9], [sflag:$0xD] =	stream.strided.gather [hbm4b:s4+s11], $0x1000, s12, s11, $0x38;
	[tilespmem:$0x1E700] =	vst v63  }
0xa3: {  	v31 =	vld [tilespmem:$0xC];
	_ =	sdelay $0x1  }
0xa4: {  	v62 =	vld [tilespmem:$0x28C];
	_ =	sdelay $0x2  }
0xa5: {  	(v2sf) =	vpush v31, $0x0;
	_ =	sdelay $0x1  }
0xa6: {  	(v2sf) =	vpush v62, $0x0;
	_ =	sdelay $0xc  }
0xa7: {  	s22 =	spop (v2sf)  }
0xa8: {  	s4 =	sand.u32 $0xFFFFF80, s22  }
0xa9: {  	s23 =	simm.s32 $0xC500;
	s6 =	spop (v2sf);
	s4 =	sadd.s32 s1, s4  }
0xaa: {  	[tilespmem:s23], [sflag:$0xE] =	stream.strided.gather [hbm4b:s4+s11], $0x1000, s12, s11, $0x38;
	[tilespmem:$0x1E700] =	vst v63  }
0xab: {  	s4 =	sand.u32 $0xFFFFF80, s6  }
0xac: {  	s7 =	simm.s32 $0x1B500;
	s4 =	sadd.s32 s2, s4  }
0xad: {  	[tilespmem:s7], [sflag:$0xE] =	stream.strided.gather [hbm4b:s4+s11], $0x1000, s12, s11, $0x38;
	[tilespmem:$0x1E700] =	vst v63  }
0xae: {  	v31 =	vld [tilespmem:$0xD];
	_ =	sdelay $0x1  }
0xaf: {  	v63 =	vld [tilespmem:$0x28D];
	_ =	sdelay $0x2  }
0xb0: {  	(v2sf) =	vpush v31, $0x0;
	_ =	sdelay $0x1  }
0xb1: {  	(v2sf) =	vpush v63, $0x0;
	_ =	sdelay $0xc  }
0xb2: {  	s8 =	spop (v2sf)  }
0xb3: {  	s4 =	sand.u32 $0xFFFFF80, s8  }
0xb4: {  	s9 =	simm.s32 $0xD500;
	s22 =	spop (v2sf);
	s4 =	sadd.s32 s1, s4  }
0xb5: {  	[tilespmem:s9], [sflag:$0xF] =	stream.strided.gather [hbm4b:s4+s11], $0x1000, s12, s11, $0x38;
	[tilespmem:$0x1E700] =	vst v63  }
0xb6: {  	s5 =	simm.s32 $0x0;
	s4 =	sand.u32 $0xFFFFF80, s22  }
0xb7: {  	s23 =	simm.s32 $0x1C500;
	s6 =	simm.s32 $0x0;
	s4 =	sadd.s32 s2, s4  }
0xb8: {  	v31 =	vimm.f32 $0.0e+00;
	[tilespmem:s23], [sflag:$0xF] =	stream.strided.gather [hbm4b:s4+s11], $0x1000, s12, s11, $0x38;
	[tilespmem:$0x1E700] =	vst v63  }
.LBB2_2:
0xb9: {  	s7 =	sshra.s32 s6, $0x2  }
0xba: {  	v32 =	vld [tilespmem:s7+$0xE];
	_ =	sdelay $0x1  }
0xbb: {  	v33 =	vld [tilespmem:s7+$0x28E];
	_ =	sdelay $0x2  }
0xbc: {  	(v2sf) =	vpush v32, $0x0;
	_ =	sdelay $0x1  }
0xbd: {  	(v2sf) =	vpush v33, $0x0;
	_ =	sdelay $0xc  }
0xbe: {  	s4 =	spop (v2sf)  }
0xbf: {  	s4 =	sand.u32 $0xFFFFF80, s4  }
0xc0: {  	s8 =	rddreg [dreg:$0x6];
	s22 =	spop (v2sf);
	s4 =	sadd.s32 s1, s4  }
0xc1: {  	[tilespmem:s8], [sflag:$0x10] =	stream.strided.gather [hbm4b:s4+s11], $0x1000, s12, s11, $0x38;
	[tilespmem:$0x1E700] =	vst v63  }
0xc2: {  	s4 =	sand.u32 $0xFFFFF80, s22  }
0xc3: {  	s23 =	rddreg [dreg:$0x7];
	s4 =	sadd.s32 s2, s4  }
0xc4: {  	[tilespmem:s23], [sflag:$0x10] =	stream.strided.gather [hbm4b:s4+s11], $0x1000, s12, s11, $0x38;
	[tilespmem:$0x1E700] =	vst v63  }
0xc5: {  	v41 =	vld [tilespmem:s7+$0x0]  }
0xc6: {  	v42 =	vld [tilespmem:s7+$0x280];
	_ =	swait.ge [sflag:s24], $0x1000  }
0xc7: {  	[sflag:s24] =	ssyncset.done $0x0  }
0xc8: {  	[sflag:s24] =	ssyncadd.s32 $0xFFFFF000  }
0xc9: {  	_ =	swait.ge [sflag:s24], $0x1000  }
0xca: {  	(v2sf) =	vpush v41, $0x0;
	_ =	sdelay $0x1  }
0xcb: {  	(v2sf) =	vpush v42, $0x0;
	_ =	sdelay $0xc  }
0xcc: {  	s8 =	spop (v2sf)  }
0xcd: {  	s4 =	sand.u32 $0x7F, s8  }
0xce: {  	s9 =	spop (v2sf);
	v43 =	vor.u32 s4, v1  }
0xcf: {  	s8 =	sand.u32 $0x7F, s9;
	v44 =	vor.u32 s4, v2  }
0xd0: {  	v34 =	vor.u32 s8, v1  }
0xd1: {  	[sflag:s24] =	ssyncset.done $0x0;
	v35 =	vor.u32 s8, v2  }
0xd2: {  	[sflag:s24] =	ssyncadd.s32 $0xFFFFF000  }
0xd3: {  	v32 =	vld.idx.msk [tilespmem:v43+s13+$0x0], $0xffff  }
0xd4: {  	v33 =	vld.idx.msk [tilespmem:v44+s13+$0x0], $0xffff  }
0xd5: {  	v34 =	vld.idx.msk [tilespmem:v34+s14+$0x0], $0xffff  }
0xd6: {  	v35 =	vld.idx.msk [tilespmem:v35+s14+$0x0], $0xffff;
	_ =	sdelay $0x4  }
0xd7: {  	v32 =	vmul.f32 v34, v32;
	v33 =	vmul.f32 v35, v33;
	_ =	sdelay $0x1  }
0xd8: {  	v32 =	vadd.f32 v33, v32;
	_ =	sdelay $0x1  }
0xd9: {  	(xrf2) =	vadd.scan.msk.f32 $0xffff, v32;
	_ =	sdelay $0x5  }
0xda: {  	s22 =	sand.u32 $0xF, s5  }
0xdb: {  	p0 =	sne.s32 s22, $0xF  }
0xdc: {  	p1 =	seq.s32 @!p0 s6, $0x0  }
0xdd: {  	p1 =	por !p1, p0;
	s8 =	simm.s32 @!p0 $0x1  }
0xde: {  	s23 =	sshrl.u32 @!p0 s5, $0x4;
	s8 =	simm.s32 @p1 $0x0;
	v32, _, _ =	vpop (xrf2)  }
0xdf: {  	v45 =	vmov s22;
	s4 =	ssub.s32 @!p0 s23, s8;
	v32 =	vbroadcast v32, $0xF  }
0xe0: {  	vm2 =	veq.s32 v45, v0;
	s4 =	sshll.u32 @!p0 s4, $0x6  }
0xe1: {  	s4 =	sshra.s32 @!p0 s4, $0x2;
	v31 =	vsel vm2, v32, v31  }
0xe2: {  	[tilespmem:s4+$0x1E500] =	vst @!p0 v31  }
0xe3: {  	v46 =	vld [tilespmem:s7+$0xF];
	_ =	sdelay $0x1  }
0xe4: {  	v47 =	vld [tilespmem:s7+$0x28F];
	_ =	sdelay $0x2  }
0xe5: {  	(v2sf) =	vpush v46, $0x0;
	_ =	sdelay $0x1  }
0xe6: {  	(v2sf) =	vpush v47, $0x0;
	_ =	sdelay $0xc  }
0xe7: {  	s23 =	spop (v2sf)  }
0xe8: {  	s4 =	sand.u32 $0xFFFFF80, s23  }
0xe9: {  	s8 =	spop (v2sf);
	s4 =	sadd.s32 s1, s4  }
0xea: {  	[tilespmem:s13], [sflag:$0x2] =	stream.strided.gather [hbm4b:s4+s11], $0x1000, s12, s11, $0x38;
	[tilespmem:$0x1E700] =	vst v63  }
0xeb: {  	s4 =	sand.u32 $0xFFFFF80, s8  }
0xec: {  	s4 =	sadd.s32 s2, s4  }
0xed: {  	[tilespmem:s14], [sflag:$0x2] =	stream.strided.gather [hbm4b:s4+s11], $0x1000, s12, s11, $0x38;
	[tilespmem:$0x1E700] =	vst v63  }
0xee: {  	v48 =	vld [tilespmem:s7+$0x1]  }
0xef: {  	v49 =	vld [tilespmem:s7+$0x281];
	_ =	swait.ge [sflag:s25], $0x1000  }
0xf0: {  	[sflag:s25] =	ssyncset.done $0x0  }
0xf1: {  	[sflag:s25] =	ssyncadd.s32 $0xFFFFF000  }
0xf2: {  	_ =	swait.ge [sflag:s25], $0x1000  }
0xf3: {  	(v2sf) =	vpush v48, $0x0;
	_ =	sdelay $0x1  }
0xf4: {  	(v2sf) =	vpush v49, $0x0;
	_ =	sdelay $0xc  }
0xf5: {  	s9 =	spop (v2sf)  }
0xf6: {  	s4 =	sand.u32 $0x7F, s9  }
0xf7: {  	s22 =	spop (v2sf);
	v50 =	vor.u32 s4, v3  }
0xf8: {  	s8 =	sand.u32 $0x7F, s22;
	v51 =	vor.u32 s4, v4  }
0xf9: {  	v52 =	vor.u32 s8, v3  }
0xfa: {  	[sflag:s25] =	ssyncset.done $0x0;
	v53 =	vor.u32 s8, v4  }
0xfb: {  	[sflag:s25] =	ssyncadd.s32 $0xFFFFF000  }
0xfc: {  	v32 =	vld.idx.msk [tilespmem:v50+s13+$0x0], $0xffff  }
0xfd: {  	v33 =	vld.idx.msk [tilespmem:v51+s13+$0x0], $0xffff  }
0xfe: {  	v34 =	vld.idx.msk [tilespmem:v52+s14+$0x0], $0xffff  }
0xff: {  	v35 =	vld.idx.msk [tilespmem:v53+s14+$0x0], $0xffff;
	_ =	sdelay $0x4  }
0x100: {  	v32 =	vmul.f32 v34, v32;
	v33 =	vmul.f32 v35, v33;
	_ =	sdelay $0x1  }
0x101: {  	v32 =	vadd.f32 v33, v32;
	_ =	sdelay $0x1  }
0x102: {  	(xrf2) =	vadd.scan.msk.f32 $0xffff, v32;
	_ =	sdelay $0x7  }
0x103: {  	s23 =	sadd.s32 $0x1, s5  }
0x104: {  	s4 =	sand.u32 $0xF, s23  }
0x105: {  	p0 =	sne.s32 s4, $0xF;
	v32, _, _ =	vpop (xrf2)  }
0x106: {  	v54 =	vmov s4;
	s4 =	sadd.s32 @!p0 $0x4, s6;
	v32 =	vbroadcast v32, $0xF  }
0x107: {  	vm2 =	veq.s32 v54, v0;
	s4 =	sand.u32 @!p0 $0x1FC0, s4  }
0x108: {  	s4 =	sshrl.u32 @!p0 s4, $0x2;
	v31 =	vsel vm2, v32, v31  }
0x109: {  	[tilespmem:s4+$0x1E500] =	vst @!p0 v31  }
0x10a: {  	v55 =	vld [tilespmem:s7+$0x10];
	_ =	sdelay $0x1  }
0x10b: {  	v56 =	vld [tilespmem:s7+$0x290];
	_ =	sdelay $0x2  }
0x10c: {  	(v2sf) =	vpush v55, $0x0;
	_ =	sdelay $0x1  }
0x10d: {  	(v2sf) =	vpush v56, $0x0;
	_ =	sdelay $0xc  }
0x10e: {  	s8 =	spop (v2sf)  }
0x10f: {  	s4 =	sand.u32 $0xFFFFF80, s8  }
0x110: {  	s9 =	spop (v2sf);
	s4 =	sadd.s32 s1, s4  }
0x111: {  	[tilespmem:s15], [sflag:$0x3] =	stream.strided.gather [hbm4b:s4+s11], $0x1000, s12, s11, $0x38;
	[tilespmem:$0x1E700] =	vst v63  }
0x112: {  	s4 =	sand.u32 $0xFFFFF80, s9  }
0x113: {  	s4 =	sadd.s32 s2, s4  }
0x114: {  	[tilespmem:s16], [sflag:$0x3] =	stream.strided.gather [hbm4b:s4+s11], $0x1000, s12, s11, $0x38;
	[tilespmem:$0x1E700] =	vst v63  }
0x115: {  	v57 =	vld [tilespmem:s7+$0x2]  }
0x116: {  	v58 =	vld [tilespmem:s7+$0x282];
	_ =	swait.ge [sflag:s26], $0x1000  }
0x117: {  	[sflag:s26] =	ssyncset.done $0x0  }
0x118: {  	[sflag:s26] =	ssyncadd.s32 $0xFFFFF000  }
0x119: {  	_ =	swait.ge [sflag:s26], $0x1000  }
0x11a: {  	(v2sf) =	vpush v57, $0x0;
	_ =	sdelay $0x1  }
0x11b: {  	(v2sf) =	vpush v58, $0x0;
	_ =	sdelay $0xc  }
0x11c: {  	s22 =	spop (v2sf)  }
0x11d: {  	s4 =	sand.u32 $0x7F, s22  }
0x11e: {  	s23 =	spop (v2sf);
	v59 =	vor.u32 s4, v5  }
0x11f: {  	s8 =	sand.u32 $0x7F, s23;
	v60 =	vor.u32 s4, v6  }
0x120: {  	v61 =	vor.u32 s8, v5  }
0x121: {  	[sflag:s26] =	ssyncset.done $0x0;
	v62 =	vor.u32 s8, v6  }
0x122: {  	[sflag:s26] =	ssyncadd.s32 $0xFFFFF000  }
0x123: {  	v32 =	vld.idx.msk [tilespmem:v59+s13+$0x0], $0xffff  }
0x124: {  	v33 =	vld.idx.msk [tilespmem:v60+s13+$0x0], $0xffff  }
0x125: {  	v34 =	vld.idx.msk [tilespmem:v61+s14+$0x0], $0xffff  }
0x126: {  	v35 =	vld.idx.msk [tilespmem:v62+s14+$0x0], $0xffff;
	_ =	sdelay $0x4  }
0x127: {  	v32 =	vmul.f32 v34, v32;
	v33 =	vmul.f32 v35, v33;
	_ =	sdelay $0x1  }
0x128: {  	v32 =	vadd.f32 v33, v32;
	_ =	sdelay $0x1  }
0x129: {  	(xrf2) =	vadd.scan.msk.f32 $0xffff, v32;
	_ =	sdelay $0x7  }
0x12a: {  	s9 =	sadd.s32 $0x2, s5  }
0x12b: {  	s4 =	sand.u32 $0xF, s9  }
0x12c: {  	p1 =	sne.s32 s4, $0xF;
	v32, _, _ =	vpop (xrf2)  }
0x12d: {  	v63 =	vmov s4;
	s4 =	sadd.s32 @!p1 $0x8, s6;
	v32 =	vbroadcast v32, $0xF  }
0x12e: {  	vm2 =	veq.s32 v63, v0;
	s4 =	sand.u32 @!p1 $0x1FC0, s4  }
0x12f: {  	p0 =	seq.s32 s6, $0x7BC;
	s4 =	sshrl.u32 @!p1 s4, $0x2;
	v31 =	vsel vm2, v32, v31  }
0x130: {  	s23 =	sshra.s32 @!p0 s6, $0x2;
	[tilespmem:s4+$0x1E500] =	vst @!p1 v31  }
0x131: {  	v32 =	vld @!p0 [tilespmem:s23+$0x11];
	_ =	sdelay $0x4  }
0x132: {  	(v2sf) =	vpush @!p0 v32, $0x0;
	v32 =	vld @!p0 [tilespmem:s23+$0x291];
	_ =	sdelay $0x4  }
0x133: {  	(v2sf) =	vpush @!p0 v32, $0x0;
	_ =	sdelay $0xa  }
0x134: {  	s4 =	spop @!p0 (v2sf)  }
0x135: {  	s22 =	simm.s32 @!p0 $0x2500;
	s4 =	sand.u32 @!p0 $0xFFFFF80, s4  }
0x136: {  	s8 =	simm.s32 @!p0 $0x400;
	s9 =	sadd.s32 @!p0 s1, s4;
	s4 =	simm.s32 @!p0 $0x7A1400  }
0x137: {  	[tilespmem:s22], [sflag:$0x4] =	stream.strided.gather @!p0 [hbm4b:s9+s8], $0x1000, s4, s8, $0x38;
	[tilespmem:$0x1E700] =	vst v63  }
0x138: {  	s9 =	spop @!p0 (v2sf)  }
0x139: {  	s9 =	sand.u32 @!p0 $0xFFFFF80, s9  }
0x13a: {  	s22 =	simm.s32 @!p0 $0x11500;
	s9 =	sadd.s32 @!p0 s2, s9  }
0x13b: {  	[tilespmem:s22], [sflag:$0x4] =	stream.strided.gather @!p0 [hbm4b:s9+s8], $0x1000, s4, s8, $0x38;
	[tilespmem:$0x1E700] =	vst v63  }
0x13c: {  	v36 =	vld [tilespmem:s7+$0x3]  }
0x13d: {  	v37 =	vld [tilespmem:s7+$0x283];
	_ =	swait.ge [sflag:s28], $0x1000  }
0x13e: {  	[sflag:s28] =	ssyncset.done $0x0  }
0x13f: {  	[sflag:s28] =	ssyncadd.s32 $0xFFFFF000  }
0x140: {  	_ =	swait.ge [sflag:s28], $0x1000  }
0x141: {  	(v2sf) =	vpush v36, $0x0;
	_ =	sdelay $0x1  }
0x142: {  	(v2sf) =	vpush v37, $0x0;
	_ =	sdelay $0xc  }
0x143: {  	s22 =	spop (v2sf)  }
0x144: {  	s9 =	sand.u32 $0x7F, s22  }
0x145: {  	s22 =	spop (v2sf);
	v38 =	vor.u32 s9, v7  }
0x146: {  	s22 =	sand.u32 $0x7F, s22;
	v39 =	vor.u32 s9, v8  }
0x147: {  	v40 =	vor.u32 s22, v7  }
0x148: {  	[sflag:s28] =	ssyncset.done $0x0;
	v41 =	vor.u32 s22, v8  }
0x149: {  	[sflag:s28] =	ssyncadd.s32 $0xFFFFF000  }
0x14a: {  	v32 =	vld.idx.msk [tilespmem:v38+s13+$0x0], $0xffff  }
0x14b: {  	v33 =	vld.idx.msk [tilespmem:v39+s13+$0x0], $0xffff  }
0x14c: {  	v34 =	vld.idx.msk [tilespmem:v40+s14+$0x0], $0xffff  }
0x14d: {  	v35 =	vld.idx.msk [tilespmem:v41+s14+$0x0], $0xffff;
	_ =	sdelay $0x4  }
0x14e: {  	v32 =	vmul.f32 v34, v32;
	v33 =	vmul.f32 v35, v33;
	_ =	sdelay $0x1  }
0x14f: {  	v32 =	vadd.f32 v33, v32;
	_ =	sdelay $0x1  }
0x150: {  	(xrf2) =	vadd.scan.msk.f32 $0xffff, v32;
	_ =	sdelay $0x7  }
0x151: {  	s22 =	sadd.s32 $0x3, s5  }
0x152: {  	s9 =	sand.u32 $0xF, s22  }
0x153: {  	p1 =	sne.s32 s9, $0xF;
	v32, _, _ =	vpop (xrf2)  }
0x154: {  	v42 =	vmov s9;
	s9 =	sadd.s32 @!p1 $0xC, s6;
	v32 =	vbroadcast v32, $0xF  }
0x155: {  	vm2 =	veq.s32 v42, v0;
	s9 =	sand.u32 @!p1 $0x1FC0, s9  }
0x156: {  	s9 =	sshrl.u32 @!p1 s9, $0x2;
	v31 =	vsel vm2, v32, v31  }
0x157: {  	[tilespmem:s9+$0x1E500] =	vst @!p1 v31  }
0x158: {  	v32 =	vld @!p0 [tilespmem:s23+$0x12];
	_ =	sdelay $0x3  }
0x159: {  	v33 =	vld @!p0 [tilespmem:s23+$0x292]  }
0x15a: {  	(v2sf) =	vpush @!p0 v32, $0x0;
	_ =	sdelay $0x3  }
0x15b: {  	(v2sf) =	vpush @!p0 v33, $0x0;
	_ =	sdelay $0xa  }
0x15c: {  	s9 =	spop @!p0 (v2sf)  }
0x15d: {  	s9 =	sand.u32 @!p0 $0xFFFFF80, s9  }
0x15e: {  	s22 =	simm.s32 @!p0 $0x3500;
	s9 =	sadd.s32 @!p0 s1, s9  }
0x15f: {  	[tilespmem:s22], [sflag:$0x5] =	stream.strided.gather @!p0 [hbm4b:s9+s8], $0x1000, s4, s8, $0x38;
	[tilespmem:$0x1E700] =	vst v63  }
0x160: {  	s9 =	spop @!p0 (v2sf)  }
0x161: {  	s9 =	sand.u32 @!p0 $0xFFFFF80, s9  }
0x162: {  	s22 =	simm.s32 @!p0 $0x12500;
	s9 =	sadd.s32 @!p0 s2, s9  }
0x163: {  	[tilespmem:s22], [sflag:$0x5] =	stream.strided.gather @!p0 [hbm4b:s9+s8], $0x1000, s4, s8, $0x38;
	[tilespmem:$0x1E700] =	vst v63  }
0x164: {  	v43 =	vld [tilespmem:s7+$0x4]  }
0x165: {  	v44 =	vld [tilespmem:s7+$0x284];
	_ =	swait.ge [sflag:s29], $0x1000  }
0x166: {  	[sflag:s29] =	ssyncset.done $0x0  }
0x167: {  	[sflag:s29] =	ssyncadd.s32 $0xFFFFF000  }
0x168: {  	_ =	swait.ge [sflag:s29], $0x1000  }
0x169: {  	(v2sf) =	vpush v43, $0x0;
	_ =	sdelay $0x1  }
0x16a: {  	(v2sf) =	vpush v44, $0x0;
	_ =	sdelay $0xc  }
0x16b: {  	s22 =	spop (v2sf)  }
0x16c: {  	s9 =	sand.u32 $0x7F, s22  }
0x16d: {  	s22 =	spop (v2sf);
	v45 =	vor.u32 s9, v9  }
0x16e: {  	s22 =	sand.u32 $0x7F, s22;
	v46 =	vor.u32 s9, v10  }
0x16f: {  	v47 =	vor.u32 s22, v9  }
0x170: {  	[sflag:s29] =	ssyncset.done $0x0;
	v48 =	vor.u32 s22, v10  }
0x171: {  	[sflag:s29] =	ssyncadd.s32 $0xFFFFF000  }
0x172: {  	v32 =	vld.idx.msk [tilespmem:v45+s13+$0x0], $0xffff  }
0x173: {  	v33 =	vld.idx.msk [tilespmem:v46+s13+$0x0], $0xffff  }
0x174: {  	v34 =	vld.idx.msk [tilespmem:v47+s14+$0x0], $0xffff  }
0x175: {  	v35 =	vld.idx.msk [tilespmem:v48+s14+$0x0], $0xffff;
	_ =	sdelay $0x4  }
0x176: {  	v32 =	vmul.f32 v34, v32;
	v33 =	vmul.f32 v35, v33;
	_ =	sdelay $0x1  }
0x177: {  	v32 =	vadd.f32 v33, v32;
	_ =	sdelay $0x1  }
0x178: {  	(xrf2) =	vadd.scan.msk.f32 $0xffff, v32;
	_ =	sdelay $0x7  }
0x179: {  	s22 =	sadd.s32 $0x4, s5  }
0x17a: {  	s9 =	sand.u32 $0xF, s22  }
0x17b: {  	p1 =	sne.s32 s9, $0xF;
	v32, _, _ =	vpop (xrf2)  }
0x17c: {  	v49 =	vmov s9;
	s9 =	sadd.s32 @!p1 $0x10, s6;
	v32 =	vbroadcast v32, $0xF  }
0x17d: {  	vm2 =	veq.s32 v49, v0;
	s9 =	sand.u32 @!p1 $0x1FC0, s9  }
0x17e: {  	s9 =	sshrl.u32 @!p1 s9, $0x2;
	v31 =	vsel vm2, v32, v31  }
0x17f: {  	[tilespmem:s9+$0x1E500] =	vst @!p1 v31  }
0x180: {  	v32 =	vld @!p0 [tilespmem:s23+$0x13];
	_ =	sdelay $0x3  }
0x181: {  	v33 =	vld @!p0 [tilespmem:s23+$0x293]  }
0x182: {  	(v2sf) =	vpush @!p0 v32, $0x0;
	_ =	sdelay $0x3  }
0x183: {  	(v2sf) =	vpush @!p0 v33, $0x0;
	_ =	sdelay $0xa  }
0x184: {  	s9 =	spop @!p0 (v2sf)  }
0x185: {  	s9 =	sand.u32 @!p0 $0xFFFFF80, s9  }
0x186: {  	s22 =	simm.s32 @!p0 $0x4500;
	s9 =	sadd.s32 @!p0 s1, s9  }
0x187: {  	[tilespmem:s22], [sflag:$0x6] =	stream.strided.gather @!p0 [hbm4b:s9+s8], $0x1000, s4, s8, $0x38;
	[tilespmem:$0x1E700] =	vst v63  }
0x188: {  	s9 =	spop @!p0 (v2sf)  }
0x189: {  	s9 =	sand.u32 @!p0 $0xFFFFF80, s9  }
0x18a: {  	s22 =	simm.s32 @!p0 $0x13500;
	s9 =	sadd.s32 @!p0 s2, s9  }
0x18b: {  	[tilespmem:s22], [sflag:$0x6] =	stream.strided.gather @!p0 [hbm4b:s9+s8], $0x1000, s4, s8, $0x38;
	[tilespmem:$0x1E700] =	vst v63  }
0x18c: {  	v50 =	vld [tilespmem:s7+$0x5]  }
0x18d: {  	v51 =	vld [tilespmem:s7+$0x285];
	_ =	swait.ge [sflag:s30], $0x1000  }
0x18e: {  	[sflag:s30] =	ssyncset.done $0x0  }
0x18f: {  	[sflag:s30] =	ssyncadd.s32 $0xFFFFF000  }
0x190: {  	_ =	swait.ge [sflag:s30], $0x1000  }
0x191: {  	(v2sf) =	vpush v50, $0x0;
	_ =	sdelay $0x1  }
0x192: {  	(v2sf) =	vpush v51, $0x0;
	_ =	sdelay $0xc  }
0x193: {  	s22 =	spop (v2sf)  }
0x194: {  	s9 =	sand.u32 $0x7F, s22  }
0x195: {  	s22 =	spop (v2sf);
	v52 =	vor.u32 s9, v11  }
0x196: {  	s22 =	sand.u32 $0x7F, s22;
	v53 =	vor.u32 s9, v12  }
0x197: {  	v54 =	vor.u32 s22, v11  }
0x198: {  	[sflag:s30] =	ssyncset.done $0x0;
	v55 =	vor.u32 s22, v12  }
0x199: {  	[sflag:s30] =	ssyncadd.s32 $0xFFFFF000  }
0x19a: {  	v32 =	vld.idx.msk [tilespmem:v52+s13+$0x0], $0xffff  }
0x19b: {  	v33 =	vld.idx.msk [tilespmem:v53+s13+$0x0], $0xffff  }
0x19c: {  	v34 =	vld.idx.msk [tilespmem:v54+s14+$0x0], $0xffff  }
0x19d: {  	v35 =	vld.idx.msk [tilespmem:v55+s14+$0x0], $0xffff;
	_ =	sdelay $0x4  }
0x19e: {  	v32 =	vmul.f32 v34, v32;
	v33 =	vmul.f32 v35, v33;
	_ =	sdelay $0x1  }
0x19f: {  	v32 =	vadd.f32 v33, v32;
	_ =	sdelay $0x1  }
0x1a0: {  	(xrf2) =	vadd.scan.msk.f32 $0xffff, v32;
	_ =	sdelay $0x7  }
0x1a1: {  	s22 =	sadd.s32 $0x5, s5  }
0x1a2: {  	s9 =	sand.u32 $0xF, s22  }
0x1a3: {  	p1 =	sne.s32 s9, $0xF;
	v32, _, _ =	vpop (xrf2)  }
0x1a4: {  	v56 =	vmov s9;
	s9 =	sadd.s32 @!p1 $0x14, s6;
	v32 =	vbroadcast v32, $0xF  }
0x1a5: {  	vm2 =	veq.s32 v56, v0;
	s9 =	sand.u32 @!p1 $0x1FC0, s9  }
0x1a6: {  	s9 =	sshrl.u32 @!p1 s9, $0x2;
	v31 =	vsel vm2, v32, v31  }
0x1a7: {  	[tilespmem:s9+$0x1E500] =	vst @!p1 v31  }
0x1a8: {  	v32 =	vld @!p0 [tilespmem:s23+$0x14];
	_ =	sdelay $0x3  }
0x1a9: {  	v33 =	vld @!p0 [tilespmem:s23+$0x294]  }
0x1aa: {  	(v2sf) =	vpush @!p0 v32, $0x0;
	_ =	sdelay $0x3  }
0x1ab: {  	(v2sf) =	vpush @!p0 v33, $0x0;
	_ =	sdelay $0xa  }
0x1ac: {  	s9 =	spop @!p0 (v2sf)  }
0x1ad: {  	s9 =	sand.u32 @!p0 $0xFFFFF80, s9  }
0x1ae: {  	s22 =	simm.s32 @!p0 $0x5500;
	s9 =	sadd.s32 @!p0 s1, s9  }
0x1af: {  	[tilespmem:s22], [sflag:$0x7] =	stream.strided.gather @!p0 [hbm4b:s9+s8], $0x1000, s4, s8, $0x38;
	[tilespmem:$0x1E700] =	vst v63  }
0x1b0: {  	s9 =	spop @!p0 (v2sf)  }
0x1b1: {  	s9 =	sand.u32 @!p0 $0xFFFFF80, s9  }
0x1b2: {  	s22 =	simm.s32 @!p0 $0x14500;
	s9 =	sadd.s32 @!p0 s2, s9  }
0x1b3: {  	[tilespmem:s22], [sflag:$0x7] =	stream.strided.gather @!p0 [hbm4b:s9+s8], $0x1000, s4, s8, $0x38;
	[tilespmem:$0x1E700] =	vst v63  }
0x1b4: {  	v57 =	vld [tilespmem:s7+$0x6]  }
0x1b5: {  	v58 =	vld [tilespmem:s7+$0x286];
	_ =	swait.ge [sflag:s31], $0x1000  }
0x1b6: {  	[sflag:s31] =	ssyncset.done $0x0  }
0x1b7: {  	[sflag:s31] =	ssyncadd.s32 $0xFFFFF000  }
0x1b8: {  	_ =	swait.ge [sflag:s31], $0x1000  }
0x1b9: {  	(v2sf) =	vpush v57, $0x0;
	_ =	sdelay $0x1  }
0x1ba: {  	(v2sf) =	vpush v58, $0x0;
	_ =	sdelay $0xc  }
0x1bb: {  	s22 =	spop (v2sf)  }
0x1bc: {  	s9 =	sand.u32 $0x7F, s22  }
0x1bd: {  	s22 =	spop (v2sf);
	v59 =	vor.u32 s9, v13  }
0x1be: {  	s22 =	sand.u32 $0x7F, s22;
	v60 =	vor.u32 s9, v14  }
0x1bf: {  	v61 =	vor.u32 s22, v13  }
0x1c0: {  	[sflag:s31] =	ssyncset.done $0x0;
	v62 =	vor.u32 s22, v14  }
0x1c1: {  	[sflag:s31] =	ssyncadd.s32 $0xFFFFF000  }
0x1c2: {  	v32 =	vld.idx.msk [tilespmem:v59+s13+$0x0], $0xffff  }
0x1c3: {  	v33 =	vld.idx.msk [tilespmem:v60+s13+$0x0], $0xffff  }
0x1c4: {  	v34 =	vld.idx.msk [tilespmem:v61+s14+$0x0], $0xffff  }
0x1c5: {  	v35 =	vld.idx.msk [tilespmem:v62+s14+$0x0], $0xffff;
	_ =	sdelay $0x4  }
0x1c6: {  	v32 =	vmul.f32 v34, v32;
	v33 =	vmul.f32 v35, v33;
	_ =	sdelay $0x1  }
0x1c7: {  	v32 =	vadd.f32 v33, v32;
	_ =	sdelay $0x1  }
0x1c8: {  	(xrf2) =	vadd.scan.msk.f32 $0xffff, v32;
	_ =	sdelay $0x7  }
0x1c9: {  	s22 =	sadd.s32 $0x6, s5  }
0x1ca: {  	s9 =	sand.u32 $0xF, s22  }
0x1cb: {  	p1 =	sne.s32 s9, $0xF;
	v32, _, _ =	vpop (xrf2)  }
0x1cc: {  	v63 =	vmov s9;
	s9 =	sadd.s32 @!p1 $0x18, s6;
	v32 =	vbroadcast v32, $0xF  }
0x1cd: {  	vm2 =	veq.s32 v63, v0;
	s9 =	sand.u32 @!p1 $0x1FC0, s9  }
0x1ce: {  	s9 =	sshrl.u32 @!p1 s9, $0x2;
	v31 =	vsel vm2, v32, v31  }
0x1cf: {  	[tilespmem:s9+$0x1E500] =	vst @!p1 v31  }
0x1d0: {  	v32 =	vld @!p0 [tilespmem:s23+$0x15];
	_ =	sdelay $0x3  }
0x1d1: {  	v33 =	vld @!p0 [tilespmem:s23+$0x295]  }
0x1d2: {  	(v2sf) =	vpush @!p0 v32, $0x0;
	_ =	sdelay $0x3  }
0x1d3: {  	(v2sf) =	vpush @!p0 v33, $0x0;
	_ =	sdelay $0xa  }
0x1d4: {  	s9 =	spop @!p0 (v2sf)  }
0x1d5: {  	s9 =	sand.u32 @!p0 $0xFFFFF80, s9  }
0x1d6: {  	s22 =	simm.s32 @!p0 $0x6500;
	s9 =	sadd.s32 @!p0 s1, s9  }
0x1d7: {  	[tilespmem:s22], [sflag:$0x8] =	stream.strided.gather @!p0 [hbm4b:s9+s8], $0x1000, s4, s8, $0x38;
	[tilespmem:$0x1E700] =	vst v63  }
0x1d8: {  	s9 =	spop @!p0 (v2sf)  }
0x1d9: {  	s9 =	sand.u32 @!p0 $0xFFFFF80, s9  }
0x1da: {  	s22 =	simm.s32 @!p0 $0x15500;
	s9 =	sadd.s32 @!p0 s2, s9  }
0x1db: {  	[tilespmem:s22], [sflag:$0x8] =	stream.strided.gather @!p0 [hbm4b:s9+s8], $0x1000, s4, s8, $0x38;
	[tilespmem:$0x1E700] =	vst v63  }
0x1dc: {  	v36 =	vld [tilespmem:s7+$0x7]  }
0x1dd: {  	v37 =	vld [tilespmem:s7+$0x287];
	_ =	swait.ge [sflag:s0], $0x1000  }
0x1de: {  	[sflag:s0] =	ssyncset.done $0x0  }
0x1df: {  	[sflag:s0] =	ssyncadd.s32 $0xFFFFF000  }
0x1e0: {  	_ =	swait.ge [sflag:s0], $0x1000  }
0x1e1: {  	(v2sf) =	vpush v36, $0x0;
	_ =	sdelay $0x1  }
0x1e2: {  	(v2sf) =	vpush v37, $0x0;
	_ =	sdelay $0xc  }
0x1e3: {  	s22 =	spop (v2sf)  }
0x1e4: {  	s9 =	sand.u32 $0x7F, s22  }
0x1e5: {  	s22 =	spop (v2sf);
	v38 =	vor.u32 s9, v15  }
0x1e6: {  	s22 =	sand.u32 $0x7F, s22;
	v39 =	vor.u32 s9, v16  }
0x1e7: {  	v40 =	vor.u32 s22, v15  }
0x1e8: {  	[sflag:s0] =	ssyncset.done $0x0;
	v41 =	vor.u32 s22, v16  }
0x1e9: {  	[sflag:s0] =	ssyncadd.s32 $0xFFFFF000  }
0x1ea: {  	v32 =	vld.idx.msk [tilespmem:v38+s13+$0x0], $0xffff  }
0x1eb: {  	v33 =	vld.idx.msk [tilespmem:v39+s13+$0x0], $0xffff  }
0x1ec: {  	v34 =	vld.idx.msk [tilespmem:v40+s14+$0x0], $0xffff  }
0x1ed: {  	v35 =	vld.idx.msk [tilespmem:v41+s14+$0x0], $0xffff;
	_ =	sdelay $0x4  }
0x1ee: {  	v32 =	vmul.f32 v34, v32;
	v33 =	vmul.f32 v35, v33;
	_ =	sdelay $0x1  }
0x1ef: {  	v32 =	vadd.f32 v33, v32;
	_ =	sdelay $0x1  }
0x1f0: {  	(xrf2) =	vadd.scan.msk.f32 $0xffff, v32;
	_ =	sdelay $0x7  }
0x1f1: {  	s22 =	sadd.s32 $0x7, s5  }
0x1f2: {  	s9 =	sand.u32 $0xF, s22  }
0x1f3: {  	p1 =	sne.s32 s9, $0xF;
	v32, _, _ =	vpop (xrf2)  }
0x1f4: {  	v42 =	vmov s9;
	s9 =	sadd.s32 @!p1 $0x1C, s6;
	v32 =	vbroadcast v32, $0xF  }
0x1f5: {  	vm2 =	veq.s32 v42, v0;
	s9 =	sand.u32 @!p1 $0x1FC0, s9  }
0x1f6: {  	s9 =	sshrl.u32 @!p1 s9, $0x2;
	v31 =	vsel vm2, v32, v31  }
0x1f7: {  	[tilespmem:s9+$0x1E500] =	vst @!p1 v31  }
0x1f8: {  	v32 =	vld @!p0 [tilespmem:s23+$0x16];
	_ =	sdelay $0x3  }
0x1f9: {  	v33 =	vld @!p0 [tilespmem:s23+$0x296]  }
0x1fa: {  	(v2sf) =	vpush @!p0 v32, $0x0;
	_ =	sdelay $0x3  }
0x1fb: {  	(v2sf) =	vpush @!p0 v33, $0x0;
	_ =	sdelay $0xa  }
0x1fc: {  	s9 =	spop @!p0 (v2sf)  }
0x1fd: {  	s9 =	sand.u32 @!p0 $0xFFFFF80, s9  }
0x1fe: {  	s22 =	simm.s32 @!p0 $0x7500;
	s9 =	sadd.s32 @!p0 s1, s9  }
0x1ff: {  	[tilespmem:s22], [sflag:$0x9] =	stream.strided.gather @!p0 [hbm4b:s9+s8], $0x1000, s4, s8, $0x38;
	[tilespmem:$0x1E700] =	vst v63  }
0x200: {  	s9 =	spop @!p0 (v2sf)  }
0x201: {  	s9 =	sand.u32 @!p0 $0xFFFFF80, s9  }
0x202: {  	s22 =	simm.s32 @!p0 $0x16500;
	s9 =	sadd.s32 @!p0 s2, s9  }
0x203: {  	[tilespmem:s22], [sflag:$0x9] =	stream.strided.gather @!p0 [hbm4b:s9+s8], $0x1000, s4, s8, $0x38;
	[tilespmem:$0x1E700] =	vst v63  }
0x204: {  	v43 =	vld [tilespmem:s7+$0x8]  }
0x205: {  	v44 =	vld [tilespmem:s7+$0x288];
	_ =	swait.ge [sflag:s3], $0x1000  }
0x206: {  	[sflag:s3] =	ssyncset.done $0x0  }
0x207: {  	[sflag:s3] =	ssyncadd.s32 $0xFFFFF000  }
0x208: {  	_ =	swait.ge [sflag:s3], $0x1000  }
0x209: {  	(v2sf) =	vpush v43, $0x0;
	_ =	sdelay $0x1  }
0x20a: {  	(v2sf) =	vpush v44, $0x0;
	_ =	sdelay $0xc  }
0x20b: {  	s22 =	spop (v2sf)  }
0x20c: {  	s9 =	sand.u32 $0x7F, s22  }
0x20d: {  	s22 =	spop (v2sf);
	v45 =	vor.u32 s9, v17  }
0x20e: {  	s22 =	sand.u32 $0x7F, s22;
	v46 =	vor.u32 s9, v18  }
0x20f: {  	v47 =	vor.u32 s22, v17  }
0x210: {  	[sflag:s3] =	ssyncset.done $0x0;
	v48 =	vor.u32 s22, v18  }
0x211: {  	[sflag:s3] =	ssyncadd.s32 $0xFFFFF000  }
0x212: {  	v32 =	vld.idx.msk [tilespmem:v45+s13+$0x0], $0xffff  }
0x213: {  	v33 =	vld.idx.msk [tilespmem:v46+s13+$0x0], $0xffff  }
0x214: {  	v34 =	vld.idx.msk [tilespmem:v47+s14+$0x0], $0xffff  }
0x215: {  	v35 =	vld.idx.msk [tilespmem:v48+s14+$0x0], $0xffff;
	_ =	sdelay $0x4  }
0x216: {  	v32 =	vmul.f32 v34, v32;
	v33 =	vmul.f32 v35, v33;
	_ =	sdelay $0x1  }
0x217: {  	v32 =	vadd.f32 v33, v32;
	_ =	sdelay $0x1  }
0x218: {  	(xrf2) =	vadd.scan.msk.f32 $0xffff, v32;
	_ =	sdelay $0x7  }
0x219: {  	s22 =	sadd.s32 $0x8, s5  }
0x21a: {  	s9 =	sand.u32 $0xF, s22  }
0x21b: {  	p1 =	sne.s32 s9, $0xF;
	v32, _, _ =	vpop (xrf2)  }
0x21c: {  	v49 =	vmov s9;
	s9 =	sadd.s32 @!p1 $0x20, s6;
	v32 =	vbroadcast v32, $0xF  }
0x21d: {  	vm2 =	veq.s32 v49, v0;
	s9 =	sand.u32 @!p1 $0x1FC0, s9  }
0x21e: {  	s9 =	sshrl.u32 @!p1 s9, $0x2;
	v31 =	vsel vm2, v32, v31  }
0x21f: {  	[tilespmem:s9+$0x1E500] =	vst @!p1 v31  }
0x220: {  	v32 =	vld @!p0 [tilespmem:s23+$0x17];
	_ =	sdelay $0x3  }
0x221: {  	v33 =	vld @!p0 [tilespmem:s23+$0x297]  }
0x222: {  	(v2sf) =	vpush @!p0 v32, $0x0;
	_ =	sdelay $0x3  }
0x223: {  	(v2sf) =	vpush @!p0 v33, $0x0;
	_ =	sdelay $0xa  }
0x224: {  	s9 =	spop @!p0 (v2sf)  }
0x225: {  	s9 =	sand.u32 @!p0 $0xFFFFF80, s9  }
0x226: {  	s22 =	simm.s32 @!p0 $0x8500;
	s9 =	sadd.s32 @!p0 s1, s9  }
0x227: {  	[tilespmem:s22], [sflag:$0xA] =	stream.strided.gather @!p0 [hbm4b:s9+s8], $0x1000, s4, s8, $0x38;
	[tilespmem:$0x1E700] =	vst v63  }
0x228: {  	s9 =	spop @!p0 (v2sf)  }
0x229: {  	s9 =	sand.u32 @!p0 $0xFFFFF80, s9  }
0x22a: {  	s22 =	simm.s32 @!p0 $0x17500;
	s9 =	sadd.s32 @!p0 s2, s9  }
0x22b: {  	[tilespmem:s22], [sflag:$0xA] =	stream.strided.gather @!p0 [hbm4b:s9+s8], $0x1000, s4, s8, $0x38;
	[tilespmem:$0x1E700] =	vst v63  }
0x22c: {  	v50 =	vld [tilespmem:s7+$0x9]  }
0x22d: {  	v51 =	vld [tilespmem:s7+$0x289];
	_ =	swait.ge [sflag:s10], $0x1000  }
0x22e: {  	[sflag:s10] =	ssyncset.done $0x0  }
0x22f: {  	[sflag:s10] =	ssyncadd.s32 $0xFFFFF000  }
0x230: {  	_ =	swait.ge [sflag:s10], $0x1000  }
0x231: {  	(v2sf) =	vpush v50, $0x0;
	_ =	sdelay $0x1  }
0x232: {  	(v2sf) =	vpush v51, $0x0;
	_ =	sdelay $0xc  }
0x233: {  	s22 =	spop (v2sf)  }
0x234: {  	s9 =	sand.u32 $0x7F, s22  }
0x235: {  	s22 =	spop (v2sf);
	v52 =	vor.u32 s9, v19  }
0x236: {  	s22 =	sand.u32 $0x7F, s22;
	v53 =	vor.u32 s9, v20  }
0x237: {  	v54 =	vor.u32 s22, v19  }
0x238: {  	[sflag:s10] =	ssyncset.done $0x0;
	v55 =	vor.u32 s22, v20  }
0x239: {  	[sflag:s10] =	ssyncadd.s32 $0xFFFFF000  }
0x23a: {  	v32 =	vld.idx.msk [tilespmem:v52+s13+$0x0], $0xffff  }
0x23b: {  	v33 =	vld.idx.msk [tilespmem:v53+s13+$0x0], $0xffff  }
0x23c: {  	v34 =	vld.idx.msk [tilespmem:v54+s14+$0x0], $0xffff  }
0x23d: {  	v35 =	vld.idx.msk [tilespmem:v55+s14+$0x0], $0xffff;
	_ =	sdelay $0x4  }
0x23e: {  	v32 =	vmul.f32 v34, v32;
	v33 =	vmul.f32 v35, v33;
	_ =	sdelay $0x1  }
0x23f: {  	v32 =	vadd.f32 v33, v32;
	_ =	sdelay $0x1  }
0x240: {  	(xrf2) =	vadd.scan.msk.f32 $0xffff, v32;
	_ =	sdelay $0x7  }
0x241: {  	s22 =	sadd.s32 $0x9, s5  }
0x242: {  	s9 =	sand.u32 $0xF, s22  }
0x243: {  	p1 =	sne.s32 s9, $0xF;
	v32, _, _ =	vpop (xrf2)  }
0x244: {  	v56 =	vmov s9;
	s9 =	sadd.s32 @!p1 $0x24, s6;
	v32 =	vbroadcast v32, $0xF  }
0x245: {  	vm2 =	veq.s32 v56, v0;
	s9 =	sand.u32 @!p1 $0x1FC0, s9  }
0x246: {  	s9 =	sshrl.u32 @!p1 s9, $0x2;
	v31 =	vsel vm2, v32, v31  }
0x247: {  	[tilespmem:s9+$0x1E500] =	vst @!p1 v31  }
0x248: {  	v32 =	vld @!p0 [tilespmem:s23+$0x18];
	_ =	sdelay $0x3  }
0x249: {  	v33 =	vld @!p0 [tilespmem:s23+$0x298]  }
0x24a: {  	(v2sf) =	vpush @!p0 v32, $0x0;
	_ =	sdelay $0x3  }
0x24b: {  	(v2sf) =	vpush @!p0 v33, $0x0;
	_ =	sdelay $0xa  }
0x24c: {  	s9 =	spop @!p0 (v2sf)  }
0x24d: {  	s9 =	sand.u32 @!p0 $0xFFFFF80, s9  }
0x24e: {  	s22 =	simm.s32 @!p0 $0x9500;
	s9 =	sadd.s32 @!p0 s1, s9  }
0x24f: {  	[tilespmem:s22], [sflag:$0xB] =	stream.strided.gather @!p0 [hbm4b:s9+s8], $0x1000, s4, s8, $0x38;
	[tilespmem:$0x1E700] =	vst v63  }
0x250: {  	s9 =	spop @!p0 (v2sf)  }
0x251: {  	s9 =	sand.u32 @!p0 $0xFFFFF80, s9  }
0x252: {  	s22 =	simm.s32 @!p0 $0x18500;
	s9 =	sadd.s32 @!p0 s2, s9  }
0x253: {  	[tilespmem:s22], [sflag:$0xB] =	stream.strided.gather @!p0 [hbm4b:s9+s8], $0x1000, s4, s8, $0x38;
	[tilespmem:$0x1E700] =	vst v63  }
0x254: {  	v57 =	vld [tilespmem:s7+$0xA]  }
0x255: {  	v58 =	vld [tilespmem:s7+$0x28A];
	_ =	swait.ge [sflag:s17], $0x1000  }
0x256: {  	[sflag:s17] =	ssyncset.done $0x0  }
0x257: {  	[sflag:s17] =	ssyncadd.s32 $0xFFFFF000  }
0x258: {  	_ =	swait.ge [sflag:s17], $0x1000  }
0x259: {  	(v2sf) =	vpush v57, $0x0;
	_ =	sdelay $0x1  }
0x25a: {  	(v2sf) =	vpush v58, $0x0;
	_ =	sdelay $0xc  }
0x25b: {  	s22 =	spop (v2sf)  }
0x25c: {  	s9 =	sand.u32 $0x7F, s22  }
0x25d: {  	s22 =	spop (v2sf);
	v59 =	vor.u32 s9, v21  }
0x25e: {  	s22 =	sand.u32 $0x7F, s22;
	v60 =	vor.u32 s9, v22  }
0x25f: {  	v61 =	vor.u32 s22, v21  }
0x260: {  	[sflag:s17] =	ssyncset.done $0x0;
	v62 =	vor.u32 s22, v22  }
0x261: {  	[sflag:s17] =	ssyncadd.s32 $0xFFFFF000  }
0x262: {  	v32 =	vld.idx.msk [tilespmem:v59+s13+$0x0], $0xffff  }
0x263: {  	v33 =	vld.idx.msk [tilespmem:v60+s13+$0x0], $0xffff  }
0x264: {  	v34 =	vld.idx.msk [tilespmem:v61+s14+$0x0], $0xffff  }
0x265: {  	v35 =	vld.idx.msk [tilespmem:v62+s14+$0x0], $0xffff;
	_ =	sdelay $0x4  }
0x266: {  	v32 =	vmul.f32 v34, v32;
	v33 =	vmul.f32 v35, v33;
	_ =	sdelay $0x1  }
0x267: {  	v32 =	vadd.f32 v33, v32;
	_ =	sdelay $0x1  }
0x268: {  	(xrf2) =	vadd.scan.msk.f32 $0xffff, v32;
	_ =	sdelay $0x7  }
0x269: {  	s22 =	sadd.s32 $0xA, s5  }
0x26a: {  	s9 =	sand.u32 $0xF, s22  }
0x26b: {  	p1 =	sne.s32 s9, $0xF;
	v32, _, _ =	vpop (xrf2)  }
0x26c: {  	v63 =	vmov s9;
	s9 =	sadd.s32 @!p1 $0x28, s6;
	v32 =	vbroadcast v32, $0xF  }
0x26d: {  	vm2 =	veq.s32 v63, v0;
	s9 =	sand.u32 @!p1 $0x1FC0, s9  }
0x26e: {  	s9 =	sshrl.u32 @!p1 s9, $0x2;
	v31 =	vsel vm2, v32, v31  }
0x26f: {  	[tilespmem:s9+$0x1E500] =	vst @!p1 v31  }
0x270: {  	v32 =	vld @!p0 [tilespmem:s23+$0x19];
	_ =	sdelay $0x3  }
0x271: {  	v33 =	vld @!p0 [tilespmem:s23+$0x299]  }
0x272: {  	(v2sf) =	vpush @!p0 v32, $0x0;
	_ =	sdelay $0x3  }
0x273: {  	(v2sf) =	vpush @!p0 v33, $0x0;
	_ =	sdelay $0xa  }
0x274: {  	s9 =	spop @!p0 (v2sf)  }
0x275: {  	s9 =	sand.u32 @!p0 $0xFFFFF80, s9  }
0x276: {  	s22 =	simm.s32 @!p0 $0xA500;
	s9 =	sadd.s32 @!p0 s1, s9  }
0x277: {  	[tilespmem:s22], [sflag:$0xC] =	stream.strided.gather @!p0 [hbm4b:s9+s8], $0x1000, s4, s8, $0x38;
	[tilespmem:$0x1E700] =	vst v63  }
0x278: {  	s9 =	spop @!p0 (v2sf)  }
0x279: {  	s9 =	sand.u32 @!p0 $0xFFFFF80, s9  }
0x27a: {  	s22 =	simm.s32 @!p0 $0x19500;
	s9 =	sadd.s32 @!p0 s2, s9  }
0x27b: {  	[tilespmem:s22], [sflag:$0xC] =	stream.strided.gather @!p0 [hbm4b:s9+s8], $0x1000, s4, s8, $0x38;
	[tilespmem:$0x1E700] =	vst v63  }
0x27c: {  	v36 =	vld [tilespmem:s7+$0xB]  }
0x27d: {  	v37 =	vld [tilespmem:s7+$0x28B];
	_ =	swait.ge [sflag:s18], $0x1000  }
0x27e: {  	[sflag:s18] =	ssyncset.done $0x0  }
0x27f: {  	[sflag:s18] =	ssyncadd.s32 $0xFFFFF000  }
0x280: {  	_ =	swait.ge [sflag:s18], $0x1000  }
0x281: {  	(v2sf) =	vpush v36, $0x0;
	_ =	sdelay $0x1  }
0x282: {  	(v2sf) =	vpush v37, $0x0;
	_ =	sdelay $0xc  }
0x283: {  	s22 =	spop (v2sf)  }
0x284: {  	s9 =	sand.u32 $0x7F, s22  }
0x285: {  	s22 =	spop (v2sf);
	v38 =	vor.u32 s9, v23  }
0x286: {  	s22 =	sand.u32 $0x7F, s22;
	v39 =	vor.u32 s9, v24  }
0x287: {  	v40 =	vor.u32 s22, v23  }
0x288: {  	[sflag:s18] =	ssyncset.done $0x0;
	v41 =	vor.u32 s22, v24  }
0x289: {  	[sflag:s18] =	ssyncadd.s32 $0xFFFFF000  }
0x28a: {  	v32 =	vld.idx.msk [tilespmem:v38+s13+$0x0], $0xffff  }
0x28b: {  	v33 =	vld.idx.msk [tilespmem:v39+s13+$0x0], $0xffff  }
0x28c: {  	v34 =	vld.idx.msk [tilespmem:v40+s14+$0x0], $0xffff  }
0x28d: {  	v35 =	vld.idx.msk [tilespmem:v41+s14+$0x0], $0xffff;
	_ =	sdelay $0x4  }
0x28e: {  	v32 =	vmul.f32 v34, v32;
	v33 =	vmul.f32 v35, v33;
	_ =	sdelay $0x1  }
0x28f: {  	v32 =	vadd.f32 v33, v32;
	_ =	sdelay $0x1  }
0x290: {  	(xrf2) =	vadd.scan.msk.f32 $0xffff, v32;
	_ =	sdelay $0x7  }
0x291: {  	s22 =	sadd.s32 $0xB, s5  }
0x292: {  	s9 =	sand.u32 $0xF, s22  }
0x293: {  	p1 =	sne.s32 s9, $0xF;
	v32, _, _ =	vpop (xrf2)  }
0x294: {  	v42 =	vmov s9;
	s9 =	sadd.s32 @!p1 $0x2C, s6;
	v32 =	vbroadcast v32, $0xF  }
0x295: {  	vm2 =	veq.s32 v42, v0;
	s9 =	sand.u32 @!p1 $0x1FC0, s9  }
0x296: {  	s9 =	sshrl.u32 @!p1 s9, $0x2;
	v31 =	vsel vm2, v32, v31  }
0x297: {  	[tilespmem:s9+$0x1E500] =	vst @!p1 v31  }
0x298: {  	v32 =	vld @!p0 [tilespmem:s23+$0x1A];
	_ =	sdelay $0x3  }
0x299: {  	v33 =	vld @!p0 [tilespmem:s23+$0x29A]  }
0x29a: {  	(v2sf) =	vpush @!p0 v32, $0x0;
	_ =	sdelay $0x3  }
0x29b: {  	(v2sf) =	vpush @!p0 v33, $0x0;
	_ =	sdelay $0xa  }
0x29c: {  	s9 =	spop @!p0 (v2sf)  }
0x29d: {  	s9 =	sand.u32 @!p0 $0xFFFFF80, s9  }
0x29e: {  	s22 =	simm.s32 @!p0 $0xB500;
	s9 =	sadd.s32 @!p0 s1, s9  }
0x29f: {  	[tilespmem:s22], [sflag:$0xD] =	stream.strided.gather @!p0 [hbm4b:s9+s8], $0x1000, s4, s8, $0x38;
	[tilespmem:$0x1E700] =	vst v63  }
0x2a0: {  	s9 =	spop @!p0 (v2sf)  }
0x2a1: {  	s9 =	sand.u32 @!p0 $0xFFFFF80, s9  }
0x2a2: {  	s22 =	simm.s32 @!p0 $0x1A500;
	s9 =	sadd.s32 @!p0 s2, s9  }
0x2a3: {  	[tilespmem:s22], [sflag:$0xD] =	stream.strided.gather @!p0 [hbm4b:s9+s8], $0x1000, s4, s8, $0x38;
	[tilespmem:$0x1E700] =	vst v63  }
0x2a4: {  	v43 =	vld [tilespmem:s7+$0xC]  }
0x2a5: {  	v44 =	vld [tilespmem:s7+$0x28C];
	_ =	swait.ge [sflag:s19], $0x1000  }
0x2a6: {  	[sflag:s19] =	ssyncset.done $0x0  }
0x2a7: {  	[sflag:s19] =	ssyncadd.s32 $0xFFFFF000  }
0x2a8: {  	_ =	swait.ge [sflag:s19], $0x1000  }
0x2a9: {  	(v2sf) =	vpush v43, $0x0;
	_ =	sdelay $0x1  }
0x2aa: {  	(v2sf) =	vpush v44, $0x0;
	_ =	sdelay $0xc  }
0x2ab: {  	s22 =	spop (v2sf)  }
0x2ac: {  	s9 =	sand.u32 $0x7F, s22  }
0x2ad: {  	s22 =	spop (v2sf);
	v45 =	vor.u32 s9, v25  }
0x2ae: {  	s22 =	sand.u32 $0x7F, s22;
	v46 =	vor.u32 s9, v26  }
0x2af: {  	v47 =	vor.u32 s22, v25  }
0x2b0: {  	[sflag:s19] =	ssyncset.done $0x0;
	v48 =	vor.u32 s22, v26  }
0x2b1: {  	[sflag:s19] =	ssyncadd.s32 $0xFFFFF000  }
0x2b2: {  	v32 =	vld.idx.msk [tilespmem:v45+s13+$0x0], $0xffff  }
0x2b3: {  	v33 =	vld.idx.msk [tilespmem:v46+s13+$0x0], $0xffff  }
0x2b4: {  	v34 =	vld.idx.msk [tilespmem:v47+s14+$0x0], $0xffff  }
0x2b5: {  	v35 =	vld.idx.msk [tilespmem:v48+s14+$0x0], $0xffff;
	_ =	sdelay $0x4  }
0x2b6: {  	v32 =	vmul.f32 v34, v32;
	v33 =	vmul.f32 v35, v33;
	_ =	sdelay $0x1  }
0x2b7: {  	v32 =	vadd.f32 v33, v32;
	_ =	sdelay $0x1  }
0x2b8: {  	(xrf2) =	vadd.scan.msk.f32 $0xffff, v32;
	_ =	sdelay $0x7  }
0x2b9: {  	s22 =	sadd.s32 $0xC, s5  }
0x2ba: {  	s9 =	sand.u32 $0xF, s22  }
0x2bb: {  	p1 =	sne.s32 s9, $0xF;
	v32, _, _ =	vpop (xrf2)  }
0x2bc: {  	v49 =	vmov s9;
	s9 =	sadd.s32 @!p1 $0x30, s6;
	v32 =	vbroadcast v32, $0xF  }
0x2bd: {  	vm2 =	veq.s32 v49, v0;
	s9 =	sand.u32 @!p1 $0x1FC0, s9  }
0x2be: {  	s9 =	sshrl.u32 @!p1 s9, $0x2;
	v31 =	vsel vm2, v32, v31  }
0x2bf: {  	[tilespmem:s9+$0x1E500] =	vst @!p1 v31  }
0x2c0: {  	v32 =	vld @!p0 [tilespmem:s23+$0x1B];
	_ =	sdelay $0x3  }
0x2c1: {  	v33 =	vld @!p0 [tilespmem:s23+$0x29B]  }
0x2c2: {  	(v2sf) =	vpush @!p0 v32, $0x0;
	_ =	sdelay $0x3  }
0x2c3: {  	(v2sf) =	vpush @!p0 v33, $0x0;
	_ =	sdelay $0xa  }
0x2c4: {  	s9 =	spop @!p0 (v2sf)  }
0x2c5: {  	s9 =	sand.u32 @!p0 $0xFFFFF80, s9  }
0x2c6: {  	s22 =	simm.s32 @!p0 $0xC500;
	s9 =	sadd.s32 @!p0 s1, s9  }
0x2c7: {  	[tilespmem:s22], [sflag:$0xE] =	stream.strided.gather @!p0 [hbm4b:s9+s8], $0x1000, s4, s8, $0x38;
	[tilespmem:$0x1E700] =	vst v63  }
0x2c8: {  	s9 =	spop @!p0 (v2sf)  }
0x2c9: {  	s9 =	sand.u32 @!p0 $0xFFFFF80, s9  }
0x2ca: {  	s22 =	simm.s32 @!p0 $0x1B500;
	s9 =	sadd.s32 @!p0 s2, s9  }
0x2cb: {  	[tilespmem:s22], [sflag:$0xE] =	stream.strided.gather @!p0 [hbm4b:s9+s8], $0x1000, s4, s8, $0x38;
	[tilespmem:$0x1E700] =	vst v63  }
0x2cc: {  	v50 =	vld [tilespmem:s7+$0xD]  }
0x2cd: {  	v51 =	vld [tilespmem:s7+$0x28D];
	_ =	swait.ge [sflag:s20], $0x1000  }
0x2ce: {  	[sflag:s20] =	ssyncset.done $0x0  }
0x2cf: {  	[sflag:s20] =	ssyncadd.s32 $0xFFFFF000  }
0x2d0: {  	_ =	swait.ge [sflag:s20], $0x1000  }
0x2d1: {  	(v2sf) =	vpush v50, $0x0;
	_ =	sdelay $0x1  }
0x2d2: {  	(v2sf) =	vpush v51, $0x0;
	_ =	sdelay $0xc  }
0x2d3: {  	s22 =	spop (v2sf)  }
0x2d4: {  	s9 =	sand.u32 $0x7F, s22  }
0x2d5: {  	s22 =	spop (v2sf);
	v52 =	vor.u32 s9, v27  }
0x2d6: {  	v53 =	vor.u32 s9, v28;
	s22 =	sand.u32 $0x7F, s22  }
0x2d7: {  	v54 =	vor.u32 s22, v27  }
0x2d8: {  	[sflag:s20] =	ssyncset.done $0x0;
	v55 =	vor.u32 s22, v28  }
0x2d9: {  	[sflag:s20] =	ssyncadd.s32 $0xFFFFF000  }
0x2da: {  	v32 =	vld.idx.msk [tilespmem:v52+s13+$0x0], $0xffff  }
0x2db: {  	v33 =	vld.idx.msk [tilespmem:v53+s13+$0x0], $0xffff  }
0x2dc: {  	v34 =	vld.idx.msk [tilespmem:v54+s14+$0x0], $0xffff  }
0x2dd: {  	v35 =	vld.idx.msk [tilespmem:v55+s14+$0x0], $0xffff;
	_ =	sdelay $0x4  }
0x2de: {  	v32 =	vmul.f32 v34, v32;
	v33 =	vmul.f32 v35, v33;
	_ =	sdelay $0x1  }
0x2df: {  	v32 =	vadd.f32 v33, v32;
	_ =	sdelay $0x1  }
0x2e0: {  	(xrf2) =	vadd.scan.msk.f32 $0xffff, v32;
	_ =	sdelay $0x7  }
0x2e1: {  	s22 =	sadd.s32 $0xD, s5  }
0x2e2: {  	s9 =	sand.u32 $0xF, s22  }
0x2e3: {  	p1 =	sne.s32 s9, $0xF;
	v32, _, _ =	vpop (xrf2)  }
0x2e4: {  	v56 =	vmov s9;
	s9 =	sadd.s32 @!p1 $0x34, s6;
	v32 =	vbroadcast v32, $0xF  }
0x2e5: {  	vm2 =	veq.s32 v56, v0;
	s9 =	sand.u32 @!p1 $0x1FC0, s9  }
0x2e6: {  	s9 =	sshrl.u32 @!p1 s9, $0x2;
	v31 =	vsel vm2, v32, v31  }
0x2e7: {  	[tilespmem:s9+$0x1E500] =	vst @!p1 v31  }
0x2e8: {  	v32 =	vld @!p0 [tilespmem:s23+$0x1C];
	_ =	sdelay $0x3  }
0x2e9: {  	v33 =	vld @!p0 [tilespmem:s23+$0x29C]  }
0x2ea: {  	(v2sf) =	vpush @!p0 v32, $0x0;
	_ =	sdelay $0x3  }
0x2eb: {  	(v2sf) =	vpush @!p0 v33, $0x0;
	_ =	sdelay $0xa  }
0x2ec: {  	s9 =	spop @!p0 (v2sf)  }
0x2ed: {  	s9 =	sand.u32 @!p0 $0xFFFFF80, s9  }
0x2ee: {  	s22 =	simm.s32 @!p0 $0xD500;
	s9 =	sadd.s32 @!p0 s1, s9  }
0x2ef: {  	[tilespmem:s22], [sflag:$0xF] =	stream.strided.gather @!p0 [hbm4b:s9+s8], $0x1000, s4, s8, $0x38;
	[tilespmem:$0x1E700] =	vst v63  }
0x2f0: {  	s9 =	spop @!p0 (v2sf)  }
0x2f1: {  	s9 =	sand.u32 @!p0 $0xFFFFF80, s9  }
0x2f2: {  	s22 =	simm.s32 @!p0 $0x1C500;
	s9 =	sadd.s32 @!p0 s2, s9  }
0x2f3: {  	[tilespmem:s22], [sflag:$0xF] =	stream.strided.gather @!p0 [hbm4b:s9+s8], $0x1000, s4, s8, $0x38;
	[tilespmem:$0x1E700] =	vst v63  }
0x2f4: {  	v57 =	vld [tilespmem:s7+$0xE]  }
0x2f5: {  	v58 =	vld [tilespmem:s7+$0x28E];
	_ =	swait.ge [sflag:s21], $0x1000  }
0x2f6: {  	[sflag:s21] =	ssyncset.done $0x0  }
0x2f7: {  	[sflag:s21] =	ssyncadd.s32 $0xFFFFF000  }
0x2f8: {  	_ =	swait.ge [sflag:s21], $0x1000  }
0x2f9: {  	(v2sf) =	vpush v57, $0x0;
	_ =	sdelay $0x1  }
0x2fa: {  	(v2sf) =	vpush v58, $0x0;
	_ =	sdelay $0xc  }
0x2fb: {  	s8 =	spop (v2sf)  }
0x2fc: {  	s4 =	sand.u32 $0x7F, s8  }
0x2fd: {  	s9 =	spop (v2sf);
	v59 =	vor.u32 s4, v29  }
0x2fe: {  	v60 =	vor.u32 s4, v30;
	s22 =	sand.u32 $0x7F, s9  }
0x2ff: {  	v61 =	vor.u32 s22, v29  }
0x300: {  	[sflag:s21] =	ssyncset.done $0x0;
	v62 =	vor.u32 s22, v30  }
0x301: {  	[sflag:s21] =	ssyncadd.s32 $0xFFFFF000  }
0x302: {  	v32 =	vld.idx.msk [tilespmem:v59+s13+$0x0], $0xffff  }
0x303: {  	v33 =	vld.idx.msk [tilespmem:v60+s13+$0x0], $0xffff  }
0x304: {  	v34 =	vld.idx.msk [tilespmem:v61+s14+$0x0], $0xffff  }
0x305: {  	v35 =	vld.idx.msk [tilespmem:v62+s14+$0x0], $0xffff;
	_ =	sdelay $0x4  }
0x306: {  	v32 =	vmul.f32 v34, v32;
	v33 =	vmul.f32 v35, v33;
	_ =	sdelay $0x1  }
0x307: {  	v32 =	vadd.f32 v33, v32;
	_ =	sdelay $0x1  }
0x308: {  	(xrf2) =	vadd.scan.msk.f32 $0xffff, v32;
	_ =	sdelay $0x4  }
0x309: {  	s23 =	sadd.s32 $0xE, s5  }
0x30a: {  	s4 =	sand.u32 $0xF, s23  }
0x30b: {  	p0 =	sne.s32 s4, $0xF  }
0x30c: {  	v63 =	vmov s4;
	s4 =	sadd.s32 @!p0 $0x38, s6;
	s6 =	sadd.s32 $0x3C, s6  }
0x30d: {  	p1 =	sne.s32 s6, $0x7F8  }
.Ltmp0:
0x30e: {  	v32, _, _ =	vpop (xrf2);
	(pc) =	sbr.rel @p1 .LBB2_2-.Ltmp0, $4  }
0x30f: {  	v32 =	vbroadcast v32, $0xF  }
0x310: {  	vm2 =	veq.s32 v63, v0;
	s4 =	sand.u32 @!p0 $0x1FC0, s4  }
0x311: {  	s4 =	sshrl.u32 @!p0 s4, $0x2;
	v31 =	vsel vm2, v32, v31  }
0x312: {  	s5 =	sadd.s32 $0xF, s5;
	[tilespmem:s4+$0x1E500] =	vst @!p0 v31  }
0x313: {  	v32 =	vld [tilespmem:$0x1FE]  }
0x314: {  	v33 =	vld [tilespmem:$0x47E];
	_ =	swait.ge [sflag:s24], $0x1000  }
0x315: {  	[sflag:s24] =	ssyncset.done $0x0  }
0x316: {  	[sflag:s24] =	ssyncadd.s32 $0xFFFFF000  }
0x317: {  	_ =	swait.ge [sflag:s24], $0x1000  }
0x318: {  	(v2sf) =	vpush v32, $0x0;
	_ =	sdelay $0x1  }
0x319: {  	(v2sf) =	vpush v33, $0x0;
	_ =	sdelay $0xc  }
0x31a: {  	s4 =	spop (v2sf)  }
0x31b: {  	s4 =	sand.u32 $0x7F, s4  }
0x31c: {  	s5 =	spop (v2sf);
	v54 =	vor.u32 s4, v1  }
0x31d: {  	s5 =	sand.u32 $0x7F, s5;
	v55 =	vor.u32 s4, v2  }
0x31e: {  	v34 =	vor.u32 s5, v1  }
0x31f: {  	[sflag:s24] =	ssyncset.done $0x0;
	v35 =	vor.u32 s5, v2  }
0x320: {  	[sflag:s24] =	ssyncadd.s32 $0xFFFFF000  }
0x321: {  	v32 =	vld.idx.msk [tilespmem:v54+s13+$0x0], $0xffff  }
0x322: {  	v33 =	vld.idx.msk [tilespmem:v55+s13+$0x0], $0xffff  }
0x323: {  	v34 =	vld.idx.msk [tilespmem:v34+s14+$0x0], $0xffff  }
0x324: {  	v35 =	vld.idx.msk [tilespmem:v35+s14+$0x0], $0xffff;
	_ =	sdelay $0x4  }
0x325: {  	v32 =	vmul.f32 v34, v32;
	v33 =	vmul.f32 v35, v33;
	_ =	sdelay $0x1  }
0x326: {  	v32 =	vadd.f32 v33, v32;
	_ =	sdelay $0x1  }
0x327: {  	(xrf2) =	vadd.scan.msk.f32 $0xffff, v32;
	_ =	sdelay $0x9  }
0x328: {  	v56 =	vld [tilespmem:$0x1FF];
	v57, _, _ =	vpop (xrf2)  }
0x329: {  	v58 =	vld [tilespmem:$0x47F];
	_ =	swait.ge [sflag:s25], $0x1000  }
0x32a: {  	[sflag:s25] =	ssyncset.done $0x0  }
0x32b: {  	[sflag:s25] =	ssyncadd.s32 $0xFFFFF000  }
0x32c: {  	_ =	swait.ge [sflag:s25], $0x1000  }
0x32d: {  	(v2sf) =	vpush v56, $0x0;
	_ =	sdelay $0x1  }
0x32e: {  	(v2sf) =	vpush v58, $0x0;
	_ =	sdelay $0xc  }
0x32f: {  	s5 =	spop (v2sf)  }
0x330: {  	s4 =	sand.u32 $0x7F, s5  }
0x331: {  	s6 =	spop (v2sf);
	v59 =	vor.u32 s4, v3  }
0x332: {  	s5 =	sand.u32 $0x7F, s6;
	v60 =	vor.u32 s4, v4  }
0x333: {  	v61 =	vor.u32 s5, v3  }
0x334: {  	[sflag:s25] =	ssyncset.done $0x0;
	v36 =	vor.u32 s5, v4  }
0x335: {  	[sflag:s25] =	ssyncadd.s32 $0xFFFFF000  }
0x336: {  	v32 =	vld.idx.msk [tilespmem:v59+s13+$0x0], $0xffff  }
0x337: {  	v34 =	vld.idx.msk [tilespmem:v60+s13+$0x0], $0xffff  }
0x338: {  	v35 =	vld.idx.msk [tilespmem:v61+s14+$0x0], $0xffff  }
0x339: {  	v36 =	vld.idx.msk [tilespmem:v36+s14+$0x0], $0xffff;
	_ =	sdelay $0x4  }
0x33a: {  	v32 =	vmul.f32 v35, v32;
	v34 =	vmul.f32 v36, v34;
	_ =	sdelay $0x1  }
0x33b: {  	v32 =	vadd.f32 v34, v32;
	_ =	sdelay $0x1  }
0x33c: {  	(xrf2) =	vadd.scan.msk.f32 $0xffff, v32;
	_ =	sdelay $0x7  }
0x33d: {  	v62 =	vbroadcast v57, $0xF;
	_ =	sdelay $0x1  }
0x33e: {  	v31 =	vsel vm0, v62, v31;
	v63, _, _ =	vpop (xrf2)  }
0x33f: {  	s9 =	simm.s32 $0x0;
	v31 =	vsel vm1, v31, v63  }
0x340: {  	s8 =	simm.s32 $0x1E500;
	s22 =	simm.s32 $0x11;
	s7 =	rddreg [dreg:$0xa];
	[tilespmem:$0x1E6F0] =	vst v31  }
0x341: {  	[hbm4b:s7+s9] =	stream.linear.scatter [tilespmem:s8], [sflag:$0x11], $0x200, $0x38;
	[tilespmem:$0x1E700] =	vst v63  }
0x342: {  	_ =	swait.ge [sflag:s22], $0x200  }
0x343: {  	s6 =	rddreg [dreg:$0xc]  }
0x344: {  	s23 =	rddreg [dreg:$0xb];
	s6 =	sadd.s32 $0x1, s6  }
0x345: {  	p0 =	sne.s32 s6, s23  }
.Ltmp1:
0x346: {  	_ = 	snop;
	(pc) =	sbr.rel @p0 .LBB2_1-.Ltmp1, $3  }
0x347: {  	_ =	sdelay $0x1  }
0x348: {  	[sflag:s22] =	ssyncset.done $0x0  }
0x349: {  	[sflag:s22] =	ssyncadd.s32 $0xFFFFFE00  }
0x34a: {  	_ =	sfence.sel $0x180000  }
0x34b: {  	[bflag:$0x0] =	sbarrier.arrive $0xFFFF  }
0x34c: {  	_ =	strace $0x90000047  }
0x34d: {  	s0 =	stileid.u32;
	[bflag:$0x2] =	sbarrier.arrive $0xFFFF  }
0x34e: {  	p0 =	sne.s32 s0, $0x0;
	s0 =	rddreg [dreg:$0x5]  }
0x34f: {  	s0 =	sadd.s32 @!p0 $0x100000, s0  }
0x350: {  	[sflag:s0] =	ssyncadd.tile.s32 @!p0 $0x1;
	_ =	shalt  }
.Lfunc_end2:
_tile_overlayer_lowered:
.L_overlay_start_2:
0x351: {  	(tag) =	ssettag $0x2  }
0x352: {  	s0 =	rddreg [dreg:$0x0];
	s2 =	stileid.u32  }
0x353: {  	s1 =	rddreg [dreg:$0x1];
	p0 =	sne.s32 s2, $0x0  }
0x354: {  	s3 =	rddreg [dreg:$0x2];
	[bflag:$0x3] =	sbarrier.arrive $0xFFFF;
	s2 =	simm.s32 @!p0 $0x1C11  }
0x355: {  	[timem:s3], [sflag:s2] =	dma.local @!p0 [hbm:s0], s1  }
0x356: {  	s0 =	simm.s32 @!p0 $0x11  }
0x357: {  	_ =	swait.ge @!p0 [sflag:s0], s1  }
0x358: {  	s1 =	ssub.s32 @!p0 $0x0, s1;
	[sflag:s0] =	ssyncset.done @!p0 $0x0  }
0x359: {  	[sflag:s0] =	ssyncadd.s32 @!p0 s1  }
0x35a: {  	[bflag:$0x3] =	sbarrier.arrive $0xFFFF  }
0x35b: {  	_ =	shalt  }

</sc_bundles>
